<compile_context>
chip_gen: v7x
topology: tpu7x:2x2x1
jax: 0.10.2.dev20260603
libtpu: 0.0.44.dev20260713+nightly
codegen_flags: <defaults>
</compile_context>

<pallas_src>
import math

import jax
import jax.numpy as jnp
from jax import lax
from jax.experimental import pallas as pl
from jax.experimental.pallas import tpu as pltpu
from jax.experimental.pallas import tpu_sc as plsc

N = 4096
F = 128
H = 128
E = 131072
HEADS = 4
DH = H // HEADS

_NC = 2
_NS = 16
_EC = 128
_RT = N // _NS
_CHUNKS = E // (_NC * _NS * _EC)


def _dotT(x, w):
    return lax.dot_general(x, w, (((1,), (1,)), ((), ())),
                           preferred_element_type=jnp.float32)


def _edge_body(a_hbm, b_hbm, rowi_hbm, coli_hbm, out_hbm,
               idx_r, idx_c, ga0, ga1, msg0, msg1, zbuf,
               acc, semg0, semg1, sems0, sems1):
    c = lax.axis_index("c")
    s = lax.axis_index("s")
    gas = (ga0, ga1)
    msgs = (msg0, msg1)
    semgs = (semg0, semg1)
    semss = (sems0, sems1)

    base = (c * _NS + s) * _CHUNKS
    pltpu.async_copy(rowi_hbm.at[pl.ds(base, _CHUNKS)], idx_r, semg0)
    pltpu.async_copy(coli_hbm.at[pl.ds(base, _CHUNKS)], idx_c, semg1)

    zero = jnp.zeros((16,), jnp.float32)

    def zrow(i, cc):
        for t in range(H // 16):
            zbuf[i, pl.ds(t * 16, 16)] = zero
        return cc

    lax.fori_loop(0, _RT // 4, zrow, 0)
    for k in range(4):
        pltpu.sync_copy(zbuf,
                        acc.at[pl.ds(s * _RT + k * (_RT // 4), _RT // 4)])
    pltpu.make_async_copy(rowi_hbm.at[pl.ds(base, _CHUNKS)], idx_r,
                          semg0).wait()
    pltpu.make_async_copy(coli_hbm.at[pl.ds(base, _CHUNKS)], idx_c,
                          semg1).wait()
    plsc.subcore_barrier()

    for b in range(2):
        pltpu.async_copy(a_hbm.at[idx_r.at[b]], gas[b], semgs[b])

    def pair(j2, carry):
        for b in range(2):
            jj = j2 * 2 + b
            pltpu.make_async_copy(a_hbm.at[idx_r.at[jj]], gas[b],
                                  semgs[b]).wait()
            pltpu.async_copy(b_hbm.at[idx_c.at[jj]], gas[b], semgs[b],
                             add=True).wait()

            @pl.when(jj >= 2)
            def _drain():
                pltpu.make_async_copy(msgs[b], acc.at[idx_r.at[jj - 2]],
                                      semss[b]).wait()

            def rowfn(i, cc):
                for r in range(4):
                    for t in range(H // 16):
                        sl = pl.ds(t * 16, 16)
                        msgs[b][i * 4 + r, sl] = jnp.maximum(
                            gas[b][i * 4 + r, sl], 0.0)
                return cc

            lax.fori_loop(0, _EC // 4, rowfn, 0)
            pltpu.async_copy(msgs[b], acc.at[idx_r.at[jj]], semss[b],
                             add=True)

            @pl.when(jj + 2 < _CHUNKS)
            def _prefetch():
                pltpu.async_copy(a_hbm.at[idx_r.at[jj + 2]], gas[b],
                                 semgs[b])
        return carry

    lax.fori_loop(0, _CHUNKS // 2, pair, 0)
    for b in range(2):
        pltpu.make_async_copy(msgs[b], acc.at[idx_r.at[b]], semss[b]).wait()
    plsc.subcore_barrier()

    pltpu.sync_copy(acc.at[pl.ds(s * _RT, _RT)],
                    out_hbm.at[c, pl.ds(s * _RT, _RT)])


_edge_kernel_cache = []


def _edge_msg(a, b, rowi, coli):
    if not _edge_kernel_cache:
        _edge_kernel_cache.append(pl.kernel(
            _edge_body,
            out_type=jax.ShapeDtypeStruct((_NC, N, H), jnp.float32),
            mesh=plsc.VectorSubcoreMesh(core_axis_name="c",
                                        subcore_axis_name="s",
                                        num_cores=_NC, num_subcores=_NS),
            scratch_types=[
                pltpu.VMEM((_CHUNKS, _EC), jnp.int32),
                pltpu.VMEM((_CHUNKS, _EC), jnp.int32),
                pltpu.VMEM((_EC, H), jnp.float32),
                pltpu.VMEM((_EC, H), jnp.float32),
                pltpu.VMEM((_EC, H), jnp.float32),
                pltpu.VMEM((_EC, H), jnp.float32),
                pltpu.VMEM((_RT // 4, H), jnp.float32),
                pltpu.VMEM_SHARED((N, H), jnp.float32),
                pltpu.SemaphoreType.DMA,
                pltpu.SemaphoreType.DMA,
                pltpu.SemaphoreType.DMA,
                pltpu.SemaphoreType.DMA,
            ],
        ))
    return _edge_kernel_cache[0](a, b, rowi, coli)


_BLK = 512
_GRID = N // _BLK


def _row_spec():
    return pl.BlockSpec((_BLK, H), lambda i: (i, 0))


def _full_spec(shape):
    nd = len(shape)
    return pl.BlockSpec(shape, lambda i, _nd=nd: (0,) * nd)


def _p1_body(x_ref, win_ref, bin_ref, w1a_ref, w1b_ref, bg1_ref,
             a1_ref, b1_ref):
    x0 = _dotT(x_ref[...], win_ref[...]) + bin_ref[...]
    a1_ref[...] = _dotT(x0, w1a_ref[...]) + bg1_ref[...]
    b1_ref[...] = _dotT(x0, w1b_ref[...])


def _p2_body(a1_ref, aggp_ref, w1b_ref, w2a_ref, bg2_ref, w2b_ref,
             a2_ref, b2_ref):
    agg = aggp_ref[0] + aggp_ref[1]
    x1 = jnp.maximum(a1_ref[...] + _dotT(agg, w1b_ref[...]), 0.0)
    a2_ref[...] = _dotT(x1, w2a_ref[...]) + bg2_ref[...]
    b2_ref[...] = _dotT(x1, w2b_ref[...])


def _p3_body(a2_ref, aggp_ref, w2b_ref, wqkv_ref, bqkv_ref,
             x2_ref, q_ref, k_ref, v_ref):
    agg = aggp_ref[0] + aggp_ref[1]
    x2 = jnp.maximum(a2_ref[...] + _dotT(agg, w2b_ref[...]), 0.0)
    x2_ref[...] = x2
    qkv = _dotT(x2, wqkv_ref[...]) + bqkv_ref[...]
    q_ref[...] = qkv[:, :H]
    k_ref[...] = qkv[:, H:2 * H]
    v_ref[...] = qkv[:, 2 * H:]


def _layernorm(x, g, b):
    m = jnp.mean(x, axis=-1, keepdims=True)
    v = jnp.mean((x - m) ** 2, axis=-1, keepdims=True)
    return (x - m) / jnp.sqrt(v + 1e-5) * g + b


def _p4_body(q_ref, k_ref, v_ref, x2_ref, wo_ref, bo_ref, g_ref, b_ref,
             wf1_ref, bf1_ref, wf2_ref, bf2_ref, out_ref):
    scale = 1.0 / math.sqrt(DH)
    q = q_ref[...]
    k = k_ref[...].astype(jnp.bfloat16)
    v = v_ref[...].astype(jnp.bfloat16)
    ones = jnp.ones((k.shape[0], 1), jnp.bfloat16)
    heads = []
    for h in range(HEADS):
        sl = slice(h * DH, (h + 1) * DH)
        sc = lax.dot_general((q[:, sl] * scale).astype(jnp.bfloat16),
                             k[:, sl], (((1,), (1,)), ((), ())),
                             preferred_element_type=jnp.float32)
        p = jnp.exp(sc).astype(jnp.bfloat16)
        vx = jnp.concatenate([v[:, sl], ones], axis=1)
        pv = lax.dot_general(p, vx, (((1,), (0,)), ((), ())),
                             preferred_element_type=jnp.float32)
        heads.append(pv[:, :DH] / pv[:, DH:DH + 1])
    attn = jnp.concatenate(heads, axis=1)
    g = g_ref[...]
    b = b_ref[...]
    y = x2_ref[...] + _dotT(attn, wo_ref[...]) + bo_ref[...]
    yn = _layernorm(y, g, b)
    f = jnp.maximum(_dotT(yn, wf1_ref[...]) + bf1_ref[...], 0.0)
    f2 = _dotT(f, wf2_ref[...]) + bf2_ref[...]
    out_ref[...] = _layernorm(yn + f2, g, b)


def _mk_p1():
    return pl.pallas_call(
        _p1_body,
        grid=(_GRID,),
        in_specs=[_row_spec(), _full_spec((H, F)), _full_spec((1, H)),
                  _full_spec((H, H)), _full_spec((H, H)), _full_spec((1, H))],
        out_specs=[_row_spec(), _row_spec()],
        out_shape=[jax.ShapeDtypeStruct((N, H), jnp.float32)] * 2,
    )


def _mk_p2():
    return pl.pallas_call(
        _p2_body,
        grid=(_GRID,),
        in_specs=[_row_spec(),
                  pl.BlockSpec((_NC, _BLK, H), lambda i: (0, i, 0)),
                  _full_spec((H, H)), _full_spec((H, H)), _full_spec((1, H)),
                  _full_spec((H, H))],
        out_specs=[_row_spec(), _row_spec()],
        out_shape=[jax.ShapeDtypeStruct((N, H), jnp.float32)] * 2,
    )


def _mk_p3():
    return pl.pallas_call(
        _p3_body,
        grid=(_GRID,),
        in_specs=[_row_spec(),
                  pl.BlockSpec((_NC, _BLK, H), lambda i: (0, i, 0)),
                  _full_spec((H, H)), _full_spec((3 * H, H)),
                  _full_spec((1, 3 * H))],
        out_specs=[_row_spec()] * 4,
        out_shape=[jax.ShapeDtypeStruct((N, H), jnp.float32)] * 4,
    )


_BLK4 = 1024


def _mk_p4():
    rs = pl.BlockSpec((_BLK4, H), lambda i: (i, 0))
    return pl.pallas_call(
        _p4_body,
        grid=(N // _BLK4,),
        in_specs=[rs, _full_spec((N, H)), _full_spec((N, H)),
                  rs, _full_spec((H, H)), _full_spec((1, H)),
                  _full_spec((1, H)), _full_spec((1, H)),
                  _full_spec((4 * H, H)), _full_spec((1, 4 * H)),
                  _full_spec((H, 4 * H)), _full_spec((1, H))],
        out_specs=rs,
        out_shape=jax.ShapeDtypeStruct((N, H), jnp.float32),
    )


def kernel(x_sequence, edge_index_sequence, W_in, b_in, W_g1, b_g1,
           W_g2, b_g2, Wqkv, bqkv, Wo, bo, ln_g, ln_b, Wf1, bf1, Wf2, bf2):
    x = x_sequence[-1]
    ei = edge_index_sequence[-1]
    rowi = ei[0].astype(jnp.int32).reshape(E // _EC, _EC)
    coli = ei[1].astype(jnp.int32).reshape(E // _EC, _EC)
    W1a, W1b = W_g1[:, :H], W_g1[:, H:]
    W2a, W2b = W_g2[:, :H], W_g2[:, H:]

    a1, b1 = _mk_p1()(x, W_in, b_in.reshape(1, H), W1a, W1b,
                      b_g1.reshape(1, H))
    aggp1 = _edge_msg(a1, b1, rowi, coli)
    a2, b2 = _mk_p2()(a1, aggp1, W1b, W2a, b_g2.reshape(1, H), W2b)
    aggp2 = _edge_msg(a2, b2, rowi, coli)
    x2, q, k, v = _mk_p3()(a2, aggp2, W2b, Wqkv, bqkv.reshape(1, 3 * H))
    out = _mk_p4()(q, k, v, x2, Wo, bo.reshape(1, H), ln_g.reshape(1, H),
                   ln_b.reshape(1, H), Wf1, bf1.reshape(1, 4 * H),
                   Wf2, bf2.reshape(1, H))
    return out

# --- scband reference (transcript-rebuilt; emitter-appended) ---
"""Pipeline reference for scband-dy-gnn-76347338654224 (READ-ONLY COPY).

The authoritative reference and input builder live on the scoring server;
editing this copy changes nothing except your own understanding.
"""

import jax, jax.numpy as jnp
import numpy as np

SEQ_LEN = 3
N = 4096
F = 128
H = 128
E = 131072
HEADS = 4


def setup_inputs(seed: int = 0) -> dict:
    key = jax.random.key(seed)
    ks = jax.random.split(key, 16)
    s = 0.02
    inp = {}
    inp["x_sequence"] = jax.random.normal(ks[0], (SEQ_LEN, N, F), dtype=jnp.float32)
    inp["edge_index_sequence"] = jax.random.randint(ks[1], (SEQ_LEN, 2, E), 0, N)
    # input_proj
    inp["W_in"] = jax.random.normal(ks[2], (H, F), dtype=jnp.float32) * s
    inp["b_in"] = jnp.zeros((H,), dtype=jnp.float32)
    # gnn layer 1 (single shared linear used twice inside layer)
    inp["W_g1"] = jax.random.normal(ks[3], (H, 2 * H), dtype=jnp.float32) * s
    inp["b_g1"] = jnp.zeros((H,), dtype=jnp.float32)
    # gnn layer 2
    inp["W_g2"] = jax.random.normal(ks[4], (H, 2 * H), dtype=jnp.float32) * s
    inp["b_g2"] = jnp.zeros((H,), dtype=jnp.float32)
    # multihead attention (packed qkv in_proj like torch)
    inp["Wqkv"] = jax.random.normal(ks[5], (3 * H, H), dtype=jnp.float32) * s
    inp["bqkv"] = jnp.zeros((3 * H,), dtype=jnp.float32)
    inp["Wo"] = jax.random.normal(ks[6], (H, H), dtype=jnp.float32) * s
    inp["bo"] = jnp.zeros((H,), dtype=jnp.float32)
    # shared LayerNorm (self.norm reused twice in original module)
    inp["ln_g"] = jnp.ones((H,), dtype=jnp.float32)
    inp["ln_b"] = jnp.zeros((H,), dtype=jnp.float32)
    # FFN
    inp["Wf1"] = jax.random.normal(ks[7], (4 * H, H), dtype=jnp.float32) * s
    inp["bf1"] = jnp.zeros((4 * H,), dtype=jnp.float32)
    inp["Wf2"] = jax.random.normal(ks[8], (H, 4 * H), dtype=jnp.float32) * s
    inp["bf2"] = jnp.zeros((H,), dtype=jnp.float32)
    return inp


def _layernorm(x, g, b):
    m = jnp.mean(x, axis=-1, keepdims=True)
    v = jnp.var(x, axis=-1, keepdims=True)
    return (x - m) / jnp.sqrt(v + 1e-5) * g + b


def _gnn_layer(x, ei, W, b):
    row = ei[0]
    col = ei[1]
    msg = jnp.concatenate([x[row], x[col]], axis=-1) @ W.T + b
    msg = jax.nn.relu(msg)
    agg = jnp.zeros_like(x).at[row].add(msg)
    out = jnp.concatenate([x, agg], axis=-1) @ W.T + b
    return jax.nn.relu(out)


def _mha(x, Wqkv, bqkv, Wo, bo, heads):
    B, L, D = x.shape
    qkv = x @ Wqkv.T + bqkv
    q, k, v = jnp.split(qkv, 3, axis=-1)
    dh = D // heads

    def r(t):
        return t.reshape(B, L, heads, dh).transpose(0, 2, 1, 3)

    q, k, v = r(q), r(k), r(v)
    sc = (q @ k.transpose(0, 1, 3, 2)) / jnp.sqrt(jnp.float32(dh))
    a = jax.nn.softmax(sc, axis=-1)
    o = (a @ v).transpose(0, 2, 1, 3).reshape(B, L, D)
    return o @ Wo.T + bo


def reference(x_sequence, edge_index_sequence, W_in, b_in, W_g1, b_g1, W_g2, b_g2, Wqkv, bqkv, Wo, bo, ln_g, ln_b, Wf1, bf1, Wf2, bf2):
    seq_len = x_sequence.shape[0]
    embs = []
    for t in range(seq_len):
        x = x_sequence[t] @ W_in.T + b_in
        x = _gnn_layer(x, edge_index_sequence[t], W_g1, b_g1)
        x = _gnn_layer(x, edge_index_sequence[t], W_g2, b_g2)
        embs.append(x)
    te = jnp.stack(embs)
    attn = _mha(te, Wqkv, bqkv, Wo, bo, HEADS)
    out = _layernorm(te + attn, ln_g, ln_b)
    ffn = jax.nn.relu(out @ Wf1.T + bf1) @ Wf2.T + bf2
    out = _layernorm(out + ffn, ln_g, ln_b)
    return out[-1]

if __name__ == "__main__":
    import jax
    _d = setup_inputs()
    print(jax.jit(kernel)(*tuple(_d.values())))

</pallas_src>

<mosaic_0001>
#map = affine_map<(d0, d1) -> (0, 0)>
#map1 = affine_map<(d0, d1) -> (0, 0, 0)>
module attributes {stable_mosaic.version = 14 : i64} {
  func.func @_edge_body(%arg0: i32, %arg1: i32, %arg2: memref<4096x128xf32, #tpu.memory_space<hbm>>, %arg3: memref<4096x128xf32, #tpu.memory_space<hbm>>, %arg4: memref<1024x128xi32, #tpu.memory_space<hbm>>, %arg5: memref<1024x128xi32, #tpu.memory_space<hbm>>, %arg6: memref<2x4096x128xf32, #tpu.memory_space<hbm>>, %arg7: memref<32x128xi32, #tpu.memory_space<vmem>>, %arg8: memref<32x128xi32, #tpu.memory_space<vmem>>, %arg9: memref<128x128xf32, #tpu.memory_space<vmem>>, %arg10: memref<128x128xf32, #tpu.memory_space<vmem>>, %arg11: memref<128x128xf32, #tpu.memory_space<vmem>>, %arg12: memref<128x128xf32, #tpu.memory_space<vmem>>, %arg13: memref<64x128xf32, #tpu.memory_space<vmem>>, %arg14: memref<4096x128xf32, #tpu.memory_space<vmem_shared>>, %arg15: memref<!tpu.dma_semaphore, #tpu.memory_space<semaphore_mem>>, %arg16: memref<!tpu.dma_semaphore, #tpu.memory_space<semaphore_mem>>, %arg17: memref<!tpu.dma_semaphore, #tpu.memory_space<semaphore_mem>>, %arg18: memref<!tpu.dma_semaphore, #tpu.memory_space<semaphore_mem>>) attributes {dimension_semantics = [#tpu.dimension_semantics<core_parallel>, #tpu.dimension_semantics<subcore_parallel>], iteration_bounds = array<i64: 2, 16>, scalar_prefetch = 0 : i64, scratch_operands = 12 : i64, tpu.core_type = #tpu.core_type<sc_vector_subcore>, window_params = [{transform_indices = #map}, {transform_indices = #map}, {transform_indices = #map}, {transform_indices = #map}, {transform_indices = #map1}]} {
    %mul3A = arith.constant 16 : i32
    %mul3A_0 = arith.muli %arg0, %mul3A : i32
    %add3A = arith.addi %mul3A_0, %arg1 : i32
    %mul3A_1 = arith.constant 32 : i32
    %mul3A_2 = arith.muli %add3A, %mul3A_1 : i32
    %dma_start3A = arith.constant 0 : i32
    %dma_start3A_3 = tpu.memref_slice %arg4[%mul3A_2, %dma_start3A] : memref<1024x128xi32, #tpu.memory_space<hbm>> -> memref<32x128xi32, #tpu.memory_space<hbm>>
    %dma_start3A_4 = arith.constant 0 : i32
    %dma_start3A_5 = tpu.memref_slice %arg4[%mul3A_2, %dma_start3A_4] : memref<1024x128xi32, #tpu.memory_space<hbm>> -> memref<32x128xi32, #tpu.memory_space<hbm>>
    tpu.enqueue_dma source(%dma_start3A_5 : memref<32x128xi32, #tpu.memory_space<hbm>>) target(%arg7 : memref<32x128xi32, #tpu.memory_space<vmem>>) target_semaphore(%arg15 : memref<!tpu.dma_semaphore, #tpu.memory_space<semaphore_mem>>)
    %dma_start3A_6 = arith.constant 0 : i32
    %dma_start3A_7 = tpu.memref_slice %arg5[%mul3A_2, %dma_start3A_6] : memref<1024x128xi32, #tpu.memory_space<hbm>> -> memref<32x128xi32, #tpu.memory_space<hbm>>
    %dma_start3A_8 = arith.constant 0 : i32
    %dma_start3A_9 = tpu.memref_slice %arg5[%mul3A_2, %dma_start3A_8] : memref<1024x128xi32, #tpu.memory_space<hbm>> -> memref<32x128xi32, #tpu.memory_space<hbm>>
    tpu.enqueue_dma source(%dma_start3A_9 : memref<32x128xi32, #tpu.memory_space<hbm>>) target(%arg8 : memref<32x128xi32, #tpu.memory_space<vmem>>) target_semaphore(%arg16 : memref<!tpu.dma_semaphore, #tpu.memory_space<semaphore_mem>>)
    %broadcast_in_dim3A = arith.constant 0.000000e+00 : f32
    %broadcast_in_dim3A_10 = vector.broadcast %broadcast_in_dim3A : f32 to vector<16xf32>
    %scan3A = arith.constant 0 : i32
    %scan3A_11 = arith.constant 0 : i32
    %scan3A_12 = arith.constant 64 : i32
    %scan3A_13 = arith.addi %scan3A_11, %scan3A_12 : i32
    %scan3A_14 = arith.constant 1 : i32
    scf.for %scan3A_78 = %scan3A_11 to %scan3A_13 step %scan3A_14  : i32 {
      %swap3A = arith.index_cast %scan3A_78 : i32 to index
      %swap3A_79 = arith.constant 0 : index
      %swap3A_80 = tpu.vector_load %arg13[%swap3A, %swap3A_79] {strides = array<i32>} : memref<64x128xf32, #tpu.memory_space<vmem>>, vector<1x16xf32>,
      %swap3A_81 = vector.shape_cast %swap3A_80 : vector<1x16xf32> to vector<16xf32>
      %swap3A_82 = vector.shape_cast %broadcast_in_dim3A_10 : vector<16xf32> to vector<1x16xf32>
      tpu.vector_store %arg13[%swap3A, %swap3A_79], %swap3A_82 {strides = array<i32>} : memref<64x128xf32, #tpu.memory_space<vmem>>, vector<1x16xf32>,
      %swap3A_83 = arith.index_cast %scan3A_78 : i32 to index
      %swap3A_84 = arith.constant 16 : index
      %swap3A_85 = tpu.vector_load %arg13[%swap3A_83, %swap3A_84] {strides = array<i32>} : memref<64x128xf32, #tpu.memory_space<vmem>>, vector<1x16xf32>,
      %swap3A_86 = vector.shape_cast %swap3A_85 : vector<1x16xf32> to vector<16xf32>
      %swap3A_87 = vector.shape_cast %broadcast_in_dim3A_10 : vector<16xf32> to vector<1x16xf32>
      tpu.vector_store %arg13[%swap3A_83, %swap3A_84], %swap3A_87 {strides = array<i32>} : memref<64x128xf32, #tpu.memory_space<vmem>>, vector<1x16xf32>,
      %swap3A_88 = arith.index_cast %scan3A_78 : i32 to index
      %swap3A_89 = arith.constant 32 : index
      %swap3A_90 = tpu.vector_load %arg13[%swap3A_88, %swap3A_89] {strides = array<i32>} : memref<64x128xf32, #tpu.memory_space<vmem>>, vector<1x16xf32>,
      %swap3A_91 = vector.shape_cast %swap3A_90 : vector<1x16xf32> to vector<16xf32>
      %swap3A_92 = vector.shape_cast %broadcast_in_dim3A_10 : vector<16xf32> to vector<1x16xf32>
      tpu.vector_store %arg13[%swap3A_88, %swap3A_89], %swap3A_92 {strides = array<i32>} : memref<64x128xf32, #tpu.memory_space<vmem>>, vector<1x16xf32>,
      %swap3A_93 = arith.index_cast %scan3A_78 : i32 to index
      %swap3A_94 = arith.constant 48 : index
      %swap3A_95 = tpu.vector_load %arg13[%swap3A_93, %swap3A_94] {strides = array<i32>} : memref<64x128xf32, #tpu.memory_space<vmem>>, vector<1x16xf32>,
      %swap3A_96 = vector.shape_cast %swap3A_95 : vector<1x16xf32> to vector<16xf32>
      %swap3A_97 = vector.shape_cast %broadcast_in_dim3A_10 : vector<16xf32> to vector<1x16xf32>
      tpu.vector_store %arg13[%swap3A_93, %swap3A_94], %swap3A_97 {strides = array<i32>} : memref<64x128xf32, #tpu.memory_space<vmem>>, vector<1x16xf32>,
      %swap3A_98 = arith.index_cast %scan3A_78 : i32 to index
      %swap3A_99 = arith.constant 64 : index
      %swap3A_100 = tpu.vector_load %arg13[%swap3A_98, %swap3A_99] {strides = array<i32>} : memref<64x128xf32, #tpu.memory_space<vmem>>, vector<1x16xf32>,
      %swap3A_101 = vector.shape_cast %swap3A_100 : vector<1x16xf32> to vector<16xf32>
      %swap3A_102 = vector.shape_cast %broadcast_in_dim3A_10 : vector<16xf32> to vector<1x16xf32>
      tpu.vector_store %arg13[%swap3A_98, %swap3A_99], %swap3A_102 {strides = array<i32>} : memref<64x128xf32, #tpu.memory_space<vmem>>, vector<1x16xf32>,
      %swap3A_103 = arith.index_cast %scan3A_78 : i32 to index
      %swap3A_104 = arith.constant 80 : index
      %swap3A_105 = tpu.vector_load %arg13[%swap3A_103, %swap3A_104] {strides = array<i32>} : memref<64x128xf32, #tpu.memory_space<vmem>>, vector<1x16xf32>,
      %swap3A_106 = vector.shape_cast %swap3A_105 : vector<1x16xf32> to vector<16xf32>
      %swap3A_107 = vector.shape_cast %broadcast_in_dim3A_10 : vector<16xf32> to vector<1x16xf32>
      tpu.vector_store %arg13[%swap3A_103, %swap3A_104], %swap3A_107 {strides = array<i32>} : memref<64x128xf32, #tpu.memory_space<vmem>>, vector<1x16xf32>,
      %swap3A_108 = arith.index_cast %scan3A_78 : i32 to index
      %swap3A_109 = arith.constant 96 : index
      %swap3A_110 = tpu.vector_load %arg13[%swap3A_108, %swap3A_109] {strides = array<i32>} : memref<64x128xf32, #tpu.memory_space<vmem>>, vector<1x16xf32>,
      %swap3A_111 = vector.shape_cast %swap3A_110 : vector<1x16xf32> to vector<16xf32>
      %swap3A_112 = vector.shape_cast %broadcast_in_dim3A_10 : vector<16xf32> to vector<1x16xf32>
      tpu.vector_store %arg13[%swap3A_108, %swap3A_109], %swap3A_112 {strides = array<i32>} : memref<64x128xf32, #tpu.memory_space<vmem>>, vector<1x16xf32>,
      %swap3A_113 = arith.index_cast %scan3A_78 : i32 to index
      %swap3A_114 = arith.constant 112 : index
      %swap3A_115 = tpu.vector_load %arg13[%swap3A_113, %swap3A_114] {strides = array<i32>} : memref<64x128xf32, #tpu.memory_space<vmem>>, vector<1x16xf32>,
      %swap3A_116 = vector.shape_cast %swap3A_115 : vector<1x16xf32> to vector<16xf32>
      %swap3A_117 = vector.shape_cast %broadcast_in_dim3A_10 : vector<16xf32> to vector<1x16xf32>
      tpu.vector_store %arg13[%swap3A_113, %swap3A_114], %swap3A_117 {strides = array<i32>} : memref<64x128xf32, #tpu.memory_space<vmem>>, vector<1x16xf32>,
    }
    %scan3A_15 = arith.constant 64 : i32
    %mul3A_16 = arith.constant 256 : i32
    %mul3A_17 = arith.muli %arg1, %mul3A_16 : i32
    %add3A_18 = arith.constant 0 : i32
    %add3A_19 = arith.addi %mul3A_17, %add3A_18 : i32
    "tpu.region"() ({
      %run_scoped3A = tpu.sem_alloc : memref<!tpu.dma_semaphore, #tpu.memory_space<semaphore_mem>>
      %dma_start3A_78 = arith.constant 0 : i32
      %dma_start3A_79 = tpu.memref_slice %arg14[%add3A_19, %dma_start3A_78] : memref<4096x128xf32, #tpu.memory_space<vmem_shared>> -> memref<64x128xf32, #tpu.memory_space<vmem_shared>>
      %dma_start3A_80 = arith.constant 0 : i32
      %dma_start3A_81 = tpu.memref_slice %arg14[%add3A_19, %dma_start3A_80] : memref<4096x128xf32, #tpu.memory_space<vmem_shared>> -> memref<64x128xf32, #tpu.memory_space<vmem_shared>>
      tpu.enqueue_dma source(%arg13 : memref<64x128xf32, #tpu.memory_space<vmem>>) target(%dma_start3A_81 : memref<64x128xf32, #tpu.memory_space<vmem_shared>>) target_semaphore(%run_scoped3A : memref<!tpu.dma_semaphore, #tpu.memory_space<semaphore_mem>>)
      %dma_wait3A_82 = arith.constant 0 : i32
      %dma_wait3A_83 = tpu.memref_slice %arg14[%add3A_19, %dma_wait3A_82] : memref<4096x128xf32, #tpu.memory_space<vmem_shared>> -> memref<64x128xf32, #tpu.memory_space<vmem_shared>>
      %dma_wait3A_84 = arith.constant 0 : i32
      %dma_wait3A_85 = tpu.memref_slice %arg14[%add3A_19, %dma_wait3A_84] : memref<4096x128xf32, #tpu.memory_space<vmem_shared>> -> memref<64x128xf32, #tpu.memory_space<vmem_shared>>
      tpu.wait_dma2 semaphore(%run_scoped3A : memref<!tpu.dma_semaphore, #tpu.memory_space<semaphore_mem>>) src(%arg13 : memref<64x128xf32, #tpu.memory_space<vmem>>) dst(%dma_wait3A_85 : memref<64x128xf32, #tpu.memory_space<vmem_shared>>)
      tpu.yield
    }) : () -> ()
    %mul3A_20 = arith.constant 256 : i32
    %mul3A_21 = arith.muli %arg1, %mul3A_20 : i32
    %add3A_22 = arith.constant 64 : i32
    %add3A_23 = arith.addi %mul3A_21, %add3A_22 : i32
    "tpu.region"() ({
      %run_scoped3A = tpu.sem_alloc : memref<!tpu.dma_semaphore, #tpu.memory_space<semaphore_mem>>
      %dma_start3A_78 = arith.constant 0 : i32
      %dma_start3A_79 = tpu.memref_slice %arg14[%add3A_23, %dma_start3A_78] : memref<4096x128xf32, #tpu.memory_space<vmem_shared>> -> memref<64x128xf32, #tpu.memory_space<vmem_shared>>
      %dma_start3A_80 = arith.constant 0 : i32
      %dma_start3A_81 = tpu.memref_slice %arg14[%add3A_23, %dma_start3A_80] : memref<4096x128xf32, #tpu.memory_space<vmem_shared>> -> memref<64x128xf32, #tpu.memory_space<vmem_shared>>
      tpu.enqueue_dma source(%arg13 : memref<64x128xf32, #tpu.memory_space<vmem>>) target(%dma_start3A_81 : memref<64x128xf32, #tpu.memory_space<vmem_shared>>) target_semaphore(%run_scoped3A : memref<!tpu.dma_semaphore, #tpu.memory_space<semaphore_mem>>)
      %dma_wait3A_82 = arith.constant 0 : i32
      %dma_wait3A_83 = tpu.memref_slice %arg14[%add3A_23, %dma_wait3A_82] : memref<4096x128xf32, #tpu.memory_space<vmem_shared>> -> memref<64x128xf32, #tpu.memory_space<vmem_shared>>
      %dma_wait3A_84 = arith.constant 0 : i32
      %dma_wait3A_85 = tpu.memref_slice %arg14[%add3A_23, %dma_wait3A_84] : memref<4096x128xf32, #tpu.memory_space<vmem_shared>> -> memref<64x128xf32, #tpu.memory_space<vmem_shared>>
      tpu.wait_dma2 semaphore(%run_scoped3A : memref<!tpu.dma_semaphore, #tpu.memory_space<semaphore_mem>>) src(%arg13 : memref<64x128xf32, #tpu.memory_space<vmem>>) dst(%dma_wait3A_85 : memref<64x128xf32, #tpu.memory_space<vmem_shared>>)
      tpu.yield
    }) : () -> ()
    %mul3A_24 = arith.constant 256 : i32
    %mul3A_25 = arith.muli %arg1, %mul3A_24 : i32
    %add3A_26 = arith.constant 128 : i32
    %add3A_27 = arith.addi %mul3A_25, %add3A_26 : i32
    "tpu.region"() ({
      %run_scoped3A = tpu.sem_alloc : memref<!tpu.dma_semaphore, #tpu.memory_space<semaphore_mem>>
      %dma_start3A_78 = arith.constant 0 : i32
      %dma_start3A_79 = tpu.memref_slice %arg14[%add3A_27, %dma_start3A_78] : memref<4096x128xf32, #tpu.memory_space<vmem_shared>> -> memref<64x128xf32, #tpu.memory_space<vmem_shared>>
      %dma_start3A_80 = arith.constant 0 : i32
      %dma_start3A_81 = tpu.memref_slice %arg14[%add3A_27, %dma_start3A_80] : memref<4096x128xf32, #tpu.memory_space<vmem_shared>> -> memref<64x128xf32, #tpu.memory_space<vmem_shared>>
      tpu.enqueue_dma source(%arg13 : memref<64x128xf32, #tpu.memory_space<vmem>>) target(%dma_start3A_81 : memref<64x128xf32, #tpu.memory_space<vmem_shared>>) target_semaphore(%run_scoped3A : memref<!tpu.dma_semaphore, #tpu.memory_space<semaphore_mem>>)
      %dma_wait3A_82 = arith.constant 0 : i32
      %dma_wait3A_83 = tpu.memref_slice %arg14[%add3A_27, %dma_wait3A_82] : memref<4096x128xf32, #tpu.memory_space<vmem_shared>> -> memref<64x128xf32, #tpu.memory_space<vmem_shared>>
      %dma_wait3A_84 = arith.constant 0 : i32
      %dma_wait3A_85 = tpu.memref_slice %arg14[%add3A_27, %dma_wait3A_84] : memref<4096x128xf32, #tpu.memory_space<vmem_shared>> -> memref<64x128xf32, #tpu.memory_space<vmem_shared>>
      tpu.wait_dma2 semaphore(%run_scoped3A : memref<!tpu.dma_semaphore, #tpu.memory_space<semaphore_mem>>) src(%arg13 : memref<64x128xf32, #tpu.memory_space<vmem>>) dst(%dma_wait3A_85 : memref<64x128xf32, #tpu.memory_space<vmem_shared>>)
      tpu.yield
    }) : () -> ()
    %mul3A_28 = arith.constant 256 : i32
    %mul3A_29 = arith.muli %arg1, %mul3A_28 : i32
    %add3A_30 = arith.constant 192 : i32
    %add3A_31 = arith.addi %mul3A_29, %add3A_30 : i32
    "tpu.region"() ({
      %run_scoped3A = tpu.sem_alloc : memref<!tpu.dma_semaphore, #tpu.memory_space<semaphore_mem>>
      %dma_start3A_78 = arith.constant 0 : i32
      %dma_start3A_79 = tpu.memref_slice %arg14[%add3A_31, %dma_start3A_78] : memref<4096x128xf32, #tpu.memory_space<vmem_shared>> -> memref<64x128xf32, #tpu.memory_space<vmem_shared>>
      %dma_start3A_80 = arith.constant 0 : i32
      %dma_start3A_81 = tpu.memref_slice %arg14[%add3A_31, %dma_start3A_80] : memref<4096x128xf32, #tpu.memory_space<vmem_shared>> -> memref<64x128xf32, #tpu.memory_space<vmem_shared>>
      tpu.enqueue_dma source(%arg13 : memref<64x128xf32, #tpu.memory_space<vmem>>) target(%dma_start3A_81 : memref<64x128xf32, #tpu.memory_space<vmem_shared>>) target_semaphore(%run_scoped3A : memref<!tpu.dma_semaphore, #tpu.memory_space<semaphore_mem>>)
      %dma_wait3A_82 = arith.constant 0 : i32
      %dma_wait3A_83 = tpu.memref_slice %arg14[%add3A_31, %dma_wait3A_82] : memref<4096x128xf32, #tpu.memory_space<vmem_shared>> -> memref<64x128xf32, #tpu.memory_space<vmem_shared>>
      %dma_wait3A_84 = arith.constant 0 : i32
      %dma_wait3A_85 = tpu.memref_slice %arg14[%add3A_31, %dma_wait3A_84] : memref<4096x128xf32, #tpu.memory_space<vmem_shared>> -> memref<64x128xf32, #tpu.memory_space<vmem_shared>>
      tpu.wait_dma2 semaphore(%run_scoped3A : memref<!tpu.dma_semaphore, #tpu.memory_space<semaphore_mem>>) src(%arg13 : memref<64x128xf32, #tpu.memory_space<vmem>>) dst(%dma_wait3A_85 : memref<64x128xf32, #tpu.memory_space<vmem_shared>>)
      tpu.yield
    }) : () -> ()
    %dma_wait3A = arith.constant 0 : i32
    %dma_wait3A_32 = tpu.memref_slice %arg4[%mul3A_2, %dma_wait3A] : memref<1024x128xi32, #tpu.memory_space<hbm>> -> memref<32x128xi32, #tpu.memory_space<hbm>>
    %dma_wait3A_33 = arith.constant 0 : i32
    %dma_wait3A_34 = tpu.memref_slice %arg4[%mul3A_2, %dma_wait3A_33] : memref<1024x128xi32, #tpu.memory_space<hbm>> -> memref<32x128xi32, #tpu.memory_space<hbm>>
    tpu.wait_dma2 semaphore(%arg15 : memref<!tpu.dma_semaphore, #tpu.memory_space<semaphore_mem>>) src(%dma_wait3A_34 : memref<32x128xi32, #tpu.memory_space<hbm>>) dst(%arg7 : memref<32x128xi32, #tpu.memory_space<vmem>>)
    %dma_wait3A_35 = arith.constant 0 : i32
    %dma_wait3A_36 = tpu.memref_slice %arg5[%mul3A_2, %dma_wait3A_35] : memref<1024x128xi32, #tpu.memory_space<hbm>> -> memref<32x128xi32, #tpu.memory_space<hbm>>
    %dma_wait3A_37 = arith.constant 0 : i32
    %dma_wait3A_38 = tpu.memref_slice %arg5[%mul3A_2, %dma_wait3A_37] : memref<1024x128xi32, #tpu.memory_space<hbm>> -> memref<32x128xi32, #tpu.memory_space<hbm>>
    tpu.wait_dma2 semaphore(%arg16 : memref<!tpu.dma_semaphore, #tpu.memory_space<semaphore_mem>>) src(%dma_wait3A_38 : memref<32x128xi32, #tpu.memory_space<hbm>>) dst(%arg8 : memref<32x128xi32, #tpu.memory_space<vmem>>)
    %barrier3A = arith.constant 0 : index
    tpu.barrier barrier_id(%barrier3A)
    %dma_start3A_39 = arith.constant 0 : i32
    %dma_start3A_40 = arith.constant 0 : i32
    %dma_start3A_41 = tpu.memref_slice %arg7[%dma_start3A_39, %dma_start3A_40] : memref<32x128xi32, #tpu.memory_space<vmem>> -> memref<1x128xi32, #tpu.memory_space<vmem>>
    %dma_start3A_42 = tpu.memref_squeeze %dma_start3A_41 : memref<1x128xi32, #tpu.memory_space<vmem>> -> memref<128xi32, #tpu.memory_space<vmem>>
    %dma_start3A_43 = arith.constant 0 : i32
    %dma_start3A_44 = arith.constant 0 : i32
    %dma_start3A_45 = tpu.memref_slice %arg2[%dma_start3A_43, %dma_start3A_44] : memref<4096x128xf32, #tpu.memory_space<hbm>> -> memref<4096x128xf32, #tpu.memory_space<hbm>>
    tpu.enqueue_indirect_dma source(%dma_start3A_45 : memref<4096x128xf32, #tpu.memory_space<hbm>>) target(%arg9 : memref<128x128xf32, #tpu.memory_space<vmem>>) offsets(%dma_start3A_42 : memref<128xi32, #tpu.memory_space<vmem>>) semaphore(%arg15 : memref<!tpu.dma_semaphore, #tpu.memory_space<semaphore_mem>>)
    %dma_start3A_46 = arith.constant 1 : i32
    %dma_start3A_47 = arith.constant 0 : i32
    %dma_start3A_48 = tpu.memref_slice %arg7[%dma_start3A_46, %dma_start3A_47] : memref<32x128xi32, #tpu.memory_space<vmem>> -> memref<1x128xi32, #tpu.memory_space<vmem>>
    %dma_start3A_49 = tpu.memref_squeeze %dma_start3A_48 : memref<1x128xi32, #tpu.memory_space<vmem>> -> memref<128xi32, #tpu.memory_space<vmem>>
    %dma_start3A_50 = arith.constant 0 : i32
    %dma_start3A_51 = arith.constant 0 : i32
    %dma_start3A_52 = tpu.memref_slice %arg2[%dma_start3A_50, %dma_start3A_51] : memref<4096x128xf32, #tpu.memory_space<hbm>> -> memref<4096x128xf32, #tpu.memory_space<hbm>>
    tpu.enqueue_indirect_dma source(%dma_start3A_52 : memref<4096x128xf32, #tpu.memory_space<hbm>>) target(%arg10 : memref<128x128xf32, #tpu.memory_space<vmem>>) offsets(%dma_start3A_49 : memref<128xi32, #tpu.memory_space<vmem>>) semaphore(%arg16 : memref<!tpu.dma_semaphore, #tpu.memory_space<semaphore_mem>>)
    %scan3A_53 = arith.constant 0 : i32
    %scan3A_54 = arith.constant 0 : i32
    %scan3A_55 = arith.constant 16 : i32
    %scan3A_56 = arith.addi %scan3A_54, %scan3A_55 : i32
    %scan3A_57 = arith.constant 1 : i32
    scf.for %scan3A_78 = %scan3A_54 to %scan3A_56 step %scan3A_57  : i32 {
      %mul3A_79 = arith.constant 2 : i32
      %mul3A_80 = arith.muli %scan3A_78, %mul3A_79 : i32
      %add3A_81 = arith.constant 0 : i32
      %add3A_82 = arith.addi %mul3A_80, %add3A_81 : i32
      %dma_wait3A_83 = arith.constant 0 : i32
      %dma_wait3A_84 = tpu.memref_slice %arg7[%add3A_82, %dma_wait3A_83] : memref<32x128xi32, #tpu.memory_space<vmem>> -> memref<1x128xi32, #tpu.memory_space<vmem>>
      %dma_wait3A_85 = tpu.memref_squeeze %dma_wait3A_84 : memref<1x128xi32, #tpu.memory_space<vmem>> -> memref<128xi32, #tpu.memory_space<vmem>>
      %dma_wait3A_86 = arith.constant 0 : i32
      %dma_wait3A_87 = arith.constant 0 : i32
      %dma_wait3A_88 = tpu.memref_slice %arg2[%dma_wait3A_86, %dma_wait3A_87] : memref<4096x128xf32, #tpu.memory_space<hbm>> -> memref<4096x128xf32, #tpu.memory_space<hbm>>
      tpu.wait_indirect_dma semaphore(%arg15 : memref<!tpu.dma_semaphore, #tpu.memory_space<semaphore_mem>>) src(%dma_wait3A_88 : memref<4096x128xf32, #tpu.memory_space<hbm>>) dst(%arg9 : memref<128x128xf32, #tpu.memory_space<vmem>>)
      %dma_start3A_89 = arith.constant 0 : i32
      %dma_start3A_90 = tpu.memref_slice %arg8[%add3A_82, %dma_start3A_89] : memref<32x128xi32, #tpu.memory_space<vmem>> -> memref<1x128xi32, #tpu.memory_space<vmem>>
      %dma_start3A_91 = tpu.memref_squeeze %dma_start3A_90 : memref<1x128xi32, #tpu.memory_space<vmem>> -> memref<128xi32, #tpu.memory_space<vmem>>
      %dma_start3A_92 = arith.constant 0 : i32
      %dma_start3A_93 = arith.constant 0 : i32
      %dma_start3A_94 = tpu.memref_slice %arg3[%dma_start3A_92, %dma_start3A_93] : memref<4096x128xf32, #tpu.memory_space<hbm>> -> memref<4096x128xf32, #tpu.memory_space<hbm>>
      tpu.enqueue_indirect_dma source(%dma_start3A_94 : memref<4096x128xf32, #tpu.memory_space<hbm>>) target(%arg9 : memref<128x128xf32, #tpu.memory_space<vmem>>) offsets(%dma_start3A_91 : memref<128xi32, #tpu.memory_space<vmem>>) semaphore(%arg15 : memref<!tpu.dma_semaphore, #tpu.memory_space<semaphore_mem>>) {add = true}
      %dma_wait3A_95 = arith.constant 0 : i32
      %dma_wait3A_96 = tpu.memref_slice %arg8[%add3A_82, %dma_wait3A_95] : memref<32x128xi32, #tpu.memory_space<vmem>> -> memref<1x128xi32, #tpu.memory_space<vmem>>
      %dma_wait3A_97 = tpu.memref_squeeze %dma_wait3A_96 : memref<1x128xi32, #tpu.memory_space<vmem>> -> memref<128xi32, #tpu.memory_space<vmem>>
      %dma_wait3A_98 = arith.constant 0 : i32
      %dma_wait3A_99 = arith.constant 0 : i32
      %dma_wait3A_100 = tpu.memref_slice %arg3[%dma_wait3A_98, %dma_wait3A_99] : memref<4096x128xf32, #tpu.memory_space<hbm>> -> memref<4096x128xf32, #tpu.memory_space<hbm>>
      tpu.wait_indirect_dma semaphore(%arg15 : memref<!tpu.dma_semaphore, #tpu.memory_space<semaphore_mem>>) src(%dma_wait3A_100 : memref<4096x128xf32, #tpu.memory_space<hbm>>) dst(%arg9 : memref<128x128xf32, #tpu.memory_space<vmem>>)
      %ge3A = arith.constant 2 : i32
      %ge3A_101 = arith.cmpi sge, %add3A_82, %ge3A : i32
      %convert_element_type3A = arith.extui %ge3A_101 : i1 to i32
      %cond3A = arith.constant 0 : i32
      %cond3A_102 = arith.cmpi ne, %convert_element_type3A, %cond3A : i32
      scf.if %cond3A_102 {
        %sub3A = arith.constant 2 : i32
        %sub3A_167 = arith.subi %add3A_82, %sub3A : i32
        %dma_wait3A_168 = arith.constant 0 : i32
        %dma_wait3A_169 = tpu.memref_slice %arg7[%sub3A_167, %dma_wait3A_168] : memref<32x128xi32, #tpu.memory_space<vmem>> -> memref<1x128xi32, #tpu.memory_space<vmem>>
        %dma_wait3A_170 = tpu.memref_squeeze %dma_wait3A_169 : memref<1x128xi32, #tpu.memory_space<vmem>> -> memref<128xi32, #tpu.memory_space<vmem>>
        %dma_wait3A_171 = arith.constant 0 : i32
        %dma_wait3A_172 = arith.constant 0 : i32
        %dma_wait3A_173 = tpu.memref_slice %arg14[%dma_wait3A_171, %dma_wait3A_172] : memref<4096x128xf32, #tpu.memory_space<vmem_shared>> -> memref<4096x128xf32, #tpu.memory_space<vmem_shared>>
        tpu.wait_indirect_dma semaphore(%arg17 : memref<!tpu.dma_semaphore, #tpu.memory_space<semaphore_mem>>) src(%arg11 : memref<128x128xf32, #tpu.memory_space<vmem>>) dst(%dma_wait3A_173 : memref<4096x128xf32, #tpu.memory_space<vmem_shared>>)
      } else {
      }
      %scan3A_103 = arith.constant 0 : i32
      %scan3A_104 = arith.constant 0 : i32
      %scan3A_105 = arith.constant 32 : i32
      %scan3A_106 = arith.addi %scan3A_104, %scan3A_105 : i32
      %scan3A_107 = arith.constant 1 : i32
      scf.for %scan3A_167 = %scan3A_104 to %scan3A_106 step %scan3A_107  : i32 {
        %mul3A_168 = arith.constant 4 : i32
        %mul3A_169 = arith.muli %scan3A_167, %mul3A_168 : i32
        %add3A_170 = arith.constant 0 : i32
        %add3A_171 = arith.addi %mul3A_169, %add3A_170 : i32
        %get3A = arith.index_cast %add3A_171 : i32 to index
        %get3A_172 = arith.constant 0 : index
        %get3A_173 = tpu.vector_load %arg9[%get3A, %get3A_172] {strides = array<i32>} : memref<128x128xf32, #tpu.memory_space<vmem>>, vector<1x16xf32>,
        %get3A_174 = vector.shape_cast %get3A_173 : vector<1x16xf32> to vector<16xf32>
        %max3A = arith.constant 0.000000e+00 : f32
        %max3A_175 = vector.broadcast %max3A : f32 to vector<16xf32>
        %max3A_176 = arith.maximumf %get3A_174, %max3A_175 : vector<16xf32>
        %mul3A_177 = arith.constant 4 : i32
        %mul3A_178 = arith.muli %scan3A_167, %mul3A_177 : i32
        %add3A_179 = arith.constant 0 : i32
        %add3A_180 = arith.addi %mul3A_178, %add3A_179 : i32
        %swap3A = arith.index_cast %add3A_180 : i32 to index
        %swap3A_181 = arith.constant 0 : index
        %swap3A_182 = tpu.vector_load %arg11[%swap3A, %swap3A_181] {strides = array<i32>} : memref<128x128xf32, #tpu.memory_space<vmem>>, vector<1x16xf32>,
        %swap3A_183 = vector.shape_cast %swap3A_182 : vector<1x16xf32> to vector<16xf32>
        %swap3A_184 = vector.shape_cast %max3A_176 : vector<16xf32> to vector<1x16xf32>
        tpu.vector_store %arg11[%swap3A, %swap3A_181], %swap3A_184 {strides = array<i32>} : memref<128x128xf32, #tpu.memory_space<vmem>>, vector<1x16xf32>,
        %mul3A_185 = arith.constant 4 : i32
        %mul3A_186 = arith.muli %scan3A_167, %mul3A_185 : i32
        %add3A_187 = arith.constant 0 : i32
        %add3A_188 = arith.addi %mul3A_186, %add3A_187 : i32
        %get3A_189 = arith.index_cast %add3A_188 : i32 to index
        %get3A_190 = arith.constant 16 : index
        %get3A_191 = tpu.vector_load %arg9[%get3A_189, %get3A_190] {strides = array<i32>} : memref<128x128xf32, #tpu.memory_space<vmem>>, vector<1x16xf32>,
        %get3A_192 = vector.shape_cast %get3A_191 : vector<1x16xf32> to vector<16xf32>
        %max3A_193 = arith.constant 0.000000e+00 : f32
        %max3A_194 = vector.broadcast %max3A_193 : f32 to vector<16xf32>
        %max3A_195 = arith.maximumf %get3A_192, %max3A_194 : vector<16xf32>
        %mul3A_196 = arith.constant 4 : i32
        %mul3A_197 = arith.muli %scan3A_167, %mul3A_196 : i32
        %add3A_198 = arith.constant 0 : i32
        %add3A_199 = arith.addi %mul3A_197, %add3A_198 : i32
        %swap3A_200 = arith.index_cast %add3A_199 : i32 to index
        %swap3A_201 = arith.constant 16 : index
        %swap3A_202 = tpu.vector_load %arg11[%swap3A_200, %swap3A_201] {strides = array<i32>} : memref<128x128xf32, #tpu.memory_space<vmem>>, vector<1x16xf32>,
        %swap3A_203 = vector.shape_cast %swap3A_202 : vector<1x16xf32> to vector<16xf32>
        %swap3A_204 = vector.shape_cast %max3A_195 : vector<16xf32> to vector<1x16xf32>
        tpu.vector_store %arg11[%swap3A_200, %swap3A_201], %swap3A_204 {strides = array<i32>} : memref<128x128xf32, #tpu.memory_space<vmem>>, vector<1x16xf32>,
        %mul3A_205 = arith.constant 4 : i32
        %mul3A_206 = arith.muli %scan3A_167, %mul3A_205 : i32
        %add3A_207 = arith.constant 0 : i32
        %add3A_208 = arith.addi %mul3A_206, %add3A_207 : i32
        %get3A_209 = arith.index_cast %add3A_208 : i32 to index
        %get3A_210 = arith.constant 32 : index
        %get3A_211 = tpu.vector_load %arg9[%get3A_209, %get3A_210] {strides = array<i32>} : memref<128x128xf32, #tpu.memory_space<vmem>>, vector<1x16xf32>,
        %get3A_212 = vector.shape_cast %get3A_211 : vector<1x16xf32> to vector<16xf32>
        %max3A_213 = arith.constant 0.000000e+00 : f32
        %max3A_214 = vector.broadcast %max3A_213 : f32 to vector<16xf32>
        %max3A_215 = arith.maximumf %get3A_212, %max3A_214 : vector<16xf32>
        %mul3A_216 = arith.constant 4 : i32
        %mul3A_217 = arith.muli %scan3A_167, %mul3A_216 : i32
        %add3A_218 = arith.constant 0 : i32
        %add3A_219 = arith.addi %mul3A_217, %add3A_218 : i32
        %swap3A_220 = arith.index_cast %add3A_219 : i32 to index
        %swap3A_221 = arith.constant 32 : index
        %swap3A_222 = tpu.vector_load %arg11[%swap3A_220, %swap3A_221] {strides = array<i32>} : memref<128x128xf32, #tpu.memory_space<vmem>>, vector<1x16xf32>,
        %swap3A_223 = vector.shape_cast %swap3A_222 : vector<1x16xf32> to vector<16xf32>
        %swap3A_224 = vector.shape_cast %max3A_215 : vector<16xf32> to vector<1x16xf32>
        tpu.vector_store %arg11[%swap3A_220, %swap3A_221], %swap3A_224 {strides = array<i32>} : memref<128x128xf32, #tpu.memory_space<vmem>>, vector<1x16xf32>,
        %mul3A_225 = arith.constant 4 : i32
        %mul3A_226 = arith.muli %scan3A_167, %mul3A_225 : i32
        %add3A_227 = arith.constant 0 : i32
        %add3A_228 = arith.addi %mul3A_226, %add3A_227 : i32
        %get3A_229 = arith.index_cast %add3A_228 : i32 to index
        %get3A_230 = arith.constant 48 : index
        %get3A_231 = tpu.vector_load %arg9[%get3A_229, %get3A_230] {strides = array<i32>} : memref<128x128xf32, #tpu.memory_space<vmem>>, vector<1x16xf32>,
        %get3A_232 = vector.shape_cast %get3A_231 : vector<1x16xf32> to vector<16xf32>
        %max3A_233 = arith.constant 0.000000e+00 : f32
        %max3A_234 = vector.broadcast %max3A_233 : f32 to vector<16xf32>
        %max3A_235 = arith.maximumf %get3A_232, %max3A_234 : vector<16xf32>
        %mul3A_236 = arith.constant 4 : i32
        %mul3A_237 = arith.muli %scan3A_167, %mul3A_236 : i32
        %add3A_238 = arith.constant 0 : i32
        %add3A_239 = arith.addi %mul3A_237, %add3A_238 : i32
        %swap3A_240 = arith.index_cast %add3A_239 : i32 to index
        %swap3A_241 = arith.constant 48 : index
        %swap3A_242 = tpu.vector_load %arg11[%swap3A_240, %swap3A_241] {strides = array<i32>} : memref<128x128xf32, #tpu.memory_space<vmem>>, vector<1x16xf32>,
        %swap3A_243 = vector.shape_cast %swap3A_242 : vector<1x16xf32> to vector<16xf32>
        %swap3A_244 = vector.shape_cast %max3A_235 : vector<16xf32> to vector<1x16xf32>
        tpu.vector_store %arg11[%swap3A_240, %swap3A_241], %swap3A_244 {strides = array<i32>} : memref<128x128xf32, #tpu.memory_space<vmem>>, vector<1x16xf32>,
        %mul3A_245 = arith.constant 4 : i32
        %mul3A_246 = arith.muli %scan3A_167, %mul3A_245 : i32
        %add3A_247 = arith.constant 0 : i32
        %add3A_248 = arith.addi %mul3A_246, %add3A_247 : i32
        %get3A_249 = arith.index_cast %add3A_248 : i32 to index
        %get3A_250 = arith.constant 64 : index
        %get3A_251 = tpu.vector_load %arg9[%get3A_249, %get3A_250] {strides = array<i32>} : memref<128x128xf32, #tpu.memory_space<vmem>>, vector<1x16xf32>,
        %get3A_252 = vector.shape_cast %get3A_251 : vector<1x16xf32> to vector<16xf32>
        %max3A_253 = arith.constant 0.000000e+00 : f32
        %max3A_254 = vector.broadcast %max3A_253 : f32 to vector<16xf32>
        %max3A_255 = arith.maximumf %get3A_252, %max3A_254 : vector<16xf32>
        %mul3A_256 = arith.constant 4 : i32
        %mul3A_257 = arith.muli %scan3A_167, %mul3A_256 : i32
        %add3A_258 = arith.constant 0 : i32
        %add3A_259 = arith.addi %mul3A_257, %add3A_258 : i32
        %swap3A_260 = arith.index_cast %add3A_259 : i32 to index
        %swap3A_261 = arith.constant 64 : index
        %swap3A_262 = tpu.vector_load %arg11[%swap3A_260, %swap3A_261] {strides = array<i32>} : memref<128x128xf32, #tpu.memory_space<vmem>>, vector<1x16xf32>,
        %swap3A_263 = vector.shape_cast %swap3A_262 : vector<1x16xf32> to vector<16xf32>
        %swap3A_264 = vector.shape_cast %max3A_255 : vector<16xf32> to vector<1x16xf32>
        tpu.vector_store %arg11[%swap3A_260, %swap3A_261], %swap3A_264 {strides = array<i32>} : memref<128x128xf32, #tpu.memory_space<vmem>>, vector<1x16xf32>,
        %mul3A_265 = arith.constant 4 : i32
        %mul3A_266 = arith.muli %scan3A_167, %mul3A_265 : i32
        %add3A_267 = arith.constant 0 : i32
        %add3A_268 = arith.addi %mul3A_266, %add3A_267 : i32
        %get3A_269 = arith.index_cast %add3A_268 : i32 to index
        %get3A_270 = arith.constant 80 : index
        %get3A_271 = tpu.vector_load %arg9[%get3A_269, %get3A_270] {strides = array<i32>} : memref<128x128xf32, #tpu.memory_space<vmem>>, vector<1x16xf32>,
        %get3A_272 = vector.shape_cast %get3A_271 : vector<1x16xf32> to vector<16xf32>
        %max3A_273 = arith.constant 0.000000e+00 : f32
        %max3A_274 = vector.broadcast %max3A_273 : f32 to vector<16xf32>
        %max3A_275 = arith.maximumf %get3A_272, %max3A_274 : vector<16xf32>
        %mul3A_276 = arith.constant 4 : i32
        %mul3A_277 = arith.muli %scan3A_167, %mul3A_276 : i32
        %add3A_278 = arith.constant 0 : i32
        %add3A_279 = arith.addi %mul3A_277, %add3A_278 : i32
        %swap3A_280 = arith.index_cast %add3A_279 : i32 to index
        %swap3A_281 = arith.constant 80 : index
        %swap3A_282 = tpu.vector_load %arg11[%swap3A_280, %swap3A_281] {strides = array<i32>} : memref<128x128xf32, #tpu.memory_space<vmem>>, vector<1x16xf32>,
        %swap3A_283 = vector.shape_cast %swap3A_282 : vector<1x16xf32> to vector<16xf32>
        %swap3A_284 = vector.shape_cast %max3A_275 : vector<16xf32> to vector<1x16xf32>
        tpu.vector_store %arg11[%swap3A_280, %swap3A_281], %swap3A_284 {strides = array<i32>} : memref<128x128xf32, #tpu.memory_space<vmem>>, vector<1x16xf32>,
        %mul3A_285 = arith.constant 4 : i32
        %mul3A_286 = arith.muli %scan3A_167, %mul3A_285 : i32
        %add3A_287 = arith.constant 0 : i32
        %add3A_288 = arith.addi %mul3A_286, %add3A_287 : i32
        %get3A_289 = arith.index_cast %add3A_288 : i32 to index
        %get3A_290 = arith.constant 96 : index
        %get3A_291 = tpu.vector_load %arg9[%get3A_289, %get3A_290] {strides = array<i32>} : memref<128x128xf32, #tpu.memory_space<vmem>>, vector<1x16xf32>,
        %get3A_292 = vector.shape_cast %get3A_291 : vector<1x16xf32> to vector<16xf32>
        %max3A_293 = arith.constant 0.000000e+00 : f32
        %max3A_294 = vector.broadcast %max3A_293 : f32 to vector<16xf32>
        %max3A_295 = arith.maximumf %get3A_292, %max3A_294 : vector<16xf32>
        %mul3A_296 = arith.constant 4 : i32
        %mul3A_297 = arith.muli %scan3A_167, %mul3A_296 : i32
        %add3A_298 = arith.constant 0 : i32
        %add3A_299 = arith.addi %mul3A_297, %add3A_298 : i32
        %swap3A_300 = arith.index_cast %add3A_299 : i32 to index
        %swap3A_301 = arith.constant 96 : index
        %swap3A_302 = tpu.vector_load %arg11[%swap3A_300, %swap3A_301] {strides = array<i32>} : memref<128x128xf32, #tpu.memory_space<vmem>>, vector<1x16xf32>,
        %swap3A_303 = vector.shape_cast %swap3A_302 : vector<1x16xf32> to vector<16xf32>
        %swap3A_304 = vector.shape_cast %max3A_295 : vector<16xf32> to vector<1x16xf32>
        tpu.vector_store %arg11[%swap3A_300, %swap3A_301], %swap3A_304 {strides = array<i32>} : memref<128x128xf32, #tpu.memory_space<vmem>>, vector<1x16xf32>,
        %mul3A_305 = arith.constant 4 : i32
        %mul3A_306 = arith.muli %scan3A_167, %mul3A_305 : i32
        %add3A_307 = arith.constant 0 : i32
        %add3A_308 = arith.addi %mul3A_306, %add3A_307 : i32
        %get3A_309 = arith.index_cast %add3A_308 : i32 to index
        %get3A_310 = arith.constant 112 : index
        %get3A_311 = tpu.vector_load %arg9[%get3A_309, %get3A_310] {strides = array<i32>} : memref<128x128xf32, #tpu.memory_space<vmem>>, vector<1x16xf32>,
        %get3A_312 = vector.shape_cast %get3A_311 : vector<1x16xf32> to vector<16xf32>
        %max3A_313 = arith.constant 0.000000e+00 : f32
        %max3A_314 = vector.broadcast %max3A_313 : f32 to vector<16xf32>
        %max3A_315 = arith.maximumf %get3A_312, %max3A_314 : vector<16xf32>
        %mul3A_316 = arith.constant 4 : i32
        %mul3A_317 = arith.muli %scan3A_167, %mul3A_316 : i32
        %add3A_318 = arith.constant 0 : i32
        %add3A_319 = arith.addi %mul3A_317, %add3A_318 : i32
        %swap3A_320 = arith.index_cast %add3A_319 : i32 to index
        %swap3A_321 = arith.constant 112 : index
        %swap3A_322 = tpu.vector_load %arg11[%swap3A_320, %swap3A_321] {strides = array<i32>} : memref<128x128xf32, #tpu.memory_space<vmem>>, vector<1x16xf32>,
        %swap3A_323 = vector.shape_cast %swap3A_322 : vector<1x16xf32> to vector<16xf32>
        %swap3A_324 = vector.shape_cast %max3A_315 : vector<16xf32> to vector<1x16xf32>
        tpu.vector_store %arg11[%swap3A_320, %swap3A_321], %swap3A_324 {strides = array<i32>} : memref<128x128xf32, #tpu.memory_space<vmem>>, vector<1x16xf32>,
        %mul3A_325 = arith.constant 4 : i32
        %mul3A_326 = arith.muli %scan3A_167, %mul3A_325 : i32
        %add3A_327 = arith.constant 1 : i32
        %add3A_328 = arith.addi %mul3A_326, %add3A_327 : i32
        %get3A_329 = arith.index_cast %add3A_328 : i32 to index
        %get3A_330 = arith.constant 0 : index
        %get3A_331 = tpu.vector_load %arg9[%get3A_329, %get3A_330] {strides = array<i32>} : memref<128x128xf32, #tpu.memory_space<vmem>>, vector<1x16xf32>,
        %get3A_332 = vector.shape_cast %get3A_331 : vector<1x16xf32> to vector<16xf32>
        %max3A_333 = arith.constant 0.000000e+00 : f32
        %max3A_334 = vector.broadcast %max3A_333 : f32 to vector<16xf32>
        %max3A_335 = arith.maximumf %get3A_332, %max3A_334 : vector<16xf32>
        %mul3A_336 = arith.constant 4 : i32
        %mul3A_337 = arith.muli %scan3A_167, %mul3A_336 : i32
        %add3A_338 = arith.constant 1 : i32
        %add3A_339 = arith.addi %mul3A_337, %add3A_338 : i32
        %swap3A_340 = arith.index_cast %add3A_339 : i32 to index
        %swap3A_341 = arith.constant 0 : index
        %swap3A_342 = tpu.vector_load %arg11[%swap3A_340, %swap3A_341] {strides = array<i32>} : memref<128x128xf32, #tpu.memory_space<vmem>>, vector<1x16xf32>,
        %swap3A_343 = vector.shape_cast %swap3A_342 : vector<1x16xf32> to vector<16xf32>
        %swap3A_344 = vector.shape_cast %max3A_335 : vector<16xf32> to vector<1x16xf32>
        tpu.vector_store %arg11[%swap3A_340, %swap3A_341], %swap3A_344 {strides = array<i32>} : memref<128x128xf32, #tpu.memory_space<vmem>>, vector<1x16xf32>,
        %mul3A_345 = arith.constant 4 : i32
        %mul3A_346 = arith.muli %scan3A_167, %mul3A_345 : i32
        %add3A_347 = arith.constant 1 : i32
        %add3A_348 = arith.addi %mul3A_346, %add3A_347 : i32
        %get3A_349 = arith.index_cast %add3A_348 : i32 to index
        %get3A_350 = arith.constant 16 : index
        %get3A_351 = tpu.vector_load %arg9[%get3A_349, %get3A_350] {strides = array<i32>} : memref<128x128xf32, #tpu.memory_space<vmem>>, vector<1x16xf32>,
        %get3A_352 = vector.shape_cast %get3A_351 : vector<1x16xf32> to vector<16xf32>
        %max3A_353 = arith.constant 0.000000e+00 : f32
        %max3A_354 = vector.broadcast %max3A_353 : f32 to vector<16xf32>
        %max3A_355 = arith.maximumf %get3A_352, %max3A_354 : vector<16xf32>
        %mul3A_356 = arith.constant 4 : i32
        %mul3A_357 = arith.muli %scan3A_167, %mul3A_356 : i32
        %add3A_358 = arith.constant 1 : i32
        %add3A_359 = arith.addi %mul3A_357, %add3A_358 : i32
        %swap3A_360 = arith.index_cast %add3A_359 : i32 to index
        %swap3A_361 = arith.constant 16 : index
        %swap3A_362 = tpu.vector_load %arg11[%swap3A_360, %swap3A_361] {strides = array<i32>} : memref<128x128xf32, #tpu.memory_space<vmem>>, vector<1x16xf32>,
        %swap3A_363 = vector.shape_cast %swap3A_362 : vector<1x16xf32> to vector<16xf32>
        %swap3A_364 = vector.shape_cast %max3A_355 : vector<16xf32> to vector<1x16xf32>
        tpu.vector_store %arg11[%swap3A_360, %swap3A_361], %swap3A_364 {strides = array<i32>} : memref<128x128xf32, #tpu.memory_space<vmem>>, vector<1x16xf32>,
        %mul3A_365 = arith.constant 4 : i32
        %mul3A_366 = arith.muli %scan3A_167, %mul3A_365 : i32
        %add3A_367 = arith.constant 1 : i32
        %add3A_368 = arith.addi %mul3A_366, %add3A_367 : i32
        %get3A_369 = arith.index_cast %add3A_368 : i32 to index
        %get3A_370 = arith.constant 32 : index
        %get3A_371 = tpu.vector_load %arg9[%get3A_369, %get3A_370] {strides = array<i32>} : memref<128x128xf32, #tpu.memory_space<vmem>>, vector<1x16xf32>,
        %get3A_372 = vector.shape_cast %get3A_371 : vector<1x16xf32> to vector<16xf32>
        %max3A_373 = arith.constant 0.000000e+00 : f32
        %max3A_374 = vector.broadcast %max3A_373 : f32 to vector<16xf32>
        %max3A_375 = arith.maximumf %get3A_372, %max3A_374 : vector<16xf32>
        %mul3A_376 = arith.constant 4 : i32
        %mul3A_377 = arith.muli %scan3A_167, %mul3A_376 : i32
        %add3A_378 = arith.constant 1 : i32
        %add3A_379 = arith.addi %mul3A_377, %add3A_378 : i32
        %swap3A_380 = arith.index_cast %add3A_379 : i32 to index
        %swap3A_381 = arith.constant 32 : index
        %swap3A_382 = tpu.vector_load %arg11[%swap3A_380, %swap3A_381] {strides = array<i32>} : memref<128x128xf32, #tpu.memory_space<vmem>>, vector<1x16xf32>,
        %swap3A_383 = vector.shape_cast %swap3A_382 : vector<1x16xf32> to vector<16xf32>
        %swap3A_384 = vector.shape_cast %max3A_375 : vector<16xf32> to vector<1x16xf32>
        tpu.vector_store %arg11[%swap3A_380, %swap3A_381], %swap3A_384 {strides = array<i32>} : memref<128x128xf32, #tpu.memory_space<vmem>>, vector<1x16xf32>,
        %mul3A_385 = arith.constant 4 : i32
        %mul3A_386 = arith.muli %scan3A_167, %mul3A_385 : i32
        %add3A_387 = arith.constant 1 : i32
        %add3A_388 = arith.addi %mul3A_386, %add3A_387 : i32
        %get3A_389 = arith.index_cast %add3A_388 : i32 to index
        %get3A_390 = arith.constant 48 : index
        %get3A_391 = tpu.vector_load %arg9[%get3A_389, %get3A_390] {strides = array<i32>} : memref<128x128xf32, #tpu.memory_space<vmem>>, vector<1x16xf32>,
        %get3A_392 = vector.shape_cast %get3A_391 : vector<1x16xf32> to vector<16xf32>
        %max3A_393 = arith.constant 0.000000e+00 : f32
        %max3A_394 = vector.broadcast %max3A_393 : f32 to vector<16xf32>
        %max3A_395 = arith.maximumf %get3A_392, %max3A_394 : vector<16xf32>
        %mul3A_396 = arith.constant 4 : i32
        %mul3A_397 = arith.muli %scan3A_167, %mul3A_396 : i32
        %add3A_398 = arith.constant 1 : i32
        %add3A_399 = arith.addi %mul3A_397, %add3A_398 : i32
        %swap3A_400 = arith.index_cast %add3A_399 : i32 to index
        %swap3A_401 = arith.constant 48 : index
        %swap3A_402 = tpu.vector_load %arg11[%swap3A_400, %swap3A_401] {strides = array<i32>} : memref<128x128xf32, #tpu.memory_space<vmem>>, vector<1x16xf32>,
        %swap3A_403 = vector.shape_cast %swap3A_402 : vector<1x16xf32> to vector<16xf32>
        %swap3A_404 = vector.shape_cast %max3A_395 : vector<16xf32> to vector<1x16xf32>
        tpu.vector_store %arg11[%swap3A_400, %swap3A_401], %swap3A_404 {strides = array<i32>} : memref<128x128xf32, #tpu.memory_space<vmem>>, vector<1x16xf32>,
        %mul3A_405 = arith.constant 4 : i32
        %mul3A_406 = arith.muli %scan3A_167, %mul3A_405 : i32
        %add3A_407 = arith.constant 1 : i32
        %add3A_408 = arith.addi %mul3A_406, %add3A_407 : i32
        %get3A_409 = arith.index_cast %add3A_408 : i32 to index
        %get3A_410 = arith.constant 64 : index
        %get3A_411 = tpu.vector_load %arg9[%get3A_409, %get3A_410] {strides = array<i32>} : memref<128x128xf32, #tpu.memory_space<vmem>>, vector<1x16xf32>,
        %get3A_412 = vector.shape_cast %get3A_411 : vector<1x16xf32> to vector<16xf32>
        %max3A_413 = arith.constant 0.000000e+00 : f32
        %max3A_414 = vector.broadcast %max3A_413 : f32 to vector<16xf32>
        %max3A_415 = arith.maximumf %get3A_412, %max3A_414 : vector<16xf32>
        %mul3A_416 = arith.constant 4 : i32
        %mul3A_417 = arith.muli %scan3A_167, %mul3A_416 : i32
        %add3A_418 = arith.constant 1 : i32
        %add3A_419 = arith.addi %mul3A_417, %add3A_418 : i32
        %swap3A_420 = arith.index_cast %add3A_419 : i32 to index
        %swap3A_421 = arith.constant 64 : index
        %swap3A_422 = tpu.vector_load %arg11[%swap3A_420, %swap3A_421] {strides = array<i32>} : memref<128x128xf32, #tpu.memory_space<vmem>>, vector<1x16xf32>,
        %swap3A_423 = vector.shape_cast %swap3A_422 : vector<1x16xf32> to vector<16xf32>
        %swap3A_424 = vector.shape_cast %max3A_415 : vector<16xf32> to vector<1x16xf32>
        tpu.vector_store %arg11[%swap3A_420, %swap3A_421], %swap3A_424 {strides = array<i32>} : memref<128x128xf32, #tpu.memory_space<vmem>>, vector<1x16xf32>,
        %mul3A_425 = arith.constant 4 : i32
        %mul3A_426 = arith.muli %scan3A_167, %mul3A_425 : i32
        %add3A_427 = arith.constant 1 : i32
        %add3A_428 = arith.addi %mul3A_426, %add3A_427 : i32
        %get3A_429 = arith.index_cast %add3A_428 : i32 to index
        %get3A_430 = arith.constant 80 : index
        %get3A_431 = tpu.vector_load %arg9[%get3A_429, %get3A_430] {strides = array<i32>} : memref<128x128xf32, #tpu.memory_space<vmem>>, vector<1x16xf32>,
        %get3A_432 = vector.shape_cast %get3A_431 : vector<1x16xf32> to vector<16xf32>
        %max3A_433 = arith.constant 0.000000e+00 : f32
        %max3A_434 = vector.broadcast %max3A_433 : f32 to vector<16xf32>
        %max3A_435 = arith.maximumf %get3A_432, %max3A_434 : vector<16xf32>
        %mul3A_436 = arith.constant 4 : i32
        %mul3A_437 = arith.muli %scan3A_167, %mul3A_436 : i32
        %add3A_438 = arith.constant 1 : i32
        %add3A_439 = arith.addi %mul3A_437, %add3A_438 : i32
        %swap3A_440 = arith.index_cast %add3A_439 : i32 to index
        %swap3A_441 = arith.constant 80 : index
        %swap3A_442 = tpu.vector_load %arg11[%swap3A_440, %swap3A_441] {strides = array<i32>} : memref<128x128xf32, #tpu.memory_space<vmem>>, vector<1x16xf32>,
        %swap3A_443 = vector.shape_cast %swap3A_442 : vector<1x16xf32> to vector<16xf32>
        %swap3A_444 = vector.shape_cast %max3A_435 : vector<16xf32> to vector<1x16xf32>
        tpu.vector_store %arg11[%swap3A_440, %swap3A_441], %swap3A_444 {strides = array<i32>} : memref<128x128xf32, #tpu.memory_space<vmem>>, vector<1x16xf32>,
        %mul3A_445 = arith.constant 4 : i32
        %mul3A_446 = arith.muli %scan3A_167, %mul3A_445 : i32
        %add3A_447 = arith.constant 1 : i32
        %add3A_448 = arith.addi %mul3A_446, %add3A_447 : i32
        %get3A_449 = arith.index_cast %add3A_448 : i32 to index
        %get3A_450 = arith.constant 96 : index
        %get3A_451 = tpu.vector_load %arg9[%get3A_449, %get3A_450] {strides = array<i32>} : memref<128x128xf32, #tpu.memory_space<vmem>>, vector<1x16xf32>,
        %get3A_452 = vector.shape_cast %get3A_451 : vector<1x16xf32> to vector<16xf32>
        %max3A_453 = arith.constant 0.000000e+00 : f32
        %max3A_454 = vector.broadcast %max3A_453 : f32 to vector<16xf32>
        %max3A_455 = arith.maximumf %get3A_452, %max3A_454 : vector<16xf32>
        %mul3A_456 = arith.constant 4 : i32
        %mul3A_457 = arith.muli %scan3A_167, %mul3A_456 : i32
        %add3A_458 = arith.constant 1 : i32
        %add3A_459 = arith.addi %mul3A_457, %add3A_458 : i32
        %swap3A_460 = arith.index_cast %add3A_459 : i32 to index
        %swap3A_461 = arith.constant 96 : index
        %swap3A_462 = tpu.vector_load %arg11[%swap3A_460, %swap3A_461] {strides = array<i32>} : memref<128x128xf32, #tpu.memory_space<vmem>>, vector<1x16xf32>,
        %swap3A_463 = vector.shape_cast %swap3A_462 : vector<1x16xf32> to vector<16xf32>
        %swap3A_464 = vector.shape_cast %max3A_455 : vector<16xf32> to vector<1x16xf32>
        tpu.vector_store %arg11[%swap3A_460, %swap3A_461], %swap3A_464 {strides = array<i32>} : memref<128x128xf32, #tpu.memory_space<vmem>>, vector<1x16xf32>,
        %mul3A_465 = arith.constant 4 : i32
        %mul3A_466 = arith.muli %scan3A_167, %mul3A_465 : i32
        %add3A_467 = arith.constant 1 : i32
        %add3A_468 = arith.addi %mul3A_466, %add3A_467 : i32
        %get3A_469 = arith.index_cast %add3A_468 : i32 to index
        %get3A_470 = arith.constant 112 : index
        %get3A_471 = tpu.vector_load %arg9[%get3A_469, %get3A_470] {strides = array<i32>} : memref<128x128xf32, #tpu.memory_space<vmem>>, vector<1x16xf32>,
        %get3A_472 = vector.shape_cast %get3A_471 : vector<1x16xf32> to vector<16xf32>
        %max3A_473 = arith.constant 0.000000e+00 : f32
        %max3A_474 = vector.broadcast %max3A_473 : f32 to vector<16xf32>
        %max3A_475 = arith.maximumf %get3A_472, %max3A_474 : vector<16xf32>
        %mul3A_476 = arith.constant 4 : i32
        %mul3A_477 = arith.muli %scan3A_167, %mul3A_476 : i32
        %add3A_478 = arith.constant 1 : i32
        %add3A_479 = arith.addi %mul3A_477, %add3A_478 : i32
        %swap3A_480 = arith.index_cast %add3A_479 : i32 to index
        %swap3A_481 = arith.constant 112 : index
        %swap3A_482 = tpu.vector_load %arg11[%swap3A_480, %swap3A_481] {strides = array<i32>} : memref<128x128xf32, #tpu.memory_space<vmem>>, vector<1x16xf32>,
        %swap3A_483 = vector.shape_cast %swap3A_482 : vector<1x16xf32> to vector<16xf32>
        %swap3A_484 = vector.shape_cast %max3A_475 : vector<16xf32> to vector<1x16xf32>
        tpu.vector_store %arg11[%swap3A_480, %swap3A_481], %swap3A_484 {strides = array<i32>} : memref<128x128xf32, #tpu.memory_space<vmem>>, vector<1x16xf32>,
        %mul3A_485 = arith.constant 4 : i32
        %mul3A_486 = arith.muli %scan3A_167, %mul3A_485 : i32
        %add3A_487 = arith.constant 2 : i32
        %add3A_488 = arith.addi %mul3A_486, %add3A_487 : i32
        %get3A_489 = arith.index_cast %add3A_488 : i32 to index
        %get3A_490 = arith.constant 0 : index
        %get3A_491 = tpu.vector_load %arg9[%get3A_489, %get3A_490] {strides = array<i32>} : memref<128x128xf32, #tpu.memory_space<vmem>>, vector<1x16xf32>,
        %get3A_492 = vector.shape_cast %get3A_491 : vector<1x16xf32> to vector<16xf32>
        %max3A_493 = arith.constant 0.000000e+00 : f32
        %max3A_494 = vector.broadcast %max3A_493 : f32 to vector<16xf32>
        %max3A_495 = arith.maximumf %get3A_492, %max3A_494 : vector<16xf32>
        %mul3A_496 = arith.constant 4 : i32
        %mul3A_497 = arith.muli %scan3A_167, %mul3A_496 : i32
        %add3A_498 = arith.constant 2 : i32
        %add3A_499 = arith.addi %mul3A_497, %add3A_498 : i32
        %swap3A_500 = arith.index_cast %add3A_499 : i32 to index
        %swap3A_501 = arith.constant 0 : index
        %swap3A_502 = tpu.vector_load %arg11[%swap3A_500, %swap3A_501] {strides = array<i32>} : memref<128x128xf32, #tpu.memory_space<vmem>>, vector<1x16xf32>,
        %swap3A_503 = vector.shape_cast %swap3A_502 : vector<1x16xf32> to vector<16xf32>
        %swap3A_504 = vector.shape_cast %max3A_495 : vector<16xf32> to vector<1x16xf32>
        tpu.vector_store %arg11[%swap3A_500, %swap3A_501], %swap3A_504 {strides = array<i32>} : memref<128x128xf32, #tpu.memory_space<vmem>>, vector<1x16xf32>,
        %mul3A_505 = arith.constant 4 : i32
        %mul3A_506 = arith.muli %scan3A_167, %mul3A_505 : i32
        %add3A_507 = arith.constant 2 : i32
        %add3A_508 = arith.addi %mul3A_506, %add3A_507 : i32
        %get3A_509 = arith.index_cast %add3A_508 : i32 to index
        %get3A_510 = arith.constant 16 : index
        %get3A_511 = tpu.vector_load %arg9[%get3A_509, %get3A_510] {strides = array<i32>} : memref<128x128xf32, #tpu.memory_space<vmem>>, vector<1x16xf32>,
        %get3A_512 = vector.shape_cast %get3A_511 : vector<1x16xf32> to vector<16xf32>
        %max3A_513 = arith.constant 0.000000e+00 : f32
        %max3A_514 = vector.broadcast %max3A_513 : f32 to vector<16xf32>
        %max3A_515 = arith.maximumf %get3A_512, %max3A_514 : vector<16xf32>
        %mul3A_516 = arith.constant 4 : i32
        %mul3A_517 = arith.muli %scan3A_167, %mul3A_516 : i32
        %add3A_518 = arith.constant 2 : i32
        %add3A_519 = arith.addi %mul3A_517, %add3A_518 : i32
        %swap3A_520 = arith.index_cast %add3A_519 : i32 to index
        %swap3A_521 = arith.constant 16 : index
        %swap3A_522 = tpu.vector_load %arg11[%swap3A_520, %swap3A_521] {strides = array<i32>} : memref<128x128xf32, #tpu.memory_space<vmem>>, vector<1x16xf32>,
        %swap3A_523 = vector.shape_cast %swap3A_522 : vector<1x16xf32> to vector<16xf32>
        %swap3A_524 = vector.shape_cast %max3A_515 : vector<16xf32> to vector<1x16xf32>
        tpu.vector_store %arg11[%swap3A_520, %swap3A_521], %swap3A_524 {strides = array<i32>} : memref<128x128xf32, #tpu.memory_space<vmem>>, vector<1x16xf32>,
        %mul3A_525 = arith.constant 4 : i32
        %mul3A_526 = arith.muli %scan3A_167, %mul3A_525 : i32
        %add3A_527 = arith.constant 2 : i32
        %add3A_528 = arith.addi %mul3A_526, %add3A_527 : i32
        %get3A_529 = arith.index_cast %add3A_528 : i32 to index
        %get3A_530 = arith.constant 32 : index
        %get3A_531 = tpu.vector_load %arg9[%get3A_529, %get3A_530] {strides = array<i32>} : memref<128x128xf32, #tpu.memory_space<vmem>>, vector<1x16xf32>,
        %get3A_532 = vector.shape_cast %get3A_531 : vector<1x16xf32> to vector<16xf32>
        %max3A_533 = arith.constant 0.000000e+00 : f32
        %max3A_534 = vector.broadcast %max3A_533 : f32 to vector<16xf32>
        %max3A_535 = arith.maximumf %get3A_532, %max3A_534 : vector<16xf32>
        %mul3A_536 = arith.constant 4 : i32
        %mul3A_537 = arith.muli %scan3A_167, %mul3A_536 : i32
        %add3A_538 = arith.constant 2 : i32
        %add3A_539 = arith.addi %mul3A_537, %add3A_538 : i32
        %swap3A_540 = arith.index_cast %add3A_539 : i32 to index
        %swap3A_541 = arith.constant 32 : index
        %swap3A_542 = tpu.vector_load %arg11[%swap3A_540, %swap3A_541] {strides = array<i32>} : memref<128x128xf32, #tpu.memory_space<vmem>>, vector<1x16xf32>,
        %swap3A_543 = vector.shape_cast %swap3A_542 : vector<1x16xf32> to vector<16xf32>
        %swap3A_544 = vector.shape_cast %max3A_535 : vector<16xf32> to vector<1x16xf32>
        tpu.vector_store %arg11[%swap3A_540, %swap3A_541], %swap3A_544 {strides = array<i32>} : memref<128x128xf32, #tpu.memory_space<vmem>>, vector<1x16xf32>,
        %mul3A_545 = arith.constant 4 : i32
        %mul3A_546 = arith.muli %scan3A_167, %mul3A_545 : i32
        %add3A_547 = arith.constant 2 : i32
        %add3A_548 = arith.addi %mul3A_546, %add3A_547 : i32
        %get3A_549 = arith.index_cast %add3A_548 : i32 to index
        %get3A_550 = arith.constant 48 : index
        %get3A_551 = tpu.vector_load %arg9[%get3A_549, %get3A_550] {strides = array<i32>} : memref<128x128xf32, #tpu.memory_space<vmem>>, vector<1x16xf32>,
        %get3A_552 = vector.shape_cast %get3A_551 : vector<1x16xf32> to vector<16xf32>
        %max3A_553 = arith.constant 0.000000e+00 : f32
        %max3A_554 = vector.broadcast %max3A_553 : f32 to vector<16xf32>
        %max3A_555 = arith.maximumf %get3A_552, %max3A_554 : vector<16xf32>
        %mul3A_556 = arith.constant 4 : i32
        %mul3A_557 = arith.muli %scan3A_167, %mul3A_556 : i32
        %add3A_558 = arith.constant 2 : i32
        %add3A_559 = arith.addi %mul3A_557, %add3A_558 : i32
        %swap3A_560 = arith.index_cast %add3A_559 : i32 to index
        %swap3A_561 = arith.constant 48 : index
        %swap3A_562 = tpu.vector_load %arg11[%swap3A_560, %swap3A_561] {strides = array<i32>} : memref<128x128xf32, #tpu.memory_space<vmem>>, vector<1x16xf32>,
        %swap3A_563 = vector.shape_cast %swap3A_562 : vector<1x16xf32> to vector<16xf32>
        %swap3A_564 = vector.shape_cast %max3A_555 : vector<16xf32> to vector<1x16xf32>
        tpu.vector_store %arg11[%swap3A_560, %swap3A_561], %swap3A_564 {strides = array<i32>} : memref<128x128xf32, #tpu.memory_space<vmem>>, vector<1x16xf32>,
        %mul3A_565 = arith.constant 4 : i32
        %mul3A_566 = arith.muli %scan3A_167, %mul3A_565 : i32
        %add3A_567 = arith.constant 2 : i32
        %add3A_568 = arith.addi %mul3A_566, %add3A_567 : i32
        %get3A_569 = arith.index_cast %add3A_568 : i32 to index
        %get3A_570 = arith.constant 64 : index
        %get3A_571 = tpu.vector_load %arg9[%get3A_569, %get3A_570] {strides = array<i32>} : memref<128x128xf32, #tpu.memory_space<vmem>>, vector<1x16xf32>,
        %get3A_572 = vector.shape_cast %get3A_571 : vector<1x16xf32> to vector<16xf32>
        %max3A_573 = arith.constant 0.000000e+00 : f32
        %max3A_574 = vector.broadcast %max3A_573 : f32 to vector<16xf32>
        %max3A_575 = arith.maximumf %get3A_572, %max3A_574 : vector<16xf32>
        %mul3A_576 = arith.constant 4 : i32
        %mul3A_577 = arith.muli %scan3A_167, %mul3A_576 : i32
        %add3A_578 = arith.constant 2 : i32
        %add3A_579 = arith.addi %mul3A_577, %add3A_578 : i32
        %swap3A_580 = arith.index_cast %add3A_579 : i32 to index
        %swap3A_581 = arith.constant 64 : index
        %swap3A_582 = tpu.vector_load %arg11[%swap3A_580, %swap3A_581] {strides = array<i32>} : memref<128x128xf32, #tpu.memory_space<vmem>>, vector<1x16xf32>,
        %swap3A_583 = vector.shape_cast %swap3A_582 : vector<1x16xf32> to vector<16xf32>
        %swap3A_584 = vector.shape_cast %max3A_575 : vector<16xf32> to vector<1x16xf32>
        tpu.vector_store %arg11[%swap3A_580, %swap3A_581], %swap3A_584 {strides = array<i32>} : memref<128x128xf32, #tpu.memory_space<vmem>>, vector<1x16xf32>,
        %mul3A_585 = arith.constant 4 : i32
        %mul3A_586 = arith.muli %scan3A_167, %mul3A_585 : i32
        %add3A_587 = arith.constant 2 : i32
        %add3A_588 = arith.addi %mul3A_586, %add3A_587 : i32
        %get3A_589 = arith.index_cast %add3A_588 : i32 to index
        %get3A_590 = arith.constant 80 : index
        %get3A_591 = tpu.vector_load %arg9[%get3A_589, %get3A_590] {strides = array<i32>} : memref<128x128xf32, #tpu.memory_space<vmem>>, vector<1x16xf32>,
        %get3A_592 = vector.shape_cast %get3A_591 : vector<1x16xf32> to vector<16xf32>
        %max3A_593 = arith.constant 0.000000e+00 : f32
        %max3A_594 = vector.broadcast %max3A_593 : f32 to vector<16xf32>
        %max3A_595 = arith.maximumf %get3A_592, %max3A_594 : vector<16xf32>
        %mul3A_596 = arith.constant 4 : i32
        %mul3A_597 = arith.muli %scan3A_167, %mul3A_596 : i32
        %add3A_598 = arith.constant 2 : i32
        %add3A_599 = arith.addi %mul3A_597, %add3A_598 : i32
        %swap3A_600 = arith.index_cast %add3A_599 : i32 to index
        %swap3A_601 = arith.constant 80 : index
        %swap3A_602 = tpu.vector_load %arg11[%swap3A_600, %swap3A_601] {strides = array<i32>} : memref<128x128xf32, #tpu.memory_space<vmem>>, vector<1x16xf32>,
        %swap3A_603 = vector.shape_cast %swap3A_602 : vector<1x16xf32> to vector<16xf32>
        %swap3A_604 = vector.shape_cast %max3A_595 : vector<16xf32> to vector<1x16xf32>
        tpu.vector_store %arg11[%swap3A_600, %swap3A_601], %swap3A_604 {strides = array<i32>} : memref<128x128xf32, #tpu.memory_space<vmem>>, vector<1x16xf32>,
        %mul3A_605 = arith.constant 4 : i32
        %mul3A_606 = arith.muli %scan3A_167, %mul3A_605 : i32
        %add3A_607 = arith.constant 2 : i32
        %add3A_608 = arith.addi %mul3A_606, %add3A_607 : i32
        %get3A_609 = arith.index_cast %add3A_608 : i32 to index
        %get3A_610 = arith.constant 96 : index
        %get3A_611 = tpu.vector_load %arg9[%get3A_609, %get3A_610] {strides = array<i32>} : memref<128x128xf32, #tpu.memory_space<vmem>>, vector<1x16xf32>,
        %get3A_612 = vector.shape_cast %get3A_611 : vector<1x16xf32> to vector<16xf32>
        %max3A_613 = arith.constant 0.000000e+00 : f32
        %max3A_614 = vector.broadcast %max3A_613 : f32 to vector<16xf32>
        %max3A_615 = arith.maximumf %get3A_612, %max3A_614 : vector<16xf32>
        %mul3A_616 = arith.constant 4 : i32
        %mul3A_617 = arith.muli %scan3A_167, %mul3A_616 : i32
        %add3A_618 = arith.constant 2 : i32
        %add3A_619 = arith.addi %mul3A_617, %add3A_618 : i32
        %swap3A_620 = arith.index_cast %add3A_619 : i32 to index
        %swap3A_621 = arith.constant 96 : index
        %swap3A_622 = tpu.vector_load %arg11[%swap3A_620, %swap3A_621] {strides = array<i32>} : memref<128x128xf32, #tpu.memory_space<vmem>>, vector<1x16xf32>,
        %swap3A_623 = vector.shape_cast %swap3A_622 : vector<1x16xf32> to vector<16xf32>
        %swap3A_624 = vector.shape_cast %max3A_615 : vector<16xf32> to vector<1x16xf32>
        tpu.vector_store %arg11[%swap3A_620, %swap3A_621], %swap3A_624 {strides = array<i32>} : memref<128x128xf32, #tpu.memory_space<vmem>>, vector<1x16xf32>,
        %mul3A_625 = arith.constant 4 : i32
        %mul3A_626 = arith.muli %scan3A_167, %mul3A_625 : i32
        %add3A_627 = arith.constant 2 : i32
        %add3A_628 = arith.addi %mul3A_626, %add3A_627 : i32
        %get3A_629 = arith.index_cast %add3A_628 : i32 to index
        %get3A_630 = arith.constant 112 : index
        %get3A_631 = tpu.vector_load %arg9[%get3A_629, %get3A_630] {strides = array<i32>} : memref<128x128xf32, #tpu.memory_space<vmem>>, vector<1x16xf32>,
        %get3A_632 = vector.shape_cast %get3A_631 : vector<1x16xf32> to vector<16xf32>
        %max3A_633 = arith.constant 0.000000e+00 : f32
        %max3A_634 = vector.broadcast %max3A_633 : f32 to vector<16xf32>
        %max3A_635 = arith.maximumf %get3A_632, %max3A_634 : vector<16xf32>
        %mul3A_636 = arith.constant 4 : i32
        %mul3A_637 = arith.muli %scan3A_167, %mul3A_636 : i32
        %add3A_638 = arith.constant 2 : i32
        %add3A_639 = arith.addi %mul3A_637, %add3A_638 : i32
        %swap3A_640 = arith.index_cast %add3A_639 : i32 to index
        %swap3A_641 = arith.constant 112 : index
        %swap3A_642 = tpu.vector_load %arg11[%swap3A_640, %swap3A_641] {strides = array<i32>} : memref<128x128xf32, #tpu.memory_space<vmem>>, vector<1x16xf32>,
        %swap3A_643 = vector.shape_cast %swap3A_642 : vector<1x16xf32> to vector<16xf32>
        %swap3A_644 = vector.shape_cast %max3A_635 : vector<16xf32> to vector<1x16xf32>
        tpu.vector_store %arg11[%swap3A_640, %swap3A_641], %swap3A_644 {strides = array<i32>} : memref<128x128xf32, #tpu.memory_space<vmem>>, vector<1x16xf32>,
        %mul3A_645 = arith.constant 4 : i32
        %mul3A_646 = arith.muli %scan3A_167, %mul3A_645 : i32
        %add3A_647 = arith.constant 3 : i32
        %add3A_648 = arith.addi %mul3A_646, %add3A_647 : i32
        %get3A_649 = arith.index_cast %add3A_648 : i32 to index
        %get3A_650 = arith.constant 0 : index
        %get3A_651 = tpu.vector_load %arg9[%get3A_649, %get3A_650] {strides = array<i32>} : memref<128x128xf32, #tpu.memory_space<vmem>>, vector<1x16xf32>,
        %get3A_652 = vector.shape_cast %get3A_651 : vector<1x16xf32> to vector<16xf32>
        %max3A_653 = arith.constant 0.000000e+00 : f32
        %max3A_654 = vector.broadcast %max3A_653 : f32 to vector<16xf32>
        %max3A_655 = arith.maximumf %get3A_652, %max3A_654 : vector<16xf32>
        %mul3A_656 = arith.constant 4 : i32
        %mul3A_657 = arith.muli %scan3A_167, %mul3A_656 : i32
        %add3A_658 = arith.constant 3 : i32
        %add3A_659 = arith.addi %mul3A_657, %add3A_658 : i32
        %swap3A_660 = arith.index_cast %add3A_659 : i32 to index
        %swap3A_661 = arith.constant 0 : index
        %swap3A_662 = tpu.vector_load %arg11[%swap3A_660, %swap3A_661] {strides = array<i32>} : memref<128x128xf32, #tpu.memory_space<vmem>>, vector<1x16xf32>,
        %swap3A_663 = vector.shape_cast %swap3A_662 : vector<1x16xf32> to vector<16xf32>
        %swap3A_664 = vector.shape_cast %max3A_655 : vector<16xf32> to vector<1x16xf32>
        tpu.vector_store %arg11[%swap3A_660, %swap3A_661], %swap3A_664 {strides = array<i32>} : memref<128x128xf32, #tpu.memory_space<vmem>>, vector<1x16xf32>,
        %mul3A_665 = arith.constant 4 : i32
        %mul3A_666 = arith.muli %scan3A_167, %mul3A_665 : i32
        %add3A_667 = arith.constant 3 : i32
        %add3A_668 = arith.addi %mul3A_666, %add3A_667 : i32
        %get3A_669 = arith.index_cast %add3A_668 : i32 to index
        %get3A_670 = arith.constant 16 : index
        %get3A_671 = tpu.vector_load %arg9[%get3A_669, %get3A_670] {strides = array<i32>} : memref<128x128xf32, #tpu.memory_space<vmem>>, vector<1x16xf32>,
        %get3A_672 = vector.shape_cast %get3A_671 : vector<1x16xf32> to vector<16xf32>
        %max3A_673 = arith.constant 0.000000e+00 : f32
        %max3A_674 = vector.broadcast %max3A_673 : f32 to vector<16xf32>
        %max3A_675 = arith.maximumf %get3A_672, %max3A_674 : vector<16xf32>
        %mul3A_676 = arith.constant 4 : i32
        %mul3A_677 = arith.muli %scan3A_167, %mul3A_676 : i32
        %add3A_678 = arith.constant 3 : i32
        %add3A_679 = arith.addi %mul3A_677, %add3A_678 : i32
        %swap3A_680 = arith.index_cast %add3A_679 : i32 to index
        %swap3A_681 = arith.constant 16 : index
        %swap3A_682 = tpu.vector_load %arg11[%swap3A_680, %swap3A_681] {strides = array<i32>} : memref<128x128xf32, #tpu.memory_space<vmem>>, vector<1x16xf32>,
        %swap3A_683 = vector.shape_cast %swap3A_682 : vector<1x16xf32> to vector<16xf32>
        %swap3A_684 = vector.shape_cast %max3A_675 : vector<16xf32> to vector<1x16xf32>
        tpu.vector_store %arg11[%swap3A_680, %swap3A_681], %swap3A_684 {strides = array<i32>} : memref<128x128xf32, #tpu.memory_space<vmem>>, vector<1x16xf32>,
        %mul3A_685 = arith.constant 4 : i32
        %mul3A_686 = arith.muli %scan3A_167, %mul3A_685 : i32
        %add3A_687 = arith.constant 3 : i32
        %add3A_688 = arith.addi %mul3A_686, %add3A_687 : i32
        %get3A_689 = arith.index_cast %add3A_688 : i32 to index
        %get3A_690 = arith.constant 32 : index
        %get3A_691 = tpu.vector_load %arg9[%get3A_689, %get3A_690] {strides = array<i32>} : memref<128x128xf32, #tpu.memory_space<vmem>>, vector<1x16xf32>,
        %get3A_692 = vector.shape_cast %get3A_691 : vector<1x16xf32> to vector<16xf32>
        %max3A_693 = arith.constant 0.000000e+00 : f32
        %max3A_694 = vector.broadcast %max3A_693 : f32 to vector<16xf32>
        %max3A_695 = arith.maximumf %get3A_692, %max3A_694 : vector<16xf32>
        %mul3A_696 = arith.constant 4 : i32
        %mul3A_697 = arith.muli %scan3A_167, %mul3A_696 : i32
        %add3A_698 = arith.constant 3 : i32
        %add3A_699 = arith.addi %mul3A_697, %add3A_698 : i32
        %swap3A_700 = arith.index_cast %add3A_699 : i32 to index
        %swap3A_701 = arith.constant 32 : index
        %swap3A_702 = tpu.vector_load %arg11[%swap3A_700, %swap3A_701] {strides = array<i32>} : memref<128x128xf32, #tpu.memory_space<vmem>>, vector<1x16xf32>,
        %swap3A_703 = vector.shape_cast %swap3A_702 : vector<1x16xf32> to vector<16xf32>
        %swap3A_704 = vector.shape_cast %max3A_695 : vector<16xf32> to vector<1x16xf32>
        tpu.vector_store %arg11[%swap3A_700, %swap3A_701], %swap3A_704 {strides = array<i32>} : memref<128x128xf32, #tpu.memory_space<vmem>>, vector<1x16xf32>,
        %mul3A_705 = arith.constant 4 : i32
        %mul3A_706 = arith.muli %scan3A_167, %mul3A_705 : i32
        %add3A_707 = arith.constant 3 : i32
        %add3A_708 = arith.addi %mul3A_706, %add3A_707 : i32
        %get3A_709 = arith.index_cast %add3A_708 : i32 to index
        %get3A_710 = arith.constant 48 : index
        %get3A_711 = tpu.vector_load %arg9[%get3A_709, %get3A_710] {strides = array<i32>} : memref<128x128xf32, #tpu.memory_space<vmem>>, vector<1x16xf32>,
        %get3A_712 = vector.shape_cast %get3A_711 : vector<1x16xf32> to vector<16xf32>
        %max3A_713 = arith.constant 0.000000e+00 : f32
        %max3A_714 = vector.broadcast %max3A_713 : f32 to vector<16xf32>
        %max3A_715 = arith.maximumf %get3A_712, %max3A_714 : vector<16xf32>
        %mul3A_716 = arith.constant 4 : i32
        %mul3A_717 = arith.muli %scan3A_167, %mul3A_716 : i32
        %add3A_718 = arith.constant 3 : i32
        %add3A_719 = arith.addi %mul3A_717, %add3A_718 : i32
        %swap3A_720 = arith.index_cast %add3A_719 : i32 to index
        %swap3A_721 = arith.constant 48 : index
        %swap3A_722 = tpu.vector_load %arg11[%swap3A_720, %swap3A_721] {strides = array<i32>} : memref<128x128xf32, #tpu.memory_space<vmem>>, vector<1x16xf32>,
        %swap3A_723 = vector.shape_cast %swap3A_722 : vector<1x16xf32> to vector<16xf32>
        %swap3A_724 = vector.shape_cast %max3A_715 : vector<16xf32> to vector<1x16xf32>
        tpu.vector_store %arg11[%swap3A_720, %swap3A_721], %swap3A_724 {strides = array<i32>} : memref<128x128xf32, #tpu.memory_space<vmem>>, vector<1x16xf32>,
        %mul3A_725 = arith.constant 4 : i32
        %mul3A_726 = arith.muli %scan3A_167, %mul3A_725 : i32
        %add3A_727 = arith.constant 3 : i32
        %add3A_728 = arith.addi %mul3A_726, %add3A_727 : i32
        %get3A_729 = arith.index_cast %add3A_728 : i32 to index
        %get3A_730 = arith.constant 64 : index
        %get3A_731 = tpu.vector_load %arg9[%get3A_729, %get3A_730] {strides = array<i32>} : memref<128x128xf32, #tpu.memory_space<vmem>>, vector<1x16xf32>,
        %get3A_732 = vector.shape_cast %get3A_731 : vector<1x16xf32> to vector<16xf32>
        %max3A_733 = arith.constant 0.000000e+00 : f32
        %max3A_734 = vector.broadcast %max3A_733 : f32 to vector<16xf32>
        %max3A_735 = arith.maximumf %get3A_732, %max3A_734 : vector<16xf32>
        %mul3A_736 = arith.constant 4 : i32
        %mul3A_737 = arith.muli %scan3A_167, %mul3A_736 : i32
        %add3A_738 = arith.constant 3 : i32
        %add3A_739 = arith.addi %mul3A_737, %add3A_738 : i32
        %swap3A_740 = arith.index_cast %add3A_739 : i32 to index
        %swap3A_741 = arith.constant 64 : index
        %swap3A_742 = tpu.vector_load %arg11[%swap3A_740, %swap3A_741] {strides = array<i32>} : memref<128x128xf32, #tpu.memory_space<vmem>>, vector<1x16xf32>,
        %swap3A_743 = vector.shape_cast %swap3A_742 : vector<1x16xf32> to vector<16xf32>
        %swap3A_744 = vector.shape_cast %max3A_735 : vector<16xf32> to vector<1x16xf32>
        tpu.vector_store %arg11[%swap3A_740, %swap3A_741], %swap3A_744 {strides = array<i32>} : memref<128x128xf32, #tpu.memory_space<vmem>>, vector<1x16xf32>,
        %mul3A_745 = arith.constant 4 : i32
        %mul3A_746 = arith.muli %scan3A_167, %mul3A_745 : i32
        %add3A_747 = arith.constant 3 : i32
        %add3A_748 = arith.addi %mul3A_746, %add3A_747 : i32
        %get3A_749 = arith.index_cast %add3A_748 : i32 to index
        %get3A_750 = arith.constant 80 : index
        %get3A_751 = tpu.vector_load %arg9[%get3A_749, %get3A_750] {strides = array<i32>} : memref<128x128xf32, #tpu.memory_space<vmem>>, vector<1x16xf32>,
        %get3A_752 = vector.shape_cast %get3A_751 : vector<1x16xf32> to vector<16xf32>
        %max3A_753 = arith.constant 0.000000e+00 : f32
        %max3A_754 = vector.broadcast %max3A_753 : f32 to vector<16xf32>
        %max3A_755 = arith.maximumf %get3A_752, %max3A_754 : vector<16xf32>
        %mul3A_756 = arith.constant 4 : i32
        %mul3A_757 = arith.muli %scan3A_167, %mul3A_756 : i32
        %add3A_758 = arith.constant 3 : i32
        %add3A_759 = arith.addi %mul3A_757, %add3A_758 : i32
        %swap3A_760 = arith.index_cast %add3A_759 : i32 to index
        %swap3A_761 = arith.constant 80 : index
        %swap3A_762 = tpu.vector_load %arg11[%swap3A_760, %swap3A_761] {strides = array<i32>} : memref<128x128xf32, #tpu.memory_space<vmem>>, vector<1x16xf32>,
        %swap3A_763 = vector.shape_cast %swap3A_762 : vector<1x16xf32> to vector<16xf32>
        %swap3A_764 = vector.shape_cast %max3A_755 : vector<16xf32> to vector<1x16xf32>
        tpu.vector_store %arg11[%swap3A_760, %swap3A_761], %swap3A_764 {strides = array<i32>} : memref<128x128xf32, #tpu.memory_space<vmem>>, vector<1x16xf32>,
        %mul3A_765 = arith.constant 4 : i32
        %mul3A_766 = arith.muli %scan3A_167, %mul3A_765 : i32
        %add3A_767 = arith.constant 3 : i32
        %add3A_768 = arith.addi %mul3A_766, %add3A_767 : i32
        %get3A_769 = arith.index_cast %add3A_768 : i32 to index
        %get3A_770 = arith.constant 96 : index
        %get3A_771 = tpu.vector_load %arg9[%get3A_769, %get3A_770] {strides = array<i32>} : memref<128x128xf32, #tpu.memory_space<vmem>>, vector<1x16xf32>,
        %get3A_772 = vector.shape_cast %get3A_771 : vector<1x16xf32> to vector<16xf32>
        %max3A_773 = arith.constant 0.000000e+00 : f32
        %max3A_774 = vector.broadcast %max3A_773 : f32 to vector<16xf32>
        %max3A_775 = arith.maximumf %get3A_772, %max3A_774 : vector<16xf32>
        %mul3A_776 = arith.constant 4 : i32
        %mul3A_777 = arith.muli %scan3A_167, %mul3A_776 : i32
        %add3A_778 = arith.constant 3 : i32
        %add3A_779 = arith.addi %mul3A_777, %add3A_778 : i32
        %swap3A_780 = arith.index_cast %add3A_779 : i32 to index
        %swap3A_781 = arith.constant 96 : index
        %swap3A_782 = tpu.vector_load %arg11[%swap3A_780, %swap3A_781] {strides = array<i32>} : memref<128x128xf32, #tpu.memory_space<vmem>>, vector<1x16xf32>,
        %swap3A_783 = vector.shape_cast %swap3A_782 : vector<1x16xf32> to vector<16xf32>
        %swap3A_784 = vector.shape_cast %max3A_775 : vector<16xf32> to vector<1x16xf32>
        tpu.vector_store %arg11[%swap3A_780, %swap3A_781], %swap3A_784 {strides = array<i32>} : memref<128x128xf32, #tpu.memory_space<vmem>>, vector<1x16xf32>,
        %mul3A_785 = arith.constant 4 : i32
        %mul3A_786 = arith.muli %scan3A_167, %mul3A_785 : i32
        %add3A_787 = arith.constant 3 : i32
        %add3A_788 = arith.addi %mul3A_786, %add3A_787 : i32
        %get3A_789 = arith.index_cast %add3A_788 : i32 to index
        %get3A_790 = arith.constant 112 : index
        %get3A_791 = tpu.vector_load %arg9[%get3A_789, %get3A_790] {strides = array<i32>} : memref<128x128xf32, #tpu.memory_space<vmem>>, vector<1x16xf32>,
        %get3A_792 = vector.shape_cast %get3A_791 : vector<1x16xf32> to vector<16xf32>
        %max3A_793 = arith.constant 0.000000e+00 : f32
        %max3A_794 = vector.broadcast %max3A_793 : f32 to vector<16xf32>
        %max3A_795 = arith.maximumf %get3A_792, %max3A_794 : vector<16xf32>
        %mul3A_796 = arith.constant 4 : i32
        %mul3A_797 = arith.muli %scan3A_167, %mul3A_796 : i32
        %add3A_798 = arith.constant 3 : i32
        %add3A_799 = arith.addi %mul3A_797, %add3A_798 : i32
        %swap3A_800 = arith.index_cast %add3A_799 : i32 to index
        %swap3A_801 = arith.constant 112 : index
        %swap3A_802 = tpu.vector_load %arg11[%swap3A_800, %swap3A_801] {strides = array<i32>} : memref<128x128xf32, #tpu.memory_space<vmem>>, vector<1x16xf32>,
        %swap3A_803 = vector.shape_cast %swap3A_802 : vector<1x16xf32> to vector<16xf32>
        %swap3A_804 = vector.shape_cast %max3A_795 : vector<16xf32> to vector<1x16xf32>
        tpu.vector_store %arg11[%swap3A_800, %swap3A_801], %swap3A_804 {strides = array<i32>} : memref<128x128xf32, #tpu.memory_space<vmem>>, vector<1x16xf32>,
      }
      %scan3A_108 = arith.constant 32 : i32
      %dma_start3A_109 = arith.constant 0 : i32
      %dma_start3A_110 = tpu.memref_slice %arg7[%add3A_82, %dma_start3A_109] : memref<32x128xi32, #tpu.memory_space<vmem>> -> memref<1x128xi32, #tpu.memory_space<vmem>>
      %dma_start3A_111 = tpu.memref_squeeze %dma_start3A_110 : memref<1x128xi32, #tpu.memory_space<vmem>> -> memref<128xi32, #tpu.memory_space<vmem>>
      %dma_start3A_112 = arith.constant 0 : i32
      %dma_start3A_113 = arith.constant 0 : i32
      %dma_start3A_114 = tpu.memref_slice %arg14[%dma_start3A_112, %dma_start3A_113] : memref<4096x128xf32, #tpu.memory_space<vmem_shared>> -> memref<4096x128xf32, #tpu.memory_space<vmem_shared>>
      tpu.enqueue_indirect_dma source(%arg11 : memref<128x128xf32, #tpu.memory_space<vmem>>) target(%dma_start3A_114 : memref<4096x128xf32, #tpu.memory_space<vmem_shared>>) offsets(%dma_start3A_111 : memref<128xi32, #tpu.memory_space<vmem>>) semaphore(%arg17 : memref<!tpu.dma_semaphore, #tpu.memory_space<semaphore_mem>>) {add = true}
      %add3A_115 = arith.constant 2 : i32
      %add3A_116 = arith.addi %add3A_82, %add3A_115 : i32
      %lt3A = arith.constant 32 : i32
      %lt3A_117 = arith.cmpi slt, %add3A_116, %lt3A : i32
      %convert_element_type3A_118 = arith.extui %lt3A_117 : i1 to i32
      %cond3A_119 = arith.constant 0 : i32
      %cond3A_120 = arith.cmpi ne, %convert_element_type3A_118, %cond3A_119 : i32
      scf.if %cond3A_120 {
        %add3A_167 = arith.constant 2 : i32
        %add3A_168 = arith.addi %add3A_82, %add3A_167 : i32
        %dma_start3A_169 = arith.constant 0 : i32
        %dma_start3A_170 = tpu.memref_slice %arg7[%add3A_168, %dma_start3A_169] : memref<32x128xi32, #tpu.memory_space<vmem>> -> memref<1x128xi32, #tpu.memory_space<vmem>>
        %dma_start3A_171 = tpu.memref_squeeze %dma_start3A_170 : memref<1x128xi32, #tpu.memory_space<vmem>> -> memref<128xi32, #tpu.memory_space<vmem>>
        %dma_start3A_172 = arith.constant 0 : i32
        %dma_start3A_173 = arith.constant 0 : i32
        %dma_start3A_174 = tpu.memref_slice %arg2[%dma_start3A_172, %dma_start3A_173] : memref<4096x128xf32, #tpu.memory_space<hbm>> -> memref<4096x128xf32, #tpu.memory_space<hbm>>
        tpu.enqueue_indirect_dma source(%dma_start3A_174 : memref<4096x128xf32, #tpu.memory_space<hbm>>) target(%arg9 : memref<128x128xf32, #tpu.memory_space<vmem>>) offsets(%dma_start3A_171 : memref<128xi32, #tpu.memory_space<vmem>>) semaphore(%arg15 : memref<!tpu.dma_semaphore, #tpu.memory_space<semaphore_mem>>)
      } else {
      }
      %mul3A_121 = arith.constant 2 : i32
      %mul3A_122 = arith.muli %scan3A_78, %mul3A_121 : i32
      %add3A_123 = arith.constant 1 : i32
      %add3A_124 = arith.addi %mul3A_122, %add3A_123 : i32
      %dma_wait3A_125 = arith.constant 0 : i32
      %dma_wait3A_126 = tpu.memref_slice %arg7[%add3A_124, %dma_wait3A_125] : memref<32x128xi32, #tpu.memory_space<vmem>> -> memref<1x128xi32, #tpu.memory_space<vmem>>
      %dma_wait3A_127 = tpu.memref_squeeze %dma_wait3A_126 : memref<1x128xi32, #tpu.memory_space<vmem>> -> memref<128xi32, #tpu.memory_space<vmem>>
      %dma_wait3A_128 = arith.constant 0 : i32
      %dma_wait3A_129 = arith.constant 0 : i32
      %dma_wait3A_130 = tpu.memref_slice %arg2[%dma_wait3A_128, %dma_wait3A_129] : memref<4096x128xf32, #tpu.memory_space<hbm>> -> memref<4096x128xf32, #tpu.memory_space<hbm>>
      tpu.wait_indirect_dma semaphore(%arg16 : memref<!tpu.dma_semaphore, #tpu.memory_space<semaphore_mem>>) src(%dma_wait3A_130 : memref<4096x128xf32, #tpu.memory_space<hbm>>) dst(%arg10 : memref<128x128xf32, #tpu.memory_space<vmem>>)
      %dma_start3A_131 = arith.constant 0 : i32
      %dma_start3A_132 = tpu.memref_slice %arg8[%add3A_124, %dma_start3A_131] : memref<32x128xi32, #tpu.memory_space<vmem>> -> memref<1x128xi32, #tpu.memory_space<vmem>>
      %dma_start3A_133 = tpu.memref_squeeze %dma_start3A_132 : memref<1x128xi32, #tpu.memory_space<vmem>> -> memref<128xi32, #tpu.memory_space<vmem>>
      %dma_start3A_134 = arith.constant 0 : i32
      %dma_start3A_135 = arith.constant 0 : i32
      %dma_start3A_136 = tpu.memref_slice %arg3[%dma_start3A_134, %dma_start3A_135] : memref<4096x128xf32, #tpu.memory_space<hbm>> -> memref<4096x128xf32, #tpu.memory_space<hbm>>
      tpu.enqueue_indirect_dma source(%dma_start3A_136 : memref<4096x128xf32, #tpu.memory_space<hbm>>) target(%arg10 : memref<128x128xf32, #tpu.memory_space<vmem>>) offsets(%dma_start3A_133 : memref<128xi32, #tpu.memory_space<vmem>>) semaphore(%arg16 : memref<!tpu.dma_semaphore, #tpu.memory_space<semaphore_mem>>) {add = true}
      %dma_wait3A_137 = arith.constant 0 : i32
      %dma_wait3A_138 = tpu.memref_slice %arg8[%add3A_124, %dma_wait3A_137] : memref<32x128xi32, #tpu.memory_space<vmem>> -> memref<1x128xi32, #tpu.memory_space<vmem>>
      %dma_wait3A_139 = tpu.memref_squeeze %dma_wait3A_138 : memref<1x128xi32, #tpu.memory_space<vmem>> -> memref<128xi32, #tpu.memory_space<vmem>>
      %dma_wait3A_140 = arith.constant 0 : i32
      %dma_wait3A_141 = arith.constant 0 : i32
      %dma_wait3A_142 = tpu.memref_slice %arg3[%dma_wait3A_140, %dma_wait3A_141] : memref<4096x128xf32, #tpu.memory_space<hbm>> -> memref<4096x128xf32, #tpu.memory_space<hbm>>
      tpu.wait_indirect_dma semaphore(%arg16 : memref<!tpu.dma_semaphore, #tpu.memory_space<semaphore_mem>>) src(%dma_wait3A_142 : memref<4096x128xf32, #tpu.memory_space<hbm>>) dst(%arg10 : memref<128x128xf32, #tpu.memory_space<vmem>>)
      %ge3A_143 = arith.constant 2 : i32
      %ge3A_144 = arith.cmpi sge, %add3A_124, %ge3A_143 : i32
      %convert_element_type3A_145 = arith.extui %ge3A_144 : i1 to i32
      %cond3A_146 = arith.constant 0 : i32
      %cond3A_147 = arith.cmpi ne, %convert_element_type3A_145, %cond3A_146 : i32
      scf.if %cond3A_147 {
        %sub3A = arith.constant 2 : i32
        %sub3A_167 = arith.subi %add3A_124, %sub3A : i32
        %dma_wait3A_168 = arith.constant 0 : i32
        %dma_wait3A_169 = tpu.memref_slice %arg7[%sub3A_167, %dma_wait3A_168] : memref<32x128xi32, #tpu.memory_space<vmem>> -> memref<1x128xi32, #tpu.memory_space<vmem>>
        %dma_wait3A_170 = tpu.memref_squeeze %dma_wait3A_169 : memref<1x128xi32, #tpu.memory_space<vmem>> -> memref<128xi32, #tpu.memory_space<vmem>>
        %dma_wait3A_171 = arith.constant 0 : i32
        %dma_wait3A_172 = arith.constant 0 : i32
        %dma_wait3A_173 = tpu.memref_slice %arg14[%dma_wait3A_171, %dma_wait3A_172] : memref<4096x128xf32, #tpu.memory_space<vmem_shared>> -> memref<4096x128xf32, #tpu.memory_space<vmem_shared>>
        tpu.wait_indirect_dma semaphore(%arg18 : memref<!tpu.dma_semaphore, #tpu.memory_space<semaphore_mem>>) src(%arg12 : memref<128x128xf32, #tpu.memory_space<vmem>>) dst(%dma_wait3A_173 : memref<4096x128xf32, #tpu.memory_space<vmem_shared>>)
      } else {
      }
      %scan3A_148 = arith.constant 0 : i32
      %scan3A_149 = arith.constant 0 : i32
      %scan3A_150 = arith.constant 32 : i32
      %scan3A_151 = arith.addi %scan3A_149, %scan3A_150 : i32
      %scan3A_152 = arith.constant 1 : i32
      scf.for %scan3A_167 = %scan3A_149 to %scan3A_151 step %scan3A_152  : i32 {
        %mul3A_168 = arith.constant 4 : i32
        %mul3A_169 = arith.muli %scan3A_167, %mul3A_168 : i32
        %add3A_170 = arith.constant 0 : i32
        %add3A_171 = arith.addi %mul3A_169, %add3A_170 : i32
        %get3A = arith.index_cast %add3A_171 : i32 to index
        %get3A_172 = arith.constant 0 : index
        %get3A_173 = tpu.vector_load %arg10[%get3A, %get3A_172] {strides = array<i32>} : memref<128x128xf32, #tpu.memory_space<vmem>>, vector<1x16xf32>,
        %get3A_174 = vector.shape_cast %get3A_173 : vector<1x16xf32> to vector<16xf32>
        %max3A = arith.constant 0.000000e+00 : f32
        %max3A_175 = vector.broadcast %max3A : f32 to vector<16xf32>
        %max3A_176 = arith.maximumf %get3A_174, %max3A_175 : vector<16xf32>
        %mul3A_177 = arith.constant 4 : i32
        %mul3A_178 = arith.muli %scan3A_167, %mul3A_177 : i32
        %add3A_179 = arith.constant 0 : i32
        %add3A_180 = arith.addi %mul3A_178, %add3A_179 : i32
        %swap3A = arith.index_cast %add3A_180 : i32 to index
        %swap3A_181 = arith.constant 0 : index
        %swap3A_182 = tpu.vector_load %arg12[%swap3A, %swap3A_181] {strides = array<i32>} : memref<128x128xf32, #tpu.memory_space<vmem>>, vector<1x16xf32>,
        %swap3A_183 = vector.shape_cast %swap3A_182 : vector<1x16xf32> to vector<16xf32>
        %swap3A_184 = vector.shape_cast %max3A_176 : vector<16xf32> to vector<1x16xf32>
        tpu.vector_store %arg12[%swap3A, %swap3A_181], %swap3A_184 {strides = array<i32>} : memref<128x128xf32, #tpu.memory_space<vmem>>, vector<1x16xf32>,
        %mul3A_185 = arith.constant 4 : i32
        %mul3A_186 = arith.muli %scan3A_167, %mul3A_185 : i32
        %add3A_187 = arith.constant 0 : i32
        %add3A_188 = arith.addi %mul3A_186, %add3A_187 : i32
        %get3A_189 = arith.index_cast %add3A_188 : i32 to index
        %get3A_190 = arith.constant 16 : index
        %get3A_191 = tpu.vector_load %arg10[%get3A_189, %get3A_190] {strides = array<i32>} : memref<128x128xf32, #tpu.memory_space<vmem>>, vector<1x16xf32>,
        %get3A_192 = vector.shape_cast %get3A_191 : vector<1x16xf32> to vector<16xf32>
        %max3A_193 = arith.constant 0.000000e+00 : f32
        %max3A_194 = vector.broadcast %max3A_193 : f32 to vector<16xf32>
        %max3A_195 = arith.maximumf %get3A_192, %max3A_194 : vector<16xf32>
        %mul3A_196 = arith.constant 4 : i32
        %mul3A_197 = arith.muli %scan3A_167, %mul3A_196 : i32
        %add3A_198 = arith.constant 0 : i32
        %add3A_199 = arith.addi %mul3A_197, %add3A_198 : i32
        %swap3A_200 = arith.index_cast %add3A_199 : i32 to index
        %swap3A_201 = arith.constant 16 : index
        %swap3A_202 = tpu.vector_load %arg12[%swap3A_200, %swap3A_201] {strides = array<i32>} : memref<128x128xf32, #tpu.memory_space<vmem>>, vector<1x16xf32>,
        %swap3A_203 = vector.shape_cast %swap3A_202 : vector<1x16xf32> to vector<16xf32>
        %swap3A_204 = vector.shape_cast %max3A_195 : vector<16xf32> to vector<1x16xf32>
        tpu.vector_store %arg12[%swap3A_200, %swap3A_201], %swap3A_204 {strides = array<i32>} : memref<128x128xf32, #tpu.memory_space<vmem>>, vector<1x16xf32>,
        %mul3A_205 = arith.constant 4 : i32
        %mul3A_206 = arith.muli %scan3A_167, %mul3A_205 : i32
        %add3A_207 = arith.constant 0 : i32
        %add3A_208 = arith.addi %mul3A_206, %add3A_207 : i32
        %get3A_209 = arith.index_cast %add3A_208 : i32 to index
        %get3A_210 = arith.constant 32 : index
        %get3A_211 = tpu.vector_load %arg10[%get3A_209, %get3A_210] {strides = array<i32>} : memref<128x128xf32, #tpu.memory_space<vmem>>, vector<1x16xf32>,
        %get3A_212 = vector.shape_cast %get3A_211 : vector<1x16xf32> to vector<16xf32>
        %max3A_213 = arith.constant 0.000000e+00 : f32
        %max3A_214 = vector.broadcast %max3A_213 : f32 to vector<16xf32>
        %max3A_215 = arith.maximumf %get3A_212, %max3A_214 : vector<16xf32>
        %mul3A_216 = arith.constant 4 : i32
        %mul3A_217 = arith.muli %scan3A_167, %mul3A_216 : i32
        %add3A_218 = arith.constant 0 : i32
        %add3A_219 = arith.addi %mul3A_217, %add3A_218 : i32
        %swap3A_220 = arith.index_cast %add3A_219 : i32 to index
        %swap3A_221 = arith.constant 32 : index
        %swap3A_222 = tpu.vector_load %arg12[%swap3A_220, %swap3A_221] {strides = array<i32>} : memref<128x128xf32, #tpu.memory_space<vmem>>, vector<1x16xf32>,
        %swap3A_223 = vector.shape_cast %swap3A_222 : vector<1x16xf32> to vector<16xf32>
        %swap3A_224 = vector.shape_cast %max3A_215 : vector<16xf32> to vector<1x16xf32>
        tpu.vector_store %arg12[%swap3A_220, %swap3A_221], %swap3A_224 {strides = array<i32>} : memref<128x128xf32, #tpu.memory_space<vmem>>, vector<1x16xf32>,
        %mul3A_225 = arith.constant 4 : i32
        %mul3A_226 = arith.muli %scan3A_167, %mul3A_225 : i32
        %add3A_227 = arith.constant 0 : i32
        %add3A_228 = arith.addi %mul3A_226, %add3A_227 : i32
        %get3A_229 = arith.index_cast %add3A_228 : i32 to index
        %get3A_230 = arith.constant 48 : index
        %get3A_231 = tpu.vector_load %arg10[%get3A_229, %get3A_230] {strides = array<i32>} : memref<128x128xf32, #tpu.memory_space<vmem>>, vector<1x16xf32>,
        %get3A_232 = vector.shape_cast %get3A_231 : vector<1x16xf32> to vector<16xf32>
        %max3A_233 = arith.constant 0.000000e+00 : f32
        %max3A_234 = vector.broadcast %max3A_233 : f32 to vector<16xf32>
        %max3A_235 = arith.maximumf %get3A_232, %max3A_234 : vector<16xf32>
        %mul3A_236 = arith.constant 4 : i32
        %mul3A_237 = arith.muli %scan3A_167, %mul3A_236 : i32
        %add3A_238 = arith.constant 0 : i32
        %add3A_239 = arith.addi %mul3A_237, %add3A_238 : i32
        %swap3A_240 = arith.index_cast %add3A_239 : i32 to index
        %swap3A_241 = arith.constant 48 : index
        %swap3A_242 = tpu.vector_load %arg12[%swap3A_240, %swap3A_241] {strides = array<i32>} : memref<128x128xf32, #tpu.memory_space<vmem>>, vector<1x16xf32>,
        %swap3A_243 = vector.shape_cast %swap3A_242 : vector<1x16xf32> to vector<16xf32>
        %swap3A_244 = vector.shape_cast %max3A_235 : vector<16xf32> to vector<1x16xf32>
        tpu.vector_store %arg12[%swap3A_240, %swap3A_241], %swap3A_244 {strides = array<i32>} : memref<128x128xf32, #tpu.memory_space<vmem>>, vector<1x16xf32>,
        %mul3A_245 = arith.constant 4 : i32
        %mul3A_246 = arith.muli %scan3A_167, %mul3A_245 : i32
        %add3A_247 = arith.constant 0 : i32
        %add3A_248 = arith.addi %mul3A_246, %add3A_247 : i32
        %get3A_249 = arith.index_cast %add3A_248 : i32 to index
        %get3A_250 = arith.constant 64 : index
        %get3A_251 = tpu.vector_load %arg10[%get3A_249, %get3A_250] {strides = array<i32>} : memref<128x128xf32, #tpu.memory_space<vmem>>, vector<1x16xf32>,
        %get3A_252 = vector.shape_cast %get3A_251 : vector<1x16xf32> to vector<16xf32>
        %max3A_253 = arith.constant 0.000000e+00 : f32
        %max3A_254 = vector.broadcast %max3A_253 : f32 to vector<16xf32>
        %max3A_255 = arith.maximumf %get3A_252, %max3A_254 : vector<16xf32>
        %mul3A_256 = arith.constant 4 : i32
        %mul3A_257 = arith.muli %scan3A_167, %mul3A_256 : i32
        %add3A_258 = arith.constant 0 : i32
        %add3A_259 = arith.addi %mul3A_257, %add3A_258 : i32
        %swap3A_260 = arith.index_cast %add3A_259 : i32 to index
        %swap3A_261 = arith.constant 64 : index
        %swap3A_262 = tpu.vector_load %arg12[%swap3A_260, %swap3A_261] {strides = array<i32>} : memref<128x128xf32, #tpu.memory_space<vmem>>, vector<1x16xf32>,
        %swap3A_263 = vector.shape_cast %swap3A_262 : vector<1x16xf32> to vector<16xf32>
        %swap3A_264 = vector.shape_cast %max3A_255 : vector<16xf32> to vector<1x16xf32>
        tpu.vector_store %arg12[%swap3A_260, %swap3A_261], %swap3A_264 {strides = array<i32>} : memref<128x128xf32, #tpu.memory_space<vmem>>, vector<1x16xf32>,
        %mul3A_265 = arith.constant 4 : i32
        %mul3A_266 = arith.muli %scan3A_167, %mul3A_265 : i32
        %add3A_267 = arith.constant 0 : i32
        %add3A_268 = arith.addi %mul3A_266, %add3A_267 : i32
        %get3A_269 = arith.index_cast %add3A_268 : i32 to index
        %get3A_270 = arith.constant 80 : index
        %get3A_271 = tpu.vector_load %arg10[%get3A_269, %get3A_270] {strides = array<i32>} : memref<128x128xf32, #tpu.memory_space<vmem>>, vector<1x16xf32>,
        %get3A_272 = vector.shape_cast %get3A_271 : vector<1x16xf32> to vector<16xf32>
        %max3A_273 = arith.constant 0.000000e+00 : f32
        %max3A_274 = vector.broadcast %max3A_273 : f32 to vector<16xf32>
        %max3A_275 = arith.maximumf %get3A_272, %max3A_274 : vector<16xf32>
        %mul3A_276 = arith.constant 4 : i32
        %mul3A_277 = arith.muli %scan3A_167, %mul3A_276 : i32
        %add3A_278 = arith.constant 0 : i32
        %add3A_279 = arith.addi %mul3A_277, %add3A_278 : i32
        %swap3A_280 = arith.index_cast %add3A_279 : i32 to index
        %swap3A_281 = arith.constant 80 : index
        %swap3A_282 = tpu.vector_load %arg12[%swap3A_280, %swap3A_281] {strides = array<i32>} : memref<128x128xf32, #tpu.memory_space<vmem>>, vector<1x16xf32>,
        %swap3A_283 = vector.shape_cast %swap3A_282 : vector<1x16xf32> to vector<16xf32>
        %swap3A_284 = vector.shape_cast %max3A_275 : vector<16xf32> to vector<1x16xf32>
        tpu.vector_store %arg12[%swap3A_280, %swap3A_281], %swap3A_284 {strides = array<i32>} : memref<128x128xf32, #tpu.memory_space<vmem>>, vector<1x16xf32>,
        %mul3A_285 = arith.constant 4 : i32
        %mul3A_286 = arith.muli %scan3A_167, %mul3A_285 : i32
        %add3A_287 = arith.constant 0 : i32
        %add3A_288 = arith.addi %mul3A_286, %add3A_287 : i32
        %get3A_289 = arith.index_cast %add3A_288 : i32 to index
        %get3A_290 = arith.constant 96 : index
        %get3A_291 = tpu.vector_load %arg10[%get3A_289, %get3A_290] {strides = array<i32>} : memref<128x128xf32, #tpu.memory_space<vmem>>, vector<1x16xf32>,
        %get3A_292 = vector.shape_cast %get3A_291 : vector<1x16xf32> to vector<16xf32>
        %max3A_293 = arith.constant 0.000000e+00 : f32
        %max3A_294 = vector.broadcast %max3A_293 : f32 to vector<16xf32>
        %max3A_295 = arith.maximumf %get3A_292, %max3A_294 : vector<16xf32>
        %mul3A_296 = arith.constant 4 : i32
        %mul3A_297 = arith.muli %scan3A_167, %mul3A_296 : i32
        %add3A_298 = arith.constant 0 : i32
        %add3A_299 = arith.addi %mul3A_297, %add3A_298 : i32
        %swap3A_300 = arith.index_cast %add3A_299 : i32 to index
        %swap3A_301 = arith.constant 96 : index
        %swap3A_302 = tpu.vector_load %arg12[%swap3A_300, %swap3A_301] {strides = array<i32>} : memref<128x128xf32, #tpu.memory_space<vmem>>, vector<1x16xf32>,
        %swap3A_303 = vector.shape_cast %swap3A_302 : vector<1x16xf32> to vector<16xf32>
        %swap3A_304 = vector.shape_cast %max3A_295 : vector<16xf32> to vector<1x16xf32>
        tpu.vector_store %arg12[%swap3A_300, %swap3A_301], %swap3A_304 {strides = array<i32>} : memref<128x128xf32, #tpu.memory_space<vmem>>, vector<1x16xf32>,
        %mul3A_305 = arith.constant 4 : i32
        %mul3A_306 = arith.muli %scan3A_167, %mul3A_305 : i32
        %add3A_307 = arith.constant 0 : i32
        %add3A_308 = arith.addi %mul3A_306, %add3A_307 : i32
        %get3A_309 = arith.index_cast %add3A_308 : i32 to index
        %get3A_310 = arith.constant 112 : index
        %get3A_311 = tpu.vector_load %arg10[%get3A_309, %get3A_310] {strides = array<i32>} : memref<128x128xf32, #tpu.memory_space<vmem>>, vector<1x16xf32>,
        %get3A_312 = vector.shape_cast %get3A_311 : vector<1x16xf32> to vector<16xf32>
        %max3A_313 = arith.constant 0.000000e+00 : f32
        %max3A_314 = vector.broadcast %max3A_313 : f32 to vector<16xf32>
        %max3A_315 = arith.maximumf %get3A_312, %max3A_314 : vector<16xf32>
        %mul3A_316 = arith.constant 4 : i32
        %mul3A_317 = arith.muli %scan3A_167, %mul3A_316 : i32
        %add3A_318 = arith.constant 0 : i32
        %add3A_319 = arith.addi %mul3A_317, %add3A_318 : i32
        %swap3A_320 = arith.index_cast %add3A_319 : i32 to index
        %swap3A_321 = arith.constant 112 : index
        %swap3A_322 = tpu.vector_load %arg12[%swap3A_320, %swap3A_321] {strides = array<i32>} : memref<128x128xf32, #tpu.memory_space<vmem>>, vector<1x16xf32>,
        %swap3A_323 = vector.shape_cast %swap3A_322 : vector<1x16xf32> to vector<16xf32>
        %swap3A_324 = vector.shape_cast %max3A_315 : vector<16xf32> to vector<1x16xf32>
        tpu.vector_store %arg12[%swap3A_320, %swap3A_321], %swap3A_324 {strides = array<i32>} : memref<128x128xf32, #tpu.memory_space<vmem>>, vector<1x16xf32>,
        %mul3A_325 = arith.constant 4 : i32
        %mul3A_326 = arith.muli %scan3A_167, %mul3A_325 : i32
        %add3A_327 = arith.constant 1 : i32
        %add3A_328 = arith.addi %mul3A_326, %add3A_327 : i32
        %get3A_329 = arith.index_cast %add3A_328 : i32 to index
        %get3A_330 = arith.constant 0 : index
        %get3A_331 = tpu.vector_load %arg10[%get3A_329, %get3A_330] {strides = array<i32>} : memref<128x128xf32, #tpu.memory_space<vmem>>, vector<1x16xf32>,
        %get3A_332 = vector.shape_cast %get3A_331 : vector<1x16xf32> to vector<16xf32>
        %max3A_333 = arith.constant 0.000000e+00 : f32
        %max3A_334 = vector.broadcast %max3A_333 : f32 to vector<16xf32>
        %max3A_335 = arith.maximumf %get3A_332, %max3A_334 : vector<16xf32>
        %mul3A_336 = arith.constant 4 : i32
        %mul3A_337 = arith.muli %scan3A_167, %mul3A_336 : i32
        %add3A_338 = arith.constant 1 : i32
        %add3A_339 = arith.addi %mul3A_337, %add3A_338 : i32
        %swap3A_340 = arith.index_cast %add3A_339 : i32 to index
        %swap3A_341 = arith.constant 0 : index
        %swap3A_342 = tpu.vector_load %arg12[%swap3A_340, %swap3A_341] {strides = array<i32>} : memref<128x128xf32, #tpu.memory_space<vmem>>, vector<1x16xf32>,
        %swap3A_343 = vector.shape_cast %swap3A_342 : vector<1x16xf32> to vector<16xf32>
        %swap3A_344 = vector.shape_cast %max3A_335 : vector<16xf32> to vector<1x16xf32>
        tpu.vector_store %arg12[%swap3A_340, %swap3A_341], %swap3A_344 {strides = array<i32>} : memref<128x128xf32, #tpu.memory_space<vmem>>, vector<1x16xf32>,
        %mul3A_345 = arith.constant 4 : i32
        %mul3A_346 = arith.muli %scan3A_167, %mul3A_345 : i32
        %add3A_347 = arith.constant 1 : i32
        %add3A_348 = arith.addi %mul3A_346, %add3A_347 : i32
        %get3A_349 = arith.index_cast %add3A_348 : i32 to index
        %get3A_350 = arith.constant 16 : index
        %get3A_351 = tpu.vector_load %arg10[%get3A_349, %get3A_350] {strides = array<i32>} : memref<128x128xf32, #tpu.memory_space<vmem>>, vector<1x16xf32>,
        %get3A_352 = vector.shape_cast %get3A_351 : vector<1x16xf32> to vector<16xf32>
        %max3A_353 = arith.constant 0.000000e+00 : f32
        %max3A_354 = vector.broadcast %max3A_353 : f32 to vector<16xf32>
        %max3A_355 = arith.maximumf %get3A_352, %max3A_354 : vector<16xf32>
        %mul3A_356 = arith.constant 4 : i32
        %mul3A_357 = arith.muli %scan3A_167, %mul3A_356 : i32
        %add3A_358 = arith.constant 1 : i32
        %add3A_359 = arith.addi %mul3A_357, %add3A_358 : i32
        %swap3A_360 = arith.index_cast %add3A_359 : i32 to index
        %swap3A_361 = arith.constant 16 : index
        %swap3A_362 = tpu.vector_load %arg12[%swap3A_360, %swap3A_361] {strides = array<i32>} : memref<128x128xf32, #tpu.memory_space<vmem>>, vector<1x16xf32>,
        %swap3A_363 = vector.shape_cast %swap3A_362 : vector<1x16xf32> to vector<16xf32>
        %swap3A_364 = vector.shape_cast %max3A_355 : vector<16xf32> to vector<1x16xf32>
        tpu.vector_store %arg12[%swap3A_360, %swap3A_361], %swap3A_364 {strides = array<i32>} : memref<128x128xf32, #tpu.memory_space<vmem>>, vector<1x16xf32>,
        %mul3A_365 = arith.constant 4 : i32
        %mul3A_366 = arith.muli %scan3A_167, %mul3A_365 : i32
        %add3A_367 = arith.constant 1 : i32
        %add3A_368 = arith.addi %mul3A_366, %add3A_367 : i32
        %get3A_369 = arith.index_cast %add3A_368 : i32 to index
        %get3A_370 = arith.constant 32 : index
        %get3A_371 = tpu.vector_load %arg10[%get3A_369, %get3A_370] {strides = array<i32>} : memref<128x128xf32, #tpu.memory_space<vmem>>, vector<1x16xf32>,
        %get3A_372 = vector.shape_cast %get3A_371 : vector<1x16xf32> to vector<16xf32>
        %max3A_373 = arith.constant 0.000000e+00 : f32
        %max3A_374 = vector.broadcast %max3A_373 : f32 to vector<16xf32>
        %max3A_375 = arith.maximumf %get3A_372, %max3A_374 : vector<16xf32>
        %mul3A_376 = arith.constant 4 : i32
        %mul3A_377 = arith.muli %scan3A_167, %mul3A_376 : i32
        %add3A_378 = arith.constant 1 : i32
        %add3A_379 = arith.addi %mul3A_377, %add3A_378 : i32
        %swap3A_380 = arith.index_cast %add3A_379 : i32 to index
        %swap3A_381 = arith.constant 32 : index
        %swap3A_382 = tpu.vector_load %arg12[%swap3A_380, %swap3A_381] {strides = array<i32>} : memref<128x128xf32, #tpu.memory_space<vmem>>, vector<1x16xf32>,
        %swap3A_383 = vector.shape_cast %swap3A_382 : vector<1x16xf32> to vector<16xf32>
        %swap3A_384 = vector.shape_cast %max3A_375 : vector<16xf32> to vector<1x16xf32>
        tpu.vector_store %arg12[%swap3A_380, %swap3A_381], %swap3A_384 {strides = array<i32>} : memref<128x128xf32, #tpu.memory_space<vmem>>, vector<1x16xf32>,
        %mul3A_385 = arith.constant 4 : i32
        %mul3A_386 = arith.muli %scan3A_167, %mul3A_385 : i32
        %add3A_387 = arith.constant 1 : i32
        %add3A_388 = arith.addi %mul3A_386, %add3A_387 : i32
        %get3A_389 = arith.index_cast %add3A_388 : i32 to index
        %get3A_390 = arith.constant 48 : index
        %get3A_391 = tpu.vector_load %arg10[%get3A_389, %get3A_390] {strides = array<i32>} : memref<128x128xf32, #tpu.memory_space<vmem>>, vector<1x16xf32>,
        %get3A_392 = vector.shape_cast %get3A_391 : vector<1x16xf32> to vector<16xf32>
        %max3A_393 = arith.constant 0.000000e+00 : f32
        %max3A_394 = vector.broadcast %max3A_393 : f32 to vector<16xf32>
        %max3A_395 = arith.maximumf %get3A_392, %max3A_394 : vector<16xf32>
        %mul3A_396 = arith.constant 4 : i32
        %mul3A_397 = arith.muli %scan3A_167, %mul3A_396 : i32
        %add3A_398 = arith.constant 1 : i32
        %add3A_399 = arith.addi %mul3A_397, %add3A_398 : i32
        %swap3A_400 = arith.index_cast %add3A_399 : i32 to index
        %swap3A_401 = arith.constant 48 : index
        %swap3A_402 = tpu.vector_load %arg12[%swap3A_400, %swap3A_401] {strides = array<i32>} : memref<128x128xf32, #tpu.memory_space<vmem>>, vector<1x16xf32>,
        %swap3A_403 = vector.shape_cast %swap3A_402 : vector<1x16xf32> to vector<16xf32>
        %swap3A_404 = vector.shape_cast %max3A_395 : vector<16xf32> to vector<1x16xf32>
        tpu.vector_store %arg12[%swap3A_400, %swap3A_401], %swap3A_404 {strides = array<i32>} : memref<128x128xf32, #tpu.memory_space<vmem>>, vector<1x16xf32>,
        %mul3A_405 = arith.constant 4 : i32
        %mul3A_406 = arith.muli %scan3A_167, %mul3A_405 : i32
        %add3A_407 = arith.constant 1 : i32
        %add3A_408 = arith.addi %mul3A_406, %add3A_407 : i32
        %get3A_409 = arith.index_cast %add3A_408 : i32 to index
        %get3A_410 = arith.constant 64 : index
        %get3A_411 = tpu.vector_load %arg10[%get3A_409, %get3A_410] {strides = array<i32>} : memref<128x128xf32, #tpu.memory_space<vmem>>, vector<1x16xf32>,
        %get3A_412 = vector.shape_cast %get3A_411 : vector<1x16xf32> to vector<16xf32>
        %max3A_413 = arith.constant 0.000000e+00 : f32
        %max3A_414 = vector.broadcast %max3A_413 : f32 to vector<16xf32>
        %max3A_415 = arith.maximumf %get3A_412, %max3A_414 : vector<16xf32>
        %mul3A_416 = arith.constant 4 : i32
        %mul3A_417 = arith.muli %scan3A_167, %mul3A_416 : i32
        %add3A_418 = arith.constant 1 : i32
        %add3A_419 = arith.addi %mul3A_417, %add3A_418 : i32
        %swap3A_420 = arith.index_cast %add3A_419 : i32 to index
        %swap3A_421 = arith.constant 64 : index
        %swap3A_422 = tpu.vector_load %arg12[%swap3A_420, %swap3A_421] {strides = array<i32>} : memref<128x128xf32, #tpu.memory_space<vmem>>, vector<1x16xf32>,
        %swap3A_423 = vector.shape_cast %swap3A_422 : vector<1x16xf32> to vector<16xf32>
        %swap3A_424 = vector.shape_cast %max3A_415 : vector<16xf32> to vector<1x16xf32>
        tpu.vector_store %arg12[%swap3A_420, %swap3A_421], %swap3A_424 {strides = array<i32>} : memref<128x128xf32, #tpu.memory_space<vmem>>, vector<1x16xf32>,
        %mul3A_425 = arith.constant 4 : i32
        %mul3A_426 = arith.muli %scan3A_167, %mul3A_425 : i32
        %add3A_427 = arith.constant 1 : i32
        %add3A_428 = arith.addi %mul3A_426, %add3A_427 : i32
        %get3A_429 = arith.index_cast %add3A_428 : i32 to index
        %get3A_430 = arith.constant 80 : index
        %get3A_431 = tpu.vector_load %arg10[%get3A_429, %get3A_430] {strides = array<i32>} : memref<128x128xf32, #tpu.memory_space<vmem>>, vector<1x16xf32>,
        %get3A_432 = vector.shape_cast %get3A_431 : vector<1x16xf32> to vector<16xf32>
        %max3A_433 = arith.constant 0.000000e+00 : f32
        %max3A_434 = vector.broadcast %max3A_433 : f32 to vector<16xf32>
        %max3A_435 = arith.maximumf %get3A_432, %max3A_434 : vector<16xf32>
        %mul3A_436 = arith.constant 4 : i32
        %mul3A_437 = arith.muli %scan3A_167, %mul3A_436 : i32
        %add3A_438 = arith.constant 1 : i32
        %add3A_439 = arith.addi %mul3A_437, %add3A_438 : i32
        %swap3A_440 = arith.index_cast %add3A_439 : i32 to index
        %swap3A_441 = arith.constant 80 : index
        %swap3A_442 = tpu.vector_load %arg12[%swap3A_440, %swap3A_441] {strides = array<i32>} : memref<128x128xf32, #tpu.memory_space<vmem>>, vector<1x16xf32>,
        %swap3A_443 = vector.shape_cast %swap3A_442 : vector<1x16xf32> to vector<16xf32>
        %swap3A_444 = vector.shape_cast %max3A_435 : vector<16xf32> to vector<1x16xf32>
        tpu.vector_store %arg12[%swap3A_440, %swap3A_441], %swap3A_444 {strides = array<i32>} : memref<128x128xf32, #tpu.memory_space<vmem>>, vector<1x16xf32>,
        %mul3A_445 = arith.constant 4 : i32
        %mul3A_446 = arith.muli %scan3A_167, %mul3A_445 : i32
        %add3A_447 = arith.constant 1 : i32
        %add3A_448 = arith.addi %mul3A_446, %add3A_447 : i32
        %get3A_449 = arith.index_cast %add3A_448 : i32 to index
        %get3A_450 = arith.constant 96 : index
        %get3A_451 = tpu.vector_load %arg10[%get3A_449, %get3A_450] {strides = array<i32>} : memref<128x128xf32, #tpu.memory_space<vmem>>, vector<1x16xf32>,
        %get3A_452 = vector.shape_cast %get3A_451 : vector<1x16xf32> to vector<16xf32>
        %max3A_453 = arith.constant 0.000000e+00 : f32
        %max3A_454 = vector.broadcast %max3A_453 : f32 to vector<16xf32>
        %max3A_455 = arith.maximumf %get3A_452, %max3A_454 : vector<16xf32>
        %mul3A_456 = arith.constant 4 : i32
        %mul3A_457 = arith.muli %scan3A_167, %mul3A_456 : i32
        %add3A_458 = arith.constant 1 : i32
        %add3A_459 = arith.addi %mul3A_457, %add3A_458 : i32
        %swap3A_460 = arith.index_cast %add3A_459 : i32 to index
        %swap3A_461 = arith.constant 96 : index
        %swap3A_462 = tpu.vector_load %arg12[%swap3A_460, %swap3A_461] {strides = array<i32>} : memref<128x128xf32, #tpu.memory_space<vmem>>, vector<1x16xf32>,
        %swap3A_463 = vector.shape_cast %swap3A_462 : vector<1x16xf32> to vector<16xf32>
        %swap3A_464 = vector.shape_cast %max3A_455 : vector<16xf32> to vector<1x16xf32>
        tpu.vector_store %arg12[%swap3A_460, %swap3A_461], %swap3A_464 {strides = array<i32>} : memref<128x128xf32, #tpu.memory_space<vmem>>, vector<1x16xf32>,
        %mul3A_465 = arith.constant 4 : i32
        %mul3A_466 = arith.muli %scan3A_167, %mul3A_465 : i32
        %add3A_467 = arith.constant 1 : i32
        %add3A_468 = arith.addi %mul3A_466, %add3A_467 : i32
        %get3A_469 = arith.index_cast %add3A_468 : i32 to index
        %get3A_470 = arith.constant 112 : index
        %get3A_471 = tpu.vector_load %arg10[%get3A_469, %get3A_470] {strides = array<i32>} : memref<128x128xf32, #tpu.memory_space<vmem>>, vector<1x16xf32>,
        %get3A_472 = vector.shape_cast %get3A_471 : vector<1x16xf32> to vector<16xf32>
        %max3A_473 = arith.constant 0.000000e+00 : f32
        %max3A_474 = vector.broadcast %max3A_473 : f32 to vector<16xf32>
        %max3A_475 = arith.maximumf %get3A_472, %max3A_474 : vector<16xf32>
        %mul3A_476 = arith.constant 4 : i32
        %mul3A_477 = arith.muli %scan3A_167, %mul3A_476 : i32
        %add3A_478 = arith.constant 1 : i32
        %add3A_479 = arith.addi %mul3A_477, %add3A_478 : i32
        %swap3A_480 = arith.index_cast %add3A_479 : i32 to index
        %swap3A_481 = arith.constant 112 : index
        %swap3A_482 = tpu.vector_load %arg12[%swap3A_480, %swap3A_481] {strides = array<i32>} : memref<128x128xf32, #tpu.memory_space<vmem>>, vector<1x16xf32>,
        %swap3A_483 = vector.shape_cast %swap3A_482 : vector<1x16xf32> to vector<16xf32>
        %swap3A_484 = vector.shape_cast %max3A_475 : vector<16xf32> to vector<1x16xf32>
        tpu.vector_store %arg12[%swap3A_480, %swap3A_481], %swap3A_484 {strides = array<i32>} : memref<128x128xf32, #tpu.memory_space<vmem>>, vector<1x16xf32>,
        %mul3A_485 = arith.constant 4 : i32
        %mul3A_486 = arith.muli %scan3A_167, %mul3A_485 : i32
        %add3A_487 = arith.constant 2 : i32
        %add3A_488 = arith.addi %mul3A_486, %add3A_487 : i32
        %get3A_489 = arith.index_cast %add3A_488 : i32 to index
        %get3A_490 = arith.constant 0 : index
        %get3A_491 = tpu.vector_load %arg10[%get3A_489, %get3A_490] {strides = array<i32>} : memref<128x128xf32, #tpu.memory_space<vmem>>, vector<1x16xf32>,
        %get3A_492 = vector.shape_cast %get3A_491 : vector<1x16xf32> to vector<16xf32>
        %max3A_493 = arith.constant 0.000000e+00 : f32
        %max3A_494 = vector.broadcast %max3A_493 : f32 to vector<16xf32>
        %max3A_495 = arith.maximumf %get3A_492, %max3A_494 : vector<16xf32>
        %mul3A_496 = arith.constant 4 : i32
        %mul3A_497 = arith.muli %scan3A_167, %mul3A_496 : i32
        %add3A_498 = arith.constant 2 : i32
        %add3A_499 = arith.addi %mul3A_497, %add3A_498 : i32
        %swap3A_500 = arith.index_cast %add3A_499 : i32 to index
        %swap3A_501 = arith.constant 0 : index
        %swap3A_502 = tpu.vector_load %arg12[%swap3A_500, %swap3A_501] {strides = array<i32>} : memref<128x128xf32, #tpu.memory_space<vmem>>, vector<1x16xf32>,
        %swap3A_503 = vector.shape_cast %swap3A_502 : vector<1x16xf32> to vector<16xf32>
        %swap3A_504 = vector.shape_cast %max3A_495 : vector<16xf32> to vector<1x16xf32>
        tpu.vector_store %arg12[%swap3A_500, %swap3A_501], %swap3A_504 {strides = array<i32>} : memref<128x128xf32, #tpu.memory_space<vmem>>, vector<1x16xf32>,
        %mul3A_505 = arith.constant 4 : i32
        %mul3A_506 = arith.muli %scan3A_167, %mul3A_505 : i32
        %add3A_507 = arith.constant 2 : i32
        %add3A_508 = arith.addi %mul3A_506, %add3A_507 : i32
        %get3A_509 = arith.index_cast %add3A_508 : i32 to index
        %get3A_510 = arith.constant 16 : index
        %get3A_511 = tpu.vector_load %arg10[%get3A_509, %get3A_510] {strides = array<i32>} : memref<128x128xf32, #tpu.memory_space<vmem>>, vector<1x16xf32>,
        %get3A_512 = vector.shape_cast %get3A_511 : vector<1x16xf32> to vector<16xf32>
        %max3A_513 = arith.constant 0.000000e+00 : f32
        %max3A_514 = vector.broadcast %max3A_513 : f32 to vector<16xf32>
        %max3A_515 = arith.maximumf %get3A_512, %max3A_514 : vector<16xf32>
        %mul3A_516 = arith.constant 4 : i32
        %mul3A_517 = arith.muli %scan3A_167, %mul3A_516 : i32
        %add3A_518 = arith.constant 2 : i32
        %add3A_519 = arith.addi %mul3A_517, %add3A_518 : i32
        %swap3A_520 = arith.index_cast %add3A_519 : i32 to index
        %swap3A_521 = arith.constant 16 : index
        %swap3A_522 = tpu.vector_load %arg12[%swap3A_520, %swap3A_521] {strides = array<i32>} : memref<128x128xf32, #tpu.memory_space<vmem>>, vector<1x16xf32>,
        %swap3A_523 = vector.shape_cast %swap3A_522 : vector<1x16xf32> to vector<16xf32>
        %swap3A_524 = vector.shape_cast %max3A_515 : vector<16xf32> to vector<1x16xf32>
        tpu.vector_store %arg12[%swap3A_520, %swap3A_521], %swap3A_524 {strides = array<i32>} : memref<128x128xf32, #tpu.memory_space<vmem>>, vector<1x16xf32>,
        %mul3A_525 = arith.constant 4 : i32
        %mul3A_526 = arith.muli %scan3A_167, %mul3A_525 : i32
        %add3A_527 = arith.constant 2 : i32
        %add3A_528 = arith.addi %mul3A_526, %add3A_527 : i32
        %get3A_529 = arith.index_cast %add3A_528 : i32 to index
        %get3A_530 = arith.constant 32 : index
        %get3A_531 = tpu.vector_load %arg10[%get3A_529, %get3A_530] {strides = array<i32>} : memref<128x128xf32, #tpu.memory_space<vmem>>, vector<1x16xf32>,
        %get3A_532 = vector.shape_cast %get3A_531 : vector<1x16xf32> to vector<16xf32>
        %max3A_533 = arith.constant 0.000000e+00 : f32
        %max3A_534 = vector.broadcast %max3A_533 : f32 to vector<16xf32>
        %max3A_535 = arith.maximumf %get3A_532, %max3A_534 : vector<16xf32>
        %mul3A_536 = arith.constant 4 : i32
        %mul3A_537 = arith.muli %scan3A_167, %mul3A_536 : i32
        %add3A_538 = arith.constant 2 : i32
        %add3A_539 = arith.addi %mul3A_537, %add3A_538 : i32
        %swap3A_540 = arith.index_cast %add3A_539 : i32 to index
        %swap3A_541 = arith.constant 32 : index
        %swap3A_542 = tpu.vector_load %arg12[%swap3A_540, %swap3A_541] {strides = array<i32>} : memref<128x128xf32, #tpu.memory_space<vmem>>, vector<1x16xf32>,
        %swap3A_543 = vector.shape_cast %swap3A_542 : vector<1x16xf32> to vector<16xf32>
        %swap3A_544 = vector.shape_cast %max3A_535 : vector<16xf32> to vector<1x16xf32>
        tpu.vector_store %arg12[%swap3A_540, %swap3A_541], %swap3A_544 {strides = array<i32>} : memref<128x128xf32, #tpu.memory_space<vmem>>, vector<1x16xf32>,
        %mul3A_545 = arith.constant 4 : i32
        %mul3A_546 = arith.muli %scan3A_167, %mul3A_545 : i32
        %add3A_547 = arith.constant 2 : i32
        %add3A_548 = arith.addi %mul3A_546, %add3A_547 : i32
        %get3A_549 = arith.index_cast %add3A_548 : i32 to index
        %get3A_550 = arith.constant 48 : index
        %get3A_551 = tpu.vector_load %arg10[%get3A_549, %get3A_550] {strides = array<i32>} : memref<128x128xf32, #tpu.memory_space<vmem>>, vector<1x16xf32>,
        %get3A_552 = vector.shape_cast %get3A_551 : vector<1x16xf32> to vector<16xf32>
        %max3A_553 = arith.constant 0.000000e+00 : f32
        %max3A_554 = vector.broadcast %max3A_553 : f32 to vector<16xf32>
        %max3A_555 = arith.maximumf %get3A_552, %max3A_554 : vector<16xf32>
        %mul3A_556 = arith.constant 4 : i32
        %mul3A_557 = arith.muli %scan3A_167, %mul3A_556 : i32
        %add3A_558 = arith.constant 2 : i32
        %add3A_559 = arith.addi %mul3A_557, %add3A_558 : i32
        %swap3A_560 = arith.index_cast %add3A_559 : i32 to index
        %swap3A_561 = arith.constant 48 : index
        %swap3A_562 = tpu.vector_load %arg12[%swap3A_560, %swap3A_561] {strides = array<i32>} : memref<128x128xf32, #tpu.memory_space<vmem>>, vector<1x16xf32>,
        %swap3A_563 = vector.shape_cast %swap3A_562 : vector<1x16xf32> to vector<16xf32>
        %swap3A_564 = vector.shape_cast %max3A_555 : vector<16xf32> to vector<1x16xf32>
        tpu.vector_store %arg12[%swap3A_560, %swap3A_561], %swap3A_564 {strides = array<i32>} : memref<128x128xf32, #tpu.memory_space<vmem>>, vector<1x16xf32>,
        %mul3A_565 = arith.constant 4 : i32
        %mul3A_566 = arith.muli %scan3A_167, %mul3A_565 : i32
        %add3A_567 = arith.constant 2 : i32
        %add3A_568 = arith.addi %mul3A_566, %add3A_567 : i32
        %get3A_569 = arith.index_cast %add3A_568 : i32 to index
        %get3A_570 = arith.constant 64 : index
        %get3A_571 = tpu.vector_load %arg10[%get3A_569, %get3A_570] {strides = array<i32>} : memref<128x128xf32, #tpu.memory_space<vmem>>, vector<1x16xf32>,
        %get3A_572 = vector.shape_cast %get3A_571 : vector<1x16xf32> to vector<16xf32>
        %max3A_573 = arith.constant 0.000000e+00 : f32
        %max3A_574 = vector.broadcast %max3A_573 : f32 to vector<16xf32>
        %max3A_575 = arith.maximumf %get3A_572, %max3A_574 : vector<16xf32>
        %mul3A_576 = arith.constant 4 : i32
        %mul3A_577 = arith.muli %scan3A_167, %mul3A_576 : i32
        %add3A_578 = arith.constant 2 : i32
        %add3A_579 = arith.addi %mul3A_577, %add3A_578 : i32
        %swap3A_580 = arith.index_cast %add3A_579 : i32 to index
        %swap3A_581 = arith.constant 64 : index
        %swap3A_582 = tpu.vector_load %arg12[%swap3A_580, %swap3A_581] {strides = array<i32>} : memref<128x128xf32, #tpu.memory_space<vmem>>, vector<1x16xf32>,
        %swap3A_583 = vector.shape_cast %swap3A_582 : vector<1x16xf32> to vector<16xf32>
        %swap3A_584 = vector.shape_cast %max3A_575 : vector<16xf32> to vector<1x16xf32>
        tpu.vector_store %arg12[%swap3A_580, %swap3A_581], %swap3A_584 {strides = array<i32>} : memref<128x128xf32, #tpu.memory_space<vmem>>, vector<1x16xf32>,
        %mul3A_585 = arith.constant 4 : i32
        %mul3A_586 = arith.muli %scan3A_167, %mul3A_585 : i32
        %add3A_587 = arith.constant 2 : i32
        %add3A_588 = arith.addi %mul3A_586, %add3A_587 : i32
        %get3A_589 = arith.index_cast %add3A_588 : i32 to index
        %get3A_590 = arith.constant 80 : index
        %get3A_591 = tpu.vector_load %arg10[%get3A_589, %get3A_590] {strides = array<i32>} : memref<128x128xf32, #tpu.memory_space<vmem>>, vector<1x16xf32>,
        %get3A_592 = vector.shape_cast %get3A_591 : vector<1x16xf32> to vector<16xf32>
        %max3A_593 = arith.constant 0.000000e+00 : f32
        %max3A_594 = vector.broadcast %max3A_593 : f32 to vector<16xf32>
        %max3A_595 = arith.maximumf %get3A_592, %max3A_594 : vector<16xf32>
        %mul3A_596 = arith.constant 4 : i32
        %mul3A_597 = arith.muli %scan3A_167, %mul3A_596 : i32
        %add3A_598 = arith.constant 2 : i32
        %add3A_599 = arith.addi %mul3A_597, %add3A_598 : i32
        %swap3A_600 = arith.index_cast %add3A_599 : i32 to index
        %swap3A_601 = arith.constant 80 : index
        %swap3A_602 = tpu.vector_load %arg12[%swap3A_600, %swap3A_601] {strides = array<i32>} : memref<128x128xf32, #tpu.memory_space<vmem>>, vector<1x16xf32>,
        %swap3A_603 = vector.shape_cast %swap3A_602 : vector<1x16xf32> to vector<16xf32>
        %swap3A_604 = vector.shape_cast %max3A_595 : vector<16xf32> to vector<1x16xf32>
        tpu.vector_store %arg12[%swap3A_600, %swap3A_601], %swap3A_604 {strides = array<i32>} : memref<128x128xf32, #tpu.memory_space<vmem>>, vector<1x16xf32>,
        %mul3A_605 = arith.constant 4 : i32
        %mul3A_606 = arith.muli %scan3A_167, %mul3A_605 : i32
        %add3A_607 = arith.constant 2 : i32
        %add3A_608 = arith.addi %mul3A_606, %add3A_607 : i32
        %get3A_609 = arith.index_cast %add3A_608 : i32 to index
        %get3A_610 = arith.constant 96 : index
        %get3A_611 = tpu.vector_load %arg10[%get3A_609, %get3A_610] {strides = array<i32>} : memref<128x128xf32, #tpu.memory_space<vmem>>, vector<1x16xf32>,
        %get3A_612 = vector.shape_cast %get3A_611 : vector<1x16xf32> to vector<16xf32>
        %max3A_613 = arith.constant 0.000000e+00 : f32
        %max3A_614 = vector.broadcast %max3A_613 : f32 to vector<16xf32>
        %max3A_615 = arith.maximumf %get3A_612, %max3A_614 : vector<16xf32>
        %mul3A_616 = arith.constant 4 : i32
        %mul3A_617 = arith.muli %scan3A_167, %mul3A_616 : i32
        %add3A_618 = arith.constant 2 : i32
        %add3A_619 = arith.addi %mul3A_617, %add3A_618 : i32
        %swap3A_620 = arith.index_cast %add3A_619 : i32 to index
        %swap3A_621 = arith.constant 96 : index
        %swap3A_622 = tpu.vector_load %arg12[%swap3A_620, %swap3A_621] {strides = array<i32>} : memref<128x128xf32, #tpu.memory_space<vmem>>, vector<1x16xf32>,
        %swap3A_623 = vector.shape_cast %swap3A_622 : vector<1x16xf32> to vector<16xf32>
        %swap3A_624 = vector.shape_cast %max3A_615 : vector<16xf32> to vector<1x16xf32>
        tpu.vector_store %arg12[%swap3A_620, %swap3A_621], %swap3A_624 {strides = array<i32>} : memref<128x128xf32, #tpu.memory_space<vmem>>, vector<1x16xf32>,
        %mul3A_625 = arith.constant 4 : i32
        %mul3A_626 = arith.muli %scan3A_167, %mul3A_625 : i32
        %add3A_627 = arith.constant 2 : i32
        %add3A_628 = arith.addi %mul3A_626, %add3A_627 : i32
        %get3A_629 = arith.index_cast %add3A_628 : i32 to index
        %get3A_630 = arith.constant 112 : index
        %get3A_631 = tpu.vector_load %arg10[%get3A_629, %get3A_630] {strides = array<i32>} : memref<128x128xf32, #tpu.memory_space<vmem>>, vector<1x16xf32>,
        %get3A_632 = vector.shape_cast %get3A_631 : vector<1x16xf32> to vector<16xf32>
        %max3A_633 = arith.constant 0.000000e+00 : f32
        %max3A_634 = vector.broadcast %max3A_633 : f32 to vector<16xf32>
        %max3A_635 = arith.maximumf %get3A_632, %max3A_634 : vector<16xf32>
        %mul3A_636 = arith.constant 4 : i32
        %mul3A_637 = arith.muli %scan3A_167, %mul3A_636 : i32
        %add3A_638 = arith.constant 2 : i32
        %add3A_639 = arith.addi %mul3A_637, %add3A_638 : i32
        %swap3A_640 = arith.index_cast %add3A_639 : i32 to index
        %swap3A_641 = arith.constant 112 : index
        %swap3A_642 = tpu.vector_load %arg12[%swap3A_640, %swap3A_641] {strides = array<i32>} : memref<128x128xf32, #tpu.memory_space<vmem>>, vector<1x16xf32>,
        %swap3A_643 = vector.shape_cast %swap3A_642 : vector<1x16xf32> to vector<16xf32>
        %swap3A_644 = vector.shape_cast %max3A_635 : vector<16xf32> to vector<1x16xf32>
        tpu.vector_store %arg12[%swap3A_640, %swap3A_641], %swap3A_644 {strides = array<i32>} : memref<128x128xf32, #tpu.memory_space<vmem>>, vector<1x16xf32>,
        %mul3A_645 = arith.constant 4 : i32
        %mul3A_646 = arith.muli %scan3A_167, %mul3A_645 : i32
        %add3A_647 = arith.constant 3 : i32
        %add3A_648 = arith.addi %mul3A_646, %add3A_647 : i32
        %get3A_649 = arith.index_cast %add3A_648 : i32 to index
        %get3A_650 = arith.constant 0 : index
        %get3A_651 = tpu.vector_load %arg10[%get3A_649, %get3A_650] {strides = array<i32>} : memref<128x128xf32, #tpu.memory_space<vmem>>, vector<1x16xf32>,
        %get3A_652 = vector.shape_cast %get3A_651 : vector<1x16xf32> to vector<16xf32>
        %max3A_653 = arith.constant 0.000000e+00 : f32
        %max3A_654 = vector.broadcast %max3A_653 : f32 to vector<16xf32>
        %max3A_655 = arith.maximumf %get3A_652, %max3A_654 : vector<16xf32>
        %mul3A_656 = arith.constant 4 : i32
        %mul3A_657 = arith.muli %scan3A_167, %mul3A_656 : i32
        %add3A_658 = arith.constant 3 : i32
        %add3A_659 = arith.addi %mul3A_657, %add3A_658 : i32
        %swap3A_660 = arith.index_cast %add3A_659 : i32 to index
        %swap3A_661 = arith.constant 0 : index
        %swap3A_662 = tpu.vector_load %arg12[%swap3A_660, %swap3A_661] {strides = array<i32>} : memref<128x128xf32, #tpu.memory_space<vmem>>, vector<1x16xf32>,
        %swap3A_663 = vector.shape_cast %swap3A_662 : vector<1x16xf32> to vector<16xf32>
        %swap3A_664 = vector.shape_cast %max3A_655 : vector<16xf32> to vector<1x16xf32>
        tpu.vector_store %arg12[%swap3A_660, %swap3A_661], %swap3A_664 {strides = array<i32>} : memref<128x128xf32, #tpu.memory_space<vmem>>, vector<1x16xf32>,
        %mul3A_665 = arith.constant 4 : i32
        %mul3A_666 = arith.muli %scan3A_167, %mul3A_665 : i32
        %add3A_667 = arith.constant 3 : i32
        %add3A_668 = arith.addi %mul3A_666, %add3A_667 : i32
        %get3A_669 = arith.index_cast %add3A_668 : i32 to index
        %get3A_670 = arith.constant 16 : index
        %get3A_671 = tpu.vector_load %arg10[%get3A_669, %get3A_670] {strides = array<i32>} : memref<128x128xf32, #tpu.memory_space<vmem>>, vector<1x16xf32>,
        %get3A_672 = vector.shape_cast %get3A_671 : vector<1x16xf32> to vector<16xf32>
        %max3A_673 = arith.constant 0.000000e+00 : f32
        %max3A_674 = vector.broadcast %max3A_673 : f32 to vector<16xf32>
        %max3A_675 = arith.maximumf %get3A_672, %max3A_674 : vector<16xf32>
        %mul3A_676 = arith.constant 4 : i32
        %mul3A_677 = arith.muli %scan3A_167, %mul3A_676 : i32
        %add3A_678 = arith.constant 3 : i32
        %add3A_679 = arith.addi %mul3A_677, %add3A_678 : i32
        %swap3A_680 = arith.index_cast %add3A_679 : i32 to index
        %swap3A_681 = arith.constant 16 : index
        %swap3A_682 = tpu.vector_load %arg12[%swap3A_680, %swap3A_681] {strides = array<i32>} : memref<128x128xf32, #tpu.memory_space<vmem>>, vector<1x16xf32>,
        %swap3A_683 = vector.shape_cast %swap3A_682 : vector<1x16xf32> to vector<16xf32>
        %swap3A_684 = vector.shape_cast %max3A_675 : vector<16xf32> to vector<1x16xf32>
        tpu.vector_store %arg12[%swap3A_680, %swap3A_681], %swap3A_684 {strides = array<i32>} : memref<128x128xf32, #tpu.memory_space<vmem>>, vector<1x16xf32>,
        %mul3A_685 = arith.constant 4 : i32
        %mul3A_686 = arith.muli %scan3A_167, %mul3A_685 : i32
        %add3A_687 = arith.constant 3 : i32
        %add3A_688 = arith.addi %mul3A_686, %add3A_687 : i32
        %get3A_689 = arith.index_cast %add3A_688 : i32 to index
        %get3A_690 = arith.constant 32 : index
        %get3A_691 = tpu.vector_load %arg10[%get3A_689, %get3A_690] {strides = array<i32>} : memref<128x128xf32, #tpu.memory_space<vmem>>, vector<1x16xf32>,
        %get3A_692 = vector.shape_cast %get3A_691 : vector<1x16xf32> to vector<16xf32>
        %max3A_693 = arith.constant 0.000000e+00 : f32
        %max3A_694 = vector.broadcast %max3A_693 : f32 to vector<16xf32>
        %max3A_695 = arith.maximumf %get3A_692, %max3A_694 : vector<16xf32>
        %mul3A_696 = arith.constant 4 : i32
        %mul3A_697 = arith.muli %scan3A_167, %mul3A_696 : i32
        %add3A_698 = arith.constant 3 : i32
        %add3A_699 = arith.addi %mul3A_697, %add3A_698 : i32
        %swap3A_700 = arith.index_cast %add3A_699 : i32 to index
        %swap3A_701 = arith.constant 32 : index
        %swap3A_702 = tpu.vector_load %arg12[%swap3A_700, %swap3A_701] {strides = array<i32>} : memref<128x128xf32, #tpu.memory_space<vmem>>, vector<1x16xf32>,
        %swap3A_703 = vector.shape_cast %swap3A_702 : vector<1x16xf32> to vector<16xf32>
        %swap3A_704 = vector.shape_cast %max3A_695 : vector<16xf32> to vector<1x16xf32>
        tpu.vector_store %arg12[%swap3A_700, %swap3A_701], %swap3A_704 {strides = array<i32>} : memref<128x128xf32, #tpu.memory_space<vmem>>, vector<1x16xf32>,
        %mul3A_705 = arith.constant 4 : i32
        %mul3A_706 = arith.muli %scan3A_167, %mul3A_705 : i32
        %add3A_707 = arith.constant 3 : i32
        %add3A_708 = arith.addi %mul3A_706, %add3A_707 : i32
        %get3A_709 = arith.index_cast %add3A_708 : i32 to index
        %get3A_710 = arith.constant 48 : index
        %get3A_711 = tpu.vector_load %arg10[%get3A_709, %get3A_710] {strides = array<i32>} : memref<128x128xf32, #tpu.memory_space<vmem>>, vector<1x16xf32>,
        %get3A_712 = vector.shape_cast %get3A_711 : vector<1x16xf32> to vector<16xf32>
        %max3A_713 = arith.constant 0.000000e+00 : f32
        %max3A_714 = vector.broadcast %max3A_713 : f32 to vector<16xf32>
        %max3A_715 = arith.maximumf %get3A_712, %max3A_714 : vector<16xf32>
        %mul3A_716 = arith.constant 4 : i32
        %mul3A_717 = arith.muli %scan3A_167, %mul3A_716 : i32
        %add3A_718 = arith.constant 3 : i32
        %add3A_719 = arith.addi %mul3A_717, %add3A_718 : i32
        %swap3A_720 = arith.index_cast %add3A_719 : i32 to index
        %swap3A_721 = arith.constant 48 : index
        %swap3A_722 = tpu.vector_load %arg12[%swap3A_720, %swap3A_721] {strides = array<i32>} : memref<128x128xf32, #tpu.memory_space<vmem>>, vector<1x16xf32>,
        %swap3A_723 = vector.shape_cast %swap3A_722 : vector<1x16xf32> to vector<16xf32>
        %swap3A_724 = vector.shape_cast %max3A_715 : vector<16xf32> to vector<1x16xf32>
        tpu.vector_store %arg12[%swap3A_720, %swap3A_721], %swap3A_724 {strides = array<i32>} : memref<128x128xf32, #tpu.memory_space<vmem>>, vector<1x16xf32>,
        %mul3A_725 = arith.constant 4 : i32
        %mul3A_726 = arith.muli %scan3A_167, %mul3A_725 : i32
        %add3A_727 = arith.constant 3 : i32
        %add3A_728 = arith.addi %mul3A_726, %add3A_727 : i32
        %get3A_729 = arith.index_cast %add3A_728 : i32 to index
        %get3A_730 = arith.constant 64 : index
        %get3A_731 = tpu.vector_load %arg10[%get3A_729, %get3A_730] {strides = array<i32>} : memref<128x128xf32, #tpu.memory_space<vmem>>, vector<1x16xf32>,
        %get3A_732 = vector.shape_cast %get3A_731 : vector<1x16xf32> to vector<16xf32>
        %max3A_733 = arith.constant 0.000000e+00 : f32
        %max3A_734 = vector.broadcast %max3A_733 : f32 to vector<16xf32>
        %max3A_735 = arith.maximumf %get3A_732, %max3A_734 : vector<16xf32>
        %mul3A_736 = arith.constant 4 : i32
        %mul3A_737 = arith.muli %scan3A_167, %mul3A_736 : i32
        %add3A_738 = arith.constant 3 : i32
        %add3A_739 = arith.addi %mul3A_737, %add3A_738 : i32
        %swap3A_740 = arith.index_cast %add3A_739 : i32 to index
        %swap3A_741 = arith.constant 64 : index
        %swap3A_742 = tpu.vector_load %arg12[%swap3A_740, %swap3A_741] {strides = array<i32>} : memref<128x128xf32, #tpu.memory_space<vmem>>, vector<1x16xf32>,
        %swap3A_743 = vector.shape_cast %swap3A_742 : vector<1x16xf32> to vector<16xf32>
        %swap3A_744 = vector.shape_cast %max3A_735 : vector<16xf32> to vector<1x16xf32>
        tpu.vector_store %arg12[%swap3A_740, %swap3A_741], %swap3A_744 {strides = array<i32>} : memref<128x128xf32, #tpu.memory_space<vmem>>, vector<1x16xf32>,
        %mul3A_745 = arith.constant 4 : i32
        %mul3A_746 = arith.muli %scan3A_167, %mul3A_745 : i32
        %add3A_747 = arith.constant 3 : i32
        %add3A_748 = arith.addi %mul3A_746, %add3A_747 : i32
        %get3A_749 = arith.index_cast %add3A_748 : i32 to index
        %get3A_750 = arith.constant 80 : index
        %get3A_751 = tpu.vector_load %arg10[%get3A_749, %get3A_750] {strides = array<i32>} : memref<128x128xf32, #tpu.memory_space<vmem>>, vector<1x16xf32>,
        %get3A_752 = vector.shape_cast %get3A_751 : vector<1x16xf32> to vector<16xf32>
        %max3A_753 = arith.constant 0.000000e+00 : f32
        %max3A_754 = vector.broadcast %max3A_753 : f32 to vector<16xf32>
        %max3A_755 = arith.maximumf %get3A_752, %max3A_754 : vector<16xf32>
        %mul3A_756 = arith.constant 4 : i32
        %mul3A_757 = arith.muli %scan3A_167, %mul3A_756 : i32
        %add3A_758 = arith.constant 3 : i32
        %add3A_759 = arith.addi %mul3A_757, %add3A_758 : i32
        %swap3A_760 = arith.index_cast %add3A_759 : i32 to index
        %swap3A_761 = arith.constant 80 : index
        %swap3A_762 = tpu.vector_load %arg12[%swap3A_760, %swap3A_761] {strides = array<i32>} : memref<128x128xf32, #tpu.memory_space<vmem>>, vector<1x16xf32>,
        %swap3A_763 = vector.shape_cast %swap3A_762 : vector<1x16xf32> to vector<16xf32>
        %swap3A_764 = vector.shape_cast %max3A_755 : vector<16xf32> to vector<1x16xf32>
        tpu.vector_store %arg12[%swap3A_760, %swap3A_761], %swap3A_764 {strides = array<i32>} : memref<128x128xf32, #tpu.memory_space<vmem>>, vector<1x16xf32>,
        %mul3A_765 = arith.constant 4 : i32
        %mul3A_766 = arith.muli %scan3A_167, %mul3A_765 : i32
        %add3A_767 = arith.constant 3 : i32
        %add3A_768 = arith.addi %mul3A_766, %add3A_767 : i32
        %get3A_769 = arith.index_cast %add3A_768 : i32 to index
        %get3A_770 = arith.constant 96 : index
        %get3A_771 = tpu.vector_load %arg10[%get3A_769, %get3A_770] {strides = array<i32>} : memref<128x128xf32, #tpu.memory_space<vmem>>, vector<1x16xf32>,
        %get3A_772 = vector.shape_cast %get3A_771 : vector<1x16xf32> to vector<16xf32>
        %max3A_773 = arith.constant 0.000000e+00 : f32
        %max3A_774 = vector.broadcast %max3A_773 : f32 to vector<16xf32>
        %max3A_775 = arith.maximumf %get3A_772, %max3A_774 : vector<16xf32>
        %mul3A_776 = arith.constant 4 : i32
        %mul3A_777 = arith.muli %scan3A_167, %mul3A_776 : i32
        %add3A_778 = arith.constant 3 : i32
        %add3A_779 = arith.addi %mul3A_777, %add3A_778 : i32
        %swap3A_780 = arith.index_cast %add3A_779 : i32 to index
        %swap3A_781 = arith.constant 96 : index
        %swap3A_782 = tpu.vector_load %arg12[%swap3A_780, %swap3A_781] {strides = array<i32>} : memref<128x128xf32, #tpu.memory_space<vmem>>, vector<1x16xf32>,
        %swap3A_783 = vector.shape_cast %swap3A_782 : vector<1x16xf32> to vector<16xf32>
        %swap3A_784 = vector.shape_cast %max3A_775 : vector<16xf32> to vector<1x16xf32>
        tpu.vector_store %arg12[%swap3A_780, %swap3A_781], %swap3A_784 {strides = array<i32>} : memref<128x128xf32, #tpu.memory_space<vmem>>, vector<1x16xf32>,
        %mul3A_785 = arith.constant 4 : i32
        %mul3A_786 = arith.muli %scan3A_167, %mul3A_785 : i32
        %add3A_787 = arith.constant 3 : i32
        %add3A_788 = arith.addi %mul3A_786, %add3A_787 : i32
        %get3A_789 = arith.index_cast %add3A_788 : i32 to index
        %get3A_790 = arith.constant 112 : index
        %get3A_791 = tpu.vector_load %arg10[%get3A_789, %get3A_790] {strides = array<i32>} : memref<128x128xf32, #tpu.memory_space<vmem>>, vector<1x16xf32>,
        %get3A_792 = vector.shape_cast %get3A_791 : vector<1x16xf32> to vector<16xf32>
        %max3A_793 = arith.constant 0.000000e+00 : f32
        %max3A_794 = vector.broadcast %max3A_793 : f32 to vector<16xf32>
        %max3A_795 = arith.maximumf %get3A_792, %max3A_794 : vector<16xf32>
        %mul3A_796 = arith.constant 4 : i32
        %mul3A_797 = arith.muli %scan3A_167, %mul3A_796 : i32
        %add3A_798 = arith.constant 3 : i32
        %add3A_799 = arith.addi %mul3A_797, %add3A_798 : i32
        %swap3A_800 = arith.index_cast %add3A_799 : i32 to index
        %swap3A_801 = arith.constant 112 : index
        %swap3A_802 = tpu.vector_load %arg12[%swap3A_800, %swap3A_801] {strides = array<i32>} : memref<128x128xf32, #tpu.memory_space<vmem>>, vector<1x16xf32>,
        %swap3A_803 = vector.shape_cast %swap3A_802 : vector<1x16xf32> to vector<16xf32>
        %swap3A_804 = vector.shape_cast %max3A_795 : vector<16xf32> to vector<1x16xf32>
        tpu.vector_store %arg12[%swap3A_800, %swap3A_801], %swap3A_804 {strides = array<i32>} : memref<128x128xf32, #tpu.memory_space<vmem>>, vector<1x16xf32>,
      }
      %scan3A_153 = arith.constant 32 : i32
      %dma_start3A_154 = arith.constant 0 : i32
      %dma_start3A_155 = tpu.memref_slice %arg7[%add3A_124, %dma_start3A_154] : memref<32x128xi32, #tpu.memory_space<vmem>> -> memref<1x128xi32, #tpu.memory_space<vmem>>
      %dma_start3A_156 = tpu.memref_squeeze %dma_start3A_155 : memref<1x128xi32, #tpu.memory_space<vmem>> -> memref<128xi32, #tpu.memory_space<vmem>>
      %dma_start3A_157 = arith.constant 0 : i32
      %dma_start3A_158 = arith.constant 0 : i32
      %dma_start3A_159 = tpu.memref_slice %arg14[%dma_start3A_157, %dma_start3A_158] : memref<4096x128xf32, #tpu.memory_space<vmem_shared>> -> memref<4096x128xf32, #tpu.memory_space<vmem_shared>>
      tpu.enqueue_indirect_dma source(%arg12 : memref<128x128xf32, #tpu.memory_space<vmem>>) target(%dma_start3A_159 : memref<4096x128xf32, #tpu.memory_space<vmem_shared>>) offsets(%dma_start3A_156 : memref<128xi32, #tpu.memory_space<vmem>>) semaphore(%arg18 : memref<!tpu.dma_semaphore, #tpu.memory_space<semaphore_mem>>) {add = true}
      %add3A_160 = arith.constant 2 : i32
      %add3A_161 = arith.addi %add3A_124, %add3A_160 : i32
      %lt3A_162 = arith.constant 32 : i32
      %lt3A_163 = arith.cmpi slt, %add3A_161, %lt3A_162 : i32
      %convert_element_type3A_164 = arith.extui %lt3A_163 : i1 to i32
      %cond3A_165 = arith.constant 0 : i32
      %cond3A_166 = arith.cmpi ne, %convert_element_type3A_164, %cond3A_165 : i32
      scf.if %cond3A_166 {
        %add3A_167 = arith.constant 2 : i32
        %add3A_168 = arith.addi %add3A_124, %add3A_167 : i32
        %dma_start3A_169 = arith.constant 0 : i32
        %dma_start3A_170 = tpu.memref_slice %arg7[%add3A_168, %dma_start3A_169] : memref<32x128xi32, #tpu.memory_space<vmem>> -> memref<1x128xi32, #tpu.memory_space<vmem>>
        %dma_start3A_171 = tpu.memref_squeeze %dma_start3A_170 : memref<1x128xi32, #tpu.memory_space<vmem>> -> memref<128xi32, #tpu.memory_space<vmem>>
        %dma_start3A_172 = arith.constant 0 : i32
        %dma_start3A_173 = arith.constant 0 : i32
        %dma_start3A_174 = tpu.memref_slice %arg2[%dma_start3A_172, %dma_start3A_173] : memref<4096x128xf32, #tpu.memory_space<hbm>> -> memref<4096x128xf32, #tpu.memory_space<hbm>>
        tpu.enqueue_indirect_dma source(%dma_start3A_174 : memref<4096x128xf32, #tpu.memory_space<hbm>>) target(%arg10 : memref<128x128xf32, #tpu.memory_space<vmem>>) offsets(%dma_start3A_171 : memref<128xi32, #tpu.memory_space<vmem>>) semaphore(%arg16 : memref<!tpu.dma_semaphore, #tpu.memory_space<semaphore_mem>>)
      } else {
      }
    }
    %scan3A_58 = arith.constant 16 : i32
    %dma_wait3A_59 = arith.constant 0 : i32
    %dma_wait3A_60 = arith.constant 0 : i32
    %dma_wait3A_61 = tpu.memref_slice %arg7[%dma_wait3A_59, %dma_wait3A_60] : memref<32x128xi32, #tpu.memory_space<vmem>> -> memref<1x128xi32, #tpu.memory_space<vmem>>
    %dma_wait3A_62 = tpu.memref_squeeze %dma_wait3A_61 : memref<1x128xi32, #tpu.memory_space<vmem>> -> memref<128xi32, #tpu.memory_space<vmem>>
    %dma_wait3A_63 = arith.constant 0 : i32
    %dma_wait3A_64 = arith.constant 0 : i32
    %dma_wait3A_65 = tpu.memref_slice %arg14[%dma_wait3A_63, %dma_wait3A_64] : memref<4096x128xf32, #tpu.memory_space<vmem_shared>> -> memref<4096x128xf32, #tpu.memory_space<vmem_shared>>
    tpu.wait_indirect_dma semaphore(%arg17 : memref<!tpu.dma_semaphore, #tpu.memory_space<semaphore_mem>>) src(%arg11 : memref<128x128xf32, #tpu.memory_space<vmem>>) dst(%dma_wait3A_65 : memref<4096x128xf32, #tpu.memory_space<vmem_shared>>)
    %dma_wait3A_66 = arith.constant 1 : i32
    %dma_wait3A_67 = arith.constant 0 : i32
    %dma_wait3A_68 = tpu.memref_slice %arg7[%dma_wait3A_66, %dma_wait3A_67] : memref<32x128xi32, #tpu.memory_space<vmem>> -> memref<1x128xi32, #tpu.memory_space<vmem>>
    %dma_wait3A_69 = tpu.memref_squeeze %dma_wait3A_68 : memref<1x128xi32, #tpu.memory_space<vmem>> -> memref<128xi32, #tpu.memory_space<vmem>>
    %dma_wait3A_70 = arith.constant 0 : i32
    %dma_wait3A_71 = arith.constant 0 : i32
    %dma_wait3A_72 = tpu.memref_slice %arg14[%dma_wait3A_70, %dma_wait3A_71] : memref<4096x128xf32, #tpu.memory_space<vmem_shared>> -> memref<4096x128xf32, #tpu.memory_space<vmem_shared>>
    tpu.wait_indirect_dma semaphore(%arg18 : memref<!tpu.dma_semaphore, #tpu.memory_space<semaphore_mem>>) src(%arg12 : memref<128x128xf32, #tpu.memory_space<vmem>>) dst(%dma_wait3A_72 : memref<4096x128xf32, #tpu.memory_space<vmem_shared>>)
    %barrier3A_73 = arith.constant 0 : index
    tpu.barrier barrier_id(%barrier3A_73)
    %mul3A_74 = arith.constant 256 : i32
    %mul3A_75 = arith.muli %arg1, %mul3A_74 : i32
    %mul3A_76 = arith.constant 256 : i32
    %mul3A_77 = arith.muli %arg1, %mul3A_76 : i32
    "tpu.region"() ({
      %run_scoped3A = tpu.sem_alloc : memref<!tpu.dma_semaphore, #tpu.memory_space<semaphore_mem>>
      %dma_start3A_78 = arith.constant 0 : i32
      %dma_start3A_79 = tpu.memref_slice %arg6[%arg0, %mul3A_77, %dma_start3A_78] : memref<2x4096x128xf32, #tpu.memory_space<hbm>> -> memref<1x256x128xf32, #tpu.memory_space<hbm>>
      %dma_start3A_80 = tpu.memref_squeeze %dma_start3A_79 : memref<1x256x128xf32, #tpu.memory_space<hbm>> -> memref<256x128xf32, #tpu.memory_space<hbm>>
      %dma_start3A_81 = arith.constant 0 : i32
      %dma_start3A_82 = tpu.memref_slice %arg14[%mul3A_75, %dma_start3A_81] : memref<4096x128xf32, #tpu.memory_space<vmem_shared>> -> memref<256x128xf32, #tpu.memory_space<vmem_shared>>
      tpu.enqueue_dma source(%dma_start3A_82 : memref<256x128xf32, #tpu.memory_space<vmem_shared>>) target(%dma_start3A_80 : memref<256x128xf32, #tpu.memory_space<hbm>>) target_semaphore(%run_scoped3A : memref<!tpu.dma_semaphore, #tpu.memory_space<semaphore_mem>>)
      %dma_wait3A_83 = arith.constant 0 : i32
      %dma_wait3A_84 = tpu.memref_slice %arg6[%arg0, %mul3A_77, %dma_wait3A_83] : memref<2x4096x128xf32, #tpu.memory_space<hbm>> -> memref<1x256x128xf32, #tpu.memory_space<hbm>>
      %dma_wait3A_85 = tpu.memref_squeeze %dma_wait3A_84 : memref<1x256x128xf32, #tpu.memory_space<hbm>> -> memref<256x128xf32, #tpu.memory_space<hbm>>
      %dma_wait3A_86 = arith.constant 0 : i32
      %dma_wait3A_87 = tpu.memref_slice %arg14[%mul3A_75, %dma_wait3A_86] : memref<4096x128xf32, #tpu.memory_space<vmem_shared>> -> memref<256x128xf32, #tpu.memory_space<vmem_shared>>
      tpu.wait_dma2 semaphore(%run_scoped3A : memref<!tpu.dma_semaphore, #tpu.memory_space<semaphore_mem>>) src(%dma_wait3A_87 : memref<256x128xf32, #tpu.memory_space<vmem_shared>>) dst(%dma_wait3A_85 : memref<256x128xf32, #tpu.memory_space<hbm>>)
      tpu.yield
    }) : () -> ()
    return
  }
}

#map = affine_map<(d0, d1) -> (0, 0)>
#map1 = affine_map<(d0, d1) -> (0, 0, 0)>
module attributes {stable_mosaic.version = 14 : i64} {
  func.func @_edge_body(%arg0: i32, %arg1: i32, %arg2: memref<4096x128xf32, #tpu.memory_space<hbm>>, %arg3: memref<4096x128xf32, #tpu.memory_space<hbm>>, %arg4: memref<1024x128xi32, #tpu.memory_space<hbm>>, %arg5: memref<1024x128xi32, #tpu.memory_space<hbm>>, %arg6: memref<2x4096x128xf32, #tpu.memory_space<hbm>>, %arg7: memref<32x128xi32, #tpu.memory_space<vmem>>, %arg8: memref<32x128xi32, #tpu.memory_space<vmem>>, %arg9: memref<128x128xf32, #tpu.memory_space<vmem>>, %arg10: memref<128x128xf32, #tpu.memory_space<vmem>>, %arg11: memref<128x128xf32, #tpu.memory_space<vmem>>, %arg12: memref<128x128xf32, #tpu.memory_space<vmem>>, %arg13: memref<64x128xf32, #tpu.memory_space<vmem>>, %arg14: memref<4096x128xf32, #tpu.memory_space<vmem_shared>>, %arg15: memref<!tpu.dma_semaphore, #tpu.memory_space<semaphore_mem>>, %arg16: memref<!tpu.dma_semaphore, #tpu.memory_space<semaphore_mem>>, %arg17: memref<!tpu.dma_semaphore, #tpu.memory_space<semaphore_mem>>, %arg18: memref<!tpu.dma_semaphore, #tpu.memory_space<semaphore_mem>>) attributes {dimension_semantics = [#tpu.dimension_semantics<core_parallel>, #tpu.dimension_semantics<subcore_parallel>], iteration_bounds = array<i64: 2, 16>, scalar_prefetch = 0 : i64, scratch_operands = 12 : i64, tpu.core_type = #tpu.core_type<sc_vector_subcore>, window_params = [{transform_indices = #map}, {transform_indices = #map}, {transform_indices = #map}, {transform_indices = #map}, {transform_indices = #map1}]} {
    %mul3A = arith.constant 16 : i32
    %mul3A_0 = arith.muli %arg0, %mul3A : i32
    %add3A = arith.addi %mul3A_0, %arg1 : i32
    %mul3A_1 = arith.constant 32 : i32
    %mul3A_2 = arith.muli %add3A, %mul3A_1 : i32
    %dma_start3A = arith.constant 0 : i32
    %dma_start3A_3 = tpu.memref_slice %arg4[%mul3A_2, %dma_start3A] : memref<1024x128xi32, #tpu.memory_space<hbm>> -> memref<32x128xi32, #tpu.memory_space<hbm>>
    %dma_start3A_4 = arith.constant 0 : i32
    %dma_start3A_5 = tpu.memref_slice %arg4[%mul3A_2, %dma_start3A_4] : memref<1024x128xi32, #tpu.memory_space<hbm>> -> memref<32x128xi32, #tpu.memory_space<hbm>>
    tpu.enqueue_dma source(%dma_start3A_5 : memref<32x128xi32, #tpu.memory_space<hbm>>) target(%arg7 : memref<32x128xi32, #tpu.memory_space<vmem>>) target_semaphore(%arg15 : memref<!tpu.dma_semaphore, #tpu.memory_space<semaphore_mem>>)
    %dma_start3A_6 = arith.constant 0 : i32
    %dma_start3A_7 = tpu.memref_slice %arg5[%mul3A_2, %dma_start3A_6] : memref<1024x128xi32, #tpu.memory_space<hbm>> -> memref<32x128xi32, #tpu.memory_space<hbm>>
    %dma_start3A_8 = arith.constant 0 : i32
    %dma_start3A_9 = tpu.memref_slice %arg5[%mul3A_2, %dma_start3A_8] : memref<1024x128xi32, #tpu.memory_space<hbm>> -> memref<32x128xi32, #tpu.memory_space<hbm>>
    tpu.enqueue_dma source(%dma_start3A_9 : memref<32x128xi32, #tpu.memory_space<hbm>>) target(%arg8 : memref<32x128xi32, #tpu.memory_space<vmem>>) target_semaphore(%arg16 : memref<!tpu.dma_semaphore, #tpu.memory_space<semaphore_mem>>)
    %broadcast_in_dim3A = arith.constant 0.000000e+00 : f32
    %broadcast_in_dim3A_10 = vector.broadcast %broadcast_in_dim3A : f32 to vector<16xf32>
    %scan3A = arith.constant 0 : i32
    %scan3A_11 = arith.constant 0 : i32
    %scan3A_12 = arith.constant 64 : i32
    %scan3A_13 = arith.addi %scan3A_11, %scan3A_12 : i32
    %scan3A_14 = arith.constant 1 : i32
    scf.for %scan3A_78 = %scan3A_11 to %scan3A_13 step %scan3A_14  : i32 {
      %swap3A = arith.index_cast %scan3A_78 : i32 to index
      %swap3A_79 = arith.constant 0 : index
      %swap3A_80 = tpu.vector_load %arg13[%swap3A, %swap3A_79] {strides = array<i32>} : memref<64x128xf32, #tpu.memory_space<vmem>>, vector<1x16xf32>,
      %swap3A_81 = vector.shape_cast %swap3A_80 : vector<1x16xf32> to vector<16xf32>
      %swap3A_82 = vector.shape_cast %broadcast_in_dim3A_10 : vector<16xf32> to vector<1x16xf32>
      tpu.vector_store %arg13[%swap3A, %swap3A_79], %swap3A_82 {strides = array<i32>} : memref<64x128xf32, #tpu.memory_space<vmem>>, vector<1x16xf32>,
      %swap3A_83 = arith.index_cast %scan3A_78 : i32 to index
      %swap3A_84 = arith.constant 16 : index
      %swap3A_85 = tpu.vector_load %arg13[%swap3A_83, %swap3A_84] {strides = array<i32>} : memref<64x128xf32, #tpu.memory_space<vmem>>, vector<1x16xf32>,
      %swap3A_86 = vector.shape_cast %swap3A_85 : vector<1x16xf32> to vector<16xf32>
      %swap3A_87 = vector.shape_cast %broadcast_in_dim3A_10 : vector<16xf32> to vector<1x16xf32>
      tpu.vector_store %arg13[%swap3A_83, %swap3A_84], %swap3A_87 {strides = array<i32>} : memref<64x128xf32, #tpu.memory_space<vmem>>, vector<1x16xf32>,
      %swap3A_88 = arith.index_cast %scan3A_78 : i32 to index
      %swap3A_89 = arith.constant 32 : index
      %swap3A_90 = tpu.vector_load %arg13[%swap3A_88, %swap3A_89] {strides = array<i32>} : memref<64x128xf32, #tpu.memory_space<vmem>>, vector<1x16xf32>,
      %swap3A_91 = vector.shape_cast %swap3A_90 : vector<1x16xf32> to vector<16xf32>
      %swap3A_92 = vector.shape_cast %broadcast_in_dim3A_10 : vector<16xf32> to vector<1x16xf32>
      tpu.vector_store %arg13[%swap3A_88, %swap3A_89], %swap3A_92 {strides = array<i32>} : memref<64x128xf32, #tpu.memory_space<vmem>>, vector<1x16xf32>,
      %swap3A_93 = arith.index_cast %scan3A_78 : i32 to index
      %swap3A_94 = arith.constant 48 : index
      %swap3A_95 = tpu.vector_load %arg13[%swap3A_93, %swap3A_94] {strides = array<i32>} : memref<64x128xf32, #tpu.memory_space<vmem>>, vector<1x16xf32>,
      %swap3A_96 = vector.shape_cast %swap3A_95 : vector<1x16xf32> to vector<16xf32>
      %swap3A_97 = vector.shape_cast %broadcast_in_dim3A_10 : vector<16xf32> to vector<1x16xf32>
      tpu.vector_store %arg13[%swap3A_93, %swap3A_94], %swap3A_97 {strides = array<i32>} : memref<64x128xf32, #tpu.memory_space<vmem>>, vector<1x16xf32>,
      %swap3A_98 = arith.index_cast %scan3A_78 : i32 to index
      %swap3A_99 = arith.constant 64 : index
      %swap3A_100 = tpu.vector_load %arg13[%swap3A_98, %swap3A_99] {strides = array<i32>} : memref<64x128xf32, #tpu.memory_space<vmem>>, vector<1x16xf32>,
      %swap3A_101 = vector.shape_cast %swap3A_100 : vector<1x16xf32> to vector<16xf32>
      %swap3A_102 = vector.shape_cast %broadcast_in_dim3A_10 : vector<16xf32> to vector<1x16xf32>
      tpu.vector_store %arg13[%swap3A_98, %swap3A_99], %swap3A_102 {strides = array<i32>} : memref<64x128xf32, #tpu.memory_space<vmem>>, vector<1x16xf32>,
      %swap3A_103 = arith.index_cast %scan3A_78 : i32 to index
      %swap3A_104 = arith.constant 80 : index
      %swap3A_105 = tpu.vector_load %arg13[%swap3A_103, %swap3A_104] {strides = array<i32>} : memref<64x128xf32, #tpu.memory_space<vmem>>, vector<1x16xf32>,
      %swap3A_106 = vector.shape_cast %swap3A_105 : vector<1x16xf32> to vector<16xf32>
      %swap3A_107 = vector.shape_cast %broadcast_in_dim3A_10 : vector<16xf32> to vector<1x16xf32>
      tpu.vector_store %arg13[%swap3A_103, %swap3A_104], %swap3A_107 {strides = array<i32>} : memref<64x128xf32, #tpu.memory_space<vmem>>, vector<1x16xf32>,
      %swap3A_108 = arith.index_cast %scan3A_78 : i32 to index
      %swap3A_109 = arith.constant 96 : index
      %swap3A_110 = tpu.vector_load %arg13[%swap3A_108, %swap3A_109] {strides = array<i32>} : memref<64x128xf32, #tpu.memory_space<vmem>>, vector<1x16xf32>,
      %swap3A_111 = vector.shape_cast %swap3A_110 : vector<1x16xf32> to vector<16xf32>
      %swap3A_112 = vector.shape_cast %broadcast_in_dim3A_10 : vector<16xf32> to vector<1x16xf32>
      tpu.vector_store %arg13[%swap3A_108, %swap3A_109], %swap3A_112 {strides = array<i32>} : memref<64x128xf32, #tpu.memory_space<vmem>>, vector<1x16xf32>,
      %swap3A_113 = arith.index_cast %scan3A_78 : i32 to index
      %swap3A_114 = arith.constant 112 : index
      %swap3A_115 = tpu.vector_load %arg13[%swap3A_113, %swap3A_114] {strides = array<i32>} : memref<64x128xf32, #tpu.memory_space<vmem>>, vector<1x16xf32>,
      %swap3A_116 = vector.shape_cast %swap3A_115 : vector<1x16xf32> to vector<16xf32>
      %swap3A_117 = vector.shape_cast %broadcast_in_dim3A_10 : vector<16xf32> to vector<1x16xf32>
      tpu.vector_store %arg13[%swap3A_113, %swap3A_114], %swap3A_117 {strides = array<i32>} : memref<64x128xf32, #tpu.memory_space<vmem>>, vector<1x16xf32>,
    }
    %scan3A_15 = arith.constant 64 : i32
    %mul3A_16 = arith.constant 256 : i32
    %mul3A_17 = arith.muli %arg1, %mul3A_16 : i32
    %add3A_18 = arith.constant 0 : i32
    %add3A_19 = arith.addi %mul3A_17, %add3A_18 : i32
    "tpu.region"() ({
      %run_scoped3A = tpu.sem_alloc : memref<!tpu.dma_semaphore, #tpu.memory_space<semaphore_mem>>
      %dma_start3A_78 = arith.constant 0 : i32
      %dma_start3A_79 = tpu.memref_slice %arg14[%add3A_19, %dma_start3A_78] : memref<4096x128xf32, #tpu.memory_space<vmem_shared>> -> memref<64x128xf32, #tpu.memory_space<vmem_shared>>
      %dma_start3A_80 = arith.constant 0 : i32
      %dma_start3A_81 = tpu.memref_slice %arg14[%add3A_19, %dma_start3A_80] : memref<4096x128xf32, #tpu.memory_space<vmem_shared>> -> memref<64x128xf32, #tpu.memory_space<vmem_shared>>
      tpu.enqueue_dma source(%arg13 : memref<64x128xf32, #tpu.memory_space<vmem>>) target(%dma_start3A_81 : memref<64x128xf32, #tpu.memory_space<vmem_shared>>) target_semaphore(%run_scoped3A : memref<!tpu.dma_semaphore, #tpu.memory_space<semaphore_mem>>)
      %dma_wait3A_82 = arith.constant 0 : i32
      %dma_wait3A_83 = tpu.memref_slice %arg14[%add3A_19, %dma_wait3A_82] : memref<4096x128xf32, #tpu.memory_space<vmem_shared>> -> memref<64x128xf32, #tpu.memory_space<vmem_shared>>
      %dma_wait3A_84 = arith.constant 0 : i32
      %dma_wait3A_85 = tpu.memref_slice %arg14[%add3A_19, %dma_wait3A_84] : memref<4096x128xf32, #tpu.memory_space<vmem_shared>> -> memref<64x128xf32, #tpu.memory_space<vmem_shared>>
      tpu.wait_dma2 semaphore(%run_scoped3A : memref<!tpu.dma_semaphore, #tpu.memory_space<semaphore_mem>>) src(%arg13 : memref<64x128xf32, #tpu.memory_space<vmem>>) dst(%dma_wait3A_85 : memref<64x128xf32, #tpu.memory_space<vmem_shared>>)
      tpu.yield
    }) : () -> ()
    %mul3A_20 = arith.constant 256 : i32
    %mul3A_21 = arith.muli %arg1, %mul3A_20 : i32
    %add3A_22 = arith.constant 64 : i32
    %add3A_23 = arith.addi %mul3A_21, %add3A_22 : i32
    "tpu.region"() ({
      %run_scoped3A = tpu.sem_alloc : memref<!tpu.dma_semaphore, #tpu.memory_space<semaphore_mem>>
      %dma_start3A_78 = arith.constant 0 : i32
      %dma_start3A_79 = tpu.memref_slice %arg14[%add3A_23, %dma_start3A_78] : memref<4096x128xf32, #tpu.memory_space<vmem_shared>> -> memref<64x128xf32, #tpu.memory_space<vmem_shared>>
      %dma_start3A_80 = arith.constant 0 : i32
      %dma_start3A_81 = tpu.memref_slice %arg14[%add3A_23, %dma_start3A_80] : memref<4096x128xf32, #tpu.memory_space<vmem_shared>> -> memref<64x128xf32, #tpu.memory_space<vmem_shared>>
      tpu.enqueue_dma source(%arg13 : memref<64x128xf32, #tpu.memory_space<vmem>>) target(%dma_start3A_81 : memref<64x128xf32, #tpu.memory_space<vmem_shared>>) target_semaphore(%run_scoped3A : memref<!tpu.dma_semaphore, #tpu.memory_space<semaphore_mem>>)
      %dma_wait3A_82 = arith.constant 0 : i32
      %dma_wait3A_83 = tpu.memref_slice %arg14[%add3A_23, %dma_wait3A_82] : memref<4096x128xf32, #tpu.memory_space<vmem_shared>> -> memref<64x128xf32, #tpu.memory_space<vmem_shared>>
      %dma_wait3A_84 = arith.constant 0 : i32
      %dma_wait3A_85 = tpu.memref_slice %arg14[%add3A_23, %dma_wait3A_84] : memref<4096x128xf32, #tpu.memory_space<vmem_shared>> -> memref<64x128xf32, #tpu.memory_space<vmem_shared>>
      tpu.wait_dma2 semaphore(%run_scoped3A : memref<!tpu.dma_semaphore, #tpu.memory_space<semaphore_mem>>) src(%arg13 : memref<64x128xf32, #tpu.memory_space<vmem>>) dst(%dma_wait3A_85 : memref<64x128xf32, #tpu.memory_space<vmem_shared>>)
      tpu.yield
    }) : () -> ()
    %mul3A_24 = arith.constant 256 : i32
    %mul3A_25 = arith.muli %arg1, %mul3A_24 : i32
    %add3A_26 = arith.constant 128 : i32
    %add3A_27 = arith.addi %mul3A_25, %add3A_26 : i32
    "tpu.region"() ({
      %run_scoped3A = tpu.sem_alloc : memref<!tpu.dma_semaphore, #tpu.memory_space<semaphore_mem>>
      %dma_start3A_78 = arith.constant 0 : i32
      %dma_start3A_79 = tpu.memref_slice %arg14[%add3A_27, %dma_start3A_78] : memref<4096x128xf32, #tpu.memory_space<vmem_shared>> -> memref<64x128xf32, #tpu.memory_space<vmem_shared>>
      %dma_start3A_80 = arith.constant 0 : i32
      %dma_start3A_81 = tpu.memref_slice %arg14[%add3A_27, %dma_start3A_80] : memref<4096x128xf32, #tpu.memory_space<vmem_shared>> -> memref<64x128xf32, #tpu.memory_space<vmem_shared>>
      tpu.enqueue_dma source(%arg13 : memref<64x128xf32, #tpu.memory_space<vmem>>) target(%dma_start3A_81 : memref<64x128xf32, #tpu.memory_space<vmem_shared>>) target_semaphore(%run_scoped3A : memref<!tpu.dma_semaphore, #tpu.memory_space<semaphore_mem>>)
      %dma_wait3A_82 = arith.constant 0 : i32
      %dma_wait3A_83 = tpu.memref_slice %arg14[%add3A_27, %dma_wait3A_82] : memref<4096x128xf32, #tpu.memory_space<vmem_shared>> -> memref<64x128xf32, #tpu.memory_space<vmem_shared>>
      %dma_wait3A_84 = arith.constant 0 : i32
      %dma_wait3A_85 = tpu.memref_slice %arg14[%add3A_27, %dma_wait3A_84] : memref<4096x128xf32, #tpu.memory_space<vmem_shared>> -> memref<64x128xf32, #tpu.memory_space<vmem_shared>>
      tpu.wait_dma2 semaphore(%run_scoped3A : memref<!tpu.dma_semaphore, #tpu.memory_space<semaphore_mem>>) src(%arg13 : memref<64x128xf32, #tpu.memory_space<vmem>>) dst(%dma_wait3A_85 : memref<64x128xf32, #tpu.memory_space<vmem_shared>>)
      tpu.yield
    }) : () -> ()
    %mul3A_28 = arith.constant 256 : i32
    %mul3A_29 = arith.muli %arg1, %mul3A_28 : i32
    %add3A_30 = arith.constant 192 : i32
    %add3A_31 = arith.addi %mul3A_29, %add3A_30 : i32
    "tpu.region"() ({
      %run_scoped3A = tpu.sem_alloc : memref<!tpu.dma_semaphore, #tpu.memory_space<semaphore_mem>>
      %dma_start3A_78 = arith.constant 0 : i32
      %dma_start3A_79 = tpu.memref_slice %arg14[%add3A_31, %dma_start3A_78] : memref<4096x128xf32, #tpu.memory_space<vmem_shared>> -> memref<64x128xf32, #tpu.memory_space<vmem_shared>>
      %dma_start3A_80 = arith.constant 0 : i32
      %dma_start3A_81 = tpu.memref_slice %arg14[%add3A_31, %dma_start3A_80] : memref<4096x128xf32, #tpu.memory_space<vmem_shared>> -> memref<64x128xf32, #tpu.memory_space<vmem_shared>>
      tpu.enqueue_dma source(%arg13 : memref<64x128xf32, #tpu.memory_space<vmem>>) target(%dma_start3A_81 : memref<64x128xf32, #tpu.memory_space<vmem_shared>>) target_semaphore(%run_scoped3A : memref<!tpu.dma_semaphore, #tpu.memory_space<semaphore_mem>>)
      %dma_wait3A_82 = arith.constant 0 : i32
      %dma_wait3A_83 = tpu.memref_slice %arg14[%add3A_31, %dma_wait3A_82] : memref<4096x128xf32, #tpu.memory_space<vmem_shared>> -> memref<64x128xf32, #tpu.memory_space<vmem_shared>>
      %dma_wait3A_84 = arith.constant 0 : i32
      %dma_wait3A_85 = tpu.memref_slice %arg14[%add3A_31, %dma_wait3A_84] : memref<4096x128xf32, #tpu.memory_space<vmem_shared>> -> memref<64x128xf32, #tpu.memory_space<vmem_shared>>
      tpu.wait_dma2 semaphore(%run_scoped3A : memref<!tpu.dma_semaphore, #tpu.memory_space<semaphore_mem>>) src(%arg13 : memref<64x128xf32, #tpu.memory_space<vmem>>) dst(%dma_wait3A_85 : memref<64x128xf32, #tpu.memory_space<vmem_shared>>)
      tpu.yield
    }) : () -> ()
    %dma_wait3A = arith.constant 0 : i32
    %dma_wait3A_32 = tpu.memref_slice %arg4[%mul3A_2, %dma_wait3A] : memref<1024x128xi32, #tpu.memory_space<hbm>> -> memref<32x128xi32, #tpu.memory_space<hbm>>
    %dma_wait3A_33 = arith.constant 0 : i32
    %dma_wait3A_34 = tpu.memref_slice %arg4[%mul3A_2, %dma_wait3A_33] : memref<1024x128xi32, #tpu.memory_space<hbm>> -> memref<32x128xi32, #tpu.memory_space<hbm>>
    tpu.wait_dma2 semaphore(%arg15 : memref<!tpu.dma_semaphore, #tpu.memory_space<semaphore_mem>>) src(%dma_wait3A_34 : memref<32x128xi32, #tpu.memory_space<hbm>>) dst(%arg7 : memref<32x128xi32, #tpu.memory_space<vmem>>)
    %dma_wait3A_35 = arith.constant 0 : i32
    %dma_wait3A_36 = tpu.memref_slice %arg5[%mul3A_2, %dma_wait3A_35] : memref<1024x128xi32, #tpu.memory_space<hbm>> -> memref<32x128xi32, #tpu.memory_space<hbm>>
    %dma_wait3A_37 = arith.constant 0 : i32
    %dma_wait3A_38 = tpu.memref_slice %arg5[%mul3A_2, %dma_wait3A_37] : memref<1024x128xi32, #tpu.memory_space<hbm>> -> memref<32x128xi32, #tpu.memory_space<hbm>>
    tpu.wait_dma2 semaphore(%arg16 : memref<!tpu.dma_semaphore, #tpu.memory_space<semaphore_mem>>) src(%dma_wait3A_38 : memref<32x128xi32, #tpu.memory_space<hbm>>) dst(%arg8 : memref<32x128xi32, #tpu.memory_space<vmem>>)
    %barrier3A = arith.constant 0 : index
    tpu.barrier barrier_id(%barrier3A)
    %dma_start3A_39 = arith.constant 0 : i32
    %dma_start3A_40 = arith.constant 0 : i32
    %dma_start3A_41 = tpu.memref_slice %arg7[%dma_start3A_39, %dma_start3A_40] : memref<32x128xi32, #tpu.memory_space<vmem>> -> memref<1x128xi32, #tpu.memory_space<vmem>>
    %dma_start3A_42 = tpu.memref_squeeze %dma_start3A_41 : memref<1x128xi32, #tpu.memory_space<vmem>> -> memref<128xi32, #tpu.memory_space<vmem>>
    %dma_start3A_43 = arith.constant 0 : i32
    %dma_start3A_44 = arith.constant 0 : i32
    %dma_start3A_45 = tpu.memref_slice %arg2[%dma_start3A_43, %dma_start3A_44] : memref<4096x128xf32, #tpu.memory_space<hbm>> -> memref<4096x128xf32, #tpu.memory_space<hbm>>
    tpu.enqueue_indirect_dma source(%dma_start3A_45 : memref<4096x128xf32, #tpu.memory_space<hbm>>) target(%arg9 : memref<128x128xf32, #tpu.memory_space<vmem>>) offsets(%dma_start3A_42 : memref<128xi32, #tpu.memory_space<vmem>>) semaphore(%arg15 : memref<!tpu.dma_semaphore, #tpu.memory_space<semaphore_mem>>)
    %dma_start3A_46 = arith.constant 1 : i32
    %dma_start3A_47 = arith.constant 0 : i32
    %dma_start3A_48 = tpu.memref_slice %arg7[%dma_start3A_46, %dma_start3A_47] : memref<32x128xi32, #tpu.memory_space<vmem>> -> memref<1x128xi32, #tpu.memory_space<vmem>>
    %dma_start3A_49 = tpu.memref_squeeze %dma_start3A_48 : memref<1x128xi32, #tpu.memory_space<vmem>> -> memref<128xi32, #tpu.memory_space<vmem>>
    %dma_start3A_50 = arith.constant 0 : i32
    %dma_start3A_51 = arith.constant 0 : i32
    %dma_start3A_52 = tpu.memref_slice %arg2[%dma_start3A_50, %dma_start3A_51] : memref<4096x128xf32, #tpu.memory_space<hbm>> -> memref<4096x128xf32, #tpu.memory_space<hbm>>
    tpu.enqueue_indirect_dma source(%dma_start3A_52 : memref<4096x128xf32, #tpu.memory_space<hbm>>) target(%arg10 : memref<128x128xf32, #tpu.memory_space<vmem>>) offsets(%dma_start3A_49 : memref<128xi32, #tpu.memory_space<vmem>>) semaphore(%arg16 : memref<!tpu.dma_semaphore, #tpu.memory_space<semaphore_mem>>)
    %scan3A_53 = arith.constant 0 : i32
    %scan3A_54 = arith.constant 0 : i32
    %scan3A_55 = arith.constant 16 : i32
    %scan3A_56 = arith.addi %scan3A_54, %scan3A_55 : i32
    %scan3A_57 = arith.constant 1 : i32
    scf.for %scan3A_78 = %scan3A_54 to %scan3A_56 step %scan3A_57  : i32 {
      %mul3A_79 = arith.constant 2 : i32
      %mul3A_80 = arith.muli %scan3A_78, %mul3A_79 : i32
      %add3A_81 = arith.constant 0 : i32
      %add3A_82 = arith.addi %mul3A_80, %add3A_81 : i32
      %dma_wait3A_83 = arith.constant 0 : i32
      %dma_wait3A_84 = tpu.memref_slice %arg7[%add3A_82, %dma_wait3A_83] : memref<32x128xi32, #tpu.memory_space<vmem>> -> memref<1x128xi32, #tpu.memory_space<vmem>>
      %dma_wait3A_85 = tpu.memref_squeeze %dma_wait3A_84 : memref<1x128xi32, #tpu.memory_space<vmem>> -> memref<128xi32, #tpu.memory_space<vmem>>
      %dma_wait3A_86 = arith.constant 0 : i32
      %dma_wait3A_87 = arith.constant 0 : i32
      %dma_wait3A_88 = tpu.memref_slice %arg2[%dma_wait3A_86, %dma_wait3A_87] : memref<4096x128xf32, #tpu.memory_space<hbm>> -> memref<4096x128xf32, #tpu.memory_space<hbm>>
      tpu.wait_indirect_dma semaphore(%arg15 : memref<!tpu.dma_semaphore, #tpu.memory_space<semaphore_mem>>) src(%dma_wait3A_88 : memref<4096x128xf32, #tpu.memory_space<hbm>>) dst(%arg9 : memref<128x128xf32, #tpu.memory_space<vmem>>)
      %dma_start3A_89 = arith.constant 0 : i32
      %dma_start3A_90 = tpu.memref_slice %arg8[%add3A_82, %dma_start3A_89] : memref<32x128xi32, #tpu.memory_space<vmem>> -> memref<1x128xi32, #tpu.memory_space<vmem>>
      %dma_start3A_91 = tpu.memref_squeeze %dma_start3A_90 : memref<1x128xi32, #tpu.memory_space<vmem>> -> memref<128xi32, #tpu.memory_space<vmem>>
      %dma_start3A_92 = arith.constant 0 : i32
      %dma_start3A_93 = arith.constant 0 : i32
      %dma_start3A_94 = tpu.memref_slice %arg3[%dma_start3A_92, %dma_start3A_93] : memref<4096x128xf32, #tpu.memory_space<hbm>> -> memref<4096x128xf32, #tpu.memory_space<hbm>>
      tpu.enqueue_indirect_dma source(%dma_start3A_94 : memref<4096x128xf32, #tpu.memory_space<hbm>>) target(%arg9 : memref<128x128xf32, #tpu.memory_space<vmem>>) offsets(%dma_start3A_91 : memref<128xi32, #tpu.memory_space<vmem>>) semaphore(%arg15 : memref<!tpu.dma_semaphore, #tpu.memory_space<semaphore_mem>>) {add = true}
      %dma_wait3A_95 = arith.constant 0 : i32
      %dma_wait3A_96 = tpu.memref_slice %arg8[%add3A_82, %dma_wait3A_95] : memref<32x128xi32, #tpu.memory_space<vmem>> -> memref<1x128xi32, #tpu.memory_space<vmem>>
      %dma_wait3A_97 = tpu.memref_squeeze %dma_wait3A_96 : memref<1x128xi32, #tpu.memory_space<vmem>> -> memref<128xi32, #tpu.memory_space<vmem>>
      %dma_wait3A_98 = arith.constant 0 : i32
      %dma_wait3A_99 = arith.constant 0 : i32
      %dma_wait3A_100 = tpu.memref_slice %arg3[%dma_wait3A_98, %dma_wait3A_99] : memref<4096x128xf32, #tpu.memory_space<hbm>> -> memref<4096x128xf32, #tpu.memory_space<hbm>>
      tpu.wait_indirect_dma semaphore(%arg15 : memref<!tpu.dma_semaphore, #tpu.memory_space<semaphore_mem>>) src(%dma_wait3A_100 : memref<4096x128xf32, #tpu.memory_space<hbm>>) dst(%arg9 : memref<128x128xf32, #tpu.memory_space<vmem>>)
      %ge3A = arith.constant 2 : i32
      %ge3A_101 = arith.cmpi sge, %add3A_82, %ge3A : i32
      %convert_element_type3A = arith.extui %ge3A_101 : i1 to i32
      %cond3A = arith.constant 0 : i32
      %cond3A_102 = arith.cmpi ne, %convert_element_type3A, %cond3A : i32
      scf.if %cond3A_102 {
        %sub3A = arith.constant 2 : i32
        %sub3A_167 = arith.subi %add3A_82, %sub3A : i32
        %dma_wait3A_168 = arith.constant 0 : i32
        %dma_wait3A_169 = tpu.memref_slice %arg7[%sub3A_167, %dma_wait3A_168] : memref<32x128xi32, #tpu.memory_space<vmem>> -> memref<1x128xi32, #tpu.memory_space<vmem>>
        %dma_wait3A_170 = tpu.memref_squeeze %dma_wait3A_169 : memref<1x128xi32, #tpu.memory_space<vmem>> -> memref<128xi32, #tpu.memory_space<vmem>>
        %dma_wait3A_171 = arith.constant 0 : i32
        %dma_wait3A_172 = arith.constant 0 : i32
        %dma_wait3A_173 = tpu.memref_slice %arg14[%dma_wait3A_171, %dma_wait3A_172] : memref<4096x128xf32, #tpu.memory_space<vmem_shared>> -> memref<4096x128xf32, #tpu.memory_space<vmem_shared>>
        tpu.wait_indirect_dma semaphore(%arg17 : memref<!tpu.dma_semaphore, #tpu.memory_space<semaphore_mem>>) src(%arg11 : memref<128x128xf32, #tpu.memory_space<vmem>>) dst(%dma_wait3A_173 : memref<4096x128xf32, #tpu.memory_space<vmem_shared>>)
      } else {
      }
      %scan3A_103 = arith.constant 0 : i32
      %scan3A_104 = arith.constant 0 : i32
      %scan3A_105 = arith.constant 32 : i32
      %scan3A_106 = arith.addi %scan3A_104, %scan3A_105 : i32
      %scan3A_107 = arith.constant 1 : i32
      scf.for %scan3A_167 = %scan3A_104 to %scan3A_106 step %scan3A_107  : i32 {
        %mul3A_168 = arith.constant 4 : i32
        %mul3A_169 = arith.muli %scan3A_167, %mul3A_168 : i32
        %add3A_170 = arith.constant 0 : i32
        %add3A_171 = arith.addi %mul3A_169, %add3A_170 : i32
        %get3A = arith.index_cast %add3A_171 : i32 to index
        %get3A_172 = arith.constant 0 : index
        %get3A_173 = tpu.vector_load %arg9[%get3A, %get3A_172] {strides = array<i32>} : memref<128x128xf32, #tpu.memory_space<vmem>>, vector<1x16xf32>,
        %get3A_174 = vector.shape_cast %get3A_173 : vector<1x16xf32> to vector<16xf32>
        %max3A = arith.constant 0.000000e+00 : f32
        %max3A_175 = vector.broadcast %max3A : f32 to vector<16xf32>
        %max3A_176 = arith.maximumf %get3A_174, %max3A_175 : vector<16xf32>
        %mul3A_177 = arith.constant 4 : i32
        %mul3A_178 = arith.muli %scan3A_167, %mul3A_177 : i32
        %add3A_179 = arith.constant 0 : i32
        %add3A_180 = arith.addi %mul3A_178, %add3A_179 : i32
        %swap3A = arith.index_cast %add3A_180 : i32 to index
        %swap3A_181 = arith.constant 0 : index
        %swap3A_182 = tpu.vector_load %arg11[%swap3A, %swap3A_181] {strides = array<i32>} : memref<128x128xf32, #tpu.memory_space<vmem>>, vector<1x16xf32>,
        %swap3A_183 = vector.shape_cast %swap3A_182 : vector<1x16xf32> to vector<16xf32>
        %swap3A_184 = vector.shape_cast %max3A_176 : vector<16xf32> to vector<1x16xf32>
        tpu.vector_store %arg11[%swap3A, %swap3A_181], %swap3A_184 {strides = array<i32>} : memref<128x128xf32, #tpu.memory_space<vmem>>, vector<1x16xf32>,
        %mul3A_185 = arith.constant 4 : i32
        %mul3A_186 = arith.muli %scan3A_167, %mul3A_185 : i32
        %add3A_187 = arith.constant 0 : i32
        %add3A_188 = arith.addi %mul3A_186, %add3A_187 : i32
        %get3A_189 = arith.index_cast %add3A_188 : i32 to index
        %get3A_190 = arith.constant 16 : index
        %get3A_191 = tpu.vector_load %arg9[%get3A_189, %get3A_190] {strides = array<i32>} : memref<128x128xf32, #tpu.memory_space<vmem>>, vector<1x16xf32>,
        %get3A_192 = vector.shape_cast %get3A_191 : vector<1x16xf32> to vector<16xf32>
        %max3A_193 = arith.constant 0.000000e+00 : f32
        %max3A_194 = vector.broadcast %max3A_193 : f32 to vector<16xf32>
        %max3A_195 = arith.maximumf %get3A_192, %max3A_194 : vector<16xf32>
        %mul3A_196 = arith.constant 4 : i32
        %mul3A_197 = arith.muli %scan3A_167, %mul3A_196 : i32
        %add3A_198 = arith.constant 0 : i32
        %add3A_199 = arith.addi %mul3A_197, %add3A_198 : i32
        %swap3A_200 = arith.index_cast %add3A_199 : i32 to index
        %swap3A_201 = arith.constant 16 : index
        %swap3A_202 = tpu.vector_load %arg11[%swap3A_200, %swap3A_201] {strides = array<i32>} : memref<128x128xf32, #tpu.memory_space<vmem>>, vector<1x16xf32>,
        %swap3A_203 = vector.shape_cast %swap3A_202 : vector<1x16xf32> to vector<16xf32>
        %swap3A_204 = vector.shape_cast %max3A_195 : vector<16xf32> to vector<1x16xf32>
        tpu.vector_store %arg11[%swap3A_200, %swap3A_201], %swap3A_204 {strides = array<i32>} : memref<128x128xf32, #tpu.memory_space<vmem>>, vector<1x16xf32>,
        %mul3A_205 = arith.constant 4 : i32
        %mul3A_206 = arith.muli %scan3A_167, %mul3A_205 : i32
        %add3A_207 = arith.constant 0 : i32
        %add3A_208 = arith.addi %mul3A_206, %add3A_207 : i32
        %get3A_209 = arith.index_cast %add3A_208 : i32 to index
        %get3A_210 = arith.constant 32 : index
        %get3A_211 = tpu.vector_load %arg9[%get3A_209, %get3A_210] {strides = array<i32>} : memref<128x128xf32, #tpu.memory_space<vmem>>, vector<1x16xf32>,
        %get3A_212 = vector.shape_cast %get3A_211 : vector<1x16xf32> to vector<16xf32>
        %max3A_213 = arith.constant 0.000000e+00 : f32
        %max3A_214 = vector.broadcast %max3A_213 : f32 to vector<16xf32>
        %max3A_215 = arith.maximumf %get3A_212, %max3A_214 : vector<16xf32>
        %mul3A_216 = arith.constant 4 : i32
        %mul3A_217 = arith.muli %scan3A_167, %mul3A_216 : i32
        %add3A_218 = arith.constant 0 : i32
        %add3A_219 = arith.addi %mul3A_217, %add3A_218 : i32
        %swap3A_220 = arith.index_cast %add3A_219 : i32 to index
        %swap3A_221 = arith.constant 32 : index
        %swap3A_222 = tpu.vector_load %arg11[%swap3A_220, %swap3A_221] {strides = array<i32>} : memref<128x128xf32, #tpu.memory_space<vmem>>, vector<1x16xf32>,
        %swap3A_223 = vector.shape_cast %swap3A_222 : vector<1x16xf32> to vector<16xf32>
        %swap3A_224 = vector.shape_cast %max3A_215 : vector<16xf32> to vector<1x16xf32>
        tpu.vector_store %arg11[%swap3A_220, %swap3A_221], %swap3A_224 {strides = array<i32>} : memref<128x128xf32, #tpu.memory_space<vmem>>, vector<1x16xf32>,
        %mul3A_225 = arith.constant 4 : i32
        %mul3A_226 = arith.muli %scan3A_167, %mul3A_225 : i32
        %add3A_227 = arith.constant 0 : i32
        %add3A_228 = arith.addi %mul3A_226, %add3A_227 : i32
        %get3A_229 = arith.index_cast %add3A_228 : i32 to index
        %get3A_230 = arith.constant 48 : index
        %get3A_231 = tpu.vector_load %arg9[%get3A_229, %get3A_230] {strides = array<i32>} : memref<128x128xf32, #tpu.memory_space<vmem>>, vector<1x16xf32>,
        %get3A_232 = vector.shape_cast %get3A_231 : vector<1x16xf32> to vector<16xf32>
        %max3A_233 = arith.constant 0.000000e+00 : f32
        %max3A_234 = vector.broadcast %max3A_233 : f32 to vector<16xf32>
        %max3A_235 = arith.maximumf %get3A_232, %max3A_234 : vector<16xf32>
        %mul3A_236 = arith.constant 4 : i32
        %mul3A_237 = arith.muli %scan3A_167, %mul3A_236 : i32
        %add3A_238 = arith.constant 0 : i32
        %add3A_239 = arith.addi %mul3A_237, %add3A_238 : i32
        %swap3A_240 = arith.index_cast %add3A_239 : i32 to index
        %swap3A_241 = arith.constant 48 : index
        %swap3A_242 = tpu.vector_load %arg11[%swap3A_240, %swap3A_241] {strides = array<i32>} : memref<128x128xf32, #tpu.memory_space<vmem>>, vector<1x16xf32>,
        %swap3A_243 = vector.shape_cast %swap3A_242 : vector<1x16xf32> to vector<16xf32>
        %swap3A_244 = vector.shape_cast %max3A_235 : vector<16xf32> to vector<1x16xf32>
        tpu.vector_store %arg11[%swap3A_240, %swap3A_241], %swap3A_244 {strides = array<i32>} : memref<128x128xf32, #tpu.memory_space<vmem>>, vector<1x16xf32>,
        %mul3A_245 = arith.constant 4 : i32
        %mul3A_246 = arith.muli %scan3A_167, %mul3A_245 : i32
        %add3A_247 = arith.constant 0 : i32
        %add3A_248 = arith.addi %mul3A_246, %add3A_247 : i32
        %get3A_249 = arith.index_cast %add3A_248 : i32 to index
        %get3A_250 = arith.constant 64 : index
        %get3A_251 = tpu.vector_load %arg9[%get3A_249, %get3A_250] {strides = array<i32>} : memref<128x128xf32, #tpu.memory_space<vmem>>, vector<1x16xf32>,
        %get3A_252 = vector.shape_cast %get3A_251 : vector<1x16xf32> to vector<16xf32>
        %max3A_253 = arith.constant 0.000000e+00 : f32
        %max3A_254 = vector.broadcast %max3A_253 : f32 to vector<16xf32>
        %max3A_255 = arith.maximumf %get3A_252, %max3A_254 : vector<16xf32>
        %mul3A_256 = arith.constant 4 : i32
        %mul3A_257 = arith.muli %scan3A_167, %mul3A_256 : i32
        %add3A_258 = arith.constant 0 : i32
        %add3A_259 = arith.addi %mul3A_257, %add3A_258 : i32
        %swap3A_260 = arith.index_cast %add3A_259 : i32 to index
        %swap3A_261 = arith.constant 64 : index
        %swap3A_262 = tpu.vector_load %arg11[%swap3A_260, %swap3A_261] {strides = array<i32>} : memref<128x128xf32, #tpu.memory_space<vmem>>, vector<1x16xf32>,
        %swap3A_263 = vector.shape_cast %swap3A_262 : vector<1x16xf32> to vector<16xf32>
        %swap3A_264 = vector.shape_cast %max3A_255 : vector<16xf32> to vector<1x16xf32>
        tpu.vector_store %arg11[%swap3A_260, %swap3A_261], %swap3A_264 {strides = array<i32>} : memref<128x128xf32, #tpu.memory_space<vmem>>, vector<1x16xf32>,
        %mul3A_265 = arith.constant 4 : i32
        %mul3A_266 = arith.muli %scan3A_167, %mul3A_265 : i32
        %add3A_267 = arith.constant 0 : i32
        %add3A_268 = arith.addi %mul3A_266, %add3A_267 : i32
        %get3A_269 = arith.index_cast %add3A_268 : i32 to index
        %get3A_270 = arith.constant 80 : index
        %get3A_271 = tpu.vector_load %arg9[%get3A_269, %get3A_270] {strides = array<i32>} : memref<128x128xf32, #tpu.memory_space<vmem>>, vector<1x16xf32>,
        %get3A_272 = vector.shape_cast %get3A_271 : vector<1x16xf32> to vector<16xf32>
        %max3A_273 = arith.constant 0.000000e+00 : f32
        %max3A_274 = vector.broadcast %max3A_273 : f32 to vector<16xf32>
        %max3A_275 = arith.maximumf %get3A_272, %max3A_274 : vector<16xf32>
        %mul3A_276 = arith.constant 4 : i32
        %mul3A_277 = arith.muli %scan3A_167, %mul3A_276 : i32
        %add3A_278 = arith.constant 0 : i32
        %add3A_279 = arith.addi %mul3A_277, %add3A_278 : i32
        %swap3A_280 = arith.index_cast %add3A_279 : i32 to index
        %swap3A_281 = arith.constant 80 : index
        %swap3A_282 = tpu.vector_load %arg11[%swap3A_280, %swap3A_281] {strides = array<i32>} : memref<128x128xf32, #tpu.memory_space<vmem>>, vector<1x16xf32>,
        %swap3A_283 = vector.shape_cast %swap3A_282 : vector<1x16xf32> to vector<16xf32>
        %swap3A_284 = vector.shape_cast %max3A_275 : vector<16xf32> to vector<1x16xf32>
        tpu.vector_store %arg11[%swap3A_280, %swap3A_281], %swap3A_284 {strides = array<i32>} : memref<128x128xf32, #tpu.memory_space<vmem>>, vector<1x16xf32>,
        %mul3A_285 = arith.constant 4 : i32
        %mul3A_286 = arith.muli %scan3A_167, %mul3A_285 : i32
        %add3A_287 = arith.constant 0 : i32
        %add3A_288 = arith.addi %mul3A_286, %add3A_287 : i32
        %get3A_289 = arith.index_cast %add3A_288 : i32 to index
        %get3A_290 = arith.constant 96 : index
        %get3A_291 = tpu.vector_load %arg9[%get3A_289, %get3A_290] {strides = array<i32>} : memref<128x128xf32, #tpu.memory_space<vmem>>, vector<1x16xf32>,
        %get3A_292 = vector.shape_cast %get3A_291 : vector<1x16xf32> to vector<16xf32>
        %max3A_293 = arith.constant 0.000000e+00 : f32
        %max3A_294 = vector.broadcast %max3A_293 : f32 to vector<16xf32>
        %max3A_295 = arith.maximumf %get3A_292, %max3A_294 : vector<16xf32>
        %mul3A_296 = arith.constant 4 : i32
        %mul3A_297 = arith.muli %scan3A_167, %mul3A_296 : i32
        %add3A_298 = arith.constant 0 : i32
        %add3A_299 = arith.addi %mul3A_297, %add3A_298 : i32
        %swap3A_300 = arith.index_cast %add3A_299 : i32 to index
        %swap3A_301 = arith.constant 96 : index
        %swap3A_302 = tpu.vector_load %arg11[%swap3A_300, %swap3A_301] {strides = array<i32>} : memref<128x128xf32, #tpu.memory_space<vmem>>, vector<1x16xf32>,
        %swap3A_303 = vector.shape_cast %swap3A_302 : vector<1x16xf32> to vector<16xf32>
        %swap3A_304 = vector.shape_cast %max3A_295 : vector<16xf32> to vector<1x16xf32>
        tpu.vector_store %arg11[%swap3A_300, %swap3A_301], %swap3A_304 {strides = array<i32>} : memref<128x128xf32, #tpu.memory_space<vmem>>, vector<1x16xf32>,
        %mul3A_305 = arith.constant 4 : i32
        %mul3A_306 = arith.muli %scan3A_167, %mul3A_305 : i32
        %add3A_307 = arith.constant 0 : i32
        %add3A_308 = arith.addi %mul3A_306, %add3A_307 : i32
        %get3A_309 = arith.index_cast %add3A_308 : i32 to index
        %get3A_310 = arith.constant 112 : index
        %get3A_311 = tpu.vector_load %arg9[%get3A_309, %get3A_310] {strides = array<i32>} : memref<128x128xf32, #tpu.memory_space<vmem>>, vector<1x16xf32>,
        %get3A_312 = vector.shape_cast %get3A_311 : vector<1x16xf32> to vector<16xf32>
        %max3A_313 = arith.constant 0.000000e+00 : f32
        %max3A_314 = vector.broadcast %max3A_313 : f32 to vector<16xf32>
        %max3A_315 = arith.maximumf %get3A_312, %max3A_314 : vector<16xf32>
        %mul3A_316 = arith.constant 4 : i32
        %mul3A_317 = arith.muli %scan3A_167, %mul3A_316 : i32
        %add3A_318 = arith.constant 0 : i32
        %add3A_319 = arith.addi %mul3A_317, %add3A_318 : i32
        %swap3A_320 = arith.index_cast %add3A_319 : i32 to index
        %swap3A_321 = arith.constant 112 : index
        %swap3A_322 = tpu.vector_load %arg11[%swap3A_320, %swap3A_321] {strides = array<i32>} : memref<128x128xf32, #tpu.memory_space<vmem>>, vector<1x16xf32>,
        %swap3A_323 = vector.shape_cast %swap3A_322 : vector<1x16xf32> to vector<16xf32>
        %swap3A_324 = vector.shape_cast %max3A_315 : vector<16xf32> to vector<1x16xf32>
        tpu.vector_store %arg11[%swap3A_320, %swap3A_321], %swap3A_324 {strides = array<i32>} : memref<128x128xf32, #tpu.memory_space<vmem>>, vector<1x16xf32>,
        %mul3A_325 = arith.constant 4 : i32
        %mul3A_326 = arith.muli %scan3A_167, %mul3A_325 : i32
        %add3A_327 = arith.constant 1 : i32
        %add3A_328 = arith.addi %mul3A_326, %add3A_327 : i32
        %get3A_329 = arith.index_cast %add3A_328 : i32 to index
        %get3A_330 = arith.constant 0 : index
        %get3A_331 = tpu.vector_load %arg9[%get3A_329, %get3A_330] {strides = array<i32>} : memref<128x128xf32, #tpu.memory_space<vmem>>, vector<1x16xf32>,
        %get3A_332 = vector.shape_cast %get3A_331 : vector<1x16xf32> to vector<16xf32>
        %max3A_333 = arith.constant 0.000000e+00 : f32
        %max3A_334 = vector.broadcast %max3A_333 : f32 to vector<16xf32>
        %max3A_335 = arith.maximumf %get3A_332, %max3A_334 : vector<16xf32>
        %mul3A_336 = arith.constant 4 : i32
        %mul3A_337 = arith.muli %scan3A_167, %mul3A_336 : i32
        %add3A_338 = arith.constant 1 : i32
        %add3A_339 = arith.addi %mul3A_337, %add3A_338 : i32
        %swap3A_340 = arith.index_cast %add3A_339 : i32 to index
        %swap3A_341 = arith.constant 0 : index
        %swap3A_342 = tpu.vector_load %arg11[%swap3A_340, %swap3A_341] {strides = array<i32>} : memref<128x128xf32, #tpu.memory_space<vmem>>, vector<1x16xf32>,
        %swap3A_343 = vector.shape_cast %swap3A_342 : vector<1x16xf32> to vector<16xf32>
        %swap3A_344 = vector.shape_cast %max3A_335 : vector<16xf32> to vector<1x16xf32>
        tpu.vector_store %arg11[%swap3A_340, %swap3A_341], %swap3A_344 {strides = array<i32>} : memref<128x128xf32, #tpu.memory_space<vmem>>, vector<1x16xf32>,
        %mul3A_345 = arith.constant 4 : i32
        %mul3A_346 = arith.muli %scan3A_167, %mul3A_345 : i32
        %add3A_347 = arith.constant 1 : i32
        %add3A_348 = arith.addi %mul3A_346, %add3A_347 : i32
        %get3A_349 = arith.index_cast %add3A_348 : i32 to index
        %get3A_350 = arith.constant 16 : index
        %get3A_351 = tpu.vector_load %arg9[%get3A_349, %get3A_350] {strides = array<i32>} : memref<128x128xf32, #tpu.memory_space<vmem>>, vector<1x16xf32>,
        %get3A_352 = vector.shape_cast %get3A_351 : vector<1x16xf32> to vector<16xf32>
        %max3A_353 = arith.constant 0.000000e+00 : f32
        %max3A_354 = vector.broadcast %max3A_353 : f32 to vector<16xf32>
        %max3A_355 = arith.maximumf %get3A_352, %max3A_354 : vector<16xf32>
        %mul3A_356 = arith.constant 4 : i32
        %mul3A_357 = arith.muli %scan3A_167, %mul3A_356 : i32
        %add3A_358 = arith.constant 1 : i32
        %add3A_359 = arith.addi %mul3A_357, %add3A_358 : i32
        %swap3A_360 = arith.index_cast %add3A_359 : i32 to index
        %swap3A_361 = arith.constant 16 : index
        %swap3A_362 = tpu.vector_load %arg11[%swap3A_360, %swap3A_361] {strides = array<i32>} : memref<128x128xf32, #tpu.memory_space<vmem>>, vector<1x16xf32>,
        %swap3A_363 = vector.shape_cast %swap3A_362 : vector<1x16xf32> to vector<16xf32>
        %swap3A_364 = vector.shape_cast %max3A_355 : vector<16xf32> to vector<1x16xf32>
        tpu.vector_store %arg11[%swap3A_360, %swap3A_361], %swap3A_364 {strides = array<i32>} : memref<128x128xf32, #tpu.memory_space<vmem>>, vector<1x16xf32>,
        %mul3A_365 = arith.constant 4 : i32
        %mul3A_366 = arith.muli %scan3A_167, %mul3A_365 : i32
        %add3A_367 = arith.constant 1 : i32
        %add3A_368 = arith.addi %mul3A_366, %add3A_367 : i32
        %get3A_369 = arith.index_cast %add3A_368 : i32 to index
        %get3A_370 = arith.constant 32 : index
        %get3A_371 = tpu.vector_load %arg9[%get3A_369, %get3A_370] {strides = array<i32>} : memref<128x128xf32, #tpu.memory_space<vmem>>, vector<1x16xf32>,
        %get3A_372 = vector.shape_cast %get3A_371 : vector<1x16xf32> to vector<16xf32>
        %max3A_373 = arith.constant 0.000000e+00 : f32
        %max3A_374 = vector.broadcast %max3A_373 : f32 to vector<16xf32>
        %max3A_375 = arith.maximumf %get3A_372, %max3A_374 : vector<16xf32>
        %mul3A_376 = arith.constant 4 : i32
        %mul3A_377 = arith.muli %scan3A_167, %mul3A_376 : i32
        %add3A_378 = arith.constant 1 : i32
        %add3A_379 = arith.addi %mul3A_377, %add3A_378 : i32
        %swap3A_380 = arith.index_cast %add3A_379 : i32 to index
        %swap3A_381 = arith.constant 32 : index
        %swap3A_382 = tpu.vector_load %arg11[%swap3A_380, %swap3A_381] {strides = array<i32>} : memref<128x128xf32, #tpu.memory_space<vmem>>, vector<1x16xf32>,
        %swap3A_383 = vector.shape_cast %swap3A_382 : vector<1x16xf32> to vector<16xf32>
        %swap3A_384 = vector.shape_cast %max3A_375 : vector<16xf32> to vector<1x16xf32>
        tpu.vector_store %arg11[%swap3A_380, %swap3A_381], %swap3A_384 {strides = array<i32>} : memref<128x128xf32, #tpu.memory_space<vmem>>, vector<1x16xf32>,
        %mul3A_385 = arith.constant 4 : i32
        %mul3A_386 = arith.muli %scan3A_167, %mul3A_385 : i32
        %add3A_387 = arith.constant 1 : i32
        %add3A_388 = arith.addi %mul3A_386, %add3A_387 : i32
        %get3A_389 = arith.index_cast %add3A_388 : i32 to index
        %get3A_390 = arith.constant 48 : index
        %get3A_391 = tpu.vector_load %arg9[%get3A_389, %get3A_390] {strides = array<i32>} : memref<128x128xf32, #tpu.memory_space<vmem>>, vector<1x16xf32>,
        %get3A_392 = vector.shape_cast %get3A_391 : vector<1x16xf32> to vector<16xf32>
        %max3A_393 = arith.constant 0.000000e+00 : f32
        %max3A_394 = vector.broadcast %max3A_393 : f32 to vector<16xf32>
        %max3A_395 = arith.maximumf %get3A_392, %max3A_394 : vector<16xf32>
        %mul3A_396 = arith.constant 4 : i32
        %mul3A_397 = arith.muli %scan3A_167, %mul3A_396 : i32
        %add3A_398 = arith.constant 1 : i32
        %add3A_399 = arith.addi %mul3A_397, %add3A_398 : i32
        %swap3A_400 = arith.index_cast %add3A_399 : i32 to index
        %swap3A_401 = arith.constant 48 : index
        %swap3A_402 = tpu.vector_load %arg11[%swap3A_400, %swap3A_401] {strides = array<i32>} : memref<128x128xf32, #tpu.memory_space<vmem>>, vector<1x16xf32>,
        %swap3A_403 = vector.shape_cast %swap3A_402 : vector<1x16xf32> to vector<16xf32>
        %swap3A_404 = vector.shape_cast %max3A_395 : vector<16xf32> to vector<1x16xf32>
        tpu.vector_store %arg11[%swap3A_400, %swap3A_401], %swap3A_404 {strides = array<i32>} : memref<128x128xf32, #tpu.memory_space<vmem>>, vector<1x16xf32>,
        %mul3A_405 = arith.constant 4 : i32
        %mul3A_406 = arith.muli %scan3A_167, %mul3A_405 : i32
        %add3A_407 = arith.constant 1 : i32
        %add3A_408 = arith.addi %mul3A_406, %add3A_407 : i32
        %get3A_409 = arith.index_cast %add3A_408 : i32 to index
        %get3A_410 = arith.constant 64 : index
        %get3A_411 = tpu.vector_load %arg9[%get3A_409, %get3A_410] {strides = array<i32>} : memref<128x128xf32, #tpu.memory_space<vmem>>, vector<1x16xf32>,
        %get3A_412 = vector.shape_cast %get3A_411 : vector<1x16xf32> to vector<16xf32>
        %max3A_413 = arith.constant 0.000000e+00 : f32
        %max3A_414 = vector.broadcast %max3A_413 : f32 to vector<16xf32>
        %max3A_415 = arith.maximumf %get3A_412, %max3A_414 : vector<16xf32>
        %mul3A_416 = arith.constant 4 : i32
        %mul3A_417 = arith.muli %scan3A_167, %mul3A_416 : i32
        %add3A_418 = arith.constant 1 : i32
        %add3A_419 = arith.addi %mul3A_417, %add3A_418 : i32
        %swap3A_420 = arith.index_cast %add3A_419 : i32 to index
        %swap3A_421 = arith.constant 64 : index
        %swap3A_422 = tpu.vector_load %arg11[%swap3A_420, %swap3A_421] {strides = array<i32>} : memref<128x128xf32, #tpu.memory_space<vmem>>, vector<1x16xf32>,
        %swap3A_423 = vector.shape_cast %swap3A_422 : vector<1x16xf32> to vector<16xf32>
        %swap3A_424 = vector.shape_cast %max3A_415 : vector<16xf32> to vector<1x16xf32>
        tpu.vector_store %arg11[%swap3A_420, %swap3A_421], %swap3A_424 {strides = array<i32>} : memref<128x128xf32, #tpu.memory_space<vmem>>, vector<1x16xf32>,
        %mul3A_425 = arith.constant 4 : i32
        %mul3A_426 = arith.muli %scan3A_167, %mul3A_425 : i32
        %add3A_427 = arith.constant 1 : i32
        %add3A_428 = arith.addi %mul3A_426, %add3A_427 : i32
        %get3A_429 = arith.index_cast %add3A_428 : i32 to index
        %get3A_430 = arith.constant 80 : index
        %get3A_431 = tpu.vector_load %arg9[%get3A_429, %get3A_430] {strides = array<i32>} : memref<128x128xf32, #tpu.memory_space<vmem>>, vector<1x16xf32>,
        %get3A_432 = vector.shape_cast %get3A_431 : vector<1x16xf32> to vector<16xf32>
        %max3A_433 = arith.constant 0.000000e+00 : f32
        %max3A_434 = vector.broadcast %max3A_433 : f32 to vector<16xf32>
        %max3A_435 = arith.maximumf %get3A_432, %max3A_434 : vector<16xf32>
        %mul3A_436 = arith.constant 4 : i32
        %mul3A_437 = arith.muli %scan3A_167, %mul3A_436 : i32
        %add3A_438 = arith.constant 1 : i32
        %add3A_439 = arith.addi %mul3A_437, %add3A_438 : i32
        %swap3A_440 = arith.index_cast %add3A_439 : i32 to index
        %swap3A_441 = arith.constant 80 : index
        %swap3A_442 = tpu.vector_load %arg11[%swap3A_440, %swap3A_441] {strides = array<i32>} : memref<128x128xf32, #tpu.memory_space<vmem>>, vector<1x16xf32>,
        %swap3A_443 = vector.shape_cast %swap3A_442 : vector<1x16xf32> to vector<16xf32>
        %swap3A_444 = vector.shape_cast %max3A_435 : vector<16xf32> to vector<1x16xf32>
        tpu.vector_store %arg11[%swap3A_440, %swap3A_441], %swap3A_444 {strides = array<i32>} : memref<128x128xf32, #tpu.memory_space<vmem>>, vector<1x16xf32>,
        %mul3A_445 = arith.constant 4 : i32
        %mul3A_446 = arith.muli %scan3A_167, %mul3A_445 : i32
        %add3A_447 = arith.constant 1 : i32
        %add3A_448 = arith.addi %mul3A_446, %add3A_447 : i32
        %get3A_449 = arith.index_cast %add3A_448 : i32 to index
        %get3A_450 = arith.constant 96 : index
        %get3A_451 = tpu.vector_load %arg9[%get3A_449, %get3A_450] {strides = array<i32>} : memref<128x128xf32, #tpu.memory_space<vmem>>, vector<1x16xf32>,
        %get3A_452 = vector.shape_cast %get3A_451 : vector<1x16xf32> to vector<16xf32>
        %max3A_453 = arith.constant 0.000000e+00 : f32
        %max3A_454 = vector.broadcast %max3A_453 : f32 to vector<16xf32>
        %max3A_455 = arith.maximumf %get3A_452, %max3A_454 : vector<16xf32>
        %mul3A_456 = arith.constant 4 : i32
        %mul3A_457 = arith.muli %scan3A_167, %mul3A_456 : i32
        %add3A_458 = arith.constant 1 : i32
        %add3A_459 = arith.addi %mul3A_457, %add3A_458 : i32
        %swap3A_460 = arith.index_cast %add3A_459 : i32 to index
        %swap3A_461 = arith.constant 96 : index
        %swap3A_462 = tpu.vector_load %arg11[%swap3A_460, %swap3A_461] {strides = array<i32>} : memref<128x128xf32, #tpu.memory_space<vmem>>, vector<1x16xf32>,
        %swap3A_463 = vector.shape_cast %swap3A_462 : vector<1x16xf32> to vector<16xf32>
        %swap3A_464 = vector.shape_cast %max3A_455 : vector<16xf32> to vector<1x16xf32>
        tpu.vector_store %arg11[%swap3A_460, %swap3A_461], %swap3A_464 {strides = array<i32>} : memref<128x128xf32, #tpu.memory_space<vmem>>, vector<1x16xf32>,
        %mul3A_465 = arith.constant 4 : i32
        %mul3A_466 = arith.muli %scan3A_167, %mul3A_465 : i32
        %add3A_467 = arith.constant 1 : i32
        %add3A_468 = arith.addi %mul3A_466, %add3A_467 : i32
        %get3A_469 = arith.index_cast %add3A_468 : i32 to index
        %get3A_470 = arith.constant 112 : index
        %get3A_471 = tpu.vector_load %arg9[%get3A_469, %get3A_470] {strides = array<i32>} : memref<128x128xf32, #tpu.memory_space<vmem>>, vector<1x16xf32>,
        %get3A_472 = vector.shape_cast %get3A_471 : vector<1x16xf32> to vector<16xf32>
        %max3A_473 = arith.constant 0.000000e+00 : f32
        %max3A_474 = vector.broadcast %max3A_473 : f32 to vector<16xf32>
        %max3A_475 = arith.maximumf %get3A_472, %max3A_474 : vector<16xf32>
        %mul3A_476 = arith.constant 4 : i32
        %mul3A_477 = arith.muli %scan3A_167, %mul3A_476 : i32
        %add3A_478 = arith.constant 1 : i32
        %add3A_479 = arith.addi %mul3A_477, %add3A_478 : i32
        %swap3A_480 = arith.index_cast %add3A_479 : i32 to index
        %swap3A_481 = arith.constant 112 : index
        %swap3A_482 = tpu.vector_load %arg11[%swap3A_480, %swap3A_481] {strides = array<i32>} : memref<128x128xf32, #tpu.memory_space<vmem>>, vector<1x16xf32>,
        %swap3A_483 = vector.shape_cast %swap3A_482 : vector<1x16xf32> to vector<16xf32>
        %swap3A_484 = vector.shape_cast %max3A_475 : vector<16xf32> to vector<1x16xf32>
        tpu.vector_store %arg11[%swap3A_480, %swap3A_481], %swap3A_484 {strides = array<i32>} : memref<128x128xf32, #tpu.memory_space<vmem>>, vector<1x16xf32>,
        %mul3A_485 = arith.constant 4 : i32
        %mul3A_486 = arith.muli %scan3A_167, %mul3A_485 : i32
        %add3A_487 = arith.constant 2 : i32
        %add3A_488 = arith.addi %mul3A_486, %add3A_487 : i32
        %get3A_489 = arith.index_cast %add3A_488 : i32 to index
        %get3A_490 = arith.constant 0 : index
        %get3A_491 = tpu.vector_load %arg9[%get3A_489, %get3A_490] {strides = array<i32>} : memref<128x128xf32, #tpu.memory_space<vmem>>, vector<1x16xf32>,
        %get3A_492 = vector.shape_cast %get3A_491 : vector<1x16xf32> to vector<16xf32>
        %max3A_493 = arith.constant 0.000000e+00 : f32
        %max3A_494 = vector.broadcast %max3A_493 : f32 to vector<16xf32>
        %max3A_495 = arith.maximumf %get3A_492, %max3A_494 : vector<16xf32>
        %mul3A_496 = arith.constant 4 : i32
        %mul3A_497 = arith.muli %scan3A_167, %mul3A_496 : i32
        %add3A_498 = arith.constant 2 : i32
        %add3A_499 = arith.addi %mul3A_497, %add3A_498 : i32
        %swap3A_500 = arith.index_cast %add3A_499 : i32 to index
        %swap3A_501 = arith.constant 0 : index
        %swap3A_502 = tpu.vector_load %arg11[%swap3A_500, %swap3A_501] {strides = array<i32>} : memref<128x128xf32, #tpu.memory_space<vmem>>, vector<1x16xf32>,
        %swap3A_503 = vector.shape_cast %swap3A_502 : vector<1x16xf32> to vector<16xf32>
        %swap3A_504 = vector.shape_cast %max3A_495 : vector<16xf32> to vector<1x16xf32>
        tpu.vector_store %arg11[%swap3A_500, %swap3A_501], %swap3A_504 {strides = array<i32>} : memref<128x128xf32, #tpu.memory_space<vmem>>, vector<1x16xf32>,
        %mul3A_505 = arith.constant 4 : i32
        %mul3A_506 = arith.muli %scan3A_167, %mul3A_505 : i32
        %add3A_507 = arith.constant 2 : i32
        %add3A_508 = arith.addi %mul3A_506, %add3A_507 : i32
        %get3A_509 = arith.index_cast %add3A_508 : i32 to index
        %get3A_510 = arith.constant 16 : index
        %get3A_511 = tpu.vector_load %arg9[%get3A_509, %get3A_510] {strides = array<i32>} : memref<128x128xf32, #tpu.memory_space<vmem>>, vector<1x16xf32>,
        %get3A_512 = vector.shape_cast %get3A_511 : vector<1x16xf32> to vector<16xf32>
        %max3A_513 = arith.constant 0.000000e+00 : f32
        %max3A_514 = vector.broadcast %max3A_513 : f32 to vector<16xf32>
        %max3A_515 = arith.maximumf %get3A_512, %max3A_514 : vector<16xf32>
        %mul3A_516 = arith.constant 4 : i32
        %mul3A_517 = arith.muli %scan3A_167, %mul3A_516 : i32
        %add3A_518 = arith.constant 2 : i32
        %add3A_519 = arith.addi %mul3A_517, %add3A_518 : i32
        %swap3A_520 = arith.index_cast %add3A_519 : i32 to index
        %swap3A_521 = arith.constant 16 : index
        %swap3A_522 = tpu.vector_load %arg11[%swap3A_520, %swap3A_521] {strides = array<i32>} : memref<128x128xf32, #tpu.memory_space<vmem>>, vector<1x16xf32>,
        %swap3A_523 = vector.shape_cast %swap3A_522 : vector<1x16xf32> to vector<16xf32>
        %swap3A_524 = vector.shape_cast %max3A_515 : vector<16xf32> to vector<1x16xf32>
        tpu.vector_store %arg11[%swap3A_520, %swap3A_521], %swap3A_524 {strides = array<i32>} : memref<128x128xf32, #tpu.memory_space<vmem>>, vector<1x16xf32>,
        %mul3A_525 = arith.constant 4 : i32
        %mul3A_526 = arith.muli %scan3A_167, %mul3A_525 : i32
        %add3A_527 = arith.constant 2 : i32
        %add3A_528 = arith.addi %mul3A_526, %add3A_527 : i32
        %get3A_529 = arith.index_cast %add3A_528 : i32 to index
        %get3A_530 = arith.constant 32 : index
        %get3A_531 = tpu.vector_load %arg9[%get3A_529, %get3A_530] {strides = array<i32>} : memref<128x128xf32, #tpu.memory_space<vmem>>, vector<1x16xf32>,
        %get3A_532 = vector.shape_cast %get3A_531 : vector<1x16xf32> to vector<16xf32>
        %max3A_533 = arith.constant 0.000000e+00 : f32
        %max3A_534 = vector.broadcast %max3A_533 : f32 to vector<16xf32>
        %max3A_535 = arith.maximumf %get3A_532, %max3A_534 : vector<16xf32>
        %mul3A_536 = arith.constant 4 : i32
        %mul3A_537 = arith.muli %scan3A_167, %mul3A_536 : i32
        %add3A_538 = arith.constant 2 : i32
        %add3A_539 = arith.addi %mul3A_537, %add3A_538 : i32
        %swap3A_540 = arith.index_cast %add3A_539 : i32 to index
        %swap3A_541 = arith.constant 32 : index
        %swap3A_542 = tpu.vector_load %arg11[%swap3A_540, %swap3A_541] {strides = array<i32>} : memref<128x128xf32, #tpu.memory_space<vmem>>, vector<1x16xf32>,
        %swap3A_543 = vector.shape_cast %swap3A_542 : vector<1x16xf32> to vector<16xf32>
        %swap3A_544 = vector.shape_cast %max3A_535 : vector<16xf32> to vector<1x16xf32>
        tpu.vector_store %arg11[%swap3A_540, %swap3A_541], %swap3A_544 {strides = array<i32>} : memref<128x128xf32, #tpu.memory_space<vmem>>, vector<1x16xf32>,
        %mul3A_545 = arith.constant 4 : i32
        %mul3A_546 = arith.muli %scan3A_167, %mul3A_545 : i32
        %add3A_547 = arith.constant 2 : i32
        %add3A_548 = arith.addi %mul3A_546, %add3A_547 : i32
        %get3A_549 = arith.index_cast %add3A_548 : i32 to index
        %get3A_550 = arith.constant 48 : index
        %get3A_551 = tpu.vector_load %arg9[%get3A_549, %get3A_550] {strides = array<i32>} : memref<128x128xf32, #tpu.memory_space<vmem>>, vector<1x16xf32>,
        %get3A_552 = vector.shape_cast %get3A_551 : vector<1x16xf32> to vector<16xf32>
        %max3A_553 = arith.constant 0.000000e+00 : f32
        %max3A_554 = vector.broadcast %max3A_553 : f32 to vector<16xf32>
        %max3A_555 = arith.maximumf %get3A_552, %max3A_554 : vector<16xf32>
        %mul3A_556 = arith.constant 4 : i32
        %mul3A_557 = arith.muli %scan3A_167, %mul3A_556 : i32
        %add3A_558 = arith.constant 2 : i32
        %add3A_559 = arith.addi %mul3A_557, %add3A_558 : i32
        %swap3A_560 = arith.index_cast %add3A_559 : i32 to index
        %swap3A_561 = arith.constant 48 : index
        %swap3A_562 = tpu.vector_load %arg11[%swap3A_560, %swap3A_561] {strides = array<i32>} : memref<128x128xf32, #tpu.memory_space<vmem>>, vector<1x16xf32>,
        %swap3A_563 = vector.shape_cast %swap3A_562 : vector<1x16xf32> to vector<16xf32>
        %swap3A_564 = vector.shape_cast %max3A_555 : vector<16xf32> to vector<1x16xf32>
        tpu.vector_store %arg11[%swap3A_560, %swap3A_561], %swap3A_564 {strides = array<i32>} : memref<128x128xf32, #tpu.memory_space<vmem>>, vector<1x16xf32>,
        %mul3A_565 = arith.constant 4 : i32
        %mul3A_566 = arith.muli %scan3A_167, %mul3A_565 : i32
        %add3A_567 = arith.constant 2 : i32
        %add3A_568 = arith.addi %mul3A_566, %add3A_567 : i32
        %get3A_569 = arith.index_cast %add3A_568 : i32 to index
        %get3A_570 = arith.constant 64 : index
        %get3A_571 = tpu.vector_load %arg9[%get3A_569, %get3A_570] {strides = array<i32>} : memref<128x128xf32, #tpu.memory_space<vmem>>, vector<1x16xf32>,
        %get3A_572 = vector.shape_cast %get3A_571 : vector<1x16xf32> to vector<16xf32>
        %max3A_573 = arith.constant 0.000000e+00 : f32
        %max3A_574 = vector.broadcast %max3A_573 : f32 to vector<16xf32>
        %max3A_575 = arith.maximumf %get3A_572, %max3A_574 : vector<16xf32>
        %mul3A_576 = arith.constant 4 : i32
        %mul3A_577 = arith.muli %scan3A_167, %mul3A_576 : i32
        %add3A_578 = arith.constant 2 : i32
        %add3A_579 = arith.addi %mul3A_577, %add3A_578 : i32
        %swap3A_580 = arith.index_cast %add3A_579 : i32 to index
        %swap3A_581 = arith.constant 64 : index
        %swap3A_582 = tpu.vector_load %arg11[%swap3A_580, %swap3A_581] {strides = array<i32>} : memref<128x128xf32, #tpu.memory_space<vmem>>, vector<1x16xf32>,
        %swap3A_583 = vector.shape_cast %swap3A_582 : vector<1x16xf32> to vector<16xf32>
        %swap3A_584 = vector.shape_cast %max3A_575 : vector<16xf32> to vector<1x16xf32>
        tpu.vector_store %arg11[%swap3A_580, %swap3A_581], %swap3A_584 {strides = array<i32>} : memref<128x128xf32, #tpu.memory_space<vmem>>, vector<1x16xf32>,
        %mul3A_585 = arith.constant 4 : i32
        %mul3A_586 = arith.muli %scan3A_167, %mul3A_585 : i32
        %add3A_587 = arith.constant 2 : i32
        %add3A_588 = arith.addi %mul3A_586, %add3A_587 : i32
        %get3A_589 = arith.index_cast %add3A_588 : i32 to index
        %get3A_590 = arith.constant 80 : index
        %get3A_591 = tpu.vector_load %arg9[%get3A_589, %get3A_590] {strides = array<i32>} : memref<128x128xf32, #tpu.memory_space<vmem>>, vector<1x16xf32>,
        %get3A_592 = vector.shape_cast %get3A_591 : vector<1x16xf32> to vector<16xf32>
        %max3A_593 = arith.constant 0.000000e+00 : f32
        %max3A_594 = vector.broadcast %max3A_593 : f32 to vector<16xf32>
        %max3A_595 = arith.maximumf %get3A_592, %max3A_594 : vector<16xf32>
        %mul3A_596 = arith.constant 4 : i32
        %mul3A_597 = arith.muli %scan3A_167, %mul3A_596 : i32
        %add3A_598 = arith.constant 2 : i32
        %add3A_599 = arith.addi %mul3A_597, %add3A_598 : i32
        %swap3A_600 = arith.index_cast %add3A_599 : i32 to index
        %swap3A_601 = arith.constant 80 : index
        %swap3A_602 = tpu.vector_load %arg11[%swap3A_600, %swap3A_601] {strides = array<i32>} : memref<128x128xf32, #tpu.memory_space<vmem>>, vector<1x16xf32>,
        %swap3A_603 = vector.shape_cast %swap3A_602 : vector<1x16xf32> to vector<16xf32>
        %swap3A_604 = vector.shape_cast %max3A_595 : vector<16xf32> to vector<1x16xf32>
        tpu.vector_store %arg11[%swap3A_600, %swap3A_601], %swap3A_604 {strides = array<i32>} : memref<128x128xf32, #tpu.memory_space<vmem>>, vector<1x16xf32>,
        %mul3A_605 = arith.constant 4 : i32
        %mul3A_606 = arith.muli %scan3A_167, %mul3A_605 : i32
        %add3A_607 = arith.constant 2 : i32
        %add3A_608 = arith.addi %mul3A_606, %add3A_607 : i32
        %get3A_609 = arith.index_cast %add3A_608 : i32 to index
        %get3A_610 = arith.constant 96 : index
        %get3A_611 = tpu.vector_load %arg9[%get3A_609, %get3A_610] {strides = array<i32>} : memref<128x128xf32, #tpu.memory_space<vmem>>, vector<1x16xf32>,
        %get3A_612 = vector.shape_cast %get3A_611 : vector<1x16xf32> to vector<16xf32>
        %max3A_613 = arith.constant 0.000000e+00 : f32
        %max3A_614 = vector.broadcast %max3A_613 : f32 to vector<16xf32>
        %max3A_615 = arith.maximumf %get3A_612, %max3A_614 : vector<16xf32>
        %mul3A_616 = arith.constant 4 : i32
        %mul3A_617 = arith.muli %scan3A_167, %mul3A_616 : i32
        %add3A_618 = arith.constant 2 : i32
        %add3A_619 = arith.addi %mul3A_617, %add3A_618 : i32
        %swap3A_620 = arith.index_cast %add3A_619 : i32 to index
        %swap3A_621 = arith.constant 96 : index
        %swap3A_622 = tpu.vector_load %arg11[%swap3A_620, %swap3A_621] {strides = array<i32>} : memref<128x128xf32, #tpu.memory_space<vmem>>, vector<1x16xf32>,
        %swap3A_623 = vector.shape_cast %swap3A_622 : vector<1x16xf32> to vector<16xf32>
        %swap3A_624 = vector.shape_cast %max3A_615 : vector<16xf32> to vector<1x16xf32>
        tpu.vector_store %arg11[%swap3A_620, %swap3A_621], %swap3A_624 {strides = array<i32>} : memref<128x128xf32, #tpu.memory_space<vmem>>, vector<1x16xf32>,
        %mul3A_625 = arith.constant 4 : i32
        %mul3A_626 = arith.muli %scan3A_167, %mul3A_625 : i32
        %add3A_627 = arith.constant 2 : i32
        %add3A_628 = arith.addi %mul3A_626, %add3A_627 : i32
        %get3A_629 = arith.index_cast %add3A_628 : i32 to index
        %get3A_630 = arith.constant 112 : index
        %get3A_631 = tpu.vector_load %arg9[%get3A_629, %get3A_630] {strides = array<i32>} : memref<128x128xf32, #tpu.memory_space<vmem>>, vector<1x16xf32>,
        %get3A_632 = vector.shape_cast %get3A_631 : vector<1x16xf32> to vector<16xf32>
        %max3A_633 = arith.constant 0.000000e+00 : f32
        %max3A_634 = vector.broadcast %max3A_633 : f32 to vector<16xf32>
        %max3A_635 = arith.maximumf %get3A_632, %max3A_634 : vector<16xf32>
        %mul3A_636 = arith.constant 4 : i32
        %mul3A_637 = arith.muli %scan3A_167, %mul3A_636 : i32
        %add3A_638 = arith.constant 2 : i32
        %add3A_639 = arith.addi %mul3A_637, %add3A_638 : i32
        %swap3A_640 = arith.index_cast %add3A_639 : i32 to index
        %swap3A_641 = arith.constant 112 : index
        %swap3A_642 = tpu.vector_load %arg11[%swap3A_640, %swap3A_641] {strides = array<i32>} : memref<128x128xf32, #tpu.memory_space<vmem>>, vector<1x16xf32>,
        %swap3A_643 = vector.shape_cast %swap3A_642 : vector<1x16xf32> to vector<16xf32>
        %swap3A_644 = vector.shape_cast %max3A_635 : vector<16xf32> to vector<1x16xf32>
        tpu.vector_store %arg11[%swap3A_640, %swap3A_641], %swap3A_644 {strides = array<i32>} : memref<128x128xf32, #tpu.memory_space<vmem>>, vector<1x16xf32>,
        %mul3A_645 = arith.constant 4 : i32
        %mul3A_646 = arith.muli %scan3A_167, %mul3A_645 : i32
        %add3A_647 = arith.constant 3 : i32
        %add3A_648 = arith.addi %mul3A_646, %add3A_647 : i32
        %get3A_649 = arith.index_cast %add3A_648 : i32 to index
        %get3A_650 = arith.constant 0 : index
        %get3A_651 = tpu.vector_load %arg9[%get3A_649, %get3A_650] {strides = array<i32>} : memref<128x128xf32, #tpu.memory_space<vmem>>, vector<1x16xf32>,
        %get3A_652 = vector.shape_cast %get3A_651 : vector<1x16xf32> to vector<16xf32>
        %max3A_653 = arith.constant 0.000000e+00 : f32
        %max3A_654 = vector.broadcast %max3A_653 : f32 to vector<16xf32>
        %max3A_655 = arith.maximumf %get3A_652, %max3A_654 : vector<16xf32>
        %mul3A_656 = arith.constant 4 : i32
        %mul3A_657 = arith.muli %scan3A_167, %mul3A_656 : i32
        %add3A_658 = arith.constant 3 : i32
        %add3A_659 = arith.addi %mul3A_657, %add3A_658 : i32
        %swap3A_660 = arith.index_cast %add3A_659 : i32 to index
        %swap3A_661 = arith.constant 0 : index
        %swap3A_662 = tpu.vector_load %arg11[%swap3A_660, %swap3A_661] {strides = array<i32>} : memref<128x128xf32, #tpu.memory_space<vmem>>, vector<1x16xf32>,
        %swap3A_663 = vector.shape_cast %swap3A_662 : vector<1x16xf32> to vector<16xf32>
        %swap3A_664 = vector.shape_cast %max3A_655 : vector<16xf32> to vector<1x16xf32>
        tpu.vector_store %arg11[%swap3A_660, %swap3A_661], %swap3A_664 {strides = array<i32>} : memref<128x128xf32, #tpu.memory_space<vmem>>, vector<1x16xf32>,
        %mul3A_665 = arith.constant 4 : i32
        %mul3A_666 = arith.muli %scan3A_167, %mul3A_665 : i32
        %add3A_667 = arith.constant 3 : i32
        %add3A_668 = arith.addi %mul3A_666, %add3A_667 : i32
        %get3A_669 = arith.index_cast %add3A_668 : i32 to index
        %get3A_670 = arith.constant 16 : index
        %get3A_671 = tpu.vector_load %arg9[%get3A_669, %get3A_670] {strides = array<i32>} : memref<128x128xf32, #tpu.memory_space<vmem>>, vector<1x16xf32>,
        %get3A_672 = vector.shape_cast %get3A_671 : vector<1x16xf32> to vector<16xf32>
        %max3A_673 = arith.constant 0.000000e+00 : f32
        %max3A_674 = vector.broadcast %max3A_673 : f32 to vector<16xf32>
        %max3A_675 = arith.maximumf %get3A_672, %max3A_674 : vector<16xf32>
        %mul3A_676 = arith.constant 4 : i32
        %mul3A_677 = arith.muli %scan3A_167, %mul3A_676 : i32
        %add3A_678 = arith.constant 3 : i32
        %add3A_679 = arith.addi %mul3A_677, %add3A_678 : i32
        %swap3A_680 = arith.index_cast %add3A_679 : i32 to index
        %swap3A_681 = arith.constant 16 : index
        %swap3A_682 = tpu.vector_load %arg11[%swap3A_680, %swap3A_681] {strides = array<i32>} : memref<128x128xf32, #tpu.memory_space<vmem>>, vector<1x16xf32>,
        %swap3A_683 = vector.shape_cast %swap3A_682 : vector<1x16xf32> to vector<16xf32>
        %swap3A_684 = vector.shape_cast %max3A_675 : vector<16xf32> to vector<1x16xf32>
        tpu.vector_store %arg11[%swap3A_680, %swap3A_681], %swap3A_684 {strides = array<i32>} : memref<128x128xf32, #tpu.memory_space<vmem>>, vector<1x16xf32>,
        %mul3A_685 = arith.constant 4 : i32
        %mul3A_686 = arith.muli %scan3A_167, %mul3A_685 : i32
        %add3A_687 = arith.constant 3 : i32
        %add3A_688 = arith.addi %mul3A_686, %add3A_687 : i32
        %get3A_689 = arith.index_cast %add3A_688 : i32 to index
        %get3A_690 = arith.constant 32 : index
        %get3A_691 = tpu.vector_load %arg9[%get3A_689, %get3A_690] {strides = array<i32>} : memref<128x128xf32, #tpu.memory_space<vmem>>, vector<1x16xf32>,
        %get3A_692 = vector.shape_cast %get3A_691 : vector<1x16xf32> to vector<16xf32>
        %max3A_693 = arith.constant 0.000000e+00 : f32
        %max3A_694 = vector.broadcast %max3A_693 : f32 to vector<16xf32>
        %max3A_695 = arith.maximumf %get3A_692, %max3A_694 : vector<16xf32>
        %mul3A_696 = arith.constant 4 : i32
        %mul3A_697 = arith.muli %scan3A_167, %mul3A_696 : i32
        %add3A_698 = arith.constant 3 : i32
        %add3A_699 = arith.addi %mul3A_697, %add3A_698 : i32
        %swap3A_700 = arith.index_cast %add3A_699 : i32 to index
        %swap3A_701 = arith.constant 32 : index
        %swap3A_702 = tpu.vector_load %arg11[%swap3A_700, %swap3A_701] {strides = array<i32>} : memref<128x128xf32, #tpu.memory_space<vmem>>, vector<1x16xf32>,
        %swap3A_703 = vector.shape_cast %swap3A_702 : vector<1x16xf32> to vector<16xf32>
        %swap3A_704 = vector.shape_cast %max3A_695 : vector<16xf32> to vector<1x16xf32>
        tpu.vector_store %arg11[%swap3A_700, %swap3A_701], %swap3A_704 {strides = array<i32>} : memref<128x128xf32, #tpu.memory_space<vmem>>, vector<1x16xf32>,
        %mul3A_705 = arith.constant 4 : i32
        %mul3A_706 = arith.muli %scan3A_167, %mul3A_705 : i32
        %add3A_707 = arith.constant 3 : i32
        %add3A_708 = arith.addi %mul3A_706, %add3A_707 : i32
        %get3A_709 = arith.index_cast %add3A_708 : i32 to index
        %get3A_710 = arith.constant 48 : index
        %get3A_711 = tpu.vector_load %arg9[%get3A_709, %get3A_710] {strides = array<i32>} : memref<128x128xf32, #tpu.memory_space<vmem>>, vector<1x16xf32>,
        %get3A_712 = vector.shape_cast %get3A_711 : vector<1x16xf32> to vector<16xf32>
        %max3A_713 = arith.constant 0.000000e+00 : f32
        %max3A_714 = vector.broadcast %max3A_713 : f32 to vector<16xf32>
        %max3A_715 = arith.maximumf %get3A_712, %max3A_714 : vector<16xf32>
        %mul3A_716 = arith.constant 4 : i32
        %mul3A_717 = arith.muli %scan3A_167, %mul3A_716 : i32
        %add3A_718 = arith.constant 3 : i32
        %add3A_719 = arith.addi %mul3A_717, %add3A_718 : i32
        %swap3A_720 = arith.index_cast %add3A_719 : i32 to index
        %swap3A_721 = arith.constant 48 : index
        %swap3A_722 = tpu.vector_load %arg11[%swap3A_720, %swap3A_721] {strides = array<i32>} : memref<128x128xf32, #tpu.memory_space<vmem>>, vector<1x16xf32>,
        %swap3A_723 = vector.shape_cast %swap3A_722 : vector<1x16xf32> to vector<16xf32>
        %swap3A_724 = vector.shape_cast %max3A_715 : vector<16xf32> to vector<1x16xf32>
        tpu.vector_store %arg11[%swap3A_720, %swap3A_721], %swap3A_724 {strides = array<i32>} : memref<128x128xf32, #tpu.memory_space<vmem>>, vector<1x16xf32>,
        %mul3A_725 = arith.constant 4 : i32
        %mul3A_726 = arith.muli %scan3A_167, %mul3A_725 : i32
        %add3A_727 = arith.constant 3 : i32
        %add3A_728 = arith.addi %mul3A_726, %add3A_727 : i32
        %get3A_729 = arith.index_cast %add3A_728 : i32 to index
        %get3A_730 = arith.constant 64 : index
        %get3A_731 = tpu.vector_load %arg9[%get3A_729, %get3A_730] {strides = array<i32>} : memref<128x128xf32, #tpu.memory_space<vmem>>, vector<1x16xf32>,
        %get3A_732 = vector.shape_cast %get3A_731 : vector<1x16xf32> to vector<16xf32>
        %max3A_733 = arith.constant 0.000000e+00 : f32
        %max3A_734 = vector.broadcast %max3A_733 : f32 to vector<16xf32>
        %max3A_735 = arith.maximumf %get3A_732, %max3A_734 : vector<16xf32>
        %mul3A_736 = arith.constant 4 : i32
        %mul3A_737 = arith.muli %scan3A_167, %mul3A_736 : i32
        %add3A_738 = arith.constant 3 : i32
        %add3A_739 = arith.addi %mul3A_737, %add3A_738 : i32
        %swap3A_740 = arith.index_cast %add3A_739 : i32 to index
        %swap3A_741 = arith.constant 64 : index
        %swap3A_742 = tpu.vector_load %arg11[%swap3A_740, %swap3A_741] {strides = array<i32>} : memref<128x128xf32, #tpu.memory_space<vmem>>, vector<1x16xf32>,
        %swap3A_743 = vector.shape_cast %swap3A_742 : vector<1x16xf32> to vector<16xf32>
        %swap3A_744 = vector.shape_cast %max3A_735 : vector<16xf32> to vector<1x16xf32>
        tpu.vector_store %arg11[%swap3A_740, %swap3A_741], %swap3A_744 {strides = array<i32>} : memref<128x128xf32, #tpu.memory_space<vmem>>, vector<1x16xf32>,
        %mul3A_745 = arith.constant 4 : i32
        %mul3A_746 = arith.muli %scan3A_167, %mul3A_745 : i32
        %add3A_747 = arith.constant 3 : i32
        %add3A_748 = arith.addi %mul3A_746, %add3A_747 : i32
        %get3A_749 = arith.index_cast %add3A_748 : i32 to index
        %get3A_750 = arith.constant 80 : index
        %get3A_751 = tpu.vector_load %arg9[%get3A_749, %get3A_750] {strides = array<i32>} : memref<128x128xf32, #tpu.memory_space<vmem>>, vector<1x16xf32>,
        %get3A_752 = vector.shape_cast %get3A_751 : vector<1x16xf32> to vector<16xf32>
        %max3A_753 = arith.constant 0.000000e+00 : f32
        %max3A_754 = vector.broadcast %max3A_753 : f32 to vector<16xf32>
        %max3A_755 = arith.maximumf %get3A_752, %max3A_754 : vector<16xf32>
        %mul3A_756 = arith.constant 4 : i32
        %mul3A_757 = arith.muli %scan3A_167, %mul3A_756 : i32
        %add3A_758 = arith.constant 3 : i32
        %add3A_759 = arith.addi %mul3A_757, %add3A_758 : i32
        %swap3A_760 = arith.index_cast %add3A_759 : i32 to index
        %swap3A_761 = arith.constant 80 : index
        %swap3A_762 = tpu.vector_load %arg11[%swap3A_760, %swap3A_761] {strides = array<i32>} : memref<128x128xf32, #tpu.memory_space<vmem>>, vector<1x16xf32>,
        %swap3A_763 = vector.shape_cast %swap3A_762 : vector<1x16xf32> to vector<16xf32>
        %swap3A_764 = vector.shape_cast %max3A_755 : vector<16xf32> to vector<1x16xf32>
        tpu.vector_store %arg11[%swap3A_760, %swap3A_761], %swap3A_764 {strides = array<i32>} : memref<128x128xf32, #tpu.memory_space<vmem>>, vector<1x16xf32>,
        %mul3A_765 = arith.constant 4 : i32
        %mul3A_766 = arith.muli %scan3A_167, %mul3A_765 : i32
        %add3A_767 = arith.constant 3 : i32
        %add3A_768 = arith.addi %mul3A_766, %add3A_767 : i32
        %get3A_769 = arith.index_cast %add3A_768 : i32 to index
        %get3A_770 = arith.constant 96 : index
        %get3A_771 = tpu.vector_load %arg9[%get3A_769, %get3A_770] {strides = array<i32>} : memref<128x128xf32, #tpu.memory_space<vmem>>, vector<1x16xf32>,
        %get3A_772 = vector.shape_cast %get3A_771 : vector<1x16xf32> to vector<16xf32>
        %max3A_773 = arith.constant 0.000000e+00 : f32
        %max3A_774 = vector.broadcast %max3A_773 : f32 to vector<16xf32>
        %max3A_775 = arith.maximumf %get3A_772, %max3A_774 : vector<16xf32>
        %mul3A_776 = arith.constant 4 : i32
        %mul3A_777 = arith.muli %scan3A_167, %mul3A_776 : i32
        %add3A_778 = arith.constant 3 : i32
        %add3A_779 = arith.addi %mul3A_777, %add3A_778 : i32
        %swap3A_780 = arith.index_cast %add3A_779 : i32 to index
        %swap3A_781 = arith.constant 96 : index
        %swap3A_782 = tpu.vector_load %arg11[%swap3A_780, %swap3A_781] {strides = array<i32>} : memref<128x128xf32, #tpu.memory_space<vmem>>, vector<1x16xf32>,
        %swap3A_783 = vector.shape_cast %swap3A_782 : vector<1x16xf32> to vector<16xf32>
        %swap3A_784 = vector.shape_cast %max3A_775 : vector<16xf32> to vector<1x16xf32>
        tpu.vector_store %arg11[%swap3A_780, %swap3A_781], %swap3A_784 {strides = array<i32>} : memref<128x128xf32, #tpu.memory_space<vmem>>, vector<1x16xf32>,
        %mul3A_785 = arith.constant 4 : i32
        %mul3A_786 = arith.muli %scan3A_167, %mul3A_785 : i32
        %add3A_787 = arith.constant 3 : i32
        %add3A_788 = arith.addi %mul3A_786, %add3A_787 : i32
        %get3A_789 = arith.index_cast %add3A_788 : i32 to index
        %get3A_790 = arith.constant 112 : index
        %get3A_791 = tpu.vector_load %arg9[%get3A_789, %get3A_790] {strides = array<i32>} : memref<128x128xf32, #tpu.memory_space<vmem>>, vector<1x16xf32>,
        %get3A_792 = vector.shape_cast %get3A_791 : vector<1x16xf32> to vector<16xf32>
        %max3A_793 = arith.constant 0.000000e+00 : f32
        %max3A_794 = vector.broadcast %max3A_793 : f32 to vector<16xf32>
        %max3A_795 = arith.maximumf %get3A_792, %max3A_794 : vector<16xf32>
        %mul3A_796 = arith.constant 4 : i32
        %mul3A_797 = arith.muli %scan3A_167, %mul3A_796 : i32
        %add3A_798 = arith.constant 3 : i32
        %add3A_799 = arith.addi %mul3A_797, %add3A_798 : i32
        %swap3A_800 = arith.index_cast %add3A_799 : i32 to index
        %swap3A_801 = arith.constant 112 : index
        %swap3A_802 = tpu.vector_load %arg11[%swap3A_800, %swap3A_801] {strides = array<i32>} : memref<128x128xf32, #tpu.memory_space<vmem>>, vector<1x16xf32>,
        %swap3A_803 = vector.shape_cast %swap3A_802 : vector<1x16xf32> to vector<16xf32>
        %swap3A_804 = vector.shape_cast %max3A_795 : vector<16xf32> to vector<1x16xf32>
        tpu.vector_store %arg11[%swap3A_800, %swap3A_801], %swap3A_804 {strides = array<i32>} : memref<128x128xf32, #tpu.memory_space<vmem>>, vector<1x16xf32>,
      }
      %scan3A_108 = arith.constant 32 : i32
      %dma_start3A_109 = arith.constant 0 : i32
      %dma_start3A_110 = tpu.memref_slice %arg7[%add3A_82, %dma_start3A_109] : memref<32x128xi32, #tpu.memory_space<vmem>> -> memref<1x128xi32, #tpu.memory_space<vmem>>
      %dma_start3A_111 = tpu.memref_squeeze %dma_start3A_110 : memref<1x128xi32, #tpu.memory_space<vmem>> -> memref<128xi32, #tpu.memory_space<vmem>>
      %dma_start3A_112 = arith.constant 0 : i32
      %dma_start3A_113 = arith.constant 0 : i32
      %dma_start3A_114 = tpu.memref_slice %arg14[%dma_start3A_112, %dma_start3A_113] : memref<4096x128xf32, #tpu.memory_space<vmem_shared>> -> memref<4096x128xf32, #tpu.memory_space<vmem_shared>>
      tpu.enqueue_indirect_dma source(%arg11 : memref<128x128xf32, #tpu.memory_space<vmem>>) target(%dma_start3A_114 : memref<4096x128xf32, #tpu.memory_space<vmem_shared>>) offsets(%dma_start3A_111 : memref<128xi32, #tpu.memory_space<vmem>>) semaphore(%arg17 : memref<!tpu.dma_semaphore, #tpu.memory_space<semaphore_mem>>) {add = true}
      %add3A_115 = arith.constant 2 : i32
      %add3A_116 = arith.addi %add3A_82, %add3A_115 : i32
      %lt3A = arith.constant 32 : i32
      %lt3A_117 = arith.cmpi slt, %add3A_116, %lt3A : i32
      %convert_element_type3A_118 = arith.extui %lt3A_117 : i1 to i32
      %cond3A_119 = arith.constant 0 : i32
      %cond3A_120 = arith.cmpi ne, %convert_element_type3A_118, %cond3A_119 : i32
      scf.if %cond3A_120 {
        %add3A_167 = arith.constant 2 : i32
        %add3A_168 = arith.addi %add3A_82, %add3A_167 : i32
        %dma_start3A_169 = arith.constant 0 : i32
        %dma_start3A_170 = tpu.memref_slice %arg7[%add3A_168, %dma_start3A_169] : memref<32x128xi32, #tpu.memory_space<vmem>> -> memref<1x128xi32, #tpu.memory_space<vmem>>
        %dma_start3A_171 = tpu.memref_squeeze %dma_start3A_170 : memref<1x128xi32, #tpu.memory_space<vmem>> -> memref<128xi32, #tpu.memory_space<vmem>>
        %dma_start3A_172 = arith.constant 0 : i32
        %dma_start3A_173 = arith.constant 0 : i32
        %dma_start3A_174 = tpu.memref_slice %arg2[%dma_start3A_172, %dma_start3A_173] : memref<4096x128xf32, #tpu.memory_space<hbm>> -> memref<4096x128xf32, #tpu.memory_space<hbm>>
        tpu.enqueue_indirect_dma source(%dma_start3A_174 : memref<4096x128xf32, #tpu.memory_space<hbm>>) target(%arg9 : memref<128x128xf32, #tpu.memory_space<vmem>>) offsets(%dma_start3A_171 : memref<128xi32, #tpu.memory_space<vmem>>) semaphore(%arg15 : memref<!tpu.dma_semaphore, #tpu.memory_space<semaphore_mem>>)
      } else {
      }
      %mul3A_121 = arith.constant 2 : i32
      %mul3A_122 = arith.muli %scan3A_78, %mul3A_121 : i32
      %add3A_123 = arith.constant 1 : i32
      %add3A_124 = arith.addi %mul3A_122, %add3A_123 : i32
      %dma_wait3A_125 = arith.constant 0 : i32
      %dma_wait3A_126 = tpu.memref_slice %arg7[%add3A_124, %dma_wait3A_125] : memref<32x128xi32, #tpu.memory_space<vmem>> -> memref<1x128xi32, #tpu.memory_space<vmem>>
      %dma_wait3A_127 = tpu.memref_squeeze %dma_wait3A_126 : memref<1x128xi32, #tpu.memory_space<vmem>> -> memref<128xi32, #tpu.memory_space<vmem>>
      %dma_wait3A_128 = arith.constant 0 : i32
      %dma_wait3A_129 = arith.constant 0 : i32
      %dma_wait3A_130 = tpu.memref_slice %arg2[%dma_wait3A_128, %dma_wait3A_129] : memref<4096x128xf32, #tpu.memory_space<hbm>> -> memref<4096x128xf32, #tpu.memory_space<hbm>>
      tpu.wait_indirect_dma semaphore(%arg16 : memref<!tpu.dma_semaphore, #tpu.memory_space<semaphore_mem>>) src(%dma_wait3A_130 : memref<4096x128xf32, #tpu.memory_space<hbm>>) dst(%arg10 : memref<128x128xf32, #tpu.memory_space<vmem>>)
      %dma_start3A_131 = arith.constant 0 : i32
      %dma_start3A_132 = tpu.memref_slice %arg8[%add3A_124, %dma_start3A_131] : memref<32x128xi32, #tpu.memory_space<vmem>> -> memref<1x128xi32, #tpu.memory_space<vmem>>
      %dma_start3A_133 = tpu.memref_squeeze %dma_start3A_132 : memref<1x128xi32, #tpu.memory_space<vmem>> -> memref<128xi32, #tpu.memory_space<vmem>>
      %dma_start3A_134 = arith.constant 0 : i32
      %dma_start3A_135 = arith.constant 0 : i32
      %dma_start3A_136 = tpu.memref_slice %arg3[%dma_start3A_134, %dma_start3A_135] : memref<4096x128xf32, #tpu.memory_space<hbm>> -> memref<4096x128xf32, #tpu.memory_space<hbm>>
      tpu.enqueue_indirect_dma source(%dma_start3A_136 : memref<4096x128xf32, #tpu.memory_space<hbm>>) target(%arg10 : memref<128x128xf32, #tpu.memory_space<vmem>>) offsets(%dma_start3A_133 : memref<128xi32, #tpu.memory_space<vmem>>) semaphore(%arg16 : memref<!tpu.dma_semaphore, #tpu.memory_space<semaphore_mem>>) {add = true}
      %dma_wait3A_137 = arith.constant 0 : i32
      %dma_wait3A_138 = tpu.memref_slice %arg8[%add3A_124, %dma_wait3A_137] : memref<32x128xi32, #tpu.memory_space<vmem>> -> memref<1x128xi32, #tpu.memory_space<vmem>>
      %dma_wait3A_139 = tpu.memref_squeeze %dma_wait3A_138 : memref<1x128xi32, #tpu.memory_space<vmem>> -> memref<128xi32, #tpu.memory_space<vmem>>
      %dma_wait3A_140 = arith.constant 0 : i32
      %dma_wait3A_141 = arith.constant 0 : i32
      %dma_wait3A_142 = tpu.memref_slice %arg3[%dma_wait3A_140, %dma_wait3A_141] : memref<4096x128xf32, #tpu.memory_space<hbm>> -> memref<4096x128xf32, #tpu.memory_space<hbm>>
      tpu.wait_indirect_dma semaphore(%arg16 : memref<!tpu.dma_semaphore, #tpu.memory_space<semaphore_mem>>) src(%dma_wait3A_142 : memref<4096x128xf32, #tpu.memory_space<hbm>>) dst(%arg10 : memref<128x128xf32, #tpu.memory_space<vmem>>)
      %ge3A_143 = arith.constant 2 : i32
      %ge3A_144 = arith.cmpi sge, %add3A_124, %ge3A_143 : i32
      %convert_element_type3A_145 = arith.extui %ge3A_144 : i1 to i32
      %cond3A_146 = arith.constant 0 : i32
      %cond3A_147 = arith.cmpi ne, %convert_element_type3A_145, %cond3A_146 : i32
      scf.if %cond3A_147 {
        %sub3A = arith.constant 2 : i32
        %sub3A_167 = arith.subi %add3A_124, %sub3A : i32
        %dma_wait3A_168 = arith.constant 0 : i32
        %dma_wait3A_169 = tpu.memref_slice %arg7[%sub3A_167, %dma_wait3A_168] : memref<32x128xi32, #tpu.memory_space<vmem>> -> memref<1x128xi32, #tpu.memory_space<vmem>>
        %dma_wait3A_170 = tpu.memref_squeeze %dma_wait3A_169 : memref<1x128xi32, #tpu.memory_space<vmem>> -> memref<128xi32, #tpu.memory_space<vmem>>
        %dma_wait3A_171 = arith.constant 0 : i32
        %dma_wait3A_172 = arith.constant 0 : i32
        %dma_wait3A_173 = tpu.memref_slice %arg14[%dma_wait3A_171, %dma_wait3A_172] : memref<4096x128xf32, #tpu.memory_space<vmem_shared>> -> memref<4096x128xf32, #tpu.memory_space<vmem_shared>>
        tpu.wait_indirect_dma semaphore(%arg18 : memref<!tpu.dma_semaphore, #tpu.memory_space<semaphore_mem>>) src(%arg12 : memref<128x128xf32, #tpu.memory_space<vmem>>) dst(%dma_wait3A_173 : memref<4096x128xf32, #tpu.memory_space<vmem_shared>>)
      } else {
      }
      %scan3A_148 = arith.constant 0 : i32
      %scan3A_149 = arith.constant 0 : i32
      %scan3A_150 = arith.constant 32 : i32
      %scan3A_151 = arith.addi %scan3A_149, %scan3A_150 : i32
      %scan3A_152 = arith.constant 1 : i32
      scf.for %scan3A_167 = %scan3A_149 to %scan3A_151 step %scan3A_152  : i32 {
        %mul3A_168 = arith.constant 4 : i32
        %mul3A_169 = arith.muli %scan3A_167, %mul3A_168 : i32
        %add3A_170 = arith.constant 0 : i32
        %add3A_171 = arith.addi %mul3A_169, %add3A_170 : i32
        %get3A = arith.index_cast %add3A_171 : i32 to index
        %get3A_172 = arith.constant 0 : index
        %get3A_173 = tpu.vector_load %arg10[%get3A, %get3A_172] {strides = array<i32>} : memref<128x128xf32, #tpu.memory_space<vmem>>, vector<1x16xf32>,
        %get3A_174 = vector.shape_cast %get3A_173 : vector<1x16xf32> to vector<16xf32>
        %max3A = arith.constant 0.000000e+00 : f32
        %max3A_175 = vector.broadcast %max3A : f32 to vector<16xf32>
        %max3A_176 = arith.maximumf %get3A_174, %max3A_175 : vector<16xf32>
        %mul3A_177 = arith.constant 4 : i32
        %mul3A_178 = arith.muli %scan3A_167, %mul3A_177 : i32
        %add3A_179 = arith.constant 0 : i32
        %add3A_180 = arith.addi %mul3A_178, %add3A_179 : i32
        %swap3A = arith.index_cast %add3A_180 : i32 to index
        %swap3A_181 = arith.constant 0 : index
        %swap3A_182 = tpu.vector_load %arg12[%swap3A, %swap3A_181] {strides = array<i32>} : memref<128x128xf32, #tpu.memory_space<vmem>>, vector<1x16xf32>,
        %swap3A_183 = vector.shape_cast %swap3A_182 : vector<1x16xf32> to vector<16xf32>
        %swap3A_184 = vector.shape_cast %max3A_176 : vector<16xf32> to vector<1x16xf32>
        tpu.vector_store %arg12[%swap3A, %swap3A_181], %swap3A_184 {strides = array<i32>} : memref<128x128xf32, #tpu.memory_space<vmem>>, vector<1x16xf32>,
        %mul3A_185 = arith.constant 4 : i32
        %mul3A_186 = arith.muli %scan3A_167, %mul3A_185 : i32
        %add3A_187 = arith.constant 0 : i32
        %add3A_188 = arith.addi %mul3A_186, %add3A_187 : i32
        %get3A_189 = arith.index_cast %add3A_188 : i32 to index
        %get3A_190 = arith.constant 16 : index
        %get3A_191 = tpu.vector_load %arg10[%get3A_189, %get3A_190] {strides = array<i32>} : memref<128x128xf32, #tpu.memory_space<vmem>>, vector<1x16xf32>,
        %get3A_192 = vector.shape_cast %get3A_191 : vector<1x16xf32> to vector<16xf32>
        %max3A_193 = arith.constant 0.000000e+00 : f32
        %max3A_194 = vector.broadcast %max3A_193 : f32 to vector<16xf32>
        %max3A_195 = arith.maximumf %get3A_192, %max3A_194 : vector<16xf32>
        %mul3A_196 = arith.constant 4 : i32
        %mul3A_197 = arith.muli %scan3A_167, %mul3A_196 : i32
        %add3A_198 = arith.constant 0 : i32
        %add3A_199 = arith.addi %mul3A_197, %add3A_198 : i32
        %swap3A_200 = arith.index_cast %add3A_199 : i32 to index
        %swap3A_201 = arith.constant 16 : index
        %swap3A_202 = tpu.vector_load %arg12[%swap3A_200, %swap3A_201] {strides = array<i32>} : memref<128x128xf32, #tpu.memory_space<vmem>>, vector<1x16xf32>,
        %swap3A_203 = vector.shape_cast %swap3A_202 : vector<1x16xf32> to vector<16xf32>
        %swap3A_204 = vector.shape_cast %max3A_195 : vector<16xf32> to vector<1x16xf32>
        tpu.vector_store %arg12[%swap3A_200, %swap3A_201], %swap3A_204 {strides = array<i32>} : memref<128x128xf32, #tpu.memory_space<vmem>>, vector<1x16xf32>,
        %mul3A_205 = arith.constant 4 : i32
        %mul3A_206 = arith.muli %scan3A_167, %mul3A_205 : i32
        %add3A_207 = arith.constant 0 : i32
        %add3A_208 = arith.addi %mul3A_206, %add3A_207 : i32
        %get3A_209 = arith.index_cast %add3A_208 : i32 to index
        %get3A_210 = arith.constant 32 : index
        %get3A_211 = tpu.vector_load %arg10[%get3A_209, %get3A_210] {strides = array<i32>} : memref<128x128xf32, #tpu.memory_space<vmem>>, vector<1x16xf32>,
        %get3A_212 = vector.shape_cast %get3A_211 : vector<1x16xf32> to vector<16xf32>
        %max3A_213 = arith.constant 0.000000e+00 : f32
        %max3A_214 = vector.broadcast %max3A_213 : f32 to vector<16xf32>
        %max3A_215 = arith.maximumf %get3A_212, %max3A_214 : vector<16xf32>
        %mul3A_216 = arith.constant 4 : i32
        %mul3A_217 = arith.muli %scan3A_167, %mul3A_216 : i32
        %add3A_218 = arith.constant 0 : i32
        %add3A_219 = arith.addi %mul3A_217, %add3A_218 : i32
        %swap3A_220 = arith.index_cast %add3A_219 : i32 to index
        %swap3A_221 = arith.constant 32 : index
        %swap3A_222 = tpu.vector_load %arg12[%swap3A_220, %swap3A_221] {strides = array<i32>} : memref<128x128xf32, #tpu.memory_space<vmem>>, vector<1x16xf32>,
        %swap3A_223 = vector.shape_cast %swap3A_222 : vector<1x16xf32> to vector<16xf32>
        %swap3A_224 = vector.shape_cast %max3A_215 : vector<16xf32> to vector<1x16xf32>
        tpu.vector_store %arg12[%swap3A_220, %swap3A_221], %swap3A_224 {strides = array<i32>} : memref<128x128xf32, #tpu.memory_space<vmem>>, vector<1x16xf32>,
        %mul3A_225 = arith.constant 4 : i32
        %mul3A_226 = arith.muli %scan3A_167, %mul3A_225 : i32
        %add3A_227 = arith.constant 0 : i32
        %add3A_228 = arith.addi %mul3A_226, %add3A_227 : i32
        %get3A_229 = arith.index_cast %add3A_228 : i32 to index
        %get3A_230 = arith.constant 48 : index
        %get3A_231 = tpu.vector_load %arg10[%get3A_229, %get3A_230] {strides = array<i32>} : memref<128x128xf32, #tpu.memory_space<vmem>>, vector<1x16xf32>,
        %get3A_232 = vector.shape_cast %get3A_231 : vector<1x16xf32> to vector<16xf32>
        %max3A_233 = arith.constant 0.000000e+00 : f32
        %max3A_234 = vector.broadcast %max3A_233 : f32 to vector<16xf32>
        %max3A_235 = arith.maximumf %get3A_232, %max3A_234 : vector<16xf32>
        %mul3A_236 = arith.constant 4 : i32
        %mul3A_237 = arith.muli %scan3A_167, %mul3A_236 : i32
        %add3A_238 = arith.constant 0 : i32
        %add3A_239 = arith.addi %mul3A_237, %add3A_238 : i32
        %swap3A_240 = arith.index_cast %add3A_239 : i32 to index
        %swap3A_241 = arith.constant 48 : index
        %swap3A_242 = tpu.vector_load %arg12[%swap3A_240, %swap3A_241] {strides = array<i32>} : memref<128x128xf32, #tpu.memory_space<vmem>>, vector<1x16xf32>,
        %swap3A_243 = vector.shape_cast %swap3A_242 : vector<1x16xf32> to vector<16xf32>
        %swap3A_244 = vector.shape_cast %max3A_235 : vector<16xf32> to vector<1x16xf32>
        tpu.vector_store %arg12[%swap3A_240, %swap3A_241], %swap3A_244 {strides = array<i32>} : memref<128x128xf32, #tpu.memory_space<vmem>>, vector<1x16xf32>,
        %mul3A_245 = arith.constant 4 : i32
        %mul3A_246 = arith.muli %scan3A_167, %mul3A_245 : i32
        %add3A_247 = arith.constant 0 : i32
        %add3A_248 = arith.addi %mul3A_246, %add3A_247 : i32
        %get3A_249 = arith.index_cast %add3A_248 : i32 to index
        %get3A_250 = arith.constant 64 : index
        %get3A_251 = tpu.vector_load %arg10[%get3A_249, %get3A_250] {strides = array<i32>} : memref<128x128xf32, #tpu.memory_space<vmem>>, vector<1x16xf32>,
        %get3A_252 = vector.shape_cast %get3A_251 : vector<1x16xf32> to vector<16xf32>
        %max3A_253 = arith.constant 0.000000e+00 : f32
        %max3A_254 = vector.broadcast %max3A_253 : f32 to vector<16xf32>
        %max3A_255 = arith.maximumf %get3A_252, %max3A_254 : vector<16xf32>
        %mul3A_256 = arith.constant 4 : i32
        %mul3A_257 = arith.muli %scan3A_167, %mul3A_256 : i32
        %add3A_258 = arith.constant 0 : i32
        %add3A_259 = arith.addi %mul3A_257, %add3A_258 : i32
        %swap3A_260 = arith.index_cast %add3A_259 : i32 to index
        %swap3A_261 = arith.constant 64 : index
        %swap3A_262 = tpu.vector_load %arg12[%swap3A_260, %swap3A_261] {strides = array<i32>} : memref<128x128xf32, #tpu.memory_space<vmem>>, vector<1x16xf32>,
        %swap3A_263 = vector.shape_cast %swap3A_262 : vector<1x16xf32> to vector<16xf32>
        %swap3A_264 = vector.shape_cast %max3A_255 : vector<16xf32> to vector<1x16xf32>
        tpu.vector_store %arg12[%swap3A_260, %swap3A_261], %swap3A_264 {strides = array<i32>} : memref<128x128xf32, #tpu.memory_space<vmem>>, vector<1x16xf32>,
        %mul3A_265 = arith.constant 4 : i32
        %mul3A_266 = arith.muli %scan3A_167, %mul3A_265 : i32
        %add3A_267 = arith.constant 0 : i32
        %add3A_268 = arith.addi %mul3A_266, %add3A_267 : i32
        %get3A_269 = arith.index_cast %add3A_268 : i32 to index
        %get3A_270 = arith.constant 80 : index
        %get3A_271 = tpu.vector_load %arg10[%get3A_269, %get3A_270] {strides = array<i32>} : memref<128x128xf32, #tpu.memory_space<vmem>>, vector<1x16xf32>,
        %get3A_272 = vector.shape_cast %get3A_271 : vector<1x16xf32> to vector<16xf32>
        %max3A_273 = arith.constant 0.000000e+00 : f32
        %max3A_274 = vector.broadcast %max3A_273 : f32 to vector<16xf32>
        %max3A_275 = arith.maximumf %get3A_272, %max3A_274 : vector<16xf32>
        %mul3A_276 = arith.constant 4 : i32
        %mul3A_277 = arith.muli %scan3A_167, %mul3A_276 : i32
        %add3A_278 = arith.constant 0 : i32
        %add3A_279 = arith.addi %mul3A_277, %add3A_278 : i32
        %swap3A_280 = arith.index_cast %add3A_279 : i32 to index
        %swap3A_281 = arith.constant 80 : index
        %swap3A_282 = tpu.vector_load %arg12[%swap3A_280, %swap3A_281] {strides = array<i32>} : memref<128x128xf32, #tpu.memory_space<vmem>>, vector<1x16xf32>,
        %swap3A_283 = vector.shape_cast %swap3A_282 : vector<1x16xf32> to vector<16xf32>
        %swap3A_284 = vector.shape_cast %max3A_275 : vector<16xf32> to vector<1x16xf32>
        tpu.vector_store %arg12[%swap3A_280, %swap3A_281], %swap3A_284 {strides = array<i32>} : memref<128x128xf32, #tpu.memory_space<vmem>>, vector<1x16xf32>,
        %mul3A_285 = arith.constant 4 : i32
        %mul3A_286 = arith.muli %scan3A_167, %mul3A_285 : i32
        %add3A_287 = arith.constant 0 : i32
        %add3A_288 = arith.addi %mul3A_286, %add3A_287 : i32
        %get3A_289 = arith.index_cast %add3A_288 : i32 to index
        %get3A_290 = arith.constant 96 : index
        %get3A_291 = tpu.vector_load %arg10[%get3A_289, %get3A_290] {strides = array<i32>} : memref<128x128xf32, #tpu.memory_space<vmem>>, vector<1x16xf32>,
        %get3A_292 = vector.shape_cast %get3A_291 : vector<1x16xf32> to vector<16xf32>
        %max3A_293 = arith.constant 0.000000e+00 : f32
        %max3A_294 = vector.broadcast %max3A_293 : f32 to vector<16xf32>
        %max3A_295 = arith.maximumf %get3A_292, %max3A_294 : vector<16xf32>
        %mul3A_296 = arith.constant 4 : i32
        %mul3A_297 = arith.muli %scan3A_167, %mul3A_296 : i32
        %add3A_298 = arith.constant 0 : i32
        %add3A_299 = arith.addi %mul3A_297, %add3A_298 : i32
        %swap3A_300 = arith.index_cast %add3A_299 : i32 to index
        %swap3A_301 = arith.constant 96 : index
        %swap3A_302 = tpu.vector_load %arg12[%swap3A_300, %swap3A_301] {strides = array<i32>} : memref<128x128xf32, #tpu.memory_space<vmem>>, vector<1x16xf32>,
        %swap3A_303 = vector.shape_cast %swap3A_302 : vector<1x16xf32> to vector<16xf32>
        %swap3A_304 = vector.shape_cast %max3A_295 : vector<16xf32> to vector<1x16xf32>
        tpu.vector_store %arg12[%swap3A_300, %swap3A_301], %swap3A_304 {strides = array<i32>} : memref<128x128xf32, #tpu.memory_space<vmem>>, vector<1x16xf32>,
        %mul3A_305 = arith.constant 4 : i32
        %mul3A_306 = arith.muli %scan3A_167, %mul3A_305 : i32
        %add3A_307 = arith.constant 0 : i32
        %add3A_308 = arith.addi %mul3A_306, %add3A_307 : i32
        %get3A_309 = arith.index_cast %add3A_308 : i32 to index
        %get3A_310 = arith.constant 112 : index
        %get3A_311 = tpu.vector_load %arg10[%get3A_309, %get3A_310] {strides = array<i32>} : memref<128x128xf32, #tpu.memory_space<vmem>>, vector<1x16xf32>,
        %get3A_312 = vector.shape_cast %get3A_311 : vector<1x16xf32> to vector<16xf32>
        %max3A_313 = arith.constant 0.000000e+00 : f32
        %max3A_314 = vector.broadcast %max3A_313 : f32 to vector<16xf32>
        %max3A_315 = arith.maximumf %get3A_312, %max3A_314 : vector<16xf32>
        %mul3A_316 = arith.constant 4 : i32
        %mul3A_317 = arith.muli %scan3A_167, %mul3A_316 : i32
        %add3A_318 = arith.constant 0 : i32
        %add3A_319 = arith.addi %mul3A_317, %add3A_318 : i32
        %swap3A_320 = arith.index_cast %add3A_319 : i32 to index
        %swap3A_321 = arith.constant 112 : index
        %swap3A_322 = tpu.vector_load %arg12[%swap3A_320, %swap3A_321] {strides = array<i32>} : memref<128x128xf32, #tpu.memory_space<vmem>>, vector<1x16xf32>,
        %swap3A_323 = vector.shape_cast %swap3A_322 : vector<1x16xf32> to vector<16xf32>
        %swap3A_324 = vector.shape_cast %max3A_315 : vector<16xf32> to vector<1x16xf32>
        tpu.vector_store %arg12[%swap3A_320, %swap3A_321], %swap3A_324 {strides = array<i32>} : memref<128x128xf32, #tpu.memory_space<vmem>>, vector<1x16xf32>,
        %mul3A_325 = arith.constant 4 : i32
        %mul3A_326 = arith.muli %scan3A_167, %mul3A_325 : i32
        %add3A_327 = arith.constant 1 : i32
        %add3A_328 = arith.addi %mul3A_326, %add3A_327 : i32
        %get3A_329 = arith.index_cast %add3A_328 : i32 to index
        %get3A_330 = arith.constant 0 : index
        %get3A_331 = tpu.vector_load %arg10[%get3A_329, %get3A_330] {strides = array<i32>} : memref<128x128xf32, #tpu.memory_space<vmem>>, vector<1x16xf32>,
        %get3A_332 = vector.shape_cast %get3A_331 : vector<1x16xf32> to vector<16xf32>
        %max3A_333 = arith.constant 0.000000e+00 : f32
        %max3A_334 = vector.broadcast %max3A_333 : f32 to vector<16xf32>
        %max3A_335 = arith.maximumf %get3A_332, %max3A_334 : vector<16xf32>
        %mul3A_336 = arith.constant 4 : i32
        %mul3A_337 = arith.muli %scan3A_167, %mul3A_336 : i32
        %add3A_338 = arith.constant 1 : i32
        %add3A_339 = arith.addi %mul3A_337, %add3A_338 : i32
        %swap3A_340 = arith.index_cast %add3A_339 : i32 to index
        %swap3A_341 = arith.constant 0 : index
        %swap3A_342 = tpu.vector_load %arg12[%swap3A_340, %swap3A_341] {strides = array<i32>} : memref<128x128xf32, #tpu.memory_space<vmem>>, vector<1x16xf32>,
        %swap3A_343 = vector.shape_cast %swap3A_342 : vector<1x16xf32> to vector<16xf32>
        %swap3A_344 = vector.shape_cast %max3A_335 : vector<16xf32> to vector<1x16xf32>
        tpu.vector_store %arg12[%swap3A_340, %swap3A_341], %swap3A_344 {strides = array<i32>} : memref<128x128xf32, #tpu.memory_space<vmem>>, vector<1x16xf32>,
        %mul3A_345 = arith.constant 4 : i32
        %mul3A_346 = arith.muli %scan3A_167, %mul3A_345 : i32
        %add3A_347 = arith.constant 1 : i32
        %add3A_348 = arith.addi %mul3A_346, %add3A_347 : i32
        %get3A_349 = arith.index_cast %add3A_348 : i32 to index
        %get3A_350 = arith.constant 16 : index
        %get3A_351 = tpu.vector_load %arg10[%get3A_349, %get3A_350] {strides = array<i32>} : memref<128x128xf32, #tpu.memory_space<vmem>>, vector<1x16xf32>,
        %get3A_352 = vector.shape_cast %get3A_351 : vector<1x16xf32> to vector<16xf32>
        %max3A_353 = arith.constant 0.000000e+00 : f32
        %max3A_354 = vector.broadcast %max3A_353 : f32 to vector<16xf32>
        %max3A_355 = arith.maximumf %get3A_352, %max3A_354 : vector<16xf32>
        %mul3A_356 = arith.constant 4 : i32
        %mul3A_357 = arith.muli %scan3A_167, %mul3A_356 : i32
        %add3A_358 = arith.constant 1 : i32
        %add3A_359 = arith.addi %mul3A_357, %add3A_358 : i32
        %swap3A_360 = arith.index_cast %add3A_359 : i32 to index
        %swap3A_361 = arith.constant 16 : index
        %swap3A_362 = tpu.vector_load %arg12[%swap3A_360, %swap3A_361] {strides = array<i32>} : memref<128x128xf32, #tpu.memory_space<vmem>>, vector<1x16xf32>,
        %swap3A_363 = vector.shape_cast %swap3A_362 : vector<1x16xf32> to vector<16xf32>
        %swap3A_364 = vector.shape_cast %max3A_355 : vector<16xf32> to vector<1x16xf32>
        tpu.vector_store %arg12[%swap3A_360, %swap3A_361], %swap3A_364 {strides = array<i32>} : memref<128x128xf32, #tpu.memory_space<vmem>>, vector<1x16xf32>,
        %mul3A_365 = arith.constant 4 : i32
        %mul3A_366 = arith.muli %scan3A_167, %mul3A_365 : i32
        %add3A_367 = arith.constant 1 : i32
        %add3A_368 = arith.addi %mul3A_366, %add3A_367 : i32
        %get3A_369 = arith.index_cast %add3A_368 : i32 to index
        %get3A_370 = arith.constant 32 : index
        %get3A_371 = tpu.vector_load %arg10[%get3A_369, %get3A_370] {strides = array<i32>} : memref<128x128xf32, #tpu.memory_space<vmem>>, vector<1x16xf32>,
        %get3A_372 = vector.shape_cast %get3A_371 : vector<1x16xf32> to vector<16xf32>
        %max3A_373 = arith.constant 0.000000e+00 : f32
        %max3A_374 = vector.broadcast %max3A_373 : f32 to vector<16xf32>
        %max3A_375 = arith.maximumf %get3A_372, %max3A_374 : vector<16xf32>
        %mul3A_376 = arith.constant 4 : i32
        %mul3A_377 = arith.muli %scan3A_167, %mul3A_376 : i32
        %add3A_378 = arith.constant 1 : i32
        %add3A_379 = arith.addi %mul3A_377, %add3A_378 : i32
        %swap3A_380 = arith.index_cast %add3A_379 : i32 to index
        %swap3A_381 = arith.constant 32 : index
        %swap3A_382 = tpu.vector_load %arg12[%swap3A_380, %swap3A_381] {strides = array<i32>} : memref<128x128xf32, #tpu.memory_space<vmem>>, vector<1x16xf32>,
        %swap3A_383 = vector.shape_cast %swap3A_382 : vector<1x16xf32> to vector<16xf32>
        %swap3A_384 = vector.shape_cast %max3A_375 : vector<16xf32> to vector<1x16xf32>
        tpu.vector_store %arg12[%swap3A_380, %swap3A_381], %swap3A_384 {strides = array<i32>} : memref<128x128xf32, #tpu.memory_space<vmem>>, vector<1x16xf32>,
        %mul3A_385 = arith.constant 4 : i32
        %mul3A_386 = arith.muli %scan3A_167, %mul3A_385 : i32
        %add3A_387 = arith.constant 1 : i32
        %add3A_388 = arith.addi %mul3A_386, %add3A_387 : i32
        %get3A_389 = arith.index_cast %add3A_388 : i32 to index
        %get3A_390 = arith.constant 48 : index
        %get3A_391 = tpu.vector_load %arg10[%get3A_389, %get3A_390] {strides = array<i32>} : memref<128x128xf32, #tpu.memory_space<vmem>>, vector<1x16xf32>,
        %get3A_392 = vector.shape_cast %get3A_391 : vector<1x16xf32> to vector<16xf32>
        %max3A_393 = arith.constant 0.000000e+00 : f32
        %max3A_394 = vector.broadcast %max3A_393 : f32 to vector<16xf32>
        %max3A_395 = arith.maximumf %get3A_392, %max3A_394 : vector<16xf32>
        %mul3A_396 = arith.constant 4 : i32
        %mul3A_397 = arith.muli %scan3A_167, %mul3A_396 : i32
        %add3A_398 = arith.constant 1 : i32
        %add3A_399 = arith.addi %mul3A_397, %add3A_398 : i32
        %swap3A_400 = arith.index_cast %add3A_399 : i32 to index
        %swap3A_401 = arith.constant 48 : index
        %swap3A_402 = tpu.vector_load %arg12[%swap3A_400, %swap3A_401] {strides = array<i32>} : memref<128x128xf32, #tpu.memory_space<vmem>>, vector<1x16xf32>,
        %swap3A_403 = vector.shape_cast %swap3A_402 : vector<1x16xf32> to vector<16xf32>
        %swap3A_404 = vector.shape_cast %max3A_395 : vector<16xf32> to vector<1x16xf32>
        tpu.vector_store %arg12[%swap3A_400, %swap3A_401], %swap3A_404 {strides = array<i32>} : memref<128x128xf32, #tpu.memory_space<vmem>>, vector<1x16xf32>,
        %mul3A_405 = arith.constant 4 : i32
        %mul3A_406 = arith.muli %scan3A_167, %mul3A_405 : i32
        %add3A_407 = arith.constant 1 : i32
        %add3A_408 = arith.addi %mul3A_406, %add3A_407 : i32
        %get3A_409 = arith.index_cast %add3A_408 : i32 to index
        %get3A_410 = arith.constant 64 : index
        %get3A_411 = tpu.vector_load %arg10[%get3A_409, %get3A_410] {strides = array<i32>} : memref<128x128xf32, #tpu.memory_space<vmem>>, vector<1x16xf32>,
        %get3A_412 = vector.shape_cast %get3A_411 : vector<1x16xf32> to vector<16xf32>
        %max3A_413 = arith.constant 0.000000e+00 : f32
        %max3A_414 = vector.broadcast %max3A_413 : f32 to vector<16xf32>
        %max3A_415 = arith.maximumf %get3A_412, %max3A_414 : vector<16xf32>
        %mul3A_416 = arith.constant 4 : i32
        %mul3A_417 = arith.muli %scan3A_167, %mul3A_416 : i32
        %add3A_418 = arith.constant 1 : i32
        %add3A_419 = arith.addi %mul3A_417, %add3A_418 : i32
        %swap3A_420 = arith.index_cast %add3A_419 : i32 to index
        %swap3A_421 = arith.constant 64 : index
        %swap3A_422 = tpu.vector_load %arg12[%swap3A_420, %swap3A_421] {strides = array<i32>} : memref<128x128xf32, #tpu.memory_space<vmem>>, vector<1x16xf32>,
        %swap3A_423 = vector.shape_cast %swap3A_422 : vector<1x16xf32> to vector<16xf32>
        %swap3A_424 = vector.shape_cast %max3A_415 : vector<16xf32> to vector<1x16xf32>
        tpu.vector_store %arg12[%swap3A_420, %swap3A_421], %swap3A_424 {strides = array<i32>} : memref<128x128xf32, #tpu.memory_space<vmem>>, vector<1x16xf32>,
        %mul3A_425 = arith.constant 4 : i32
        %mul3A_426 = arith.muli %scan3A_167, %mul3A_425 : i32
        %add3A_427 = arith.constant 1 : i32
        %add3A_428 = arith.addi %mul3A_426, %add3A_427 : i32
        %get3A_429 = arith.index_cast %add3A_428 : i32 to index
        %get3A_430 = arith.constant 80 : index
        %get3A_431 = tpu.vector_load %arg10[%get3A_429, %get3A_430] {strides = array<i32>} : memref<128x128xf32, #tpu.memory_space<vmem>>, vector<1x16xf32>,
        %get3A_432 = vector.shape_cast %get3A_431 : vector<1x16xf32> to vector<16xf32>
        %max3A_433 = arith.constant 0.000000e+00 : f32
        %max3A_434 = vector.broadcast %max3A_433 : f32 to vector<16xf32>
        %max3A_435 = arith.maximumf %get3A_432, %max3A_434 : vector<16xf32>
        %mul3A_436 = arith.constant 4 : i32
        %mul3A_437 = arith.muli %scan3A_167, %mul3A_436 : i32
        %add3A_438 = arith.constant 1 : i32
        %add3A_439 = arith.addi %mul3A_437, %add3A_438 : i32
        %swap3A_440 = arith.index_cast %add3A_439 : i32 to index
        %swap3A_441 = arith.constant 80 : index
        %swap3A_442 = tpu.vector_load %arg12[%swap3A_440, %swap3A_441] {strides = array<i32>} : memref<128x128xf32, #tpu.memory_space<vmem>>, vector<1x16xf32>,
        %swap3A_443 = vector.shape_cast %swap3A_442 : vector<1x16xf32> to vector<16xf32>
        %swap3A_444 = vector.shape_cast %max3A_435 : vector<16xf32> to vector<1x16xf32>
        tpu.vector_store %arg12[%swap3A_440, %swap3A_441], %swap3A_444 {strides = array<i32>} : memref<128x128xf32, #tpu.memory_space<vmem>>, vector<1x16xf32>,
        %mul3A_445 = arith.constant 4 : i32
        %mul3A_446 = arith.muli %scan3A_167, %mul3A_445 : i32
        %add3A_447 = arith.constant 1 : i32
        %add3A_448 = arith.addi %mul3A_446, %add3A_447 : i32
        %get3A_449 = arith.index_cast %add3A_448 : i32 to index
        %get3A_450 = arith.constant 96 : index
        %get3A_451 = tpu.vector_load %arg10[%get3A_449, %get3A_450] {strides = array<i32>} : memref<128x128xf32, #tpu.memory_space<vmem>>, vector<1x16xf32>,
        %get3A_452 = vector.shape_cast %get3A_451 : vector<1x16xf32> to vector<16xf32>
        %max3A_453 = arith.constant 0.000000e+00 : f32
        %max3A_454 = vector.broadcast %max3A_453 : f32 to vector<16xf32>
        %max3A_455 = arith.maximumf %get3A_452, %max3A_454 : vector<16xf32>
        %mul3A_456 = arith.constant 4 : i32
        %mul3A_457 = arith.muli %scan3A_167, %mul3A_456 : i32
        %add3A_458 = arith.constant 1 : i32
        %add3A_459 = arith.addi %mul3A_457, %add3A_458 : i32
        %swap3A_460 = arith.index_cast %add3A_459 : i32 to index
        %swap3A_461 = arith.constant 96 : index
        %swap3A_462 = tpu.vector_load %arg12[%swap3A_460, %swap3A_461] {strides = array<i32>} : memref<128x128xf32, #tpu.memory_space<vmem>>, vector<1x16xf32>,
        %swap3A_463 = vector.shape_cast %swap3A_462 : vector<1x16xf32> to vector<16xf32>
        %swap3A_464 = vector.shape_cast %max3A_455 : vector<16xf32> to vector<1x16xf32>
        tpu.vector_store %arg12[%swap3A_460, %swap3A_461], %swap3A_464 {strides = array<i32>} : memref<128x128xf32, #tpu.memory_space<vmem>>, vector<1x16xf32>,
        %mul3A_465 = arith.constant 4 : i32
        %mul3A_466 = arith.muli %scan3A_167, %mul3A_465 : i32
        %add3A_467 = arith.constant 1 : i32
        %add3A_468 = arith.addi %mul3A_466, %add3A_467 : i32
        %get3A_469 = arith.index_cast %add3A_468 : i32 to index
        %get3A_470 = arith.constant 112 : index
        %get3A_471 = tpu.vector_load %arg10[%get3A_469, %get3A_470] {strides = array<i32>} : memref<128x128xf32, #tpu.memory_space<vmem>>, vector<1x16xf32>,
        %get3A_472 = vector.shape_cast %get3A_471 : vector<1x16xf32> to vector<16xf32>
        %max3A_473 = arith.constant 0.000000e+00 : f32
        %max3A_474 = vector.broadcast %max3A_473 : f32 to vector<16xf32>
        %max3A_475 = arith.maximumf %get3A_472, %max3A_474 : vector<16xf32>
        %mul3A_476 = arith.constant 4 : i32
        %mul3A_477 = arith.muli %scan3A_167, %mul3A_476 : i32
        %add3A_478 = arith.constant 1 : i32
        %add3A_479 = arith.addi %mul3A_477, %add3A_478 : i32
        %swap3A_480 = arith.index_cast %add3A_479 : i32 to index
        %swap3A_481 = arith.constant 112 : index
        %swap3A_482 = tpu.vector_load %arg12[%swap3A_480, %swap3A_481] {strides = array<i32>} : memref<128x128xf32, #tpu.memory_space<vmem>>, vector<1x16xf32>,
        %swap3A_483 = vector.shape_cast %swap3A_482 : vector<1x16xf32> to vector<16xf32>
        %swap3A_484 = vector.shape_cast %max3A_475 : vector<16xf32> to vector<1x16xf32>
        tpu.vector_store %arg12[%swap3A_480, %swap3A_481], %swap3A_484 {strides = array<i32>} : memref<128x128xf32, #tpu.memory_space<vmem>>, vector<1x16xf32>,
        %mul3A_485 = arith.constant 4 : i32
        %mul3A_486 = arith.muli %scan3A_167, %mul3A_485 : i32
        %add3A_487 = arith.constant 2 : i32
        %add3A_488 = arith.addi %mul3A_486, %add3A_487 : i32
        %get3A_489 = arith.index_cast %add3A_488 : i32 to index
        %get3A_490 = arith.constant 0 : index
        %get3A_491 = tpu.vector_load %arg10[%get3A_489, %get3A_490] {strides = array<i32>} : memref<128x128xf32, #tpu.memory_space<vmem>>, vector<1x16xf32>,
        %get3A_492 = vector.shape_cast %get3A_491 : vector<1x16xf32> to vector<16xf32>
        %max3A_493 = arith.constant 0.000000e+00 : f32
        %max3A_494 = vector.broadcast %max3A_493 : f32 to vector<16xf32>
        %max3A_495 = arith.maximumf %get3A_492, %max3A_494 : vector<16xf32>
        %mul3A_496 = arith.constant 4 : i32
        %mul3A_497 = arith.muli %scan3A_167, %mul3A_496 : i32
        %add3A_498 = arith.constant 2 : i32
        %add3A_499 = arith.addi %mul3A_497, %add3A_498 : i32
        %swap3A_500 = arith.index_cast %add3A_499 : i32 to index
        %swap3A_501 = arith.constant 0 : index
        %swap3A_502 = tpu.vector_load %arg12[%swap3A_500, %swap3A_501] {strides = array<i32>} : memref<128x128xf32, #tpu.memory_space<vmem>>, vector<1x16xf32>,
        %swap3A_503 = vector.shape_cast %swap3A_502 : vector<1x16xf32> to vector<16xf32>
        %swap3A_504 = vector.shape_cast %max3A_495 : vector<16xf32> to vector<1x16xf32>
        tpu.vector_store %arg12[%swap3A_500, %swap3A_501], %swap3A_504 {strides = array<i32>} : memref<128x128xf32, #tpu.memory_space<vmem>>, vector<1x16xf32>,
        %mul3A_505 = arith.constant 4 : i32
        %mul3A_506 = arith.muli %scan3A_167, %mul3A_505 : i32
        %add3A_507 = arith.constant 2 : i32
        %add3A_508 = arith.addi %mul3A_506, %add3A_507 : i32
        %get3A_509 = arith.index_cast %add3A_508 : i32 to index
        %get3A_510 = arith.constant 16 : index
        %get3A_511 = tpu.vector_load %arg10[%get3A_509, %get3A_510] {strides = array<i32>} : memref<128x128xf32, #tpu.memory_space<vmem>>, vector<1x16xf32>,
        %get3A_512 = vector.shape_cast %get3A_511 : vector<1x16xf32> to vector<16xf32>
        %max3A_513 = arith.constant 0.000000e+00 : f32
        %max3A_514 = vector.broadcast %max3A_513 : f32 to vector<16xf32>
        %max3A_515 = arith.maximumf %get3A_512, %max3A_514 : vector<16xf32>
        %mul3A_516 = arith.constant 4 : i32
        %mul3A_517 = arith.muli %scan3A_167, %mul3A_516 : i32
        %add3A_518 = arith.constant 2 : i32
        %add3A_519 = arith.addi %mul3A_517, %add3A_518 : i32
        %swap3A_520 = arith.index_cast %add3A_519 : i32 to index
        %swap3A_521 = arith.constant 16 : index
        %swap3A_522 = tpu.vector_load %arg12[%swap3A_520, %swap3A_521] {strides = array<i32>} : memref<128x128xf32, #tpu.memory_space<vmem>>, vector<1x16xf32>,
        %swap3A_523 = vector.shape_cast %swap3A_522 : vector<1x16xf32> to vector<16xf32>
        %swap3A_524 = vector.shape_cast %max3A_515 : vector<16xf32> to vector<1x16xf32>
        tpu.vector_store %arg12[%swap3A_520, %swap3A_521], %swap3A_524 {strides = array<i32>} : memref<128x128xf32, #tpu.memory_space<vmem>>, vector<1x16xf32>,
        %mul3A_525 = arith.constant 4 : i32
        %mul3A_526 = arith.muli %scan3A_167, %mul3A_525 : i32
        %add3A_527 = arith.constant 2 : i32
        %add3A_528 = arith.addi %mul3A_526, %add3A_527 : i32
        %get3A_529 = arith.index_cast %add3A_528 : i32 to index
        %get3A_530 = arith.constant 32 : index
        %get3A_531 = tpu.vector_load %arg10[%get3A_529, %get3A_530] {strides = array<i32>} : memref<128x128xf32, #tpu.memory_space<vmem>>, vector<1x16xf32>,
        %get3A_532 = vector.shape_cast %get3A_531 : vector<1x16xf32> to vector<16xf32>
        %max3A_533 = arith.constant 0.000000e+00 : f32
        %max3A_534 = vector.broadcast %max3A_533 : f32 to vector<16xf32>
        %max3A_535 = arith.maximumf %get3A_532, %max3A_534 : vector<16xf32>
        %mul3A_536 = arith.constant 4 : i32
        %mul3A_537 = arith.muli %scan3A_167, %mul3A_536 : i32
        %add3A_538 = arith.constant 2 : i32
        %add3A_539 = arith.addi %mul3A_537, %add3A_538 : i32
        %swap3A_540 = arith.index_cast %add3A_539 : i32 to index
        %swap3A_541 = arith.constant 32 : index
        %swap3A_542 = tpu.vector_load %arg12[%swap3A_540, %swap3A_541] {strides = array<i32>} : memref<128x128xf32, #tpu.memory_space<vmem>>, vector<1x16xf32>,
        %swap3A_543 = vector.shape_cast %swap3A_542 : vector<1x16xf32> to vector<16xf32>
        %swap3A_544 = vector.shape_cast %max3A_535 : vector<16xf32> to vector<1x16xf32>
        tpu.vector_store %arg12[%swap3A_540, %swap3A_541], %swap3A_544 {strides = array<i32>} : memref<128x128xf32, #tpu.memory_space<vmem>>, vector<1x16xf32>,
        %mul3A_545 = arith.constant 4 : i32
        %mul3A_546 = arith.muli %scan3A_167, %mul3A_545 : i32
        %add3A_547 = arith.constant 2 : i32
        %add3A_548 = arith.addi %mul3A_546, %add3A_547 : i32
        %get3A_549 = arith.index_cast %add3A_548 : i32 to index
        %get3A_550 = arith.constant 48 : index
        %get3A_551 = tpu.vector_load %arg10[%get3A_549, %get3A_550] {strides = array<i32>} : memref<128x128xf32, #tpu.memory_space<vmem>>, vector<1x16xf32>,
        %get3A_552 = vector.shape_cast %get3A_551 : vector<1x16xf32> to vector<16xf32>
        %max3A_553 = arith.constant 0.000000e+00 : f32
        %max3A_554 = vector.broadcast %max3A_553 : f32 to vector<16xf32>
        %max3A_555 = arith.maximumf %get3A_552, %max3A_554 : vector<16xf32>
        %mul3A_556 = arith.constant 4 : i32
        %mul3A_557 = arith.muli %scan3A_167, %mul3A_556 : i32
        %add3A_558 = arith.constant 2 : i32
        %add3A_559 = arith.addi %mul3A_557, %add3A_558 : i32
        %swap3A_560 = arith.index_cast %add3A_559 : i32 to index
        %swap3A_561 = arith.constant 48 : index
        %swap3A_562 = tpu.vector_load %arg12[%swap3A_560, %swap3A_561] {strides = array<i32>} : memref<128x128xf32, #tpu.memory_space<vmem>>, vector<1x16xf32>,
        %swap3A_563 = vector.shape_cast %swap3A_562 : vector<1x16xf32> to vector<16xf32>
        %swap3A_564 = vector.shape_cast %max3A_555 : vector<16xf32> to vector<1x16xf32>
        tpu.vector_store %arg12[%swap3A_560, %swap3A_561], %swap3A_564 {strides = array<i32>} : memref<128x128xf32, #tpu.memory_space<vmem>>, vector<1x16xf32>,
        %mul3A_565 = arith.constant 4 : i32
        %mul3A_566 = arith.muli %scan3A_167, %mul3A_565 : i32
        %add3A_567 = arith.constant 2 : i32
        %add3A_568 = arith.addi %mul3A_566, %add3A_567 : i32
        %get3A_569 = arith.index_cast %add3A_568 : i32 to index
        %get3A_570 = arith.constant 64 : index
        %get3A_571 = tpu.vector_load %arg10[%get3A_569, %get3A_570] {strides = array<i32>} : memref<128x128xf32, #tpu.memory_space<vmem>>, vector<1x16xf32>,
        %get3A_572 = vector.shape_cast %get3A_571 : vector<1x16xf32> to vector<16xf32>
        %max3A_573 = arith.constant 0.000000e+00 : f32
        %max3A_574 = vector.broadcast %max3A_573 : f32 to vector<16xf32>
        %max3A_575 = arith.maximumf %get3A_572, %max3A_574 : vector<16xf32>
        %mul3A_576 = arith.constant 4 : i32
        %mul3A_577 = arith.muli %scan3A_167, %mul3A_576 : i32
        %add3A_578 = arith.constant 2 : i32
        %add3A_579 = arith.addi %mul3A_577, %add3A_578 : i32
        %swap3A_580 = arith.index_cast %add3A_579 : i32 to index
        %swap3A_581 = arith.constant 64 : index
        %swap3A_582 = tpu.vector_load %arg12[%swap3A_580, %swap3A_581] {strides = array<i32>} : memref<128x128xf32, #tpu.memory_space<vmem>>, vector<1x16xf32>,
        %swap3A_583 = vector.shape_cast %swap3A_582 : vector<1x16xf32> to vector<16xf32>
        %swap3A_584 = vector.shape_cast %max3A_575 : vector<16xf32> to vector<1x16xf32>
        tpu.vector_store %arg12[%swap3A_580, %swap3A_581], %swap3A_584 {strides = array<i32>} : memref<128x128xf32, #tpu.memory_space<vmem>>, vector<1x16xf32>,
        %mul3A_585 = arith.constant 4 : i32
        %mul3A_586 = arith.muli %scan3A_167, %mul3A_585 : i32
        %add3A_587 = arith.constant 2 : i32
        %add3A_588 = arith.addi %mul3A_586, %add3A_587 : i32
        %get3A_589 = arith.index_cast %add3A_588 : i32 to index
        %get3A_590 = arith.constant 80 : index
        %get3A_591 = tpu.vector_load %arg10[%get3A_589, %get3A_590] {strides = array<i32>} : memref<128x128xf32, #tpu.memory_space<vmem>>, vector<1x16xf32>,
        %get3A_592 = vector.shape_cast %get3A_591 : vector<1x16xf32> to vector<16xf32>
        %max3A_593 = arith.constant 0.000000e+00 : f32
        %max3A_594 = vector.broadcast %max3A_593 : f32 to vector<16xf32>
        %max3A_595 = arith.maximumf %get3A_592, %max3A_594 : vector<16xf32>
        %mul3A_596 = arith.constant 4 : i32
        %mul3A_597 = arith.muli %scan3A_167, %mul3A_596 : i32
        %add3A_598 = arith.constant 2 : i32
        %add3A_599 = arith.addi %mul3A_597, %add3A_598 : i32
        %swap3A_600 = arith.index_cast %add3A_599 : i32 to index
        %swap3A_601 = arith.constant 80 : index
        %swap3A_602 = tpu.vector_load %arg12[%swap3A_600, %swap3A_601] {strides = array<i32>} : memref<128x128xf32, #tpu.memory_space<vmem>>, vector<1x16xf32>,
        %swap3A_603 = vector.shape_cast %swap3A_602 : vector<1x16xf32> to vector<16xf32>
        %swap3A_604 = vector.shape_cast %max3A_595 : vector<16xf32> to vector<1x16xf32>
        tpu.vector_store %arg12[%swap3A_600, %swap3A_601], %swap3A_604 {strides = array<i32>} : memref<128x128xf32, #tpu.memory_space<vmem>>, vector<1x16xf32>,
        %mul3A_605 = arith.constant 4 : i32
        %mul3A_606 = arith.muli %scan3A_167, %mul3A_605 : i32
        %add3A_607 = arith.constant 2 : i32
        %add3A_608 = arith.addi %mul3A_606, %add3A_607 : i32
        %get3A_609 = arith.index_cast %add3A_608 : i32 to index
        %get3A_610 = arith.constant 96 : index
        %get3A_611 = tpu.vector_load %arg10[%get3A_609, %get3A_610] {strides = array<i32>} : memref<128x128xf32, #tpu.memory_space<vmem>>, vector<1x16xf32>,
        %get3A_612 = vector.shape_cast %get3A_611 : vector<1x16xf32> to vector<16xf32>
        %max3A_613 = arith.constant 0.000000e+00 : f32
        %max3A_614 = vector.broadcast %max3A_613 : f32 to vector<16xf32>
        %max3A_615 = arith.maximumf %get3A_612, %max3A_614 : vector<16xf32>
        %mul3A_616 = arith.constant 4 : i32
        %mul3A_617 = arith.muli %scan3A_167, %mul3A_616 : i32
        %add3A_618 = arith.constant 2 : i32
        %add3A_619 = arith.addi %mul3A_617, %add3A_618 : i32
        %swap3A_620 = arith.index_cast %add3A_619 : i32 to index
        %swap3A_621 = arith.constant 96 : index
        %swap3A_622 = tpu.vector_load %arg12[%swap3A_620, %swap3A_621] {strides = array<i32>} : memref<128x128xf32, #tpu.memory_space<vmem>>, vector<1x16xf32>,
        %swap3A_623 = vector.shape_cast %swap3A_622 : vector<1x16xf32> to vector<16xf32>
        %swap3A_624 = vector.shape_cast %max3A_615 : vector<16xf32> to vector<1x16xf32>
        tpu.vector_store %arg12[%swap3A_620, %swap3A_621], %swap3A_624 {strides = array<i32>} : memref<128x128xf32, #tpu.memory_space<vmem>>, vector<1x16xf32>,
        %mul3A_625 = arith.constant 4 : i32
        %mul3A_626 = arith.muli %scan3A_167, %mul3A_625 : i32
        %add3A_627 = arith.constant 2 : i32
        %add3A_628 = arith.addi %mul3A_626, %add3A_627 : i32
        %get3A_629 = arith.index_cast %add3A_628 : i32 to index
        %get3A_630 = arith.constant 112 : index
        %get3A_631 = tpu.vector_load %arg10[%get3A_629, %get3A_630] {strides = array<i32>} : memref<128x128xf32, #tpu.memory_space<vmem>>, vector<1x16xf32>,
        %get3A_632 = vector.shape_cast %get3A_631 : vector<1x16xf32> to vector<16xf32>
        %max3A_633 = arith.constant 0.000000e+00 : f32
        %max3A_634 = vector.broadcast %max3A_633 : f32 to vector<16xf32>
        %max3A_635 = arith.maximumf %get3A_632, %max3A_634 : vector<16xf32>
        %mul3A_636 = arith.constant 4 : i32
        %mul3A_637 = arith.muli %scan3A_167, %mul3A_636 : i32
        %add3A_638 = arith.constant 2 : i32
        %add3A_639 = arith.addi %mul3A_637, %add3A_638 : i32
        %swap3A_640 = arith.index_cast %add3A_639 : i32 to index
        %swap3A_641 = arith.constant 112 : index
        %swap3A_642 = tpu.vector_load %arg12[%swap3A_640, %swap3A_641] {strides = array<i32>} : memref<128x128xf32, #tpu.memory_space<vmem>>, vector<1x16xf32>,
        %swap3A_643 = vector.shape_cast %swap3A_642 : vector<1x16xf32> to vector<16xf32>
        %swap3A_644 = vector.shape_cast %max3A_635 : vector<16xf32> to vector<1x16xf32>
        tpu.vector_store %arg12[%swap3A_640, %swap3A_641], %swap3A_644 {strides = array<i32>} : memref<128x128xf32, #tpu.memory_space<vmem>>, vector<1x16xf32>,
        %mul3A_645 = arith.constant 4 : i32
        %mul3A_646 = arith.muli %scan3A_167, %mul3A_645 : i32
        %add3A_647 = arith.constant 3 : i32
        %add3A_648 = arith.addi %mul3A_646, %add3A_647 : i32
        %get3A_649 = arith.index_cast %add3A_648 : i32 to index
        %get3A_650 = arith.constant 0 : index
        %get3A_651 = tpu.vector_load %arg10[%get3A_649, %get3A_650] {strides = array<i32>} : memref<128x128xf32, #tpu.memory_space<vmem>>, vector<1x16xf32>,
        %get3A_652 = vector.shape_cast %get3A_651 : vector<1x16xf32> to vector<16xf32>
        %max3A_653 = arith.constant 0.000000e+00 : f32
        %max3A_654 = vector.broadcast %max3A_653 : f32 to vector<16xf32>
        %max3A_655 = arith.maximumf %get3A_652, %max3A_654 : vector<16xf32>
        %mul3A_656 = arith.constant 4 : i32
        %mul3A_657 = arith.muli %scan3A_167, %mul3A_656 : i32
        %add3A_658 = arith.constant 3 : i32
        %add3A_659 = arith.addi %mul3A_657, %add3A_658 : i32
        %swap3A_660 = arith.index_cast %add3A_659 : i32 to index
        %swap3A_661 = arith.constant 0 : index
        %swap3A_662 = tpu.vector_load %arg12[%swap3A_660, %swap3A_661] {strides = array<i32>} : memref<128x128xf32, #tpu.memory_space<vmem>>, vector<1x16xf32>,
        %swap3A_663 = vector.shape_cast %swap3A_662 : vector<1x16xf32> to vector<16xf32>
        %swap3A_664 = vector.shape_cast %max3A_655 : vector<16xf32> to vector<1x16xf32>
        tpu.vector_store %arg12[%swap3A_660, %swap3A_661], %swap3A_664 {strides = array<i32>} : memref<128x128xf32, #tpu.memory_space<vmem>>, vector<1x16xf32>,
        %mul3A_665 = arith.constant 4 : i32
        %mul3A_666 = arith.muli %scan3A_167, %mul3A_665 : i32
        %add3A_667 = arith.constant 3 : i32
        %add3A_668 = arith.addi %mul3A_666, %add3A_667 : i32
        %get3A_669 = arith.index_cast %add3A_668 : i32 to index
        %get3A_670 = arith.constant 16 : index
        %get3A_671 = tpu.vector_load %arg10[%get3A_669, %get3A_670] {strides = array<i32>} : memref<128x128xf32, #tpu.memory_space<vmem>>, vector<1x16xf32>,
        %get3A_672 = vector.shape_cast %get3A_671 : vector<1x16xf32> to vector<16xf32>
        %max3A_673 = arith.constant 0.000000e+00 : f32
        %max3A_674 = vector.broadcast %max3A_673 : f32 to vector<16xf32>
        %max3A_675 = arith.maximumf %get3A_672, %max3A_674 : vector<16xf32>
        %mul3A_676 = arith.constant 4 : i32
        %mul3A_677 = arith.muli %scan3A_167, %mul3A_676 : i32
        %add3A_678 = arith.constant 3 : i32
        %add3A_679 = arith.addi %mul3A_677, %add3A_678 : i32
        %swap3A_680 = arith.index_cast %add3A_679 : i32 to index
        %swap3A_681 = arith.constant 16 : index
        %swap3A_682 = tpu.vector_load %arg12[%swap3A_680, %swap3A_681] {strides = array<i32>} : memref<128x128xf32, #tpu.memory_space<vmem>>, vector<1x16xf32>,
        %swap3A_683 = vector.shape_cast %swap3A_682 : vector<1x16xf32> to vector<16xf32>
        %swap3A_684 = vector.shape_cast %max3A_675 : vector<16xf32> to vector<1x16xf32>
        tpu.vector_store %arg12[%swap3A_680, %swap3A_681], %swap3A_684 {strides = array<i32>} : memref<128x128xf32, #tpu.memory_space<vmem>>, vector<1x16xf32>,
        %mul3A_685 = arith.constant 4 : i32
        %mul3A_686 = arith.muli %scan3A_167, %mul3A_685 : i32
        %add3A_687 = arith.constant 3 : i32
        %add3A_688 = arith.addi %mul3A_686, %add3A_687 : i32
        %get3A_689 = arith.index_cast %add3A_688 : i32 to index
        %get3A_690 = arith.constant 32 : index
        %get3A_691 = tpu.vector_load %arg10[%get3A_689, %get3A_690] {strides = array<i32>} : memref<128x128xf32, #tpu.memory_space<vmem>>, vector<1x16xf32>,
        %get3A_692 = vector.shape_cast %get3A_691 : vector<1x16xf32> to vector<16xf32>
        %max3A_693 = arith.constant 0.000000e+00 : f32
        %max3A_694 = vector.broadcast %max3A_693 : f32 to vector<16xf32>
        %max3A_695 = arith.maximumf %get3A_692, %max3A_694 : vector<16xf32>
        %mul3A_696 = arith.constant 4 : i32
        %mul3A_697 = arith.muli %scan3A_167, %mul3A_696 : i32
        %add3A_698 = arith.constant 3 : i32
        %add3A_699 = arith.addi %mul3A_697, %add3A_698 : i32
        %swap3A_700 = arith.index_cast %add3A_699 : i32 to index
        %swap3A_701 = arith.constant 32 : index
        %swap3A_702 = tpu.vector_load %arg12[%swap3A_700, %swap3A_701] {strides = array<i32>} : memref<128x128xf32, #tpu.memory_space<vmem>>, vector<1x16xf32>,
        %swap3A_703 = vector.shape_cast %swap3A_702 : vector<1x16xf32> to vector<16xf32>
        %swap3A_704 = vector.shape_cast %max3A_695 : vector<16xf32> to vector<1x16xf32>
        tpu.vector_store %arg12[%swap3A_700, %swap3A_701], %swap3A_704 {strides = array<i32>} : memref<128x128xf32, #tpu.memory_space<vmem>>, vector<1x16xf32>,
        %mul3A_705 = arith.constant 4 : i32
        %mul3A_706 = arith.muli %scan3A_167, %mul3A_705 : i32
        %add3A_707 = arith.constant 3 : i32
        %add3A_708 = arith.addi %mul3A_706, %add3A_707 : i32
        %get3A_709 = arith.index_cast %add3A_708 : i32 to index
        %get3A_710 = arith.constant 48 : index
        %get3A_711 = tpu.vector_load %arg10[%get3A_709, %get3A_710] {strides = array<i32>} : memref<128x128xf32, #tpu.memory_space<vmem>>, vector<1x16xf32>,
        %get3A_712 = vector.shape_cast %get3A_711 : vector<1x16xf32> to vector<16xf32>
        %max3A_713 = arith.constant 0.000000e+00 : f32
        %max3A_714 = vector.broadcast %max3A_713 : f32 to vector<16xf32>
        %max3A_715 = arith.maximumf %get3A_712, %max3A_714 : vector<16xf32>
        %mul3A_716 = arith.constant 4 : i32
        %mul3A_717 = arith.muli %scan3A_167, %mul3A_716 : i32
        %add3A_718 = arith.constant 3 : i32
        %add3A_719 = arith.addi %mul3A_717, %add3A_718 : i32
        %swap3A_720 = arith.index_cast %add3A_719 : i32 to index
        %swap3A_721 = arith.constant 48 : index
        %swap3A_722 = tpu.vector_load %arg12[%swap3A_720, %swap3A_721] {strides = array<i32>} : memref<128x128xf32, #tpu.memory_space<vmem>>, vector<1x16xf32>,
        %swap3A_723 = vector.shape_cast %swap3A_722 : vector<1x16xf32> to vector<16xf32>
        %swap3A_724 = vector.shape_cast %max3A_715 : vector<16xf32> to vector<1x16xf32>
        tpu.vector_store %arg12[%swap3A_720, %swap3A_721], %swap3A_724 {strides = array<i32>} : memref<128x128xf32, #tpu.memory_space<vmem>>, vector<1x16xf32>,
        %mul3A_725 = arith.constant 4 : i32
        %mul3A_726 = arith.muli %scan3A_167, %mul3A_725 : i32
        %add3A_727 = arith.constant 3 : i32
        %add3A_728 = arith.addi %mul3A_726, %add3A_727 : i32
        %get3A_729 = arith.index_cast %add3A_728 : i32 to index
        %get3A_730 = arith.constant 64 : index
        %get3A_731 = tpu.vector_load %arg10[%get3A_729, %get3A_730] {strides = array<i32>} : memref<128x128xf32, #tpu.memory_space<vmem>>, vector<1x16xf32>,
        %get3A_732 = vector.shape_cast %get3A_731 : vector<1x16xf32> to vector<16xf32>
        %max3A_733 = arith.constant 0.000000e+00 : f32
        %max3A_734 = vector.broadcast %max3A_733 : f32 to vector<16xf32>
        %max3A_735 = arith.maximumf %get3A_732, %max3A_734 : vector<16xf32>
        %mul3A_736 = arith.constant 4 : i32
        %mul3A_737 = arith.muli %scan3A_167, %mul3A_736 : i32
        %add3A_738 = arith.constant 3 : i32
        %add3A_739 = arith.addi %mul3A_737, %add3A_738 : i32
        %swap3A_740 = arith.index_cast %add3A_739 : i32 to index
        %swap3A_741 = arith.constant 64 : index
        %swap3A_742 = tpu.vector_load %arg12[%swap3A_740, %swap3A_741] {strides = array<i32>} : memref<128x128xf32, #tpu.memory_space<vmem>>, vector<1x16xf32>,
        %swap3A_743 = vector.shape_cast %swap3A_742 : vector<1x16xf32> to vector<16xf32>
        %swap3A_744 = vector.shape_cast %max3A_735 : vector<16xf32> to vector<1x16xf32>
        tpu.vector_store %arg12[%swap3A_740, %swap3A_741], %swap3A_744 {strides = array<i32>} : memref<128x128xf32, #tpu.memory_space<vmem>>, vector<1x16xf32>,
        %mul3A_745 = arith.constant 4 : i32
        %mul3A_746 = arith.muli %scan3A_167, %mul3A_745 : i32
        %add3A_747 = arith.constant 3 : i32
        %add3A_748 = arith.addi %mul3A_746, %add3A_747 : i32
        %get3A_749 = arith.index_cast %add3A_748 : i32 to index
        %get3A_750 = arith.constant 80 : index
        %get3A_751 = tpu.vector_load %arg10[%get3A_749, %get3A_750] {strides = array<i32>} : memref<128x128xf32, #tpu.memory_space<vmem>>, vector<1x16xf32>,
        %get3A_752 = vector.shape_cast %get3A_751 : vector<1x16xf32> to vector<16xf32>
        %max3A_753 = arith.constant 0.000000e+00 : f32
        %max3A_754 = vector.broadcast %max3A_753 : f32 to vector<16xf32>
        %max3A_755 = arith.maximumf %get3A_752, %max3A_754 : vector<16xf32>
        %mul3A_756 = arith.constant 4 : i32
        %mul3A_757 = arith.muli %scan3A_167, %mul3A_756 : i32
        %add3A_758 = arith.constant 3 : i32
        %add3A_759 = arith.addi %mul3A_757, %add3A_758 : i32
        %swap3A_760 = arith.index_cast %add3A_759 : i32 to index
        %swap3A_761 = arith.constant 80 : index
        %swap3A_762 = tpu.vector_load %arg12[%swap3A_760, %swap3A_761] {strides = array<i32>} : memref<128x128xf32, #tpu.memory_space<vmem>>, vector<1x16xf32>,
        %swap3A_763 = vector.shape_cast %swap3A_762 : vector<1x16xf32> to vector<16xf32>
        %swap3A_764 = vector.shape_cast %max3A_755 : vector<16xf32> to vector<1x16xf32>
        tpu.vector_store %arg12[%swap3A_760, %swap3A_761], %swap3A_764 {strides = array<i32>} : memref<128x128xf32, #tpu.memory_space<vmem>>, vector<1x16xf32>,
        %mul3A_765 = arith.constant 4 : i32
        %mul3A_766 = arith.muli %scan3A_167, %mul3A_765 : i32
        %add3A_767 = arith.constant 3 : i32
        %add3A_768 = arith.addi %mul3A_766, %add3A_767 : i32
        %get3A_769 = arith.index_cast %add3A_768 : i32 to index
        %get3A_770 = arith.constant 96 : index
        %get3A_771 = tpu.vector_load %arg10[%get3A_769, %get3A_770] {strides = array<i32>} : memref<128x128xf32, #tpu.memory_space<vmem>>, vector<1x16xf32>,
        %get3A_772 = vector.shape_cast %get3A_771 : vector<1x16xf32> to vector<16xf32>
        %max3A_773 = arith.constant 0.000000e+00 : f32
        %max3A_774 = vector.broadcast %max3A_773 : f32 to vector<16xf32>
        %max3A_775 = arith.maximumf %get3A_772, %max3A_774 : vector<16xf32>
        %mul3A_776 = arith.constant 4 : i32
        %mul3A_777 = arith.muli %scan3A_167, %mul3A_776 : i32
        %add3A_778 = arith.constant 3 : i32
        %add3A_779 = arith.addi %mul3A_777, %add3A_778 : i32
        %swap3A_780 = arith.index_cast %add3A_779 : i32 to index
        %swap3A_781 = arith.constant 96 : index
        %swap3A_782 = tpu.vector_load %arg12[%swap3A_780, %swap3A_781] {strides = array<i32>} : memref<128x128xf32, #tpu.memory_space<vmem>>, vector<1x16xf32>,
        %swap3A_783 = vector.shape_cast %swap3A_782 : vector<1x16xf32> to vector<16xf32>
        %swap3A_784 = vector.shape_cast %max3A_775 : vector<16xf32> to vector<1x16xf32>
        tpu.vector_store %arg12[%swap3A_780, %swap3A_781], %swap3A_784 {strides = array<i32>} : memref<128x128xf32, #tpu.memory_space<vmem>>, vector<1x16xf32>,
        %mul3A_785 = arith.constant 4 : i32
        %mul3A_786 = arith.muli %scan3A_167, %mul3A_785 : i32
        %add3A_787 = arith.constant 3 : i32
        %add3A_788 = arith.addi %mul3A_786, %add3A_787 : i32
        %get3A_789 = arith.index_cast %add3A_788 : i32 to index
        %get3A_790 = arith.constant 112 : index
        %get3A_791 = tpu.vector_load %arg10[%get3A_789, %get3A_790] {strides = array<i32>} : memref<128x128xf32, #tpu.memory_space<vmem>>, vector<1x16xf32>,
        %get3A_792 = vector.shape_cast %get3A_791 : vector<1x16xf32> to vector<16xf32>
        %max3A_793 = arith.constant 0.000000e+00 : f32
        %max3A_794 = vector.broadcast %max3A_793 : f32 to vector<16xf32>
        %max3A_795 = arith.maximumf %get3A_792, %max3A_794 : vector<16xf32>
        %mul3A_796 = arith.constant 4 : i32
        %mul3A_797 = arith.muli %scan3A_167, %mul3A_796 : i32
        %add3A_798 = arith.constant 3 : i32
        %add3A_799 = arith.addi %mul3A_797, %add3A_798 : i32
        %swap3A_800 = arith.index_cast %add3A_799 : i32 to index
        %swap3A_801 = arith.constant 112 : index
        %swap3A_802 = tpu.vector_load %arg12[%swap3A_800, %swap3A_801] {strides = array<i32>} : memref<128x128xf32, #tpu.memory_space<vmem>>, vector<1x16xf32>,
        %swap3A_803 = vector.shape_cast %swap3A_802 : vector<1x16xf32> to vector<16xf32>
        %swap3A_804 = vector.shape_cast %max3A_795 : vector<16xf32> to vector<1x16xf32>
        tpu.vector_store %arg12[%swap3A_800, %swap3A_801], %swap3A_804 {strides = array<i32>} : memref<128x128xf32, #tpu.memory_space<vmem>>, vector<1x16xf32>,
      }
      %scan3A_153 = arith.constant 32 : i32
      %dma_start3A_154 = arith.constant 0 : i32
      %dma_start3A_155 = tpu.memref_slice %arg7[%add3A_124, %dma_start3A_154] : memref<32x128xi32, #tpu.memory_space<vmem>> -> memref<1x128xi32, #tpu.memory_space<vmem>>
      %dma_start3A_156 = tpu.memref_squeeze %dma_start3A_155 : memref<1x128xi32, #tpu.memory_space<vmem>> -> memref<128xi32, #tpu.memory_space<vmem>>
      %dma_start3A_157 = arith.constant 0 : i32
      %dma_start3A_158 = arith.constant 0 : i32
      %dma_start3A_159 = tpu.memref_slice %arg14[%dma_start3A_157, %dma_start3A_158] : memref<4096x128xf32, #tpu.memory_space<vmem_shared>> -> memref<4096x128xf32, #tpu.memory_space<vmem_shared>>
      tpu.enqueue_indirect_dma source(%arg12 : memref<128x128xf32, #tpu.memory_space<vmem>>) target(%dma_start3A_159 : memref<4096x128xf32, #tpu.memory_space<vmem_shared>>) offsets(%dma_start3A_156 : memref<128xi32, #tpu.memory_space<vmem>>) semaphore(%arg18 : memref<!tpu.dma_semaphore, #tpu.memory_space<semaphore_mem>>) {add = true}
      %add3A_160 = arith.constant 2 : i32
      %add3A_161 = arith.addi %add3A_124, %add3A_160 : i32
      %lt3A_162 = arith.constant 32 : i32
      %lt3A_163 = arith.cmpi slt, %add3A_161, %lt3A_162 : i32
      %convert_element_type3A_164 = arith.extui %lt3A_163 : i1 to i32
      %cond3A_165 = arith.constant 0 : i32
      %cond3A_166 = arith.cmpi ne, %convert_element_type3A_164, %cond3A_165 : i32
      scf.if %cond3A_166 {
        %add3A_167 = arith.constant 2 : i32
        %add3A_168 = arith.addi %add3A_124, %add3A_167 : i32
        %dma_start3A_169 = arith.constant 0 : i32
        %dma_start3A_170 = tpu.memref_slice %arg7[%add3A_168, %dma_start3A_169] : memref<32x128xi32, #tpu.memory_space<vmem>> -> memref<1x128xi32, #tpu.memory_space<vmem>>
        %dma_start3A_171 = tpu.memref_squeeze %dma_start3A_170 : memref<1x128xi32, #tpu.memory_space<vmem>> -> memref<128xi32, #tpu.memory_space<vmem>>
        %dma_start3A_172 = arith.constant 0 : i32
        %dma_start3A_173 = arith.constant 0 : i32
        %dma_start3A_174 = tpu.memref_slice %arg2[%dma_start3A_172, %dma_start3A_173] : memref<4096x128xf32, #tpu.memory_space<hbm>> -> memref<4096x128xf32, #tpu.memory_space<hbm>>
        tpu.enqueue_indirect_dma source(%dma_start3A_174 : memref<4096x128xf32, #tpu.memory_space<hbm>>) target(%arg10 : memref<128x128xf32, #tpu.memory_space<vmem>>) offsets(%dma_start3A_171 : memref<128xi32, #tpu.memory_space<vmem>>) semaphore(%arg16 : memref<!tpu.dma_semaphore, #tpu.memory_space<semaphore_mem>>)
      } else {
      }
    }
    %scan3A_58 = arith.constant 16 : i32
    %dma_wait3A_59 = arith.constant 0 : i32
    %dma_wait3A_60 = arith.constant 0 : i32
    %dma_wait3A_61 = tpu.memref_slice %arg7[%dma_wait3A_59, %dma_wait3A_60] : memref<32x128xi32, #tpu.memory_space<vmem>> -> memref<1x128xi32, #tpu.memory_space<vmem>>
    %dma_wait3A_62 = tpu.memref_squeeze %dma_wait3A_61 : memref<1x128xi32, #tpu.memory_space<vmem>> -> memref<128xi32, #tpu.memory_space<vmem>>
    %dma_wait3A_63 = arith.constant 0 : i32
    %dma_wait3A_64 = arith.constant 0 : i32
    %dma_wait3A_65 = tpu.memref_slice %arg14[%dma_wait3A_63, %dma_wait3A_64] : memref<4096x128xf32, #tpu.memory_space<vmem_shared>> -> memref<4096x128xf32, #tpu.memory_space<vmem_shared>>
    tpu.wait_indirect_dma semaphore(%arg17 : memref<!tpu.dma_semaphore, #tpu.memory_space<semaphore_mem>>) src(%arg11 : memref<128x128xf32, #tpu.memory_space<vmem>>) dst(%dma_wait3A_65 : memref<4096x128xf32, #tpu.memory_space<vmem_shared>>)
    %dma_wait3A_66 = arith.constant 1 : i32
    %dma_wait3A_67 = arith.constant 0 : i32
    %dma_wait3A_68 = tpu.memref_slice %arg7[%dma_wait3A_66, %dma_wait3A_67] : memref<32x128xi32, #tpu.memory_space<vmem>> -> memref<1x128xi32, #tpu.memory_space<vmem>>
    %dma_wait3A_69 = tpu.memref_squeeze %dma_wait3A_68 : memref<1x128xi32, #tpu.memory_space<vmem>> -> memref<128xi32, #tpu.memory_space<vmem>>
    %dma_wait3A_70 = arith.constant 0 : i32
    %dma_wait3A_71 = arith.constant 0 : i32
    %dma_wait3A_72 = tpu.memref_slice %arg14[%dma_wait3A_70, %dma_wait3A_71] : memref<4096x128xf32, #tpu.memory_space<vmem_shared>> -> memref<4096x128xf32, #tpu.memory_space<vmem_shared>>
    tpu.wait_indirect_dma semaphore(%arg18 : memref<!tpu.dma_semaphore, #tpu.memory_space<semaphore_mem>>) src(%arg12 : memref<128x128xf32, #tpu.memory_space<vmem>>) dst(%dma_wait3A_72 : memref<4096x128xf32, #tpu.memory_space<vmem_shared>>)
    %barrier3A_73 = arith.constant 0 : index
    tpu.barrier barrier_id(%barrier3A_73)
    %mul3A_74 = arith.constant 256 : i32
    %mul3A_75 = arith.muli %arg1, %mul3A_74 : i32
    %mul3A_76 = arith.constant 256 : i32
    %mul3A_77 = arith.muli %arg1, %mul3A_76 : i32
    "tpu.region"() ({
      %run_scoped3A = tpu.sem_alloc : memref<!tpu.dma_semaphore, #tpu.memory_space<semaphore_mem>>
      %dma_start3A_78 = arith.constant 0 : i32
      %dma_start3A_79 = tpu.memref_slice %arg6[%arg0, %mul3A_77, %dma_start3A_78] : memref<2x4096x128xf32, #tpu.memory_space<hbm>> -> memref<1x256x128xf32, #tpu.memory_space<hbm>>
      %dma_start3A_80 = tpu.memref_squeeze %dma_start3A_79 : memref<1x256x128xf32, #tpu.memory_space<hbm>> -> memref<256x128xf32, #tpu.memory_space<hbm>>
      %dma_start3A_81 = arith.constant 0 : i32
      %dma_start3A_82 = tpu.memref_slice %arg14[%mul3A_75, %dma_start3A_81] : memref<4096x128xf32, #tpu.memory_space<vmem_shared>> -> memref<256x128xf32, #tpu.memory_space<vmem_shared>>
      tpu.enqueue_dma source(%dma_start3A_82 : memref<256x128xf32, #tpu.memory_space<vmem_shared>>) target(%dma_start3A_80 : memref<256x128xf32, #tpu.memory_space<hbm>>) target_semaphore(%run_scoped3A : memref<!tpu.dma_semaphore, #tpu.memory_space<semaphore_mem>>)
      %dma_wait3A_83 = arith.constant 0 : i32
      %dma_wait3A_84 = tpu.memref_slice %arg6[%arg0, %mul3A_77, %dma_wait3A_83] : memref<2x4096x128xf32, #tpu.memory_space<hbm>> -> memref<1x256x128xf32, #tpu.memory_space<hbm>>
      %dma_wait3A_85 = tpu.memref_squeeze %dma_wait3A_84 : memref<1x256x128xf32, #tpu.memory_space<hbm>> -> memref<256x128xf32, #tpu.memory_space<hbm>>
      %dma_wait3A_86 = arith.constant 0 : i32
      %dma_wait3A_87 = tpu.memref_slice %arg14[%mul3A_75, %dma_wait3A_86] : memref<4096x128xf32, #tpu.memory_space<vmem_shared>> -> memref<256x128xf32, #tpu.memory_space<vmem_shared>>
      tpu.wait_dma2 semaphore(%run_scoped3A : memref<!tpu.dma_semaphore, #tpu.memory_space<semaphore_mem>>) src(%dma_wait3A_87 : memref<256x128xf32, #tpu.memory_space<vmem_shared>>) dst(%dma_wait3A_85 : memref<256x128xf32, #tpu.memory_space<hbm>>)
      tpu.yield
    }) : () -> ()
    return
  }
}

module attributes {stable_mosaic.version = 14 : i64} {
  func.func @_p1_body(%arg0: i32, %arg1: memref<512x128xf32, #tpu.memory_space<vmem>>, %arg2: memref<128x128xf32, #tpu.memory_space<vmem>>, %arg3: memref<1x128xf32, #tpu.memory_space<vmem>>, %arg4: memref<128x128xf32, #tpu.memory_space<vmem>>, %arg5: memref<128x128xf32, #tpu.memory_space<vmem>>, %arg6: memref<1x128xf32, #tpu.memory_space<vmem>>, %arg7: memref<512x128xf32, #tpu.memory_space<vmem>>, %arg8: memref<512x128xf32, #tpu.memory_space<vmem>>) attributes {dimension_semantics = [#tpu.dimension_semantics<arbitrary>], iteration_bounds = array<i64: 8>, scalar_prefetch = 0 : i64, scratch_operands = 0 : i64, tpu.core_type = #tpu.core_type<tc>, window_params = [{transform_indices = @transform_0, window_bounds = array<i64: 512, 128>}, {pipeline_mode = #tpu.pipeline_mode<synchronous>, transform_indices = @transform_1, window_bounds = array<i64: 128, 128>}, {pipeline_mode = #tpu.pipeline_mode<synchronous>, transform_indices = @transform_2, window_bounds = array<i64: 1, 128>}, {pipeline_mode = #tpu.pipeline_mode<synchronous>, transform_indices = @transform_3, window_bounds = array<i64: 128, 128>}, {pipeline_mode = #tpu.pipeline_mode<synchronous>, transform_indices = @transform_4, window_bounds = array<i64: 128, 128>}, {pipeline_mode = #tpu.pipeline_mode<synchronous>, transform_indices = @transform_5, window_bounds = array<i64: 1, 128>}, {transform_indices = @transform_6, window_bounds = array<i64: 512, 128>}, {transform_indices = @transform_7, window_bounds = array<i64: 512, 128>}]} {
    %get3A = arith.constant 0 : index
    %get3A_0 = arith.constant 0 : index
    %get3A_1 = vector.load %arg1[%get3A, %get3A_0] : memref<512x128xf32, #tpu.memory_space<vmem>>, vector<512x128xf32>
    %get3A_2 = arith.constant 0 : index
    %get3A_3 = arith.constant 0 : index
    %get3A_4 = vector.load %arg2[%get3A_2, %get3A_3] : memref<128x128xf32, #tpu.memory_space<vmem>>, vector<128x128xf32>
    %dot_general3A = arith.constant dense<0.000000e+00> : vector<512x128xf32>
    %dot_general3A_5 = tpu.matmul %get3A_1, %get3A_4, %dot_general3A {dimension_numbers = #tpu.dot_dimension_numbers<[1], [1], [0], [0], [0, 0, 1, 0], [], []>, transpose_lhs_hint = false} : vector<512x128xf32>, vector<128x128xf32>, vector<512x128xf32> -> vector<512x128xf32>
    %get3A_6 = arith.constant 0 : index
    %get3A_7 = arith.constant 0 : index
    %get3A_8 = vector.load %arg3[%get3A_6, %get3A_7] : memref<1x128xf32, #tpu.memory_space<vmem>>, vector<1x128xf32>
    %add3A = vector.broadcast %get3A_8 : vector<1x128xf32> to vector<512x128xf32>
    %add3A_9 = arith.addf %dot_general3A_5, %add3A : vector<512x128xf32>
    %get3A_10 = arith.constant 0 : index
    %get3A_11 = arith.constant 0 : index
    %get3A_12 = vector.load %arg4[%get3A_10, %get3A_11] : memref<128x128xf32, #tpu.memory_space<vmem>>, vector<128x128xf32>
    %dot_general3A_13 = arith.constant dense<0.000000e+00> : vector<512x128xf32>
    %dot_general3A_14 = tpu.matmul %add3A_9, %get3A_12, %dot_general3A_13 {dimension_numbers = #tpu.dot_dimension_numbers<[1], [1], [0], [0], [0, 0, 1, 0], [], []>, transpose_lhs_hint = false} : vector<512x128xf32>, vector<128x128xf32>, vector<512x128xf32> -> vector<512x128xf32>
    %get3A_15 = arith.constant 0 : index
    %get3A_16 = arith.constant 0 : index
    %get3A_17 = vector.load %arg6[%get3A_15, %get3A_16] : memref<1x128xf32, #tpu.memory_space<vmem>>, vector<1x128xf32>
    %add3A_18 = vector.broadcast %get3A_17 : vector<1x128xf32> to vector<512x128xf32>
    %add3A_19 = arith.addf %dot_general3A_14, %add3A_18 : vector<512x128xf32>
    %swap3A = arith.constant 0 : index
    %swap3A_20 = arith.constant 0 : index
    %swap3A_21 = vector.load %arg7[%swap3A, %swap3A_20] : memref<512x128xf32, #tpu.memory_space<vmem>>, vector<512x128xf32>
    tpu.vector_store %arg7[%swap3A, %swap3A_20], %add3A_19 {strides = array<i32>} : memref<512x128xf32, #tpu.memory_space<vmem>>, vector<512x128xf32>,
    %get3A_22 = arith.constant 0 : index
    %get3A_23 = arith.constant 0 : index
    %get3A_24 = vector.load %arg5[%get3A_22, %get3A_23] : memref<128x128xf32, #tpu.memory_space<vmem>>, vector<128x128xf32>
    %dot_general3A_25 = arith.constant dense<0.000000e+00> : vector<512x128xf32>
    %dot_general3A_26 = tpu.matmul %add3A_9, %get3A_24, %dot_general3A_25 {dimension_numbers = #tpu.dot_dimension_numbers<[1], [1], [0], [0], [0, 0, 1, 0], [], []>, transpose_lhs_hint = false} : vector<512x128xf32>, vector<128x128xf32>, vector<512x128xf32> -> vector<512x128xf32>
    %swap3A_27 = arith.constant 0 : index
    %swap3A_28 = arith.constant 0 : index
    %swap3A_29 = vector.load %arg8[%swap3A_27, %swap3A_28] : memref<512x128xf32, #tpu.memory_space<vmem>>, vector<512x128xf32>
    tpu.vector_store %arg8[%swap3A_27, %swap3A_28], %dot_general3A_26 {strides = array<i32>} : memref<512x128xf32, #tpu.memory_space<vmem>>, vector<512x128xf32>,
    return
  }
  func.func @transform_0(%arg0: i32) -> (i32, i32) {
    %c0_i32 = arith.constant 0 : i32
    %c0_i32_0 = arith.constant 0 : i32
    return %arg0, %c0_i32 : i32, i32
  }
  func.func @transform_1(%arg0: i32) -> (i32, i32) {
    %c0_i32 = arith.constant 0 : i32
    %c0_i32_0 = arith.constant 0 : i32
    %c0_i32_1 = arith.constant 0 : i32
    return %c0_i32, %c0_i32_0 : i32, i32
  }
  func.func @transform_2(%arg0: i32) -> (i32, i32) {
    %c0_i32 = arith.constant 0 : i32
    %c0_i32_0 = arith.constant 0 : i32
    %c0_i32_1 = arith.constant 0 : i32
    return %c0_i32, %c0_i32_0 : i32, i32
  }
  func.func @transform_3(%arg0: i32) -> (i32, i32) {
    %c0_i32 = arith.constant 0 : i32
    %c0_i32_0 = arith.constant 0 : i32
    %c0_i32_1 = arith.constant 0 : i32
    return %c0_i32, %c0_i32_0 : i32, i32
  }
  func.func @transform_4(%arg0: i32) -> (i32, i32) {
    %c0_i32 = arith.constant 0 : i32
    %c0_i32_0 = arith.constant 0 : i32
    %c0_i32_1 = arith.constant 0 : i32
    return %c0_i32, %c0_i32_0 : i32, i32
  }
  func.func @transform_5(%arg0: i32) -> (i32, i32) {
    %c0_i32 = arith.constant 0 : i32
    %c0_i32_0 = arith.constant 0 : i32
    %c0_i32_1 = arith.constant 0 : i32
    return %c0_i32, %c0_i32_0 : i32, i32
  }
  func.func @transform_6(%arg0: i32) -> (i32, i32) {
    %c0_i32 = arith.constant 0 : i32
    %c0_i32_0 = arith.constant 0 : i32
    return %arg0, %c0_i32 : i32, i32
  }
  func.func @transform_7(%arg0: i32) -> (i32, i32) {
    %c0_i32 = arith.constant 0 : i32
    %c0_i32_0 = arith.constant 0 : i32
    return %arg0, %c0_i32 : i32, i32
  }
}

module attributes {stable_mosaic.version = 14 : i64} {
  func.func @_p2_body(%arg0: i32, %arg1: memref<512x128xf32, #tpu.memory_space<vmem>>, %arg2: memref<2x512x128xf32, #tpu.memory_space<vmem>>, %arg3: memref<128x128xf32, #tpu.memory_space<vmem>>, %arg4: memref<128x128xf32, #tpu.memory_space<vmem>>, %arg5: memref<1x128xf32, #tpu.memory_space<vmem>>, %arg6: memref<128x128xf32, #tpu.memory_space<vmem>>, %arg7: memref<512x128xf32, #tpu.memory_space<vmem>>, %arg8: memref<512x128xf32, #tpu.memory_space<vmem>>) attributes {dimension_semantics = [#tpu.dimension_semantics<arbitrary>], iteration_bounds = array<i64: 8>, scalar_prefetch = 0 : i64, scratch_operands = 0 : i64, tpu.core_type = #tpu.core_type<tc>, window_params = [{transform_indices = @transform_0, window_bounds = array<i64: 512, 128>}, {transform_indices = @transform_1, window_bounds = array<i64: 2, 512, 128>}, {pipeline_mode = #tpu.pipeline_mode<synchronous>, transform_indices = @transform_2, window_bounds = array<i64: 128, 128>}, {pipeline_mode = #tpu.pipeline_mode<synchronous>, transform_indices = @transform_3, window_bounds = array<i64: 128, 128>}, {pipeline_mode = #tpu.pipeline_mode<synchronous>, transform_indices = @transform_4, window_bounds = array<i64: 1, 128>}, {pipeline_mode = #tpu.pipeline_mode<synchronous>, transform_indices = @transform_5, window_bounds = array<i64: 128, 128>}, {transform_indices = @transform_6, window_bounds = array<i64: 512, 128>}, {transform_indices = @transform_7, window_bounds = array<i64: 512, 128>}]} {
    %get3A = arith.constant 0 : index
    %get3A_0 = arith.constant 0 : index
    %get3A_1 = arith.constant 0 : index
    %get3A_2 = vector.load %arg2[%get3A, %get3A_0, %get3A_1] : memref<2x512x128xf32, #tpu.memory_space<vmem>>, vector<1x512x128xf32>
    %get3A_3 = vector.shape_cast %get3A_2 : vector<1x512x128xf32> to vector<512x128xf32>
    %get3A_4 = arith.constant 1 : index
    %get3A_5 = arith.constant 0 : index
    %get3A_6 = arith.constant 0 : index
    %get3A_7 = vector.load %arg2[%get3A_4, %get3A_5, %get3A_6] : memref<2x512x128xf32, #tpu.memory_space<vmem>>, vector<1x512x128xf32>
    %get3A_8 = vector.shape_cast %get3A_7 : vector<1x512x128xf32> to vector<512x128xf32>
    %add3A = arith.addf %get3A_3, %get3A_8 : vector<512x128xf32>
    %get3A_9 = arith.constant 0 : index
    %get3A_10 = arith.constant 0 : index
    %get3A_11 = vector.load %arg1[%get3A_9, %get3A_10] : memref<512x128xf32, #tpu.memory_space<vmem>>, vector<512x128xf32>
    %get3A_12 = arith.constant 0 : index
    %get3A_13 = arith.constant 0 : index
    %get3A_14 = vector.load %arg3[%get3A_12, %get3A_13] : memref<128x128xf32, #tpu.memory_space<vmem>>, vector<128x128xf32>
    %dot_general3A = arith.constant dense<0.000000e+00> : vector<512x128xf32>
    %dot_general3A_15 = tpu.matmul %add3A, %get3A_14, %dot_general3A {dimension_numbers = #tpu.dot_dimension_numbers<[1], [1], [0], [0], [0, 0, 1, 0], [], []>, transpose_lhs_hint = false} : vector<512x128xf32>, vector<128x128xf32>, vector<512x128xf32> -> vector<512x128xf32>
    %add3A_16 = arith.addf %get3A_11, %dot_general3A_15 : vector<512x128xf32>
    %max3A = arith.constant 0.000000e+00 : f32
    %max3A_17 = vector.broadcast %max3A : f32 to vector<512x128xf32>
    %max3A_18 = arith.maximumf %add3A_16, %max3A_17 : vector<512x128xf32>
    %get3A_19 = arith.constant 0 : index
    %get3A_20 = arith.constant 0 : index
    %get3A_21 = vector.load %arg4[%get3A_19, %get3A_20] : memref<128x128xf32, #tpu.memory_space<vmem>>, vector<128x128xf32>
    %dot_general3A_22 = arith.constant dense<0.000000e+00> : vector<512x128xf32>
    %dot_general3A_23 = tpu.matmul %max3A_18, %get3A_21, %dot_general3A_22 {dimension_numbers = #tpu.dot_dimension_numbers<[1], [1], [0], [0], [0, 0, 1, 0], [], []>, transpose_lhs_hint = false} : vector<512x128xf32>, vector<128x128xf32>, vector<512x128xf32> -> vector<512x128xf32>
    %get3A_24 = arith.constant 0 : index
    %get3A_25 = arith.constant 0 : index
    %get3A_26 = vector.load %arg5[%get3A_24, %get3A_25] : memref<1x128xf32, #tpu.memory_space<vmem>>, vector<1x128xf32>
    %add3A_27 = vector.broadcast %get3A_26 : vector<1x128xf32> to vector<512x128xf32>
    %add3A_28 = arith.addf %dot_general3A_23, %add3A_27 : vector<512x128xf32>
    %swap3A = arith.constant 0 : index
    %swap3A_29 = arith.constant 0 : index
    %swap3A_30 = vector.load %arg7[%swap3A, %swap3A_29] : memref<512x128xf32, #tpu.memory_space<vmem>>, vector<512x128xf32>
    tpu.vector_store %arg7[%swap3A, %swap3A_29], %add3A_28 {strides = array<i32>} : memref<512x128xf32, #tpu.memory_space<vmem>>, vector<512x128xf32>,
    %get3A_31 = arith.constant 0 : index
    %get3A_32 = arith.constant 0 : index
    %get3A_33 = vector.load %arg6[%get3A_31, %get3A_32] : memref<128x128xf32, #tpu.memory_space<vmem>>, vector<128x128xf32>
    %dot_general3A_34 = arith.constant dense<0.000000e+00> : vector<512x128xf32>
    %dot_general3A_35 = tpu.matmul %max3A_18, %get3A_33, %dot_general3A_34 {dimension_numbers = #tpu.dot_dimension_numbers<[1], [1], [0], [0], [0, 0, 1, 0], [], []>, transpose_lhs_hint = false} : vector<512x128xf32>, vector<128x128xf32>, vector<512x128xf32> -> vector<512x128xf32>
    %swap3A_36 = arith.constant 0 : index
    %swap3A_37 = arith.constant 0 : index
    %swap3A_38 = vector.load %arg8[%swap3A_36, %swap3A_37] : memref<512x128xf32, #tpu.memory_space<vmem>>, vector<512x128xf32>
    tpu.vector_store %arg8[%swap3A_36, %swap3A_37], %dot_general3A_35 {strides = array<i32>} : memref<512x128xf32, #tpu.memory_space<vmem>>, vector<512x128xf32>,
    return
  }
  func.func @transform_0(%arg0: i32) -> (i32, i32) {
    %c0_i32 = arith.constant 0 : i32
    %c0_i32_0 = arith.constant 0 : i32
    return %arg0, %c0_i32 : i32, i32
  }
  func.func @transform_1(%arg0: i32) -> (i32, i32, i32) {
    %c0_i32 = arith.constant 0 : i32
    %c0_i32_0 = arith.constant 0 : i32
    %c0_i32_1 = arith.constant 0 : i32
    return %c0_i32, %arg0, %c0_i32_0 : i32, i32, i32
  }
  func.func @transform_2(%arg0: i32) -> (i32, i32) {
    %c0_i32 = arith.constant 0 : i32
    %c0_i32_0 = arith.constant 0 : i32
    %c0_i32_1 = arith.constant 0 : i32
    return %c0_i32, %c0_i32_0 : i32, i32
  }
  func.func @transform_3(%arg0: i32) -> (i32, i32) {
    %c0_i32 = arith.constant 0 : i32
    %c0_i32_0 = arith.constant 0 : i32
    %c0_i32_1 = arith.constant 0 : i32
    return %c0_i32, %c0_i32_0 : i32, i32
  }
  func.func @transform_4(%arg0: i32) -> (i32, i32) {
    %c0_i32 = arith.constant 0 : i32
    %c0_i32_0 = arith.constant 0 : i32
    %c0_i32_1 = arith.constant 0 : i32
    return %c0_i32, %c0_i32_0 : i32, i32
  }
  func.func @transform_5(%arg0: i32) -> (i32, i32) {
    %c0_i32 = arith.constant 0 : i32
    %c0_i32_0 = arith.constant 0 : i32
    %c0_i32_1 = arith.constant 0 : i32
    return %c0_i32, %c0_i32_0 : i32, i32
  }
  func.func @transform_6(%arg0: i32) -> (i32, i32) {
    %c0_i32 = arith.constant 0 : i32
    %c0_i32_0 = arith.constant 0 : i32
    return %arg0, %c0_i32 : i32, i32
  }
  func.func @transform_7(%arg0: i32) -> (i32, i32) {
    %c0_i32 = arith.constant 0 : i32
    %c0_i32_0 = arith.constant 0 : i32
    return %arg0, %c0_i32 : i32, i32
  }
}

module attributes {stable_mosaic.version = 14 : i64} {
  func.func @_p3_body(%arg0: i32, %arg1: memref<512x128xf32, #tpu.memory_space<vmem>>, %arg2: memref<2x512x128xf32, #tpu.memory_space<vmem>>, %arg3: memref<128x128xf32, #tpu.memory_space<vmem>>, %arg4: memref<384x128xf32, #tpu.memory_space<vmem>>, %arg5: memref<1x384xf32, #tpu.memory_space<vmem>>, %arg6: memref<512x128xf32, #tpu.memory_space<vmem>>, %arg7: memref<512x128xf32, #tpu.memory_space<vmem>>, %arg8: memref<512x128xf32, #tpu.memory_space<vmem>>, %arg9: memref<512x128xf32, #tpu.memory_space<vmem>>) attributes {dimension_semantics = [#tpu.dimension_semantics<arbitrary>], iteration_bounds = array<i64: 8>, scalar_prefetch = 0 : i64, scratch_operands = 0 : i64, tpu.core_type = #tpu.core_type<tc>, window_params = [{transform_indices = @transform_0, window_bounds = array<i64: 512, 128>}, {transform_indices = @transform_1, window_bounds = array<i64: 2, 512, 128>}, {pipeline_mode = #tpu.pipeline_mode<synchronous>, transform_indices = @transform_2, window_bounds = array<i64: 128, 128>}, {pipeline_mode = #tpu.pipeline_mode<synchronous>, transform_indices = @transform_3, window_bounds = array<i64: 384, 128>}, {pipeline_mode = #tpu.pipeline_mode<synchronous>, transform_indices = @transform_4, window_bounds = array<i64: 1, 384>}, {transform_indices = @transform_5, window_bounds = array<i64: 512, 128>}, {transform_indices = @transform_6, window_bounds = array<i64: 512, 128>}, {transform_indices = @transform_7, window_bounds = array<i64: 512, 128>}, {transform_indices = @transform_8, window_bounds = array<i64: 512, 128>}]} {
    %get3A = arith.constant 0 : index
    %get3A_0 = arith.constant 0 : index
    %get3A_1 = arith.constant 0 : index
    %get3A_2 = vector.load %arg2[%get3A, %get3A_0, %get3A_1] : memref<2x512x128xf32, #tpu.memory_space<vmem>>, vector<1x512x128xf32>
    %get3A_3 = vector.shape_cast %get3A_2 : vector<1x512x128xf32> to vector<512x128xf32>
    %get3A_4 = arith.constant 1 : index
    %get3A_5 = arith.constant 0 : index
    %get3A_6 = arith.constant 0 : index
    %get3A_7 = vector.load %arg2[%get3A_4, %get3A_5, %get3A_6] : memref<2x512x128xf32, #tpu.memory_space<vmem>>, vector<1x512x128xf32>
    %get3A_8 = vector.shape_cast %get3A_7 : vector<1x512x128xf32> to vector<512x128xf32>
    %add3A = arith.addf %get3A_3, %get3A_8 : vector<512x128xf32>
    %get3A_9 = arith.constant 0 : index
    %get3A_10 = arith.constant 0 : index
    %get3A_11 = vector.load %arg1[%get3A_9, %get3A_10] : memref<512x128xf32, #tpu.memory_space<vmem>>, vector<512x128xf32>
    %get3A_12 = arith.constant 0 : index
    %get3A_13 = arith.constant 0 : index
    %get3A_14 = vector.load %arg3[%get3A_12, %get3A_13] : memref<128x128xf32, #tpu.memory_space<vmem>>, vector<128x128xf32>
    %dot_general3A = arith.constant dense<0.000000e+00> : vector<512x128xf32>
    %dot_general3A_15 = tpu.matmul %add3A, %get3A_14, %dot_general3A {dimension_numbers = #tpu.dot_dimension_numbers<[1], [1], [0], [0], [0, 0, 1, 0], [], []>, transpose_lhs_hint = false} : vector<512x128xf32>, vector<128x128xf32>, vector<512x128xf32> -> vector<512x128xf32>
    %add3A_16 = arith.addf %get3A_11, %dot_general3A_15 : vector<512x128xf32>
    %max3A = arith.constant 0.000000e+00 : f32
    %max3A_17 = vector.broadcast %max3A : f32 to vector<512x128xf32>
    %max3A_18 = arith.maximumf %add3A_16, %max3A_17 : vector<512x128xf32>
    %swap3A = arith.constant 0 : index
    %swap3A_19 = arith.constant 0 : index
    %swap3A_20 = vector.load %arg6[%swap3A, %swap3A_19] : memref<512x128xf32, #tpu.memory_space<vmem>>, vector<512x128xf32>
    tpu.vector_store %arg6[%swap3A, %swap3A_19], %max3A_18 {strides = array<i32>} : memref<512x128xf32, #tpu.memory_space<vmem>>, vector<512x128xf32>,
    %get3A_21 = arith.constant 0 : index
    %get3A_22 = arith.constant 0 : index
    %get3A_23 = vector.load %arg4[%get3A_21, %get3A_22] : memref<384x128xf32, #tpu.memory_space<vmem>>, vector<384x128xf32>
    %dot_general3A_24 = arith.constant dense<0.000000e+00> : vector<512x384xf32>
    %dot_general3A_25 = tpu.matmul %max3A_18, %get3A_23, %dot_general3A_24 {dimension_numbers = #tpu.dot_dimension_numbers<[1], [1], [0], [0], [0, 0, 1, 0], [], []>, transpose_lhs_hint = false} : vector<512x128xf32>, vector<384x128xf32>, vector<512x384xf32> -> vector<512x384xf32>
    %get3A_26 = arith.constant 0 : index
    %get3A_27 = arith.constant 0 : index
    %get3A_28 = vector.load %arg5[%get3A_26, %get3A_27] : memref<1x384xf32, #tpu.memory_space<vmem>>, vector<1x384xf32>
    %add3A_29 = vector.broadcast %get3A_28 : vector<1x384xf32> to vector<512x384xf32>
    %add3A_30 = arith.addf %dot_general3A_25, %add3A_29 : vector<512x384xf32>
    %slice3A = vector.extract_strided_slice %add3A_30 {offsets = [0, 0], sizes = [512, 128], strides = [1, 1]} : vector<512x384xf32> to vector<512x128xf32>
    %swap3A_31 = arith.constant 0 : index
    %swap3A_32 = arith.constant 0 : index
    %swap3A_33 = vector.load %arg7[%swap3A_31, %swap3A_32] : memref<512x128xf32, #tpu.memory_space<vmem>>, vector<512x128xf32>
    tpu.vector_store %arg7[%swap3A_31, %swap3A_32], %slice3A {strides = array<i32>} : memref<512x128xf32, #tpu.memory_space<vmem>>, vector<512x128xf32>,
    %slice3A_34 = vector.extract_strided_slice %add3A_30 {offsets = [0, 128], sizes = [512, 128], strides = [1, 1]} : vector<512x384xf32> to vector<512x128xf32>
    %swap3A_35 = arith.constant 0 : index
    %swap3A_36 = arith.constant 0 : index
    %swap3A_37 = vector.load %arg8[%swap3A_35, %swap3A_36] : memref<512x128xf32, #tpu.memory_space<vmem>>, vector<512x128xf32>
    tpu.vector_store %arg8[%swap3A_35, %swap3A_36], %slice3A_34 {strides = array<i32>} : memref<512x128xf32, #tpu.memory_space<vmem>>, vector<512x128xf32>,
    %slice3A_38 = vector.extract_strided_slice %add3A_30 {offsets = [0, 256], sizes = [512, 128], strides = [1, 1]} : vector<512x384xf32> to vector<512x128xf32>
    %swap3A_39 = arith.constant 0 : index
    %swap3A_40 = arith.constant 0 : index
    %swap3A_41 = vector.load %arg9[%swap3A_39, %swap3A_40] : memref<512x128xf32, #tpu.memory_space<vmem>>, vector<512x128xf32>
    tpu.vector_store %arg9[%swap3A_39, %swap3A_40], %slice3A_38 {strides = array<i32>} : memref<512x128xf32, #tpu.memory_space<vmem>>, vector<512x128xf32>,
    return
  }
  func.func @transform_0(%arg0: i32) -> (i32, i32) {
    %c0_i32 = arith.constant 0 : i32
    %c0_i32_0 = arith.constant 0 : i32
    return %arg0, %c0_i32 : i32, i32
  }
  func.func @transform_1(%arg0: i32) -> (i32, i32, i32) {
    %c0_i32 = arith.constant 0 : i32
    %c0_i32_0 = arith.constant 0 : i32
    %c0_i32_1 = arith.constant 0 : i32
    return %c0_i32, %arg0, %c0_i32_0 : i32, i32, i32
  }
  func.func @transform_2(%arg0: i32) -> (i32, i32) {
    %c0_i32 = arith.constant 0 : i32
    %c0_i32_0 = arith.constant 0 : i32
    %c0_i32_1 = arith.constant 0 : i32
    return %c0_i32, %c0_i32_0 : i32, i32
  }
  func.func @transform_3(%arg0: i32) -> (i32, i32) {
    %c0_i32 = arith.constant 0 : i32
    %c0_i32_0 = arith.constant 0 : i32
    %c0_i32_1 = arith.constant 0 : i32
    return %c0_i32, %c0_i32_0 : i32, i32
  }
  func.func @transform_4(%arg0: i32) -> (i32, i32) {
    %c0_i32 = arith.constant 0 : i32
    %c0_i32_0 = arith.constant 0 : i32
    %c0_i32_1 = arith.constant 0 : i32
    return %c0_i32, %c0_i32_0 : i32, i32
  }
  func.func @transform_5(%arg0: i32) -> (i32, i32) {
    %c0_i32 = arith.constant 0 : i32
    %c0_i32_0 = arith.constant 0 : i32
    return %arg0, %c0_i32 : i32, i32
  }
  func.func @transform_6(%arg0: i32) -> (i32, i32) {
    %c0_i32 = arith.constant 0 : i32
    %c0_i32_0 = arith.constant 0 : i32
    return %arg0, %c0_i32 : i32, i32
  }
  func.func @transform_7(%arg0: i32) -> (i32, i32) {
    %c0_i32 = arith.constant 0 : i32
    %c0_i32_0 = arith.constant 0 : i32
    return %arg0, %c0_i32 : i32, i32
  }
  func.func @transform_8(%arg0: i32) -> (i32, i32) {
    %c0_i32 = arith.constant 0 : i32
    %c0_i32_0 = arith.constant 0 : i32
    return %arg0, %c0_i32 : i32, i32
  }
}

module attributes {stable_mosaic.version = 14 : i64} {
  func.func @_p4_body(%arg0: i32, %arg1: memref<1024x128xf32, #tpu.memory_space<vmem>>, %arg2: memref<4096x128xf32, #tpu.memory_space<vmem>>, %arg3: memref<4096x128xf32, #tpu.memory_space<vmem>>, %arg4: memref<1024x128xf32, #tpu.memory_space<vmem>>, %arg5: memref<128x128xf32, #tpu.memory_space<vmem>>, %arg6: memref<1x128xf32, #tpu.memory_space<vmem>>, %arg7: memref<1x128xf32, #tpu.memory_space<vmem>>, %arg8: memref<1x128xf32, #tpu.memory_space<vmem>>, %arg9: memref<512x128xf32, #tpu.memory_space<vmem>>, %arg10: memref<1x512xf32, #tpu.memory_space<vmem>>, %arg11: memref<128x512xf32, #tpu.memory_space<vmem>>, %arg12: memref<1x128xf32, #tpu.memory_space<vmem>>, %arg13: memref<1024x128xf32, #tpu.memory_space<vmem>>) attributes {dimension_semantics = [#tpu.dimension_semantics<arbitrary>], iteration_bounds = array<i64: 4>, scalar_prefetch = 0 : i64, scratch_operands = 0 : i64, tpu.core_type = #tpu.core_type<tc>, window_params = [{transform_indices = @transform_0, window_bounds = array<i64: 1024, 128>}, {pipeline_mode = #tpu.pipeline_mode<synchronous>, transform_indices = @transform_1, window_bounds = array<i64: 4096, 128>}, {pipeline_mode = #tpu.pipeline_mode<synchronous>, transform_indices = @transform_2, window_bounds = array<i64: 4096, 128>}, {transform_indices = @transform_3, window_bounds = array<i64: 1024, 128>}, {pipeline_mode = #tpu.pipeline_mode<synchronous>, transform_indices = @transform_4, window_bounds = array<i64: 128, 128>}, {pipeline_mode = #tpu.pipeline_mode<synchronous>, transform_indices = @transform_5, window_bounds = array<i64: 1, 128>}, {pipeline_mode = #tpu.pipeline_mode<synchronous>, transform_indices = @transform_6, window_bounds = array<i64: 1, 128>}, {pipeline_mode = #tpu.pipeline_mode<synchronous>, transform_indices = @transform_7, window_bounds = array<i64: 1, 128>}, {pipeline_mode = #tpu.pipeline_mode<synchronous>, transform_indices = @transform_8, window_bounds = array<i64: 512, 128>}, {pipeline_mode = #tpu.pipeline_mode<synchronous>, transform_indices = @transform_9, window_bounds = array<i64: 1, 512>}, {pipeline_mode = #tpu.pipeline_mode<synchronous>, transform_indices = @transform_10, window_bounds = array<i64: 128, 512>}, {pipeline_mode = #tpu.pipeline_mode<synchronous>, transform_indices = @transform_11, window_bounds = array<i64: 1, 128>}, {transform_indices = @transform_12, window_bounds = array<i64: 1024, 128>}]} {
    %get3A = arith.constant 0 : index
    %get3A_0 = arith.constant 0 : index
    %get3A_1 = vector.load %arg1[%get3A, %get3A_0] : memref<1024x128xf32, #tpu.memory_space<vmem>>, vector<1024x128xf32>
    %get3A_2 = arith.constant 0 : index
    %get3A_3 = arith.constant 0 : index
    %get3A_4 = vector.load %arg2[%get3A_2, %get3A_3] : memref<4096x128xf32, #tpu.memory_space<vmem>>, vector<4096x128xf32>
    %convert_element_type3A = arith.truncf %get3A_4 : vector<4096x128xf32> to vector<4096x128xbf16>
    %get3A_5 = arith.constant 0 : index
    %get3A_6 = arith.constant 0 : index
    %get3A_7 = vector.load %arg3[%get3A_5, %get3A_6] : memref<4096x128xf32, #tpu.memory_space<vmem>>, vector<4096x128xf32>
    %convert_element_type3A_8 = arith.truncf %get3A_7 : vector<4096x128xf32> to vector<4096x128xbf16>
    %broadcast_in_dim3A = arith.constant 1.000000e+00 : bf16
    %broadcast_in_dim3A_9 = vector.broadcast %broadcast_in_dim3A : bf16 to vector<4096x1xbf16>
    %slice3A = vector.extract_strided_slice %get3A_1 {offsets = [0, 0], sizes = [1024, 32], strides = [1, 1]} : vector<1024x128xf32> to vector<1024x32xf32>
    %mul3A = arith.constant 0.176776692 : f32
    %mul3A_10 = vector.broadcast %mul3A : f32 to vector<1024x32xf32>
    %mul3A_11 = arith.mulf %slice3A, %mul3A_10 : vector<1024x32xf32>
    %convert_element_type3A_12 = arith.truncf %mul3A_11 : vector<1024x32xf32> to vector<1024x32xbf16>
    %slice3A_13 = vector.extract_strided_slice %convert_element_type3A {offsets = [0, 0], sizes = [4096, 32], strides = [1, 1]} : vector<4096x128xbf16> to vector<4096x32xbf16>
    %dot_general3A = arith.constant dense<0.000000e+00> : vector<1024x4096xf32>
    %dot_general3A_14 = tpu.matmul %convert_element_type3A_12, %slice3A_13, %dot_general3A {dimension_numbers = #tpu.dot_dimension_numbers<[1], [1], [0], [0], [0, 0, 1, 0], [], []>, transpose_lhs_hint = false} : vector<1024x32xbf16>, vector<4096x32xbf16>, vector<1024x4096xf32> -> vector<1024x4096xf32>
    %exp3A = math.exp %dot_general3A_14 : vector<1024x4096xf32>
    %convert_element_type3A_15 = arith.truncf %exp3A : vector<1024x4096xf32> to vector<1024x4096xbf16>
    %slice3A_16 = vector.extract_strided_slice %convert_element_type3A_8 {offsets = [0, 0], sizes = [4096, 32], strides = [1, 1]} : vector<4096x128xbf16> to vector<4096x32xbf16>
    %concatenate3A = tpu.concatenate %slice3A_16, %broadcast_in_dim3A_9 in 1 : vector<4096x32xbf16>, vector<4096x1xbf16> -> vector<4096x33xbf16>
    %dot_general3A_17 = arith.constant dense<0.000000e+00> : vector<1024x33xf32>
    %dot_general3A_18 = tpu.matmul %convert_element_type3A_15, %concatenate3A, %dot_general3A_17 {dimension_numbers = #tpu.dot_dimension_numbers<[1], [0], [0], [1], [0, 0, 1, 1], [], []>, transpose_lhs_hint = false} : vector<1024x4096xbf16>, vector<4096x33xbf16>, vector<1024x33xf32> -> vector<1024x33xf32>
    %slice3A_19 = vector.extract_strided_slice %dot_general3A_18 {offsets = [0, 0], sizes = [1024, 32], strides = [1, 1]} : vector<1024x33xf32> to vector<1024x32xf32>
    %slice3A_20 = vector.extract_strided_slice %dot_general3A_18 {offsets = [0, 32], sizes = [1024, 1], strides = [1, 1]} : vector<1024x33xf32> to vector<1024x1xf32>
    %div3A = vector.broadcast %slice3A_20 : vector<1024x1xf32> to vector<1024x32xf32>
    %div3A_21 = arith.divf %slice3A_19, %div3A : vector<1024x32xf32>
    %slice3A_22 = vector.extract_strided_slice %get3A_1 {offsets = [0, 32], sizes = [1024, 32], strides = [1, 1]} : vector<1024x128xf32> to vector<1024x32xf32>
    %mul3A_23 = arith.constant 0.176776692 : f32
    %mul3A_24 = vector.broadcast %mul3A_23 : f32 to vector<1024x32xf32>
    %mul3A_25 = arith.mulf %slice3A_22, %mul3A_24 : vector<1024x32xf32>
    %convert_element_type3A_26 = arith.truncf %mul3A_25 : vector<1024x32xf32> to vector<1024x32xbf16>
    %slice3A_27 = vector.extract_strided_slice %convert_element_type3A {offsets = [0, 32], sizes = [4096, 32], strides = [1, 1]} : vector<4096x128xbf16> to vector<4096x32xbf16>
    %dot_general3A_28 = arith.constant dense<0.000000e+00> : vector<1024x4096xf32>
    %dot_general3A_29 = tpu.matmul %convert_element_type3A_26, %slice3A_27, %dot_general3A_28 {dimension_numbers = #tpu.dot_dimension_numbers<[1], [1], [0], [0], [0, 0, 1, 0], [], []>, transpose_lhs_hint = false} : vector<1024x32xbf16>, vector<4096x32xbf16>, vector<1024x4096xf32> -> vector<1024x4096xf32>
    %exp3A_30 = math.exp %dot_general3A_29 : vector<1024x4096xf32>
    %convert_element_type3A_31 = arith.truncf %exp3A_30 : vector<1024x4096xf32> to vector<1024x4096xbf16>
    %slice3A_32 = vector.extract_strided_slice %convert_element_type3A_8 {offsets = [0, 32], sizes = [4096, 32], strides = [1, 1]} : vector<4096x128xbf16> to vector<4096x32xbf16>
    %concatenate3A_33 = tpu.concatenate %slice3A_32, %broadcast_in_dim3A_9 in 1 : vector<4096x32xbf16>, vector<4096x1xbf16> -> vector<4096x33xbf16>
    %dot_general3A_34 = arith.constant dense<0.000000e+00> : vector<1024x33xf32>
    %dot_general3A_35 = tpu.matmul %convert_element_type3A_31, %concatenate3A_33, %dot_general3A_34 {dimension_numbers = #tpu.dot_dimension_numbers<[1], [0], [0], [1], [0, 0, 1, 1], [], []>, transpose_lhs_hint = false} : vector<1024x4096xbf16>, vector<4096x33xbf16>, vector<1024x33xf32> -> vector<1024x33xf32>
    %slice3A_36 = vector.extract_strided_slice %dot_general3A_35 {offsets = [0, 0], sizes = [1024, 32], strides = [1, 1]} : vector<1024x33xf32> to vector<1024x32xf32>
    %slice3A_37 = vector.extract_strided_slice %dot_general3A_35 {offsets = [0, 32], sizes = [1024, 1], strides = [1, 1]} : vector<1024x33xf32> to vector<1024x1xf32>
    %div3A_38 = vector.broadcast %slice3A_37 : vector<1024x1xf32> to vector<1024x32xf32>
    %div3A_39 = arith.divf %slice3A_36, %div3A_38 : vector<1024x32xf32>
    %slice3A_40 = vector.extract_strided_slice %get3A_1 {offsets = [0, 64], sizes = [1024, 32], strides = [1, 1]} : vector<1024x128xf32> to vector<1024x32xf32>
    %mul3A_41 = arith.constant 0.176776692 : f32
    %mul3A_42 = vector.broadcast %mul3A_41 : f32 to vector<1024x32xf32>
    %mul3A_43 = arith.mulf %slice3A_40, %mul3A_42 : vector<1024x32xf32>
    %convert_element_type3A_44 = arith.truncf %mul3A_43 : vector<1024x32xf32> to vector<1024x32xbf16>
    %slice3A_45 = vector.extract_strided_slice %convert_element_type3A {offsets = [0, 64], sizes = [4096, 32], strides = [1, 1]} : vector<4096x128xbf16> to vector<4096x32xbf16>
    %dot_general3A_46 = arith.constant dense<0.000000e+00> : vector<1024x4096xf32>
    %dot_general3A_47 = tpu.matmul %convert_element_type3A_44, %slice3A_45, %dot_general3A_46 {dimension_numbers = #tpu.dot_dimension_numbers<[1], [1], [0], [0], [0, 0, 1, 0], [], []>, transpose_lhs_hint = false} : vector<1024x32xbf16>, vector<4096x32xbf16>, vector<1024x4096xf32> -> vector<1024x4096xf32>
    %exp3A_48 = math.exp %dot_general3A_47 : vector<1024x4096xf32>
    %convert_element_type3A_49 = arith.truncf %exp3A_48 : vector<1024x4096xf32> to vector<1024x4096xbf16>
    %slice3A_50 = vector.extract_strided_slice %convert_element_type3A_8 {offsets = [0, 64], sizes = [4096, 32], strides = [1, 1]} : vector<4096x128xbf16> to vector<4096x32xbf16>
    %concatenate3A_51 = tpu.concatenate %slice3A_50, %broadcast_in_dim3A_9 in 1 : vector<4096x32xbf16>, vector<4096x1xbf16> -> vector<4096x33xbf16>
    %dot_general3A_52 = arith.constant dense<0.000000e+00> : vector<1024x33xf32>
    %dot_general3A_53 = tpu.matmul %convert_element_type3A_49, %concatenate3A_51, %dot_general3A_52 {dimension_numbers = #tpu.dot_dimension_numbers<[1], [0], [0], [1], [0, 0, 1, 1], [], []>, transpose_lhs_hint = false} : vector<1024x4096xbf16>, vector<4096x33xbf16>, vector<1024x33xf32> -> vector<1024x33xf32>
    %slice3A_54 = vector.extract_strided_slice %dot_general3A_53 {offsets = [0, 0], sizes = [1024, 32], strides = [1, 1]} : vector<1024x33xf32> to vector<1024x32xf32>
    %slice3A_55 = vector.extract_strided_slice %dot_general3A_53 {offsets = [0, 32], sizes = [1024, 1], strides = [1, 1]} : vector<1024x33xf32> to vector<1024x1xf32>
    %div3A_56 = vector.broadcast %slice3A_55 : vector<1024x1xf32> to vector<1024x32xf32>
    %div3A_57 = arith.divf %slice3A_54, %div3A_56 : vector<1024x32xf32>
    %slice3A_58 = vector.extract_strided_slice %get3A_1 {offsets = [0, 96], sizes = [1024, 32], strides = [1, 1]} : vector<1024x128xf32> to vector<1024x32xf32>
    %mul3A_59 = arith.constant 0.176776692 : f32
    %mul3A_60 = vector.broadcast %mul3A_59 : f32 to vector<1024x32xf32>
    %mul3A_61 = arith.mulf %slice3A_58, %mul3A_60 : vector<1024x32xf32>
    %convert_element_type3A_62 = arith.truncf %mul3A_61 : vector<1024x32xf32> to vector<1024x32xbf16>
    %slice3A_63 = vector.extract_strided_slice %convert_element_type3A {offsets = [0, 96], sizes = [4096, 32], strides = [1, 1]} : vector<4096x128xbf16> to vector<4096x32xbf16>
    %dot_general3A_64 = arith.constant dense<0.000000e+00> : vector<1024x4096xf32>
    %dot_general3A_65 = tpu.matmul %convert_element_type3A_62, %slice3A_63, %dot_general3A_64 {dimension_numbers = #tpu.dot_dimension_numbers<[1], [1], [0], [0], [0, 0, 1, 0], [], []>, transpose_lhs_hint = false} : vector<1024x32xbf16>, vector<4096x32xbf16>, vector<1024x4096xf32> -> vector<1024x4096xf32>
    %exp3A_66 = math.exp %dot_general3A_65 : vector<1024x4096xf32>
    %convert_element_type3A_67 = arith.truncf %exp3A_66 : vector<1024x4096xf32> to vector<1024x4096xbf16>
    %slice3A_68 = vector.extract_strided_slice %convert_element_type3A_8 {offsets = [0, 96], sizes = [4096, 32], strides = [1, 1]} : vector<4096x128xbf16> to vector<4096x32xbf16>
    %concatenate3A_69 = tpu.concatenate %slice3A_68, %broadcast_in_dim3A_9 in 1 : vector<4096x32xbf16>, vector<4096x1xbf16> -> vector<4096x33xbf16>
    %dot_general3A_70 = arith.constant dense<0.000000e+00> : vector<1024x33xf32>
    %dot_general3A_71 = tpu.matmul %convert_element_type3A_67, %concatenate3A_69, %dot_general3A_70 {dimension_numbers = #tpu.dot_dimension_numbers<[1], [0], [0], [1], [0, 0, 1, 1], [], []>, transpose_lhs_hint = false} : vector<1024x4096xbf16>, vector<4096x33xbf16>, vector<1024x33xf32> -> vector<1024x33xf32>
    %slice3A_72 = vector.extract_strided_slice %dot_general3A_71 {offsets = [0, 0], sizes = [1024, 32], strides = [1, 1]} : vector<1024x33xf32> to vector<1024x32xf32>
    %slice3A_73 = vector.extract_strided_slice %dot_general3A_71 {offsets = [0, 32], sizes = [1024, 1], strides = [1, 1]} : vector<1024x33xf32> to vector<1024x1xf32>
    %div3A_74 = vector.broadcast %slice3A_73 : vector<1024x1xf32> to vector<1024x32xf32>
    %div3A_75 = arith.divf %slice3A_72, %div3A_74 : vector<1024x32xf32>
    %concatenate3A_76 = tpu.concatenate %div3A_21, %div3A_39, %div3A_57, %div3A_75 in 1 : vector<1024x32xf32>, vector<1024x32xf32>, vector<1024x32xf32>, vector<1024x32xf32> -> vector<1024x128xf32>
    %get3A_77 = arith.constant 0 : index
    %get3A_78 = arith.constant 0 : index
    %get3A_79 = vector.load %arg7[%get3A_77, %get3A_78] : memref<1x128xf32, #tpu.memory_space<vmem>>, vector<1x128xf32>
    %get3A_80 = arith.constant 0 : index
    %get3A_81 = arith.constant 0 : index
    %get3A_82 = vector.load %arg8[%get3A_80, %get3A_81] : memref<1x128xf32, #tpu.memory_space<vmem>>, vector<1x128xf32>
    %get3A_83 = arith.constant 0 : index
    %get3A_84 = arith.constant 0 : index
    %get3A_85 = vector.load %arg4[%get3A_83, %get3A_84] : memref<1024x128xf32, #tpu.memory_space<vmem>>, vector<1024x128xf32>
    %get3A_86 = arith.constant 0 : index
    %get3A_87 = arith.constant 0 : index
    %get3A_88 = vector.load %arg5[%get3A_86, %get3A_87] : memref<128x128xf32, #tpu.memory_space<vmem>>, vector<128x128xf32>
    %dot_general3A_89 = arith.constant dense<0.000000e+00> : vector<1024x128xf32>
    %dot_general3A_90 = tpu.matmul %concatenate3A_76, %get3A_88, %dot_general3A_89 {dimension_numbers = #tpu.dot_dimension_numbers<[1], [1], [0], [0], [0, 0, 1, 0], [], []>, transpose_lhs_hint = false} : vector<1024x128xf32>, vector<128x128xf32>, vector<1024x128xf32> -> vector<1024x128xf32>
    %add3A = arith.addf %get3A_85, %dot_general3A_90 : vector<1024x128xf32>
    %get3A_91 = arith.constant 0 : index
    %get3A_92 = arith.constant 0 : index
    %get3A_93 = vector.load %arg6[%get3A_91, %get3A_92] : memref<1x128xf32, #tpu.memory_space<vmem>>, vector<1x128xf32>
    %add3A_94 = vector.broadcast %get3A_93 : vector<1x128xf32> to vector<1024x128xf32>
    %add3A_95 = arith.addf %add3A, %add3A_94 : vector<1024x128xf32>
    %reduce_sum3A = arith.constant dense<0.000000e+00> : vector<1024xf32>
    %reduce_sum3A_96 = vector.multi_reduction <add>, %add3A_95, %reduce_sum3A [1] : vector<1024x128xf32> to vector<1024xf32>
    %broadcast_in_dim3A_97 = vector.shape_cast %reduce_sum3A_96 : vector<1024xf32> to vector<1024x1xf32>
    %div3A_98 = arith.constant 1.280000e+02 : f32
    %div3A_99 = vector.broadcast %div3A_98 : f32 to vector<1024x1xf32>
    %div3A_100 = arith.divf %broadcast_in_dim3A_97, %div3A_99 : vector<1024x1xf32>
    %jit3A = arith.constant 0 : i32
    %reduce_sum3A_101 = arith.constant dense<0.000000e+00> : vector<1024xf32>
    %reduce_sum3A_102 = vector.multi_reduction <add>, %add3A_95, %reduce_sum3A_101 [1] : vector<1024x128xf32> to vector<1024xf32>
    %broadcast_in_dim3A_103 = vector.shape_cast %reduce_sum3A_102 : vector<1024xf32> to vector<1024x1xf32>
    %div3A_104 = arith.constant 1.280000e+02 : f32
    %div3A_105 = vector.broadcast %div3A_104 : f32 to vector<1024x1xf32>
    %div3A_106 = arith.divf %broadcast_in_dim3A_103, %div3A_105 : vector<1024x1xf32>
    %sub3A = vector.broadcast %div3A_106 : vector<1024x1xf32> to vector<1024x128xf32>
    %sub3A_107 = arith.subf %add3A_95, %sub3A : vector<1024x128xf32>
    %square3A = arith.mulf %sub3A_107, %sub3A_107 : vector<1024x128xf32>
    %convert_element_type3A_108 = arith.sitofp %jit3A : i32 to f32
    %sub3A_109 = arith.constant 1.280000e+02 : f32
    %sub3A_110 = arith.subf %sub3A_109, %convert_element_type3A_108 : f32
    %reduce_sum3A_111 = arith.constant dense<0.000000e+00> : vector<1024xf32>
    %reduce_sum3A_112 = vector.multi_reduction <add>, %square3A, %reduce_sum3A_111 [1] : vector<1024x128xf32> to vector<1024xf32>
    %broadcast_in_dim3A_113 = vector.shape_cast %reduce_sum3A_112 : vector<1024xf32> to vector<1024x1xf32>
    %div3A_114 = vector.broadcast %sub3A_110 : f32 to vector<1024x1xf32>
    %div3A_115 = arith.divf %broadcast_in_dim3A_113, %div3A_114 : vector<1024x1xf32>
    %gt3A = arith.constant 0.000000e+00 : f32
    %gt3A_116 = arith.cmpf ogt, %sub3A_110, %gt3A : f32
    %jit3A_117 = arith.constant 0x7FC00000 : f32
    %broadcast_in_dim3A_118 = vector.broadcast %jit3A_117 : f32 to vector<1024x1xf32>
    %select_n3A = arith.select %gt3A_116, %div3A_115, %broadcast_in_dim3A_118 : vector<1024x1xf32>
    %sub3A_119 = vector.broadcast %div3A_100 : vector<1024x1xf32> to vector<1024x128xf32>
    %sub3A_120 = arith.subf %add3A_95, %sub3A_119 : vector<1024x128xf32>
    %add3A_121 = arith.constant 9.99999974E-6 : f32
    %add3A_122 = vector.broadcast %add3A_121 : f32 to vector<1024x1xf32>
    %add3A_123 = arith.addf %select_n3A, %add3A_122 : vector<1024x1xf32>
    %sqrt3A = math.sqrt %add3A_123 : vector<1024x1xf32>
    %div3A_124 = vector.broadcast %sqrt3A : vector<1024x1xf32> to vector<1024x128xf32>
    %div3A_125 = arith.divf %sub3A_120, %div3A_124 : vector<1024x128xf32>
    %mul3A_126 = vector.broadcast %get3A_79 : vector<1x128xf32> to vector<1024x128xf32>
    %mul3A_127 = arith.mulf %div3A_125, %mul3A_126 : vector<1024x128xf32>
    %add3A_128 = vector.broadcast %get3A_82 : vector<1x128xf32> to vector<1024x128xf32>
    %add3A_129 = arith.addf %mul3A_127, %add3A_128 : vector<1024x128xf32>
    %get3A_130 = arith.constant 0 : index
    %get3A_131 = arith.constant 0 : index
    %get3A_132 = vector.load %arg9[%get3A_130, %get3A_131] : memref<512x128xf32, #tpu.memory_space<vmem>>, vector<512x128xf32>
    %dot_general3A_133 = arith.constant dense<0.000000e+00> : vector<1024x512xf32>
    %dot_general3A_134 = tpu.matmul %add3A_129, %get3A_132, %dot_general3A_133 {dimension_numbers = #tpu.dot_dimension_numbers<[1], [1], [0], [0], [0, 0, 1, 0], [], []>, transpose_lhs_hint = false} : vector<1024x128xf32>, vector<512x128xf32>, vector<1024x512xf32> -> vector<1024x512xf32>
    %get3A_135 = arith.constant 0 : index
    %get3A_136 = arith.constant 0 : index
    %get3A_137 = vector.load %arg10[%get3A_135, %get3A_136] : memref<1x512xf32, #tpu.memory_space<vmem>>, vector<1x512xf32>
    %add3A_138 = vector.broadcast %get3A_137 : vector<1x512xf32> to vector<1024x512xf32>
    %add3A_139 = arith.addf %dot_general3A_134, %add3A_138 : vector<1024x512xf32>
    %max3A = arith.constant 0.000000e+00 : f32
    %max3A_140 = vector.broadcast %max3A : f32 to vector<1024x512xf32>
    %max3A_141 = arith.maximumf %add3A_139, %max3A_140 : vector<1024x512xf32>
    %get3A_142 = arith.constant 0 : index
    %get3A_143 = arith.constant 0 : index
    %get3A_144 = vector.load %arg11[%get3A_142, %get3A_143] : memref<128x512xf32, #tpu.memory_space<vmem>>, vector<128x512xf32>
    %dot_general3A_145 = arith.constant dense<0.000000e+00> : vector<1024x128xf32>
    %dot_general3A_146 = tpu.matmul %max3A_141, %get3A_144, %dot_general3A_145 {dimension_numbers = #tpu.dot_dimension_numbers<[1], [1], [0], [0], [0, 0, 1, 0], [], []>, transpose_lhs_hint = false} : vector<1024x512xf32>, vector<128x512xf32>, vector<1024x128xf32> -> vector<1024x128xf32>
    %get3A_147 = arith.constant 0 : index
    %get3A_148 = arith.constant 0 : index
    %get3A_149 = vector.load %arg12[%get3A_147, %get3A_148] : memref<1x128xf32, #tpu.memory_space<vmem>>, vector<1x128xf32>
    %add3A_150 = vector.broadcast %get3A_149 : vector<1x128xf32> to vector<1024x128xf32>
    %add3A_151 = arith.addf %dot_general3A_146, %add3A_150 : vector<1024x128xf32>
    %add3A_152 = arith.addf %add3A_129, %add3A_151 : vector<1024x128xf32>
    %reduce_sum3A_153 = arith.constant dense<0.000000e+00> : vector<1024xf32>
    %reduce_sum3A_154 = vector.multi_reduction <add>, %add3A_152, %reduce_sum3A_153 [1] : vector<1024x128xf32> to vector<1024xf32>
    %broadcast_in_dim3A_155 = vector.shape_cast %reduce_sum3A_154 : vector<1024xf32> to vector<1024x1xf32>
    %div3A_156 = arith.constant 1.280000e+02 : f32
    %div3A_157 = vector.broadcast %div3A_156 : f32 to vector<1024x1xf32>
    %div3A_158 = arith.divf %broadcast_in_dim3A_155, %div3A_157 : vector<1024x1xf32>
    %jit3A_159 = arith.constant 0 : i32
    %reduce_sum3A_160 = arith.constant dense<0.000000e+00> : vector<1024xf32>
    %reduce_sum3A_161 = vector.multi_reduction <add>, %add3A_152, %reduce_sum3A_160 [1] : vector<1024x128xf32> to vector<1024xf32>
    %broadcast_in_dim3A_162 = vector.shape_cast %reduce_sum3A_161 : vector<1024xf32> to vector<1024x1xf32>
    %div3A_163 = arith.constant 1.280000e+02 : f32
    %div3A_164 = vector.broadcast %div3A_163 : f32 to vector<1024x1xf32>
    %div3A_165 = arith.divf %broadcast_in_dim3A_162, %div3A_164 : vector<1024x1xf32>
    %sub3A_166 = vector.broadcast %div3A_165 : vector<1024x1xf32> to vector<1024x128xf32>
    %sub3A_167 = arith.subf %add3A_152, %sub3A_166 : vector<1024x128xf32>
    %square3A_168 = arith.mulf %sub3A_167, %sub3A_167 : vector<1024x128xf32>
    %convert_element_type3A_169 = arith.sitofp %jit3A_159 : i32 to f32
    %sub3A_170 = arith.constant 1.280000e+02 : f32
    %sub3A_171 = arith.subf %sub3A_170, %convert_element_type3A_169 : f32
    %reduce_sum3A_172 = arith.constant dense<0.000000e+00> : vector<1024xf32>
    %reduce_sum3A_173 = vector.multi_reduction <add>, %square3A_168, %reduce_sum3A_172 [1] : vector<1024x128xf32> to vector<1024xf32>
    %broadcast_in_dim3A_174 = vector.shape_cast %reduce_sum3A_173 : vector<1024xf32> to vector<1024x1xf32>
    %div3A_175 = vector.broadcast %sub3A_171 : f32 to vector<1024x1xf32>
    %div3A_176 = arith.divf %broadcast_in_dim3A_174, %div3A_175 : vector<1024x1xf32>
    %gt3A_177 = arith.constant 0.000000e+00 : f32
    %gt3A_178 = arith.cmpf ogt, %sub3A_171, %gt3A_177 : f32
    %jit3A_179 = arith.constant 0x7FC00000 : f32
    %broadcast_in_dim3A_180 = vector.broadcast %jit3A_179 : f32 to vector<1024x1xf32>
    %select_n3A_181 = arith.select %gt3A_178, %div3A_176, %broadcast_in_dim3A_180 : vector<1024x1xf32>
    %sub3A_182 = vector.broadcast %div3A_158 : vector<1024x1xf32> to vector<1024x128xf32>
    %sub3A_183 = arith.subf %add3A_152, %sub3A_182 : vector<1024x128xf32>
    %add3A_184 = arith.constant 9.99999974E-6 : f32
    %add3A_185 = vector.broadcast %add3A_184 : f32 to vector<1024x1xf32>
    %add3A_186 = arith.addf %select_n3A_181, %add3A_185 : vector<1024x1xf32>
    %sqrt3A_187 = math.sqrt %add3A_186 : vector<1024x1xf32>
    %div3A_188 = vector.broadcast %sqrt3A_187 : vector<1024x1xf32> to vector<1024x128xf32>
    %div3A_189 = arith.divf %sub3A_183, %div3A_188 : vector<1024x128xf32>
    %mul3A_190 = vector.broadcast %get3A_79 : vector<1x128xf32> to vector<1024x128xf32>
    %mul3A_191 = arith.mulf %div3A_189, %mul3A_190 : vector<1024x128xf32>
    %add3A_192 = vector.broadcast %get3A_82 : vector<1x128xf32> to vector<1024x128xf32>
    %add3A_193 = arith.addf %mul3A_191, %add3A_192 : vector<1024x128xf32>
    %swap3A = arith.constant 0 : index
    %swap3A_194 = arith.constant 0 : index
    %swap3A_195 = vector.load %arg13[%swap3A, %swap3A_194] : memref<1024x128xf32, #tpu.memory_space<vmem>>, vector<1024x128xf32>
    tpu.vector_store %arg13[%swap3A, %swap3A_194], %add3A_193 {strides = array<i32>} : memref<1024x128xf32, #tpu.memory_space<vmem>>, vector<1024x128xf32>,
    return
  }
  func.func @transform_0(%arg0: i32) -> (i32, i32) {
    %c0_i32 = arith.constant 0 : i32
    %c0_i32_0 = arith.constant 0 : i32
    return %arg0, %c0_i32 : i32, i32
  }
  func.func @transform_1(%arg0: i32) -> (i32, i32) {
    %c0_i32 = arith.constant 0 : i32
    %c0_i32_0 = arith.constant 0 : i32
    %c0_i32_1 = arith.constant 0 : i32
    return %c0_i32, %c0_i32_0 : i32, i32
  }
  func.func @transform_2(%arg0: i32) -> (i32, i32) {
    %c0_i32 = arith.constant 0 : i32
    %c0_i32_0 = arith.constant 0 : i32
    %c0_i32_1 = arith.constant 0 : i32
    return %c0_i32, %c0_i32_0 : i32, i32
  }
  func.func @transform_3(%arg0: i32) -> (i32, i32) {
    %c0_i32 = arith.constant 0 : i32
    %c0_i32_0 = arith.constant 0 : i32
    return %arg0, %c0_i32 : i32, i32
  }
  func.func @transform_4(%arg0: i32) -> (i32, i32) {
    %c0_i32 = arith.constant 0 : i32
    %c0_i32_0 = arith.constant 0 : i32
    %c0_i32_1 = arith.constant 0 : i32
    return %c0_i32, %c0_i32_0 : i32, i32
  }
  func.func @transform_5(%arg0: i32) -> (i32, i32) {
    %c0_i32 = arith.constant 0 : i32
    %c0_i32_0 = arith.constant 0 : i32
    %c0_i32_1 = arith.constant 0 : i32
    return %c0_i32, %c0_i32_0 : i32, i32
  }
  func.func @transform_6(%arg0: i32) -> (i32, i32) {
    %c0_i32 = arith.constant 0 : i32
    %c0_i32_0 = arith.constant 0 : i32
    %c0_i32_1 = arith.constant 0 : i32
    return %c0_i32, %c0_i32_0 : i32, i32
  }
  func.func @transform_7(%arg0: i32) -> (i32, i32) {
    %c0_i32 = arith.constant 0 : i32
    %c0_i32_0 = arith.constant 0 : i32
    %c0_i32_1 = arith.constant 0 : i32
    return %c0_i32, %c0_i32_0 : i32, i32
  }
  func.func @transform_8(%arg0: i32) -> (i32, i32) {
    %c0_i32 = arith.constant 0 : i32
    %c0_i32_0 = arith.constant 0 : i32
    %c0_i32_1 = arith.constant 0 : i32
    return %c0_i32, %c0_i32_0 : i32, i32
  }
  func.func @transform_9(%arg0: i32) -> (i32, i32) {
    %c0_i32 = arith.constant 0 : i32
    %c0_i32_0 = arith.constant 0 : i32
    %c0_i32_1 = arith.constant 0 : i32
    return %c0_i32, %c0_i32_0 : i32, i32
  }
  func.func @transform_10(%arg0: i32) -> (i32, i32) {
    %c0_i32 = arith.constant 0 : i32
    %c0_i32_0 = arith.constant 0 : i32
    %c0_i32_1 = arith.constant 0 : i32
    return %c0_i32, %c0_i32_0 : i32, i32
  }
  func.func @transform_11(%arg0: i32) -> (i32, i32) {
    %c0_i32 = arith.constant 0 : i32
    %c0_i32_0 = arith.constant 0 : i32
    %c0_i32_1 = arith.constant 0 : i32
    return %c0_i32, %c0_i32_0 : i32, i32
  }
  func.func @transform_12(%arg0: i32) -> (i32, i32) {
    %c0_i32 = arith.constant 0 : i32
    %c0_i32_0 = arith.constant 0 : i32
    return %arg0, %c0_i32 : i32, i32
  }
}

</mosaic_0001>

<sc_bundles>
// kernel: kernel.11.cloned.1.call-start
scs
__scs_entry_jumppad:
0x0: {  	(pc) =	sbr.rel $0x88, $3  }
0x1: {  	(tag) =	ssettag $0x0;
	lr =	simm.s32 $0x1  }
0x2: {  	[smem:$0x3F8F] =	sst lr;
	_ =	strace $0xD0000000  }
0x3: {  	_ = 	snop  }
0x4: {  	_ = 	snop  }
0x5: {  	_ = 	snop  }
0x6: {  	_ = 	snop  }
0x7: {  	_ = 	snop  }
__scs_overlays_trampoline_lowered:
0x8: {  	[smem:$0x3F9E] =	sst s0  }
0x9: {  	[smem:$0x3F9F] =	sst s1  }
0xa: {  	[smem:$0x3FA0] =	sst s2  }
0xb: {  	[smem:$0x3FA1] =	sst s3  }
0xc: {  	[smem:$0x3FA2] =	sst s4  }
0xd: {  	[smem:$0x3FA3] =	sst s5  }
0xe: {  	[smem:$0x3FA4] =	sst s6  }
0xf: {  	[smem:$0x3FA5] =	sst s7  }
0x10: {  	[smem:$0x3FA6] =	sst s8  }
0x11: {  	[smem:$0x3FA7] =	sst s9;
	s0 =	simm.s32 @!p0 $0x0  }
0x12: {  	s1 =	sld [smem:$0x3F8D];
	s0 =	simm.s32 @p0 $0x1  }
0x13: {  	[smem:$0x3FA8] =	sst s0;
	s0 =	simm.s32 @!p1 $0x0  }
0x14: {  	s2 =	sld [smem:$0x3F8C];
	s0 =	simm.s32 @p1 $0x1  }
0x15: {  	[smem:$0x3FA9] =	sst s0;
	s0 =	simm.s32 @!p2 $0x0  }
0x16: {  	s3 =	sld [smem:$0x3FDB];
	s0 =	simm.s32 @p2 $0x1  }
0x17: {  	s4 =	simm.s32 $0x1BF5;
	[smem:$0x3FAB] =	sst s0  }
0x18: {  	s0 =	sld [smem:$0x3F8E];
	_ =	swait.ge [sflag:s4], $0x0  }
0x19: {  	s7 =	sld [smem:$0x3F8F]  }
0x1a: {  	s8 =	sadd.s32 $0xFFFFE003, lr  }
0x1b: {  	s9 =	sadd.s32 $0xFFFFFEF7, lr;
	s5 =	simm.s32 $0xFFFFFFFF;
	p2 =	slt.u32 s8, $0xFFFFF086  }
0x1c: {  	p1 =	slt.u32 s9, $0xF7A;
	s5 =	simm.s32 @!p2 $0x0  }
0x1d: {  	s5 =	simm.s32 @p1 $0x1;
	p0 =	seq.s32 s7, s2  }
0x1e: {  	s7 =	smul.u32 @!p0 $0xF7A, s2;
	p2 =	seq.s32 @!p0 s5, $0x0  }
0x1f: {  	s9 =	smul.u32 $0xF7A, s1;
	s8 =	simm.s32 @!p0 $0x1BF5;
	p2 =	por !p2, p0  }
0x20: {  	[sflag:s8] =	ssyncset.s32 @!p0 $0xFFFFF086;
	s6 =	sadd.s32 @!p0 s3, s7;
	s7 =	simm.s32 @!p0 $0x108  }
0x21: {  	s3 =	sadd.s32 s3, s9;
	s6 =	sadd.s32 @!p0 $0x88, s6;
	s7 =	simm.s32 @p2 $0x1082  }
0x22: {  	[simem:s7], [sflag:s8] =	dma.local @!p0 [hbm:s6], $0xF7A  }
0x23: {  	s9 =	sor.u32 $0xD0000000, s2;
	s6 =	simm.s32 $0x108;
	_ =	swait.ge @!p0 [sflag:s8], $0x0  }
0x24: {  	s3 =	sadd.s32 $0x88, s3;
	s6 =	simm.s32 @!p1 $0x1082;
	[sflag:s4] =	ssyncset.s32 $0xFFFFF086  }
0x25: {  	[simem:s6], [sflag:s4] =	dma.local [hbm:s3], $0xF7A  }
0x26: {  	[smem:$0x3F8F] =	sst s1;
	(tag) =	ssettag s2;
	_ =	strace s9  }
0x27: {  	s1 =	sld [smem:$0x3F9F]  }
0x28: {  	s2 =	sld [smem:$0x3FA0]  }
0x29: {  	s4 =	sld [smem:$0x3FA2]  }
0x2a: {  	p0 =	seq.s32 s5, $0x0;
	s5 =	sld [smem:$0x3FA3]  }
0x2b: {  	s6 =	sld [smem:$0x3FA4]  }
0x2c: {  	s7 =	sld [smem:$0x3FA5]  }
0x2d: {  	s3 =	simm.s32 $0x108;
	s8 =	sld [smem:$0x3FA6]  }
0x2e: {  	s3 =	simm.s32 @!p0 $0x1082;
	s9 =	sld [smem:$0x3FA7]  }
0x2f: {  	lr =	sadd.s32 s0, s3;
	s0 =	sld [smem:$0x3F9E]  }
0x30: {  	s3 =	sld [smem:$0x3FA1]  }
0x31: {  	[smem:$0x3FAA] =	sst s10  }
0x32: {  	s10 =	sld [smem:$0x3FA8];
	_ =	sdelay $0x3  }
0x33: {  	p0 =	seq.s32 s10, $0x1;
	s10 =	sld [smem:$0x3FAA];
	_ =	sdelay $0x3  }
0x34: {  	[smem:$0x3FAA] =	sst s10  }
0x35: {  	s10 =	sld [smem:$0x3FA9];
	_ =	sdelay $0x3  }
0x36: {  	p1 =	seq.s32 s10, $0x1;
	s10 =	sld [smem:$0x3FAA];
	_ =	sdelay $0x3  }
0x37: {  	[smem:$0x3FAA] =	sst s10  }
0x38: {  	s10 =	sld [smem:$0x3FAB]  }
0x39: {  	_ = 	snop;
	(pc) =	sbr.ind lr, $3  }
0x3a: {  	_ = 	snop  }
0x3b: {  	_ = 	snop  }
0x3c: {  	p2 =	seq.s32 s10, $0x1;
	s10 =	sld [smem:$0x3FAA]  }
0x3d: {  	_ =	shalt  }
0x3e: {  	_ =	shalt  }
0x3f: {  	_ =	shalt  }
0x40: {  	_ =	shalt  }
0x41: {  	_ =	shalt  }
0x42: {  	_ =	shalt  }
0x43: {  	_ =	shalt  }
0x44: {  	_ =	shalt  }
0x45: {  	_ =	shalt  }
0x46: {  	_ =	shalt  }
0x47: {  	_ =	shalt  }
0x48: {  	_ =	shalt  }
0x49: {  	_ =	shalt  }
0x4a: {  	_ =	shalt  }
0x4b: {  	_ =	shalt  }
0x4c: {  	_ =	shalt  }
0x4d: {  	_ =	shalt  }
0x4e: {  	_ =	shalt  }
0x4f: {  	_ =	shalt  }
0x50: {  	_ =	shalt  }
0x51: {  	_ =	shalt  }
0x52: {  	_ =	shalt  }
0x53: {  	_ =	shalt  }
0x54: {  	_ =	shalt  }
0x55: {  	_ =	shalt  }
0x56: {  	_ =	shalt  }
0x57: {  	_ =	shalt  }
0x58: {  	_ =	shalt  }
0x59: {  	_ =	shalt  }
0x5a: {  	_ =	shalt  }
0x5b: {  	_ =	shalt  }
0x5c: {  	_ =	shalt  }
0x5d: {  	_ =	shalt  }
0x5e: {  	_ =	shalt  }
0x5f: {  	_ =	shalt  }
0x60: {  	_ =	shalt  }
0x61: {  	_ =	shalt  }
0x62: {  	_ =	shalt  }
0x63: {  	_ =	shalt  }
0x64: {  	_ =	shalt  }
0x65: {  	_ =	shalt  }
0x66: {  	_ =	shalt  }
0x67: {  	_ =	shalt  }
0x68: {  	_ =	shalt  }
0x69: {  	_ =	shalt  }
0x6a: {  	_ =	shalt  }
0x6b: {  	_ =	shalt  }
0x6c: {  	_ =	shalt  }
0x6d: {  	_ =	shalt  }
0x6e: {  	_ =	shalt  }
0x6f: {  	_ =	shalt  }
0x70: {  	_ =	shalt  }
0x71: {  	_ =	shalt  }
0x72: {  	_ =	shalt  }
0x73: {  	_ =	shalt  }
0x74: {  	_ =	shalt  }
0x75: {  	_ =	shalt  }
0x76: {  	_ =	shalt  }
0x77: {  	_ =	shalt  }
0x78: {  	_ =	shalt  }
0x79: {  	_ =	shalt  }
0x7a: {  	_ =	shalt  }
0x7b: {  	_ =	shalt  }
0x7c: {  	_ =	shalt  }
0x7d: {  	_ =	shalt  }
0x7e: {  	_ =	shalt  }
0x7f: {  	_ =	shalt  }
0x80: {  	_ =	shalt  }
0x81: {  	_ =	shalt  }
0x82: {  	_ =	shalt  }
0x83: {  	_ =	shalt  }
0x84: {  	_ =	shalt  }
0x85: {  	_ =	shalt  }
0x86: {  	_ =	shalt  }
0x87: {  	_ =	shalt  }
.Lfunc_end0:
.L_simem_size_0:
called_computation.1_lowered:
.L_overlay_start_0:
0x88: {  	s2 =	sld [smem:$0x3FD9]  }
0x89: {  	s3 =	sld [smem:$0x3FFE];
	_ =	sdelay $0x1  }
0x8a: {  	s1 =	srdreg.scid  }
0x8b: {  	s0 =	sand.u32 $0x1, s1  }
0x8c: {  	s17 =	sshll.u32 s0, $0xA;
	s2 =	sadd.s32 s3, s2  }
0x8d: {  	s2 =	sadd.s32 s2, s17  }
0x8e: {  	[smem:$0x3FB6] =	sst s2  }
0x8f: {  	_ = 	snop  }
0x90: {  	s2 =	sld [smem:$0x3FD0];
	(tm) =	ssettm $0x1  }
0x91: {  	s18 =	sld [smem:$0x3FFB];
	_ =	sdelay $0x3  }
0x92: {  	_ =	strace s18  }
0x93: {  	s3 =	sld [smem:$0x3FFC];
	_ =	sdelay $0x3  }
0x94: {  	_ =	strace s3  }
0x95: {  	s3 =	sld [smem:$0x3FFD];
	_ =	sdelay $0x3  }
0x96: {  	_ =	strace s3  }
0x97: {  	_ =	strace $0x8FFFFFFF  }
0x98: {  	s19 =	sld [smem:$0x3FDB];
	_ =	sdelay $0x1  }
0x99: {  	s4 =	simm.s32 $_scs_section_size  }
0x9a: {  	s5 =	simm.s32 $_size__tile_overlayer_lowered;
	s6 =	simm.s32 $_tile_overlayer_lowered  }
0x9b: {  	s22 =	simm.s32 $0x1BFF;
	s21 =	sshll.u32 s6, $0x1;
	s3 =	sadd.s32 s4, s19  }
0x9c: {  	s7 =	simm.s32 $0x0;
	s20 =	sshll.u32 s5, $0x1;
	s5 =	sadd.s32 s21, s3  }
0x9d: {  	[timem:s7], [sflag:s22] =	dma.local [hbm:s5], s20  }
0x9e: {  	_ =	swait.ge [sflag:s22], s20  }
0x9f: {  	s4 =	ssub.s32 $0x0, s20;
	[sflag:s22] =	ssyncset.done $0x0  }
0xa0: {  	[sflag:s22] =	ssyncadd.s32 s4;
	_ =	sdelay $0x1  }
0xa1: {  	s23 =	simm.s32 $0x1B8B  }
0xa2: {  	_ =	swait.ge [sflag:s23], $0x1  }
0xa3: {  	[sflag:s23] =	ssyncset.done $0x0  }
0xa4: {  	s25 =	simm.s32 $0x1B8E;
	s24 =	sld [smem:$0x3FFE];
	[sflag:s23] =	ssyncadd.s32 $0xFFFFFFFF  }
0xa5: {  	s26 =	simm.s32 $execute0_lowered;
	[smem:$0x3FD2] =	sst s25  }
0xa6: {  	s5 =	sshll.u32 s26, $0x1;
	_ =	strace $0x80000049;
	[dreg:$0x1] =	wrdreg $0xFFFFFFFF  }
0xa7: {  	s28 =	simm.s32 $_size_execute0_lowered;
	s3 =	sadd.s32 s3, s5;
	[dreg:$0x0] =	wrdreg $0x0  }
0xa8: {  	s5 =	sshll.u32 s28, $0x1;
	[dreg:$0x2] =	wrdreg s3  }
0xa9: {  	[dreg:$0x3] =	wrdreg s5  }
0xaa: {  	[dreg:$0x4] =	wrdreg $0xC0  }
0xab: {  	_ =	task [dreg:s7], $0x5FFFF  }
0xac: {  	[dreg:$0x1] =	wrdreg $0xFFFFFFFF  }
0xad: {  	[dreg:$0x0] =	wrdreg $0x60  }
0xae: {  	[dreg:$0x2] =	wrdreg s2  }
0xaf: {  	[dreg:$0x3] =	wrdreg s24  }
0xb0: {  	[dreg:$0x4] =	wrdreg $0x140000  }
0xb1: {  	[dreg:$0x5] =	wrdreg $0x9  }
0xb2: {  	_ =	task.clear_ibuf [dreg:s7], $0x6FFFF;
	_ =	strace $0x90000049  }
0xb3: {  	s29 =	simm.s32 $0x9;
	_ =	strace $0x8000004B  }
0xb4: {  	_ =	swait.ge [sflag:s29], $0x1  }
0xb5: {  	[sflag:s29] =	ssyncadd.s32 $0xFFFFFFFF  }
0xb6: {  	_ =	strace $0x9000004B  }
0xb7: {  	_ =	sfence  }
0xb8: {  	s30 =	sld [smem:$0x0];
	_ =	sdelay $0x2  }
0xb9: {  	s31 =	sshll.u32 s1, $0xD;
	s1 =	sshrl.u32 s1, $0x2  }
0xba: {  	s3 =	sand.u32 $0x4000, s31;
	s1 =	sadd.s32 s1, s30  }
0xbb: {  	s0 =	sor.u32 s3, s0;
	s1 =	sshll.u32 s1, $0x11  }
0xbc: {  	s0 =	sor.u32 s1, s0  }
0xbd: {  	s0 =	sadd.s32 $0x8F2B, s0  }
0xbe: {  	[sflag:s0] =	ssyncadd.remote.s32 $0x1  }
0xbf: {  	_ =	sfence.sel $0xFFFF  }
0xc0: {  	[dreg:$0x0] =	wrdreg $0xFFFFFFFF;
	(pc) =	sbr.abs _section_cstart, $3  }
0xc1: {  	[dreg:$0x1] =	wrdreg $0xFFFFFFFF  }
0xc2: {  	_ =	task.clear_ibuf [dreg:s7], $0x2FFFF;
	_ =	strace $0x9FFFFFFF  }
0xc3: {  	(tm) =	ssettm $0x7FFFFFFF  }
tec
execute0_lowered:
.L_overlay_start_1:
0x0: {  	(tag) =	ssettag $0x1  }
0x1: {  	s1 =	rddreg [dreg:$0x0]  }
0x2: {  	s0 =	rddreg [dreg:$0x1]  }
0x3: {  	s3 =	rddreg [dreg:$0x2];
	s5 =	srdreg.scid  }
0x4: {  	s4 =	simm.s32 $0x0;
	s2 =	stileid.u32;
	s15 =	simm.s32 $0x12000  }
0x5: {  	s16 =	simm.s32 $0x5;
	s17 =	simm.s32 $0x1;
	s18 =	simm.s32 $0x2  }
0x6: {  	s19 =	simm.s32 $0x80;
	s20 =	simm.s32 $0x2000;
	s21 =	simm.s32 $0x6000  }
0x7: {  	s22 =	simm.s32 $0xA000;
	s23 =	simm.s32 $0xE000;
	s24 =	simm.s32 $0x3  }
0x8: {  	s25 =	simm.s32 $0x4;
	s26 =	simm.s32 $0x0;
	s10 =	sand.u32 $0x1, s5  }
0x9: {  	[smem:$0x7FF] =	sst s4;
	s7 =	sshll.u32 s2, $0x9;
	s5 =	sadd.s32 $0xC000, s0  }
0xa: {  	s29 =	sshll.u32 s2, $0xC;
	s9 =	sshll.u32 s2, $0xF;
	s6 =	sshll.u32 s10, $0xD  }
0xb: {  	_ =	strace $0x8000004A;
	s30 =	ssub.s32 $0x2, s10;
	s12 =	sshll.u32 s10, $0x10  }
.Ltmp0:
0xc: {  	s6 =	sor.u32 s7, s6;
	s31 =	sshrl.u32 s30, $0x1;
	(pc) =	sbr.rel .LBB2_1-.Ltmp0, $4  }
0xd: {  	s7 =	sadd.s32 s9, s3;
	s8 =	sadd.s32 s6, s0;
	s0 =	sadd.s32 s29, s0  }
0xe: {  	s13 =	ssub.s32 s30, s31;
	s9 =	sadd.s32 $0x2000, s7;
	s10 =	sadd.s32 $0x4000, s7  }
0xf: {  	s11 =	sadd.s32 $0x6000, s7;
	s6 =	sadd.s32 $0x4000, s8;
	s0 =	sadd.s32 s12, s0  }
0x10: {  	v0 =	vimm.f32 $0.0e+00;
	s8 =	sadd.s32 $0x8000, s8;
	s13 =	smax.u32 s13, $0x1;
	s12 =	sadd.s32 $0x1C000, s0  }
.LBB2_10:
0x11: {  	_ =	swait.ge [sflag:s24], $0x4000  }
0x12: {  	[sflag:s24] =	ssyncset.done $0x0  }
0x13: {  	[sflag:s24] =	ssyncadd.s32 $0xFFFFC000  }
0x14: {  	_ =	swait.ge [sflag:s25], $0x4000  }
0x15: {  	s0 =	sshll.u32 s2, $0x6;
	s26 =	sadd.s32 $0x1, s26;
	[sflag:s25] =	ssyncset.done $0x0  }
0x16: {  	s14 =	sshrl.u32 s7, $0x3;
	p0 =	sne.s32 s26, s13;
	[sflag:s25] =	ssyncadd.s32 $0xFFFFC000  }
.Ltmp1:
0x17: {  	s0 =	sor.u32 $0x1C05, s0;
	[bflag:$0x0] =	sbarrier.arrive $0xFFFF;
	(pc) =	sbr.rel @!p0 .LBB2_11-.Ltmp1, $4  }
0x18: {  	[hbm:s12], [sflag:s0] =	dma.local [spmem:s14], $0x1000  }
0x19: {  	_ =	swait.ge [sflag:s16], $0x1000  }
0x1a: {  	[sflag:s16] =	ssyncset.done $0x0  }
0x1b: {  	[sflag:s16] =	ssyncadd.s32 $0xFFFFF000  }
.LBB2_1:
0x1c: {  	[tilespmem:s4], [sflag:$0x1] =	stream.linear.gather [hbm4b:s6+s4], $0x1000, $0x38;
	[tilespmem:$0x1C000] =	vst v63  }
0x1d: {  	s0 =	simm.s32 $0x1000  }
0x1e: {  	[tilespmem:s0], [sflag:$0x2] =	stream.linear.gather [hbm4b:s8+s4], $0x1000, $0x38;
	[tilespmem:$0x1C000] =	vst v63  }
0x1f: {  	s14 =	simm.s32 $0x200;
	s0 =	simm.s32 $0x0  }
.LBB2_2:
0x20: {  	p0 =	sne.s32 s14, $0x7E00;
	[tilespmem:s0+$0x12070] =	vst v0  }
0x21: {  	[tilespmem:s0+$0x12000] =	vst v0  }
0x22: {  	[tilespmem:s0+$0x12010] =	vst v0  }
.Ltmp2:
0x23: {  	[tilespmem:s0+$0x12020] =	vst v0;
	(pc) =	sbr.rel @p0 .LBB2_2-.Ltmp2, $4  }
0x24: {  	[tilespmem:s0+$0x12030] =	vst v0  }
0x25: {  	[tilespmem:s0+$0x12040] =	vst v0  }
0x26: {  	[tilespmem:s0+$0x12050] =	vst v0  }
0x27: {  	[tilespmem:s0+$0x12060] =	vst v0;
	s0 =	sshra.s32 s14, $0x2;
	s14 =	sadd.s32 $0x200, s14  }
0x28: {  	[tilespmem:s0+$0x12070] =	vst v0  }
0x29: {  	[tilespmem:s0+$0x12000] =	vst v0  }
0x2a: {  	[tilespmem:s0+$0x12010] =	vst v0  }
0x2b: {  	[tilespmem:s0+$0x12020] =	vst v0  }
0x2c: {  	[tilespmem:s0+$0x12030] =	vst v0  }
0x2d: {  	[tilespmem:s0+$0x12040] =	vst v0  }
0x2e: {  	[tilespmem:s0+$0x12050] =	vst v0  }
0x2f: {  	[tilespmem:s0+$0x12060] =	vst v0  }
0x30: {  	[spmem:s7] =	stream.linear.scatter [tilespmem:s15], [sflag:$0x5], $0x2000, $0x38;
	[tilespmem:$0x1C000] =	vst v63  }
0x31: {  	_ =	swait.ge [sflag:s16], $0x2000  }
0x32: {  	[sflag:s16] =	ssyncset.done $0x0  }
0x33: {  	[sflag:s16] =	ssyncadd.s32 $0xFFFFE000  }
0x34: {  	[spmem:s9] =	stream.linear.scatter [tilespmem:s15], [sflag:$0x5], $0x2000, $0x38;
	[tilespmem:$0x1C000] =	vst v63  }
0x35: {  	_ =	swait.ge [sflag:s16], $0x2000  }
0x36: {  	[sflag:s16] =	ssyncset.done $0x0  }
0x37: {  	[sflag:s16] =	ssyncadd.s32 $0xFFFFE000  }
0x38: {  	[spmem:s10] =	stream.linear.scatter [tilespmem:s15], [sflag:$0x5], $0x2000, $0x38;
	[tilespmem:$0x1C000] =	vst v63  }
0x39: {  	_ =	swait.ge [sflag:s16], $0x2000  }
0x3a: {  	[sflag:s16] =	ssyncset.done $0x0  }
0x3b: {  	[sflag:s16] =	ssyncadd.s32 $0xFFFFE000  }
0x3c: {  	[spmem:s11] =	stream.linear.scatter [tilespmem:s15], [sflag:$0x5], $0x2000, $0x38;
	[tilespmem:$0x1C000] =	vst v63  }
0x3d: {  	_ =	swait.ge [sflag:s16], $0x2000  }
0x3e: {  	[sflag:s16] =	ssyncset.done $0x0  }
0x3f: {  	[sflag:s16] =	ssyncadd.s32 $0xFFFFE000  }
0x40: {  	_ =	swait.ge [sflag:s17], $0x1000  }
0x41: {  	[sflag:s17] =	ssyncset.done $0x0  }
0x42: {  	[sflag:s17] =	ssyncadd.s32 $0xFFFFF000  }
0x43: {  	_ =	swait.ge [sflag:s18], $0x1000  }
0x44: {  	[sflag:s18] =	ssyncset.done $0x0  }
0x45: {  	[sflag:s18] =	ssyncadd.s32 $0xFFFFF000  }
0x46: {  	s28 =	simm.s32 $0x0;
	[bflag:$0x0] =	sbarrier.arrive $0xFFFF  }
0x47: {  	[tilespmem:s20], [sflag:$0x1] =	stream.indirect.gather [hbm4b:s1+s19], $0x80, s28, s19, $0xb8;
	[tilespmem:$0x1C000] =	vst v63  }
0x48: {  	_ = 	snop  }
0x49: {  	[tilespmem:s21], [sflag:$0x2] =	stream.indirect.gather [hbm4b:s1+s19], $0x80, s19, s19, $0xb8;
	[tilespmem:$0x1C000] =	vst v63  }
.LBB2_4:
0x4a: {  	_ =	swait.ge [sflag:s17], $0x4000  }
0x4b: {  	s30 =	sshll.u32 s28, $0x8;
	[sflag:s17] =	ssyncset.done $0x0  }
0x4c: {  	s0 =	sadd.s32 $0x1000, s30;
	[sflag:s17] =	ssyncadd.s32 $0xFFFFC000  }
0x4d: {  	[tilespmem:s20], [sflag:$0x1] =	stream.indirect.gather.add.f32 [hbm:s5], $0x80, s0, s19, $0xb8;
	[tilespmem:$0x1C000] =	vst v63  }
0x4e: {  	_ =	swait.ge [sflag:s17], $0x4000  }
0x4f: {  	p0 =	seq.s32 s28, $0x0;
	[sflag:s17] =	ssyncset.done $0x0  }
0x50: {  	s0 =	simm.s32 @!p0 $0x3;
	[sflag:s17] =	ssyncadd.s32 $0xFFFFC000  }
0x51: {  	_ =	swait.ge @!p0 [sflag:s0], $0x4000  }
0x52: {  	[sflag:s0] =	ssyncset.done @!p0 $0x0  }
0x53: {  	s31 =	simm.s32 $0x0;
	[sflag:s0] =	ssyncadd.s32 @!p0 $0xFFFFC000  }
0x54: {  	v1 =	vld [tilespmem:s31+$0x21F0]  }
0x55: {  	v2 =	vld [tilespmem:s31+$0x2000]  }
0x56: {  	v3 =	vld [tilespmem:s31+$0x2010]  }
0x57: {  	v4 =	vld [tilespmem:s31+$0x2020]  }
0x58: {  	v5 =	vld [tilespmem:s31+$0x2030]  }
0x59: {  	v6 =	vld [tilespmem:s31+$0x2040];
	v1 =	vmax.f32 v1, $0.0e+00  }
0x5a: {  	v7 =	vld [tilespmem:s31+$0x2050];
	v2 =	vmax.f32 v2, $0.0e+00;
	[tilespmem:s31+$0xA1F0] =	vst v1  }
0x5b: {  	[tilespmem:s31+$0xA000] =	vst v2;
	v1 =	vmax.f32 v3, $0.0e+00;
	v2 =	vld [tilespmem:s31+$0x2060]  }
0x5c: {  	v3 =	vld [tilespmem:s31+$0x2070];
	[tilespmem:s31+$0xA010] =	vst v1;
	v1 =	vmax.f32 v4, $0.0e+00  }
0x5d: {  	v4 =	vld [tilespmem:s31+$0x2080];
	[tilespmem:s31+$0xA020] =	vst v1;
	v1 =	vmax.f32 v5, $0.0e+00  }
0x5e: {  	v5 =	vld [tilespmem:s31+$0x2090];
	[tilespmem:s31+$0xA030] =	vst v1;
	v1 =	vmax.f32 v6, $0.0e+00  }
0x5f: {  	v6 =	vld [tilespmem:s31+$0x20A0];
	[tilespmem:s31+$0xA040] =	vst v1;
	v1 =	vmax.f32 v7, $0.0e+00  }
0x60: {  	[tilespmem:s31+$0xA050] =	vst v1;
	v1 =	vmax.f32 v2, $0.0e+00;
	v2 =	vld [tilespmem:s31+$0x20B0]  }
0x61: {  	[tilespmem:s31+$0xA060] =	vst v1;
	v1 =	vmax.f32 v3, $0.0e+00;
	v3 =	vld [tilespmem:s31+$0x20C0]  }
0x62: {  	[tilespmem:s31+$0xA070] =	vst v1;
	v1 =	vmax.f32 v4, $0.0e+00;
	v4 =	vld [tilespmem:s31+$0x20D0]  }
0x63: {  	[tilespmem:s31+$0xA080] =	vst v1;
	v1 =	vmax.f32 v5, $0.0e+00;
	v5 =	vld [tilespmem:s31+$0x20E0]  }
0x64: {  	[tilespmem:s31+$0xA090] =	vst v1;
	v1 =	vmax.f32 v6, $0.0e+00;
	v6 =	vld [tilespmem:s31+$0x20F0]  }
0x65: {  	[tilespmem:s31+$0xA0A0] =	vst v1;
	v1 =	vmax.f32 v2, $0.0e+00;
	v2 =	vld [tilespmem:s31+$0x2100]  }
0x66: {  	[tilespmem:s31+$0xA0B0] =	vst v1;
	v1 =	vmax.f32 v3, $0.0e+00;
	v3 =	vld [tilespmem:s31+$0x2110]  }
0x67: {  	[tilespmem:s31+$0xA0C0] =	vst v1;
	v1 =	vmax.f32 v4, $0.0e+00;
	v4 =	vld [tilespmem:s31+$0x2120]  }
0x68: {  	[tilespmem:s31+$0xA0D0] =	vst v1;
	v1 =	vmax.f32 v5, $0.0e+00;
	v5 =	vld [tilespmem:s31+$0x2130]  }
0x69: {  	[tilespmem:s31+$0xA0E0] =	vst v1;
	v1 =	vmax.f32 v6, $0.0e+00;
	v6 =	vld [tilespmem:s31+$0x2140]  }
0x6a: {  	[tilespmem:s31+$0xA0F0] =	vst v1;
	v1 =	vmax.f32 v2, $0.0e+00;
	v2 =	vld [tilespmem:s31+$0x2150]  }
0x6b: {  	[tilespmem:s31+$0xA100] =	vst v1;
	v1 =	vmax.f32 v3, $0.0e+00;
	v3 =	vld [tilespmem:s31+$0x2160]  }
0x6c: {  	[tilespmem:s31+$0xA110] =	vst v1;
	v1 =	vmax.f32 v4, $0.0e+00;
	v4 =	vld [tilespmem:s31+$0x2170]  }
0x6d: {  	[tilespmem:s31+$0xA120] =	vst v1;
	v1 =	vmax.f32 v5, $0.0e+00;
	v5 =	vld [tilespmem:s31+$0x2180]  }
0x6e: {  	[tilespmem:s31+$0xA130] =	vst v1;
	v1 =	vmax.f32 v6, $0.0e+00;
	v6 =	vld [tilespmem:s31+$0x2190]  }
0x6f: {  	[tilespmem:s31+$0xA140] =	vst v1;
	v2 =	vmax.f32 v2, $0.0e+00;
	v1 =	vld [tilespmem:s31+$0x21A0]  }
0x70: {  	[tilespmem:s31+$0xA150] =	vst v2;
	v3 =	vmax.f32 v3, $0.0e+00;
	v2 =	vld [tilespmem:s31+$0x21B0]  }
0x71: {  	[tilespmem:s31+$0xA160] =	vst v3;
	v4 =	vmax.f32 v4, $0.0e+00;
	v3 =	vld [tilespmem:s31+$0x21C0]  }
0x72: {  	[tilespmem:s31+$0xA170] =	vst v4;
	v5 =	vmax.f32 v5, $0.0e+00;
	v4 =	vld [tilespmem:s31+$0x21D0]  }
0x73: {  	s29 =	sshll.u32 s28, $0xA;
	s14 =	simm.s32 $0x1000;
	s0 =	simm.s32 $0x200;
	[tilespmem:s31+$0xA180] =	vst v5;
	v6 =	vmax.f32 v6, $0.0e+00;
	v5 =	vld [tilespmem:s31+$0x21E0]  }
.LBB2_5:
0x74: {  	p1 =	sne.s32 s14, $0xF800;
	v7 =	vld [tilespmem:s0+$0x21F0];
	[tilespmem:s31+$0xA190] =	vst v6;
	v1 =	vmax.f32 v1, $0.0e+00  }
0x75: {  	v6 =	vld [tilespmem:s0+$0x2000];
	[tilespmem:s31+$0xA1A0] =	vst v1;
	v1 =	vmax.f32 v2, $0.0e+00  }
0x76: {  	v2 =	vld [tilespmem:s0+$0x2010];
	[tilespmem:s31+$0xA1B0] =	vst v1;
	v1 =	vmax.f32 v3, $0.0e+00  }
0x77: {  	v3 =	vld [tilespmem:s0+$0x2020];
	[tilespmem:s31+$0xA1C0] =	vst v1;
	v1 =	vmax.f32 v4, $0.0e+00  }
0x78: {  	v4 =	vld [tilespmem:s0+$0x2030];
	[tilespmem:s31+$0xA1D0] =	vst v1;
	v1 =	vmax.f32 v5, $0.0e+00  }
0x79: {  	v5 =	vld [tilespmem:s0+$0x2040];
	v7 =	vmax.f32 v7, $0.0e+00;
	[tilespmem:s31+$0xA1E0] =	vst v1;
	s31 =	smov.u32 s0  }
0x7a: {  	v1 =	vmax.f32 v6, $0.0e+00;
	v6 =	vld [tilespmem:s31+$0x2050];
	[tilespmem:s31+$0xA1F0] =	vst v7  }
0x7b: {  	[tilespmem:s31+$0xA000] =	vst v1;
	v1 =	vmax.f32 v2, $0.0e+00;
	v2 =	vld [tilespmem:s31+$0x2060]  }
0x7c: {  	[tilespmem:s31+$0xA010] =	vst v1;
	v1 =	vmax.f32 v3, $0.0e+00;
	v3 =	vld [tilespmem:s31+$0x2070]  }
0x7d: {  	[tilespmem:s31+$0xA020] =	vst v1;
	v1 =	vmax.f32 v4, $0.0e+00;
	v4 =	vld [tilespmem:s31+$0x2080]  }
0x7e: {  	[tilespmem:s31+$0xA030] =	vst v1;
	v1 =	vmax.f32 v5, $0.0e+00;
	v5 =	vld [tilespmem:s31+$0x2090]  }
0x7f: {  	[tilespmem:s31+$0xA040] =	vst v1;
	v1 =	vmax.f32 v6, $0.0e+00;
	v6 =	vld [tilespmem:s31+$0x20A0]  }
0x80: {  	[tilespmem:s31+$0xA050] =	vst v1;
	v1 =	vmax.f32 v2, $0.0e+00;
	v2 =	vld [tilespmem:s31+$0x20B0]  }
0x81: {  	[tilespmem:s31+$0xA060] =	vst v1;
	v1 =	vmax.f32 v3, $0.0e+00;
	v3 =	vld [tilespmem:s31+$0x20C0]  }
0x82: {  	[tilespmem:s31+$0xA070] =	vst v1;
	v1 =	vmax.f32 v4, $0.0e+00;
	v4 =	vld [tilespmem:s31+$0x20D0]  }
0x83: {  	[tilespmem:s31+$0xA080] =	vst v1;
	v1 =	vmax.f32 v5, $0.0e+00;
	v5 =	vld [tilespmem:s31+$0x20E0]  }
0x84: {  	[tilespmem:s31+$0xA090] =	vst v1;
	v1 =	vmax.f32 v6, $0.0e+00;
	v6 =	vld [tilespmem:s31+$0x20F0]  }
0x85: {  	[tilespmem:s31+$0xA0A0] =	vst v1;
	v1 =	vmax.f32 v2, $0.0e+00;
	v2 =	vld [tilespmem:s31+$0x2100]  }
0x86: {  	[tilespmem:s31+$0xA0B0] =	vst v1;
	v1 =	vmax.f32 v3, $0.0e+00;
	v3 =	vld [tilespmem:s31+$0x2110]  }
0x87: {  	[tilespmem:s31+$0xA0C0] =	vst v1;
	v1 =	vmax.f32 v4, $0.0e+00;
	v4 =	vld [tilespmem:s31+$0x2120]  }
0x88: {  	[tilespmem:s31+$0xA0D0] =	vst v1;
	v1 =	vmax.f32 v5, $0.0e+00;
	v5 =	vld [tilespmem:s31+$0x2130]  }
0x89: {  	[tilespmem:s31+$0xA0E0] =	vst v1;
	v1 =	vmax.f32 v6, $0.0e+00;
	v6 =	vld [tilespmem:s31+$0x2140]  }
0x8a: {  	[tilespmem:s31+$0xA0F0] =	vst v1;
	v1 =	vmax.f32 v2, $0.0e+00;
	v2 =	vld [tilespmem:s31+$0x2150]  }
0x8b: {  	[tilespmem:s31+$0xA100] =	vst v1;
	v1 =	vmax.f32 v3, $0.0e+00;
	v3 =	vld [tilespmem:s31+$0x2160]  }
0x8c: {  	[tilespmem:s31+$0xA110] =	vst v1;
	v1 =	vmax.f32 v4, $0.0e+00;
	v4 =	vld [tilespmem:s31+$0x2170]  }
0x8d: {  	[tilespmem:s31+$0xA120] =	vst v1;
	v1 =	vmax.f32 v5, $0.0e+00;
	v5 =	vld [tilespmem:s31+$0x2180]  }
0x8e: {  	[tilespmem:s31+$0xA130] =	vst v1;
	v1 =	vmax.f32 v6, $0.0e+00;
	v6 =	vld [tilespmem:s31+$0x2190]  }
.Ltmp3:
0x8f: {  	[tilespmem:s31+$0xA140] =	vst v1;
	v2 =	vmax.f32 v2, $0.0e+00;
	v1 =	vld [tilespmem:s31+$0x21A0];
	(pc) =	sbr.rel @p1 .LBB2_5-.Ltmp3, $4  }
0x90: {  	[tilespmem:s31+$0xA150] =	vst v2;
	v3 =	vmax.f32 v3, $0.0e+00;
	v2 =	vld [tilespmem:s31+$0x21B0]  }
0x91: {  	[tilespmem:s31+$0xA160] =	vst v3;
	v4 =	vmax.f32 v4, $0.0e+00;
	v3 =	vld [tilespmem:s31+$0x21C0]  }
0x92: {  	[tilespmem:s31+$0xA170] =	vst v4;
	v5 =	vmax.f32 v5, $0.0e+00;
	v4 =	vld [tilespmem:s31+$0x21D0]  }
0x93: {  	s0 =	sshra.s32 s14, $0x2;
	s14 =	sadd.s32 $0x800, s14;
	[tilespmem:s31+$0xA180] =	vst v5;
	v6 =	vmax.f32 v6, $0.0e+00;
	v5 =	vld [tilespmem:s31+$0x21E0]  }
0x94: {  	v7 =	vld [tilespmem:s0+$0x21F0];
	[tilespmem:s31+$0xA190] =	vst v6;
	v1 =	vmax.f32 v1, $0.0e+00  }
0x95: {  	v6 =	vld [tilespmem:s0+$0x2000];
	[tilespmem:s31+$0xA1A0] =	vst v1;
	v1 =	vmax.f32 v2, $0.0e+00  }
0x96: {  	v2 =	vld [tilespmem:s0+$0x2010];
	[tilespmem:s31+$0xA1B0] =	vst v1;
	v1 =	vmax.f32 v3, $0.0e+00  }
0x97: {  	v3 =	vld [tilespmem:s0+$0x2020];
	[tilespmem:s31+$0xA1C0] =	vst v1;
	v1 =	vmax.f32 v4, $0.0e+00  }
0x98: {  	v4 =	vld [tilespmem:s0+$0x2030];
	[tilespmem:s31+$0xA1D0] =	vst v1;
	v1 =	vmax.f32 v5, $0.0e+00  }
0x99: {  	v5 =	vld [tilespmem:s0+$0x2040];
	[tilespmem:s31+$0xA1E0] =	vst v1;
	v1 =	vmax.f32 v7, $0.0e+00  }
0x9a: {  	v7 =	vld [tilespmem:s0+$0x2050];
	v6 =	vmax.f32 v6, $0.0e+00;
	[tilespmem:s0+$0xA1F0] =	vst v1  }
0x9b: {  	[tilespmem:s0+$0xA000] =	vst v6;
	v1 =	vmax.f32 v2, $0.0e+00;
	v2 =	vld [tilespmem:s0+$0x2060]  }
0x9c: {  	[tilespmem:s0+$0xA010] =	vst v1;
	v1 =	vmax.f32 v3, $0.0e+00;
	v3 =	vld [tilespmem:s0+$0x2070]  }
0x9d: {  	[tilespmem:s0+$0xA020] =	vst v1;
	v1 =	vmax.f32 v4, $0.0e+00;
	v4 =	vld [tilespmem:s0+$0x2080]  }
0x9e: {  	[tilespmem:s0+$0xA030] =	vst v1;
	v1 =	vmax.f32 v5, $0.0e+00;
	v5 =	vld [tilespmem:s0+$0x2090]  }
0x9f: {  	v6 =	vld [tilespmem:s0+$0x20A0];
	[tilespmem:s0+$0xA040] =	vst v1;
	v1 =	vmax.f32 v7, $0.0e+00  }
0xa0: {  	[tilespmem:s0+$0xA050] =	vst v1;
	v1 =	vmax.f32 v2, $0.0e+00;
	v2 =	vld [tilespmem:s0+$0x20B0]  }
0xa1: {  	[tilespmem:s0+$0xA060] =	vst v1;
	v1 =	vmax.f32 v3, $0.0e+00;
	v3 =	vld [tilespmem:s0+$0x20C0]  }
0xa2: {  	[tilespmem:s0+$0xA070] =	vst v1;
	v1 =	vmax.f32 v4, $0.0e+00;
	v4 =	vld [tilespmem:s0+$0x20D0]  }
0xa3: {  	[tilespmem:s0+$0xA080] =	vst v1;
	v1 =	vmax.f32 v5, $0.0e+00;
	v5 =	vld [tilespmem:s0+$0x20E0]  }
0xa4: {  	[tilespmem:s0+$0xA090] =	vst v1;
	v1 =	vmax.f32 v6, $0.0e+00;
	v6 =	vld [tilespmem:s0+$0x20F0]  }
0xa5: {  	[tilespmem:s0+$0xA0A0] =	vst v1;
	v1 =	vmax.f32 v2, $0.0e+00;
	v2 =	vld [tilespmem:s0+$0x2100]  }
0xa6: {  	[tilespmem:s0+$0xA0B0] =	vst v1;
	v1 =	vmax.f32 v3, $0.0e+00;
	v3 =	vld [tilespmem:s0+$0x2110]  }
0xa7: {  	[tilespmem:s0+$0xA0C0] =	vst v1;
	v1 =	vmax.f32 v4, $0.0e+00;
	v4 =	vld [tilespmem:s0+$0x2120]  }
0xa8: {  	[tilespmem:s0+$0xA0D0] =	vst v1;
	v1 =	vmax.f32 v5, $0.0e+00;
	v5 =	vld [tilespmem:s0+$0x2130]  }
0xa9: {  	[tilespmem:s0+$0xA0E0] =	vst v1;
	v1 =	vmax.f32 v6, $0.0e+00;
	v6 =	vld [tilespmem:s0+$0x2140]  }
0xaa: {  	[tilespmem:s0+$0xA0F0] =	vst v1;
	v1 =	vmax.f32 v2, $0.0e+00;
	v2 =	vld [tilespmem:s0+$0x2150]  }
0xab: {  	[tilespmem:s0+$0xA100] =	vst v1;
	v1 =	vmax.f32 v3, $0.0e+00;
	v3 =	vld [tilespmem:s0+$0x2160]  }
0xac: {  	[tilespmem:s0+$0xA110] =	vst v1;
	v1 =	vmax.f32 v4, $0.0e+00;
	v4 =	vld [tilespmem:s0+$0x2170]  }
0xad: {  	[tilespmem:s0+$0xA120] =	vst v1;
	v1 =	vmax.f32 v5, $0.0e+00;
	v5 =	vld [tilespmem:s0+$0x2180]  }
0xae: {  	[tilespmem:s0+$0xA130] =	vst v1;
	v1 =	vmax.f32 v6, $0.0e+00;
	v6 =	vld [tilespmem:s0+$0x2190]  }
0xaf: {  	[tilespmem:s0+$0xA140] =	vst v1;
	v1 =	vmax.f32 v2, $0.0e+00;
	v2 =	vld [tilespmem:s0+$0x21A0]  }
0xb0: {  	[tilespmem:s0+$0xA150] =	vst v1;
	v1 =	vmax.f32 v3, $0.0e+00;
	v3 =	vld [tilespmem:s0+$0x21B0]  }
0xb1: {  	[tilespmem:s0+$0xA160] =	vst v1;
	v1 =	vmax.f32 v4, $0.0e+00;
	v4 =	vld [tilespmem:s0+$0x21C0]  }
0xb2: {  	[tilespmem:s0+$0xA170] =	vst v1;
	v1 =	vmax.f32 v5, $0.0e+00;
	v5 =	vld [tilespmem:s0+$0x21D0]  }
0xb3: {  	[tilespmem:s0+$0xA180] =	vst v1;
	v1 =	vmax.f32 v6, $0.0e+00;
	v6 =	vld [tilespmem:s0+$0x21E0]  }
0xb4: {  	[tilespmem:s0+$0xA190] =	vst v1;
	v1 =	vmax.f32 v2, $0.0e+00  }
0xb5: {  	[tilespmem:s0+$0xA1A0] =	vst v1;
	v1 =	vmax.f32 v3, $0.0e+00  }
0xb6: {  	[tilespmem:s0+$0xA1B0] =	vst v1;
	v1 =	vmax.f32 v4, $0.0e+00  }
0xb7: {  	[tilespmem:s0+$0xA1C0] =	vst v1;
	v1 =	vmax.f32 v5, $0.0e+00  }
0xb8: {  	p1 =	seq.s32 s28, $0xF;
	[tilespmem:s0+$0xA1D0] =	vst v1;
	v1 =	vmax.f32 v6, $0.0e+00  }
0xb9: {  	[tilespmem:s0+$0xA1E0] =	vst v1;
	s0 =	sshrl.u32 @!p1 s29, $0x2  }
0xba: {  	[spmem:s3] =	stream.indirect.scatter.add.f32 [tilespmem:s22], [sflag:$0x3], $0x80, s30, s19, $0xb8;
	[tilespmem:$0x1C000] =	vst v63  }
0xbb: {  	s14 =	simm.s32 @!p1 $0x80;
	s31 =	simm.s32 @!p1 $0x2000;
	s0 =	sadd.s32 @!p1 $0x100, s0  }
0xbc: {  	[tilespmem:s31], [sflag:$0x1] =	stream.indirect.gather @!p1 [hbm4b:s1+s14], $0x80, s0, s14, $0xb8;
	[tilespmem:$0x1C000] =	vst v63  }
0xbd: {  	_ =	swait.ge [sflag:s18], $0x4000  }
0xbe: {  	[sflag:s18] =	ssyncset.done $0x0  }
0xbf: {  	s14 =	sadd.s32 $0x1080, s30;
	[sflag:s18] =	ssyncadd.s32 $0xFFFFC000  }
0xc0: {  	[tilespmem:s21], [sflag:$0x2] =	stream.indirect.gather.add.f32 [hbm:s5], $0x80, s14, s19, $0xb8;
	[tilespmem:$0x1C000] =	vst v63  }
0xc1: {  	_ =	swait.ge [sflag:s18], $0x4000  }
0xc2: {  	[sflag:s18] =	ssyncset.done $0x0  }
0xc3: {  	s0 =	simm.s32 @!p0 $0x4;
	[sflag:s18] =	ssyncadd.s32 $0xFFFFC000  }
0xc4: {  	_ =	swait.ge @!p0 [sflag:s0], $0x4000  }
0xc5: {  	[sflag:s0] =	ssyncset.done @!p0 $0x0  }
0xc6: {  	s31 =	simm.s32 $0x0;
	[sflag:s0] =	ssyncadd.s32 @!p0 $0xFFFFC000  }
0xc7: {  	v1 =	vld [tilespmem:s31+$0x61F0]  }
0xc8: {  	v2 =	vld [tilespmem:s31+$0x6000]  }
0xc9: {  	v3 =	vld [tilespmem:s31+$0x6010]  }
0xca: {  	v4 =	vld [tilespmem:s31+$0x6020]  }
0xcb: {  	v5 =	vld [tilespmem:s31+$0x6030]  }
0xcc: {  	v6 =	vld [tilespmem:s31+$0x6040];
	v1 =	vmax.f32 v1, $0.0e+00  }
0xcd: {  	v7 =	vld [tilespmem:s31+$0x6050];
	v2 =	vmax.f32 v2, $0.0e+00;
	[tilespmem:s31+$0xE1F0] =	vst v1  }
0xce: {  	[tilespmem:s31+$0xE000] =	vst v2;
	v1 =	vmax.f32 v3, $0.0e+00;
	v2 =	vld [tilespmem:s31+$0x6060]  }
0xcf: {  	v3 =	vld [tilespmem:s31+$0x6070];
	[tilespmem:s31+$0xE010] =	vst v1;
	v1 =	vmax.f32 v4, $0.0e+00  }
0xd0: {  	v4 =	vld [tilespmem:s31+$0x6080];
	[tilespmem:s31+$0xE020] =	vst v1;
	v1 =	vmax.f32 v5, $0.0e+00  }
0xd1: {  	v5 =	vld [tilespmem:s31+$0x6090];
	[tilespmem:s31+$0xE030] =	vst v1;
	v1 =	vmax.f32 v6, $0.0e+00  }
0xd2: {  	v6 =	vld [tilespmem:s31+$0x60A0];
	[tilespmem:s31+$0xE040] =	vst v1;
	v1 =	vmax.f32 v7, $0.0e+00  }
0xd3: {  	[tilespmem:s31+$0xE050] =	vst v1;
	v1 =	vmax.f32 v2, $0.0e+00;
	v2 =	vld [tilespmem:s31+$0x60B0]  }
0xd4: {  	[tilespmem:s31+$0xE060] =	vst v1;
	v1 =	vmax.f32 v3, $0.0e+00;
	v3 =	vld [tilespmem:s31+$0x60C0]  }
0xd5: {  	[tilespmem:s31+$0xE070] =	vst v1;
	v1 =	vmax.f32 v4, $0.0e+00;
	v4 =	vld [tilespmem:s31+$0x60D0]  }
0xd6: {  	[tilespmem:s31+$0xE080] =	vst v1;
	v1 =	vmax.f32 v5, $0.0e+00;
	v5 =	vld [tilespmem:s31+$0x60E0]  }
0xd7: {  	[tilespmem:s31+$0xE090] =	vst v1;
	v1 =	vmax.f32 v6, $0.0e+00;
	v6 =	vld [tilespmem:s31+$0x60F0]  }
0xd8: {  	[tilespmem:s31+$0xE0A0] =	vst v1;
	v1 =	vmax.f32 v2, $0.0e+00;
	v2 =	vld [tilespmem:s31+$0x6100]  }
0xd9: {  	[tilespmem:s31+$0xE0B0] =	vst v1;
	v1 =	vmax.f32 v3, $0.0e+00;
	v3 =	vld [tilespmem:s31+$0x6110]  }
0xda: {  	[tilespmem:s31+$0xE0C0] =	vst v1;
	v1 =	vmax.f32 v4, $0.0e+00;
	v4 =	vld [tilespmem:s31+$0x6120]  }
0xdb: {  	[tilespmem:s31+$0xE0D0] =	vst v1;
	v1 =	vmax.f32 v5, $0.0e+00;
	v5 =	vld [tilespmem:s31+$0x6130]  }
0xdc: {  	[tilespmem:s31+$0xE0E0] =	vst v1;
	v1 =	vmax.f32 v6, $0.0e+00;
	v6 =	vld [tilespmem:s31+$0x6140]  }
0xdd: {  	[tilespmem:s31+$0xE0F0] =	vst v1;
	v1 =	vmax.f32 v2, $0.0e+00;
	v2 =	vld [tilespmem:s31+$0x6150]  }
0xde: {  	[tilespmem:s31+$0xE100] =	vst v1;
	v1 =	vmax.f32 v3, $0.0e+00;
	v3 =	vld [tilespmem:s31+$0x6160]  }
0xdf: {  	[tilespmem:s31+$0xE110] =	vst v1;
	v1 =	vmax.f32 v4, $0.0e+00;
	v4 =	vld [tilespmem:s31+$0x6170]  }
0xe0: {  	[tilespmem:s31+$0xE120] =	vst v1;
	v1 =	vmax.f32 v5, $0.0e+00;
	v5 =	vld [tilespmem:s31+$0x6180]  }
0xe1: {  	[tilespmem:s31+$0xE130] =	vst v1;
	v1 =	vmax.f32 v6, $0.0e+00;
	v6 =	vld [tilespmem:s31+$0x6190]  }
0xe2: {  	[tilespmem:s31+$0xE140] =	vst v1;
	v2 =	vmax.f32 v2, $0.0e+00;
	v1 =	vld [tilespmem:s31+$0x61A0]  }
0xe3: {  	[tilespmem:s31+$0xE150] =	vst v2;
	v3 =	vmax.f32 v3, $0.0e+00;
	v2 =	vld [tilespmem:s31+$0x61B0]  }
0xe4: {  	[tilespmem:s31+$0xE160] =	vst v3;
	v4 =	vmax.f32 v4, $0.0e+00;
	v3 =	vld [tilespmem:s31+$0x61C0]  }
0xe5: {  	[tilespmem:s31+$0xE170] =	vst v4;
	v5 =	vmax.f32 v5, $0.0e+00;
	v4 =	vld [tilespmem:s31+$0x61D0]  }
0xe6: {  	s30 =	sor.u32 $0x80, s30;
	s14 =	simm.s32 $0x1000;
	s0 =	simm.s32 $0x200;
	[tilespmem:s31+$0xE180] =	vst v5;
	v6 =	vmax.f32 v6, $0.0e+00;
	v5 =	vld [tilespmem:s31+$0x61E0]  }
.LBB2_7:
0xe7: {  	p0 =	sne.s32 s14, $0xF800;
	v7 =	vld [tilespmem:s0+$0x61F0];
	[tilespmem:s31+$0xE190] =	vst v6;
	v1 =	vmax.f32 v1, $0.0e+00  }
0xe8: {  	v6 =	vld [tilespmem:s0+$0x6000];
	[tilespmem:s31+$0xE1A0] =	vst v1;
	v1 =	vmax.f32 v2, $0.0e+00  }
0xe9: {  	v2 =	vld [tilespmem:s0+$0x6010];
	[tilespmem:s31+$0xE1B0] =	vst v1;
	v1 =	vmax.f32 v3, $0.0e+00  }
0xea: {  	v3 =	vld [tilespmem:s0+$0x6020];
	[tilespmem:s31+$0xE1C0] =	vst v1;
	v1 =	vmax.f32 v4, $0.0e+00  }
0xeb: {  	v4 =	vld [tilespmem:s0+$0x6030];
	[tilespmem:s31+$0xE1D0] =	vst v1;
	v1 =	vmax.f32 v5, $0.0e+00  }
0xec: {  	v5 =	vld [tilespmem:s0+$0x6040];
	v7 =	vmax.f32 v7, $0.0e+00;
	[tilespmem:s31+$0xE1E0] =	vst v1;
	s31 =	smov.u32 s0  }
0xed: {  	v1 =	vmax.f32 v6, $0.0e+00;
	v6 =	vld [tilespmem:s31+$0x6050];
	[tilespmem:s31+$0xE1F0] =	vst v7  }
0xee: {  	[tilespmem:s31+$0xE000] =	vst v1;
	v1 =	vmax.f32 v2, $0.0e+00;
	v2 =	vld [tilespmem:s31+$0x6060]  }
0xef: {  	[tilespmem:s31+$0xE010] =	vst v1;
	v1 =	vmax.f32 v3, $0.0e+00;
	v3 =	vld [tilespmem:s31+$0x6070]  }
0xf0: {  	[tilespmem:s31+$0xE020] =	vst v1;
	v1 =	vmax.f32 v4, $0.0e+00;
	v4 =	vld [tilespmem:s31+$0x6080]  }
0xf1: {  	[tilespmem:s31+$0xE030] =	vst v1;
	v1 =	vmax.f32 v5, $0.0e+00;
	v5 =	vld [tilespmem:s31+$0x6090]  }
0xf2: {  	[tilespmem:s31+$0xE040] =	vst v1;
	v1 =	vmax.f32 v6, $0.0e+00;
	v6 =	vld [tilespmem:s31+$0x60A0]  }
0xf3: {  	[tilespmem:s31+$0xE050] =	vst v1;
	v1 =	vmax.f32 v2, $0.0e+00;
	v2 =	vld [tilespmem:s31+$0x60B0]  }
0xf4: {  	[tilespmem:s31+$0xE060] =	vst v1;
	v1 =	vmax.f32 v3, $0.0e+00;
	v3 =	vld [tilespmem:s31+$0x60C0]  }
0xf5: {  	[tilespmem:s31+$0xE070] =	vst v1;
	v1 =	vmax.f32 v4, $0.0e+00;
	v4 =	vld [tilespmem:s31+$0x60D0]  }
0xf6: {  	[tilespmem:s31+$0xE080] =	vst v1;
	v1 =	vmax.f32 v5, $0.0e+00;
	v5 =	vld [tilespmem:s31+$0x60E0]  }
0xf7: {  	[tilespmem:s31+$0xE090] =	vst v1;
	v1 =	vmax.f32 v6, $0.0e+00;
	v6 =	vld [tilespmem:s31+$0x60F0]  }
0xf8: {  	[tilespmem:s31+$0xE0A0] =	vst v1;
	v1 =	vmax.f32 v2, $0.0e+00;
	v2 =	vld [tilespmem:s31+$0x6100]  }
0xf9: {  	[tilespmem:s31+$0xE0B0] =	vst v1;
	v1 =	vmax.f32 v3, $0.0e+00;
	v3 =	vld [tilespmem:s31+$0x6110]  }
0xfa: {  	[tilespmem:s31+$0xE0C0] =	vst v1;
	v1 =	vmax.f32 v4, $0.0e+00;
	v4 =	vld [tilespmem:s31+$0x6120]  }
0xfb: {  	[tilespmem:s31+$0xE0D0] =	vst v1;
	v1 =	vmax.f32 v5, $0.0e+00;
	v5 =	vld [tilespmem:s31+$0x6130]  }
0xfc: {  	[tilespmem:s31+$0xE0E0] =	vst v1;
	v1 =	vmax.f32 v6, $0.0e+00;
	v6 =	vld [tilespmem:s31+$0x6140]  }
0xfd: {  	[tilespmem:s31+$0xE0F0] =	vst v1;
	v1 =	vmax.f32 v2, $0.0e+00;
	v2 =	vld [tilespmem:s31+$0x6150]  }
0xfe: {  	[tilespmem:s31+$0xE100] =	vst v1;
	v1 =	vmax.f32 v3, $0.0e+00;
	v3 =	vld [tilespmem:s31+$0x6160]  }
0xff: {  	[tilespmem:s31+$0xE110] =	vst v1;
	v1 =	vmax.f32 v4, $0.0e+00;
	v4 =	vld [tilespmem:s31+$0x6170]  }
0x100: {  	[tilespmem:s31+$0xE120] =	vst v1;
	v1 =	vmax.f32 v5, $0.0e+00;
	v5 =	vld [tilespmem:s31+$0x6180]  }
0x101: {  	[tilespmem:s31+$0xE130] =	vst v1;
	v1 =	vmax.f32 v6, $0.0e+00;
	v6 =	vld [tilespmem:s31+$0x6190]  }
.Ltmp4:
0x102: {  	[tilespmem:s31+$0xE140] =	vst v1;
	v2 =	vmax.f32 v2, $0.0e+00;
	v1 =	vld [tilespmem:s31+$0x61A0];
	(pc) =	sbr.rel @p0 .LBB2_7-.Ltmp4, $4  }
0x103: {  	[tilespmem:s31+$0xE150] =	vst v2;
	v3 =	vmax.f32 v3, $0.0e+00;
	v2 =	vld [tilespmem:s31+$0x61B0]  }
0x104: {  	[tilespmem:s31+$0xE160] =	vst v3;
	v4 =	vmax.f32 v4, $0.0e+00;
	v3 =	vld [tilespmem:s31+$0x61C0]  }
0x105: {  	[tilespmem:s31+$0xE170] =	vst v4;
	v5 =	vmax.f32 v5, $0.0e+00;
	v4 =	vld [tilespmem:s31+$0x61D0]  }
0x106: {  	s0 =	sshra.s32 s14, $0x2;
	s14 =	sadd.s32 $0x800, s14;
	[tilespmem:s31+$0xE180] =	vst v5;
	v6 =	vmax.f32 v6, $0.0e+00;
	v5 =	vld [tilespmem:s31+$0x61E0]  }
0x107: {  	v7 =	vld [tilespmem:s0+$0x61F0];
	[tilespmem:s31+$0xE190] =	vst v6;
	v1 =	vmax.f32 v1, $0.0e+00  }
0x108: {  	v6 =	vld [tilespmem:s0+$0x6000];
	[tilespmem:s31+$0xE1A0] =	vst v1;
	v1 =	vmax.f32 v2, $0.0e+00  }
0x109: {  	v2 =	vld [tilespmem:s0+$0x6010];
	[tilespmem:s31+$0xE1B0] =	vst v1;
	v1 =	vmax.f32 v3, $0.0e+00  }
0x10a: {  	v3 =	vld [tilespmem:s0+$0x6020];
	[tilespmem:s31+$0xE1C0] =	vst v1;
	v1 =	vmax.f32 v4, $0.0e+00  }
0x10b: {  	v46 =	vld [tilespmem:s0+$0x6030];
	[tilespmem:s31+$0xE1D0] =	vst v1;
	v1 =	vmax.f32 v5, $0.0e+00  }
0x10c: {  	v47 =	vld [tilespmem:s0+$0x6040];
	[tilespmem:s31+$0xE1E0] =	vst v1;
	v1 =	vmax.f32 v7, $0.0e+00  }
0x10d: {  	v48 =	vld [tilespmem:s0+$0x6050];
	v6 =	vmax.f32 v6, $0.0e+00;
	[tilespmem:s0+$0xE1F0] =	vst v1  }
0x10e: {  	[tilespmem:s0+$0xE000] =	vst v6;
	v1 =	vmax.f32 v2, $0.0e+00;
	v2 =	vld [tilespmem:s0+$0x6060]  }
0x10f: {  	[tilespmem:s0+$0xE010] =	vst v1;
	v1 =	vmax.f32 v3, $0.0e+00;
	v3 =	vld [tilespmem:s0+$0x6070]  }
0x110: {  	v49 =	vld [tilespmem:s0+$0x6080];
	[tilespmem:s0+$0xE020] =	vst v1;
	v1 =	vmax.f32 v46, $0.0e+00  }
0x111: {  	v50 =	vld [tilespmem:s0+$0x6090];
	[tilespmem:s0+$0xE030] =	vst v1;
	v1 =	vmax.f32 v47, $0.0e+00  }
0x112: {  	v51 =	vld [tilespmem:s0+$0x60A0];
	[tilespmem:s0+$0xE040] =	vst v1;
	v1 =	vmax.f32 v48, $0.0e+00  }
0x113: {  	[tilespmem:s0+$0xE050] =	vst v1;
	v1 =	vmax.f32 v2, $0.0e+00;
	v2 =	vld [tilespmem:s0+$0x60B0]  }
0x114: {  	[tilespmem:s0+$0xE060] =	vst v1;
	v1 =	vmax.f32 v3, $0.0e+00;
	v3 =	vld [tilespmem:s0+$0x60C0]  }
0x115: {  	v52 =	vld [tilespmem:s0+$0x60D0];
	[tilespmem:s0+$0xE070] =	vst v1;
	v1 =	vmax.f32 v49, $0.0e+00  }
0x116: {  	v53 =	vld [tilespmem:s0+$0x60E0];
	[tilespmem:s0+$0xE080] =	vst v1;
	v1 =	vmax.f32 v50, $0.0e+00  }
0x117: {  	v54 =	vld [tilespmem:s0+$0x60F0];
	[tilespmem:s0+$0xE090] =	vst v1;
	v1 =	vmax.f32 v51, $0.0e+00  }
0x118: {  	[tilespmem:s0+$0xE0A0] =	vst v1;
	v1 =	vmax.f32 v2, $0.0e+00;
	v2 =	vld [tilespmem:s0+$0x6100]  }
0x119: {  	[tilespmem:s0+$0xE0B0] =	vst v1;
	v1 =	vmax.f32 v3, $0.0e+00;
	v3 =	vld [tilespmem:s0+$0x6110]  }
0x11a: {  	v55 =	vld [tilespmem:s0+$0x6120];
	[tilespmem:s0+$0xE0C0] =	vst v1;
	v1 =	vmax.f32 v52, $0.0e+00  }
0x11b: {  	v56 =	vld [tilespmem:s0+$0x6130];
	[tilespmem:s0+$0xE0D0] =	vst v1;
	v1 =	vmax.f32 v53, $0.0e+00  }
0x11c: {  	v57 =	vld [tilespmem:s0+$0x6140];
	[tilespmem:s0+$0xE0E0] =	vst v1;
	v1 =	vmax.f32 v54, $0.0e+00  }
0x11d: {  	[tilespmem:s0+$0xE0F0] =	vst v1;
	v1 =	vmax.f32 v2, $0.0e+00;
	v2 =	vld [tilespmem:s0+$0x6150]  }
0x11e: {  	[tilespmem:s0+$0xE100] =	vst v1;
	v1 =	vmax.f32 v3, $0.0e+00;
	v3 =	vld [tilespmem:s0+$0x6160]  }
0x11f: {  	v58 =	vld [tilespmem:s0+$0x6170];
	[tilespmem:s0+$0xE110] =	vst v1;
	v1 =	vmax.f32 v55, $0.0e+00  }
0x120: {  	v59 =	vld [tilespmem:s0+$0x6180];
	[tilespmem:s0+$0xE120] =	vst v1;
	v1 =	vmax.f32 v56, $0.0e+00  }
0x121: {  	v60 =	vld [tilespmem:s0+$0x6190];
	[tilespmem:s0+$0xE130] =	vst v1;
	v1 =	vmax.f32 v57, $0.0e+00  }
0x122: {  	[tilespmem:s0+$0xE140] =	vst v1;
	v1 =	vmax.f32 v2, $0.0e+00;
	v2 =	vld [tilespmem:s0+$0x61A0]  }
0x123: {  	[tilespmem:s0+$0xE150] =	vst v1;
	v1 =	vmax.f32 v3, $0.0e+00;
	v3 =	vld [tilespmem:s0+$0x61B0]  }
0x124: {  	v61 =	vld [tilespmem:s0+$0x61C0];
	[tilespmem:s0+$0xE160] =	vst v1;
	v1 =	vmax.f32 v58, $0.0e+00  }
0x125: {  	v62 =	vld [tilespmem:s0+$0x61D0];
	[tilespmem:s0+$0xE170] =	vst v1;
	v1 =	vmax.f32 v59, $0.0e+00  }
0x126: {  	v63 =	vld [tilespmem:s0+$0x61E0];
	[tilespmem:s0+$0xE180] =	vst v1;
	v1 =	vmax.f32 v60, $0.0e+00  }
0x127: {  	[tilespmem:s0+$0xE190] =	vst v1;
	v1 =	vmax.f32 v2, $0.0e+00  }
0x128: {  	[tilespmem:s0+$0xE1A0] =	vst v1;
	v1 =	vmax.f32 v3, $0.0e+00  }
.Ltmp5:
0x129: {  	[tilespmem:s0+$0xE1B0] =	vst v1;
	v1 =	vmax.f32 v61, $0.0e+00;
	(pc) =	sbr.rel @p1 .LBB2_10-.Ltmp5, $4  }
0x12a: {  	[tilespmem:s0+$0xE1C0] =	vst v1;
	v1 =	vmax.f32 v62, $0.0e+00  }
0x12b: {  	[tilespmem:s0+$0xE1D0] =	vst v1;
	v1 =	vmax.f32 v63, $0.0e+00  }
0x12c: {  	[tilespmem:s0+$0xE1E0] =	vst v1  }
0x12d: {  	[spmem:s3] =	stream.indirect.scatter.add.f32 [tilespmem:s23], [sflag:$0x4], $0x80, s30, s19, $0xb8;
	[tilespmem:$0x1C000] =	vst v63  }
.Ltmp6:
0x12e: {  	(pc) =	sbr.rel .LBB2_4-.Ltmp6, $4  }
0x12f: {  	_ = 	snop  }
0x130: {  	s0 =	sshrl.u32 s29, $0x2  }
0x131: {  	s28 =	sadd.s32 $0x1, s28;
	s0 =	sadd.s32 $0x180, s0  }
0x132: {  	[tilespmem:s21], [sflag:$0x2] =	stream.indirect.gather [hbm4b:s1+s19], $0x80, s0, s19, $0xb8;
	[tilespmem:$0x1C000] =	vst v63  }
.LBB2_11:
0x133: {  	_ =	sfence.sel $0x180000  }
0x134: {  	[bflag:$0x0] =	sbarrier.arrive $0xFFFF  }
0x135: {  	_ =	strace $0x9000004A  }
0x136: {  	[bflag:$0x2] =	sbarrier.arrive $0xFFFF  }
0x137: {  	p0 =	sne.s32 s2, $0x0;
	s0 =	rddreg [dreg:$0x3]  }
0x138: {  	s0 =	sadd.s32 @!p0 $0x100000, s0  }
0x139: {  	[sflag:s0] =	ssyncadd.tile.s32 @!p0 $0x1;
	_ =	shalt  }
.Lfunc_end2:
_tile_overlayer_lowered:
.L_overlay_start_2:
0x13a: {  	(tag) =	ssettag $0x2  }
0x13b: {  	s0 =	rddreg [dreg:$0x0];
	s2 =	stileid.u32  }
0x13c: {  	s1 =	rddreg [dreg:$0x1];
	p0 =	sne.s32 s2, $0x0  }
0x13d: {  	s3 =	rddreg [dreg:$0x2];
	[bflag:$0x3] =	sbarrier.arrive $0xFFFF;
	s2 =	simm.s32 @!p0 $0x1C05  }
0x13e: {  	[timem:s3], [sflag:s2] =	dma.local @!p0 [hbm:s0], s1  }
0x13f: {  	s0 =	simm.s32 @!p0 $0x5  }
0x140: {  	_ =	swait.ge @!p0 [sflag:s0], s1  }
0x141: {  	s1 =	ssub.s32 @!p0 $0x0, s1;
	[sflag:s0] =	ssyncset.done @!p0 $0x0  }
0x142: {  	[sflag:s0] =	ssyncadd.s32 @!p0 s1  }
0x143: {  	[bflag:$0x3] =	sbarrier.arrive $0xFFFF  }
0x144: {  	_ =	shalt  }

// kernel: kernel.8.cloned.1.call-start
scs
__scs_entry_jumppad:
0x0: {  	(pc) =	sbr.rel $0x88, $3  }
0x1: {  	(tag) =	ssettag $0x0;
	lr =	simm.s32 $0x1  }
0x2: {  	[smem:$0x3F8F] =	sst lr;
	_ =	strace $0xD0000000  }
0x3: {  	_ = 	snop  }
0x4: {  	_ = 	snop  }
0x5: {  	_ = 	snop  }
0x6: {  	_ = 	snop  }
0x7: {  	_ = 	snop  }
__scs_overlays_trampoline_lowered:
0x8: {  	[smem:$0x3F9E] =	sst s0  }
0x9: {  	[smem:$0x3F9F] =	sst s1  }
0xa: {  	[smem:$0x3FA0] =	sst s2  }
0xb: {  	[smem:$0x3FA1] =	sst s3  }
0xc: {  	[smem:$0x3FA2] =	sst s4  }
0xd: {  	[smem:$0x3FA3] =	sst s5  }
0xe: {  	[smem:$0x3FA4] =	sst s6  }
0xf: {  	[smem:$0x3FA5] =	sst s7  }
0x10: {  	[smem:$0x3FA6] =	sst s8  }
0x11: {  	[smem:$0x3FA7] =	sst s9;
	s0 =	simm.s32 @!p0 $0x0  }
0x12: {  	s1 =	sld [smem:$0x3F8D];
	s0 =	simm.s32 @p0 $0x1  }
0x13: {  	[smem:$0x3FA8] =	sst s0;
	s0 =	simm.s32 @!p1 $0x0  }
0x14: {  	s2 =	sld [smem:$0x3F8C];
	s0 =	simm.s32 @p1 $0x1  }
0x15: {  	[smem:$0x3FA9] =	sst s0;
	s0 =	simm.s32 @!p2 $0x0  }
0x16: {  	s3 =	sld [smem:$0x3FDB];
	s0 =	simm.s32 @p2 $0x1  }
0x17: {  	s4 =	simm.s32 $0x1BF5;
	[smem:$0x3FAB] =	sst s0  }
0x18: {  	s0 =	sld [smem:$0x3F8E];
	_ =	swait.ge [sflag:s4], $0x0  }
0x19: {  	s7 =	sld [smem:$0x3F8F]  }
0x1a: {  	s8 =	sadd.s32 $0xFFFFE003, lr  }
0x1b: {  	s9 =	sadd.s32 $0xFFFFFEF7, lr;
	s5 =	simm.s32 $0xFFFFFFFF;
	p2 =	slt.u32 s8, $0xFFFFF086  }
0x1c: {  	p1 =	slt.u32 s9, $0xF7A;
	s5 =	simm.s32 @!p2 $0x0  }
0x1d: {  	s5 =	simm.s32 @p1 $0x1;
	p0 =	seq.s32 s7, s2  }
0x1e: {  	s7 =	smul.u32 @!p0 $0xF7A, s2;
	p2 =	seq.s32 @!p0 s5, $0x0  }
0x1f: {  	s9 =	smul.u32 $0xF7A, s1;
	s8 =	simm.s32 @!p0 $0x1BF5;
	p2 =	por !p2, p0  }
0x20: {  	[sflag:s8] =	ssyncset.s32 @!p0 $0xFFFFF086;
	s6 =	sadd.s32 @!p0 s3, s7;
	s7 =	simm.s32 @!p0 $0x108  }
0x21: {  	s3 =	sadd.s32 s3, s9;
	s6 =	sadd.s32 @!p0 $0x88, s6;
	s7 =	simm.s32 @p2 $0x1082  }
0x22: {  	[simem:s7], [sflag:s8] =	dma.local @!p0 [hbm:s6], $0xF7A  }
0x23: {  	s9 =	sor.u32 $0xD0000000, s2;
	s6 =	simm.s32 $0x108;
	_ =	swait.ge @!p0 [sflag:s8], $0x0  }
0x24: {  	s3 =	sadd.s32 $0x88, s3;
	s6 =	simm.s32 @!p1 $0x1082;
	[sflag:s4] =	ssyncset.s32 $0xFFFFF086  }
0x25: {  	[simem:s6], [sflag:s4] =	dma.local [hbm:s3], $0xF7A  }
0x26: {  	[smem:$0x3F8F] =	sst s1;
	(tag) =	ssettag s2;
	_ =	strace s9  }
0x27: {  	s1 =	sld [smem:$0x3F9F]  }
0x28: {  	s2 =	sld [smem:$0x3FA0]  }
0x29: {  	s4 =	sld [smem:$0x3FA2]  }
0x2a: {  	p0 =	seq.s32 s5, $0x0;
	s5 =	sld [smem:$0x3FA3]  }
0x2b: {  	s6 =	sld [smem:$0x3FA4]  }
0x2c: {  	s7 =	sld [smem:$0x3FA5]  }
0x2d: {  	s3 =	simm.s32 $0x108;
	s8 =	sld [smem:$0x3FA6]  }
0x2e: {  	s3 =	simm.s32 @!p0 $0x1082;
	s9 =	sld [smem:$0x3FA7]  }
0x2f: {  	lr =	sadd.s32 s0, s3;
	s0 =	sld [smem:$0x3F9E]  }
0x30: {  	s3 =	sld [smem:$0x3FA1]  }
0x31: {  	[smem:$0x3FAA] =	sst s10  }
0x32: {  	s10 =	sld [smem:$0x3FA8];
	_ =	sdelay $0x3  }
0x33: {  	p0 =	seq.s32 s10, $0x1;
	s10 =	sld [smem:$0x3FAA];
	_ =	sdelay $0x3  }
0x34: {  	[smem:$0x3FAA] =	sst s10  }
0x35: {  	s10 =	sld [smem:$0x3FA9];
	_ =	sdelay $0x3  }
0x36: {  	p1 =	seq.s32 s10, $0x1;
	s10 =	sld [smem:$0x3FAA];
	_ =	sdelay $0x3  }
0x37: {  	[smem:$0x3FAA] =	sst s10  }
0x38: {  	s10 =	sld [smem:$0x3FAB]  }
0x39: {  	_ = 	snop;
	(pc) =	sbr.ind lr, $3  }
0x3a: {  	_ = 	snop  }
0x3b: {  	_ = 	snop  }
0x3c: {  	p2 =	seq.s32 s10, $0x1;
	s10 =	sld [smem:$0x3FAA]  }
0x3d: {  	_ =	shalt  }
0x3e: {  	_ =	shalt  }
0x3f: {  	_ =	shalt  }
0x40: {  	_ =	shalt  }
0x41: {  	_ =	shalt  }
0x42: {  	_ =	shalt  }
0x43: {  	_ =	shalt  }
0x44: {  	_ =	shalt  }
0x45: {  	_ =	shalt  }
0x46: {  	_ =	shalt  }
0x47: {  	_ =	shalt  }
0x48: {  	_ =	shalt  }
0x49: {  	_ =	shalt  }
0x4a: {  	_ =	shalt  }
0x4b: {  	_ =	shalt  }
0x4c: {  	_ =	shalt  }
0x4d: {  	_ =	shalt  }
0x4e: {  	_ =	shalt  }
0x4f: {  	_ =	shalt  }
0x50: {  	_ =	shalt  }
0x51: {  	_ =	shalt  }
0x52: {  	_ =	shalt  }
0x53: {  	_ =	shalt  }
0x54: {  	_ =	shalt  }
0x55: {  	_ =	shalt  }
0x56: {  	_ =	shalt  }
0x57: {  	_ =	shalt  }
0x58: {  	_ =	shalt  }
0x59: {  	_ =	shalt  }
0x5a: {  	_ =	shalt  }
0x5b: {  	_ =	shalt  }
0x5c: {  	_ =	shalt  }
0x5d: {  	_ =	shalt  }
0x5e: {  	_ =	shalt  }
0x5f: {  	_ =	shalt  }
0x60: {  	_ =	shalt  }
0x61: {  	_ =	shalt  }
0x62: {  	_ =	shalt  }
0x63: {  	_ =	shalt  }
0x64: {  	_ =	shalt  }
0x65: {  	_ =	shalt  }
0x66: {  	_ =	shalt  }
0x67: {  	_ =	shalt  }
0x68: {  	_ =	shalt  }
0x69: {  	_ =	shalt  }
0x6a: {  	_ =	shalt  }
0x6b: {  	_ =	shalt  }
0x6c: {  	_ =	shalt  }
0x6d: {  	_ =	shalt  }
0x6e: {  	_ =	shalt  }
0x6f: {  	_ =	shalt  }
0x70: {  	_ =	shalt  }
0x71: {  	_ =	shalt  }
0x72: {  	_ =	shalt  }
0x73: {  	_ =	shalt  }
0x74: {  	_ =	shalt  }
0x75: {  	_ =	shalt  }
0x76: {  	_ =	shalt  }
0x77: {  	_ =	shalt  }
0x78: {  	_ =	shalt  }
0x79: {  	_ =	shalt  }
0x7a: {  	_ =	shalt  }
0x7b: {  	_ =	shalt  }
0x7c: {  	_ =	shalt  }
0x7d: {  	_ =	shalt  }
0x7e: {  	_ =	shalt  }
0x7f: {  	_ =	shalt  }
0x80: {  	_ =	shalt  }
0x81: {  	_ =	shalt  }
0x82: {  	_ =	shalt  }
0x83: {  	_ =	shalt  }
0x84: {  	_ =	shalt  }
0x85: {  	_ =	shalt  }
0x86: {  	_ =	shalt  }
0x87: {  	_ =	shalt  }
.Lfunc_end0:
.L_simem_size_0:
called_computation_lowered:
.L_overlay_start_0:
0x88: {  	s2 =	sld [smem:$0x3FD9]  }
0x89: {  	s3 =	sld [smem:$0x3FFE];
	_ =	sdelay $0x1  }
0x8a: {  	s1 =	srdreg.scid  }
0x8b: {  	s0 =	sand.u32 $0x1, s1  }
0x8c: {  	s17 =	sshll.u32 s0, $0xA;
	s2 =	sadd.s32 s3, s2  }
0x8d: {  	s2 =	sadd.s32 s2, s17  }
0x8e: {  	[smem:$0x3FB6] =	sst s2  }
0x8f: {  	_ = 	snop  }
0x90: {  	s2 =	sld [smem:$0x3FD0];
	(tm) =	ssettm $0x1  }
0x91: {  	s18 =	sld [smem:$0x3FFB];
	_ =	sdelay $0x3  }
0x92: {  	_ =	strace s18  }
0x93: {  	s3 =	sld [smem:$0x3FFC];
	_ =	sdelay $0x3  }
0x94: {  	_ =	strace s3  }
0x95: {  	s3 =	sld [smem:$0x3FFD];
	_ =	sdelay $0x3  }
0x96: {  	_ =	strace s3  }
0x97: {  	_ =	strace $0x8FFFFFFF  }
0x98: {  	s19 =	sld [smem:$0x3FDB];
	_ =	sdelay $0x1  }
0x99: {  	s4 =	simm.s32 $_scs_section_size  }
0x9a: {  	s5 =	simm.s32 $_size__tile_overlayer_lowered;
	s6 =	simm.s32 $_tile_overlayer_lowered  }
0x9b: {  	s22 =	simm.s32 $0x1BFF;
	s21 =	sshll.u32 s6, $0x1;
	s3 =	sadd.s32 s4, s19  }
0x9c: {  	s7 =	simm.s32 $0x0;
	s20 =	sshll.u32 s5, $0x1;
	s5 =	sadd.s32 s21, s3  }
0x9d: {  	[timem:s7], [sflag:s22] =	dma.local [hbm:s5], s20  }
0x9e: {  	_ =	swait.ge [sflag:s22], s20  }
0x9f: {  	s4 =	ssub.s32 $0x0, s20;
	[sflag:s22] =	ssyncset.done $0x0  }
0xa0: {  	[sflag:s22] =	ssyncadd.s32 s4;
	_ =	sdelay $0x1  }
0xa1: {  	s23 =	simm.s32 $0x1B8B  }
0xa2: {  	_ =	swait.ge [sflag:s23], $0x1  }
0xa3: {  	[sflag:s23] =	ssyncset.done $0x0  }
0xa4: {  	s25 =	simm.s32 $0x1B8E;
	s24 =	sld [smem:$0x3FFE];
	[sflag:s23] =	ssyncadd.s32 $0xFFFFFFFF  }
0xa5: {  	s26 =	simm.s32 $execute0_lowered;
	[smem:$0x3FD2] =	sst s25  }
0xa6: {  	s5 =	sshll.u32 s26, $0x1;
	_ =	strace $0x80000046;
	[dreg:$0x1] =	wrdreg $0xFFFFFFFF  }
0xa7: {  	s28 =	simm.s32 $_size_execute0_lowered;
	s3 =	sadd.s32 s3, s5;
	[dreg:$0x0] =	wrdreg $0x0  }
0xa8: {  	s5 =	sshll.u32 s28, $0x1;
	[dreg:$0x2] =	wrdreg s3  }
0xa9: {  	[dreg:$0x3] =	wrdreg s5  }
0xaa: {  	[dreg:$0x4] =	wrdreg $0xC0  }
0xab: {  	_ =	task [dreg:s7], $0x5FFFF  }
0xac: {  	[dreg:$0x1] =	wrdreg $0xFFFFFFFF  }
0xad: {  	[dreg:$0x0] =	wrdreg $0x60  }
0xae: {  	[dreg:$0x2] =	wrdreg s2  }
0xaf: {  	[dreg:$0x3] =	wrdreg s24  }
0xb0: {  	[dreg:$0x4] =	wrdreg $0x140000  }
0xb1: {  	[dreg:$0x5] =	wrdreg $0x9  }
0xb2: {  	_ =	task.clear_ibuf [dreg:s7], $0x6FFFF;
	_ =	strace $0x90000046  }
0xb3: {  	s29 =	simm.s32 $0x9;
	_ =	strace $0x80000048  }
0xb4: {  	_ =	swait.ge [sflag:s29], $0x1  }
0xb5: {  	[sflag:s29] =	ssyncadd.s32 $0xFFFFFFFF  }
0xb6: {  	_ =	strace $0x90000048  }
0xb7: {  	_ =	sfence  }
0xb8: {  	s30 =	sld [smem:$0x0];
	_ =	sdelay $0x2  }
0xb9: {  	s31 =	sshll.u32 s1, $0xD;
	s1 =	sshrl.u32 s1, $0x2  }
0xba: {  	s3 =	sand.u32 $0x4000, s31;
	s1 =	sadd.s32 s1, s30  }
0xbb: {  	s0 =	sor.u32 s3, s0;
	s1 =	sshll.u32 s1, $0x11  }
0xbc: {  	s0 =	sor.u32 s1, s0  }
0xbd: {  	s0 =	sadd.s32 $0x8F2B, s0  }
0xbe: {  	[sflag:s0] =	ssyncadd.remote.s32 $0x1  }
0xbf: {  	_ =	sfence.sel $0xFFFF  }
0xc0: {  	[dreg:$0x0] =	wrdreg $0xFFFFFFFF;
	(pc) =	sbr.abs _section_cstart, $3  }
0xc1: {  	[dreg:$0x1] =	wrdreg $0xFFFFFFFF  }
0xc2: {  	_ =	task.clear_ibuf [dreg:s7], $0x2FFFF;
	_ =	strace $0x9FFFFFFF  }
0xc3: {  	(tm) =	ssettm $0x7FFFFFFF  }
tec
execute0_lowered:
.L_overlay_start_1:
0x0: {  	(tag) =	ssettag $0x1  }
0x1: {  	s1 =	rddreg [dreg:$0x0]  }
0x2: {  	s0 =	rddreg [dreg:$0x1]  }
0x3: {  	s3 =	rddreg [dreg:$0x2];
	s5 =	srdreg.scid  }
0x4: {  	s4 =	simm.s32 $0x0;
	s2 =	stileid.u32;
	s15 =	simm.s32 $0x12000  }
0x5: {  	s16 =	simm.s32 $0x5;
	s17 =	simm.s32 $0x1;
	s18 =	simm.s32 $0x2  }
0x6: {  	s19 =	simm.s32 $0x80;
	s20 =	simm.s32 $0x2000;
	s21 =	simm.s32 $0x6000  }
0x7: {  	s22 =	simm.s32 $0xA000;
	s23 =	simm.s32 $0xE000;
	s24 =	simm.s32 $0x3  }
0x8: {  	s25 =	simm.s32 $0x4;
	s26 =	simm.s32 $0x0;
	s10 =	sand.u32 $0x1, s5  }
0x9: {  	[smem:$0x7FF] =	sst s4;
	s7 =	sshll.u32 s2, $0x9;
	s5 =	sadd.s32 $0xC000, s0  }
0xa: {  	s29 =	sshll.u32 s2, $0xC;
	s9 =	sshll.u32 s2, $0xF;
	s6 =	sshll.u32 s10, $0xD  }
0xb: {  	_ =	strace $0x80000047;
	s30 =	ssub.s32 $0x2, s10;
	s12 =	sshll.u32 s10, $0x10  }
.Ltmp0:
0xc: {  	s6 =	sor.u32 s7, s6;
	s31 =	sshrl.u32 s30, $0x1;
	(pc) =	sbr.rel .LBB2_1-.Ltmp0, $4  }
0xd: {  	s7 =	sadd.s32 s9, s3;
	s8 =	sadd.s32 s6, s0;
	s0 =	sadd.s32 s29, s0  }
0xe: {  	s13 =	ssub.s32 s30, s31;
	s9 =	sadd.s32 $0x2000, s7;
	s10 =	sadd.s32 $0x4000, s7  }
0xf: {  	s11 =	sadd.s32 $0x6000, s7;
	s6 =	sadd.s32 $0x4000, s8;
	s0 =	sadd.s32 s12, s0  }
0x10: {  	v0 =	vimm.f32 $0.0e+00;
	s8 =	sadd.s32 $0x8000, s8;
	s13 =	smax.u32 s13, $0x1;
	s12 =	sadd.s32 $0x1C000, s0  }
.LBB2_10:
0x11: {  	_ =	swait.ge [sflag:s24], $0x4000  }
0x12: {  	[sflag:s24] =	ssyncset.done $0x0  }
0x13: {  	[sflag:s24] =	ssyncadd.s32 $0xFFFFC000  }
0x14: {  	_ =	swait.ge [sflag:s25], $0x4000  }
0x15: {  	s0 =	sshll.u32 s2, $0x6;
	s26 =	sadd.s32 $0x1, s26;
	[sflag:s25] =	ssyncset.done $0x0  }
0x16: {  	s14 =	sshrl.u32 s7, $0x3;
	p0 =	sne.s32 s26, s13;
	[sflag:s25] =	ssyncadd.s32 $0xFFFFC000  }
.Ltmp1:
0x17: {  	s0 =	sor.u32 $0x1C05, s0;
	[bflag:$0x0] =	sbarrier.arrive $0xFFFF;
	(pc) =	sbr.rel @!p0 .LBB2_11-.Ltmp1, $4  }
0x18: {  	[hbm:s12], [sflag:s0] =	dma.local [spmem:s14], $0x1000  }
0x19: {  	_ =	swait.ge [sflag:s16], $0x1000  }
0x1a: {  	[sflag:s16] =	ssyncset.done $0x0  }
0x1b: {  	[sflag:s16] =	ssyncadd.s32 $0xFFFFF000  }
.LBB2_1:
0x1c: {  	[tilespmem:s4], [sflag:$0x1] =	stream.linear.gather [hbm4b:s6+s4], $0x1000, $0x38;
	[tilespmem:$0x1C000] =	vst v63  }
0x1d: {  	s0 =	simm.s32 $0x1000  }
0x1e: {  	[tilespmem:s0], [sflag:$0x2] =	stream.linear.gather [hbm4b:s8+s4], $0x1000, $0x38;
	[tilespmem:$0x1C000] =	vst v63  }
0x1f: {  	s14 =	simm.s32 $0x200;
	s0 =	simm.s32 $0x0  }
.LBB2_2:
0x20: {  	p0 =	sne.s32 s14, $0x7E00;
	[tilespmem:s0+$0x12070] =	vst v0  }
0x21: {  	[tilespmem:s0+$0x12000] =	vst v0  }
0x22: {  	[tilespmem:s0+$0x12010] =	vst v0  }
.Ltmp2:
0x23: {  	[tilespmem:s0+$0x12020] =	vst v0;
	(pc) =	sbr.rel @p0 .LBB2_2-.Ltmp2, $4  }
0x24: {  	[tilespmem:s0+$0x12030] =	vst v0  }
0x25: {  	[tilespmem:s0+$0x12040] =	vst v0  }
0x26: {  	[tilespmem:s0+$0x12050] =	vst v0  }
0x27: {  	[tilespmem:s0+$0x12060] =	vst v0;
	s0 =	sshra.s32 s14, $0x2;
	s14 =	sadd.s32 $0x200, s14  }
0x28: {  	[tilespmem:s0+$0x12070] =	vst v0  }
0x29: {  	[tilespmem:s0+$0x12000] =	vst v0  }
0x2a: {  	[tilespmem:s0+$0x12010] =	vst v0  }
0x2b: {  	[tilespmem:s0+$0x12020] =	vst v0  }
0x2c: {  	[tilespmem:s0+$0x12030] =	vst v0  }
0x2d: {  	[tilespmem:s0+$0x12040] =	vst v0  }
0x2e: {  	[tilespmem:s0+$0x12050] =	vst v0  }
0x2f: {  	[tilespmem:s0+$0x12060] =	vst v0  }
0x30: {  	[spmem:s7] =	stream.linear.scatter [tilespmem:s15], [sflag:$0x5], $0x2000, $0x38;
	[tilespmem:$0x1C000] =	vst v63  }
0x31: {  	_ =	swait.ge [sflag:s16], $0x2000  }
0x32: {  	[sflag:s16] =	ssyncset.done $0x0  }
0x33: {  	[sflag:s16] =	ssyncadd.s32 $0xFFFFE000  }
0x34: {  	[spmem:s9] =	stream.linear.scatter [tilespmem:s15], [sflag:$0x5], $0x2000, $0x38;
	[tilespmem:$0x1C000] =	vst v63  }
0x35: {  	_ =	swait.ge [sflag:s16], $0x2000  }
0x36: {  	[sflag:s16] =	ssyncset.done $0x0  }
0x37: {  	[sflag:s16] =	ssyncadd.s32 $0xFFFFE000  }
0x38: {  	[spmem:s10] =	stream.linear.scatter [tilespmem:s15], [sflag:$0x5], $0x2000, $0x38;
	[tilespmem:$0x1C000] =	vst v63  }
0x39: {  	_ =	swait.ge [sflag:s16], $0x2000  }
0x3a: {  	[sflag:s16] =	ssyncset.done $0x0  }
0x3b: {  	[sflag:s16] =	ssyncadd.s32 $0xFFFFE000  }
0x3c: {  	[spmem:s11] =	stream.linear.scatter [tilespmem:s15], [sflag:$0x5], $0x2000, $0x38;
	[tilespmem:$0x1C000] =	vst v63  }
0x3d: {  	_ =	swait.ge [sflag:s16], $0x2000  }
0x3e: {  	[sflag:s16] =	ssyncset.done $0x0  }
0x3f: {  	[sflag:s16] =	ssyncadd.s32 $0xFFFFE000  }
0x40: {  	_ =	swait.ge [sflag:s17], $0x1000  }
0x41: {  	[sflag:s17] =	ssyncset.done $0x0  }
0x42: {  	[sflag:s17] =	ssyncadd.s32 $0xFFFFF000  }
0x43: {  	_ =	swait.ge [sflag:s18], $0x1000  }
0x44: {  	[sflag:s18] =	ssyncset.done $0x0  }
0x45: {  	[sflag:s18] =	ssyncadd.s32 $0xFFFFF000  }
0x46: {  	s28 =	simm.s32 $0x0;
	[bflag:$0x0] =	sbarrier.arrive $0xFFFF  }
0x47: {  	[tilespmem:s20], [sflag:$0x1] =	stream.indirect.gather [hbm4b:s1+s19], $0x80, s28, s19, $0xb8;
	[tilespmem:$0x1C000] =	vst v63  }
0x48: {  	_ = 	snop  }
0x49: {  	[tilespmem:s21], [sflag:$0x2] =	stream.indirect.gather [hbm4b:s1+s19], $0x80, s19, s19, $0xb8;
	[tilespmem:$0x1C000] =	vst v63  }
.LBB2_4:
0x4a: {  	_ =	swait.ge [sflag:s17], $0x4000  }
0x4b: {  	s30 =	sshll.u32 s28, $0x8;
	[sflag:s17] =	ssyncset.done $0x0  }
0x4c: {  	s0 =	sadd.s32 $0x1000, s30;
	[sflag:s17] =	ssyncadd.s32 $0xFFFFC000  }
0x4d: {  	[tilespmem:s20], [sflag:$0x1] =	stream.indirect.gather.add.f32 [hbm:s5], $0x80, s0, s19, $0xb8;
	[tilespmem:$0x1C000] =	vst v63  }
0x4e: {  	_ =	swait.ge [sflag:s17], $0x4000  }
0x4f: {  	p0 =	seq.s32 s28, $0x0;
	[sflag:s17] =	ssyncset.done $0x0  }
0x50: {  	s0 =	simm.s32 @!p0 $0x3;
	[sflag:s17] =	ssyncadd.s32 $0xFFFFC000  }
0x51: {  	_ =	swait.ge @!p0 [sflag:s0], $0x4000  }
0x52: {  	[sflag:s0] =	ssyncset.done @!p0 $0x0  }
0x53: {  	s31 =	simm.s32 $0x0;
	[sflag:s0] =	ssyncadd.s32 @!p0 $0xFFFFC000  }
0x54: {  	v1 =	vld [tilespmem:s31+$0x21F0]  }
0x55: {  	v2 =	vld [tilespmem:s31+$0x2000]  }
0x56: {  	v3 =	vld [tilespmem:s31+$0x2010]  }
0x57: {  	v4 =	vld [tilespmem:s31+$0x2020]  }
0x58: {  	v5 =	vld [tilespmem:s31+$0x2030]  }
0x59: {  	v6 =	vld [tilespmem:s31+$0x2040];
	v1 =	vmax.f32 v1, $0.0e+00  }
0x5a: {  	v7 =	vld [tilespmem:s31+$0x2050];
	v2 =	vmax.f32 v2, $0.0e+00;
	[tilespmem:s31+$0xA1F0] =	vst v1  }
0x5b: {  	[tilespmem:s31+$0xA000] =	vst v2;
	v1 =	vmax.f32 v3, $0.0e+00;
	v2 =	vld [tilespmem:s31+$0x2060]  }
0x5c: {  	v3 =	vld [tilespmem:s31+$0x2070];
	[tilespmem:s31+$0xA010] =	vst v1;
	v1 =	vmax.f32 v4, $0.0e+00  }
0x5d: {  	v4 =	vld [tilespmem:s31+$0x2080];
	[tilespmem:s31+$0xA020] =	vst v1;
	v1 =	vmax.f32 v5, $0.0e+00  }
0x5e: {  	v5 =	vld [tilespmem:s31+$0x2090];
	[tilespmem:s31+$0xA030] =	vst v1;
	v1 =	vmax.f32 v6, $0.0e+00  }
0x5f: {  	v6 =	vld [tilespmem:s31+$0x20A0];
	[tilespmem:s31+$0xA040] =	vst v1;
	v1 =	vmax.f32 v7, $0.0e+00  }
0x60: {  	[tilespmem:s31+$0xA050] =	vst v1;
	v1 =	vmax.f32 v2, $0.0e+00;
	v2 =	vld [tilespmem:s31+$0x20B0]  }
0x61: {  	[tilespmem:s31+$0xA060] =	vst v1;
	v1 =	vmax.f32 v3, $0.0e+00;
	v3 =	vld [tilespmem:s31+$0x20C0]  }
0x62: {  	[tilespmem:s31+$0xA070] =	vst v1;
	v1 =	vmax.f32 v4, $0.0e+00;
	v4 =	vld [tilespmem:s31+$0x20D0]  }
0x63: {  	[tilespmem:s31+$0xA080] =	vst v1;
	v1 =	vmax.f32 v5, $0.0e+00;
	v5 =	vld [tilespmem:s31+$0x20E0]  }
0x64: {  	[tilespmem:s31+$0xA090] =	vst v1;
	v1 =	vmax.f32 v6, $0.0e+00;
	v6 =	vld [tilespmem:s31+$0x20F0]  }
0x65: {  	[tilespmem:s31+$0xA0A0] =	vst v1;
	v1 =	vmax.f32 v2, $0.0e+00;
	v2 =	vld [tilespmem:s31+$0x2100]  }
0x66: {  	[tilespmem:s31+$0xA0B0] =	vst v1;
	v1 =	vmax.f32 v3, $0.0e+00;
	v3 =	vld [tilespmem:s31+$0x2110]  }
0x67: {  	[tilespmem:s31+$0xA0C0] =	vst v1;
	v1 =	vmax.f32 v4, $0.0e+00;
	v4 =	vld [tilespmem:s31+$0x2120]  }
0x68: {  	[tilespmem:s31+$0xA0D0] =	vst v1;
	v1 =	vmax.f32 v5, $0.0e+00;
	v5 =	vld [tilespmem:s31+$0x2130]  }
0x69: {  	[tilespmem:s31+$0xA0E0] =	vst v1;
	v1 =	vmax.f32 v6, $0.0e+00;
	v6 =	vld [tilespmem:s31+$0x2140]  }
0x6a: {  	[tilespmem:s31+$0xA0F0] =	vst v1;
	v1 =	vmax.f32 v2, $0.0e+00;
	v2 =	vld [tilespmem:s31+$0x2150]  }
0x6b: {  	[tilespmem:s31+$0xA100] =	vst v1;
	v1 =	vmax.f32 v3, $0.0e+00;
	v3 =	vld [tilespmem:s31+$0x2160]  }
0x6c: {  	[tilespmem:s31+$0xA110] =	vst v1;
	v1 =	vmax.f32 v4, $0.0e+00;
	v4 =	vld [tilespmem:s31+$0x2170]  }
0x6d: {  	[tilespmem:s31+$0xA120] =	vst v1;
	v1 =	vmax.f32 v5, $0.0e+00;
	v5 =	vld [tilespmem:s31+$0x2180]  }
0x6e: {  	[tilespmem:s31+$0xA130] =	vst v1;
	v1 =	vmax.f32 v6, $0.0e+00;
	v6 =	vld [tilespmem:s31+$0x2190]  }
0x6f: {  	[tilespmem:s31+$0xA140] =	vst v1;
	v2 =	vmax.f32 v2, $0.0e+00;
	v1 =	vld [tilespmem:s31+$0x21A0]  }
0x70: {  	[tilespmem:s31+$0xA150] =	vst v2;
	v3 =	vmax.f32 v3, $0.0e+00;
	v2 =	vld [tilespmem:s31+$0x21B0]  }
0x71: {  	[tilespmem:s31+$0xA160] =	vst v3;
	v4 =	vmax.f32 v4, $0.0e+00;
	v3 =	vld [tilespmem:s31+$0x21C0]  }
0x72: {  	[tilespmem:s31+$0xA170] =	vst v4;
	v5 =	vmax.f32 v5, $0.0e+00;
	v4 =	vld [tilespmem:s31+$0x21D0]  }
0x73: {  	s29 =	sshll.u32 s28, $0xA;
	s14 =	simm.s32 $0x1000;
	s0 =	simm.s32 $0x200;
	[tilespmem:s31+$0xA180] =	vst v5;
	v6 =	vmax.f32 v6, $0.0e+00;
	v5 =	vld [tilespmem:s31+$0x21E0]  }
.LBB2_5:
0x74: {  	p1 =	sne.s32 s14, $0xF800;
	v7 =	vld [tilespmem:s0+$0x21F0];
	[tilespmem:s31+$0xA190] =	vst v6;
	v1 =	vmax.f32 v1, $0.0e+00  }
0x75: {  	v6 =	vld [tilespmem:s0+$0x2000];
	[tilespmem:s31+$0xA1A0] =	vst v1;
	v1 =	vmax.f32 v2, $0.0e+00  }
0x76: {  	v2 =	vld [tilespmem:s0+$0x2010];
	[tilespmem:s31+$0xA1B0] =	vst v1;
	v1 =	vmax.f32 v3, $0.0e+00  }
0x77: {  	v3 =	vld [tilespmem:s0+$0x2020];
	[tilespmem:s31+$0xA1C0] =	vst v1;
	v1 =	vmax.f32 v4, $0.0e+00  }
0x78: {  	v4 =	vld [tilespmem:s0+$0x2030];
	[tilespmem:s31+$0xA1D0] =	vst v1;
	v1 =	vmax.f32 v5, $0.0e+00  }
0x79: {  	v5 =	vld [tilespmem:s0+$0x2040];
	v7 =	vmax.f32 v7, $0.0e+00;
	[tilespmem:s31+$0xA1E0] =	vst v1;
	s31 =	smov.u32 s0  }
0x7a: {  	v1 =	vmax.f32 v6, $0.0e+00;
	v6 =	vld [tilespmem:s31+$0x2050];
	[tilespmem:s31+$0xA1F0] =	vst v7  }
0x7b: {  	[tilespmem:s31+$0xA000] =	vst v1;
	v1 =	vmax.f32 v2, $0.0e+00;
	v2 =	vld [tilespmem:s31+$0x2060]  }
0x7c: {  	[tilespmem:s31+$0xA010] =	vst v1;
	v1 =	vmax.f32 v3, $0.0e+00;
	v3 =	vld [tilespmem:s31+$0x2070]  }
0x7d: {  	[tilespmem:s31+$0xA020] =	vst v1;
	v1 =	vmax.f32 v4, $0.0e+00;
	v4 =	vld [tilespmem:s31+$0x2080]  }
0x7e: {  	[tilespmem:s31+$0xA030] =	vst v1;
	v1 =	vmax.f32 v5, $0.0e+00;
	v5 =	vld [tilespmem:s31+$0x2090]  }
0x7f: {  	[tilespmem:s31+$0xA040] =	vst v1;
	v1 =	vmax.f32 v6, $0.0e+00;
	v6 =	vld [tilespmem:s31+$0x20A0]  }
0x80: {  	[tilespmem:s31+$0xA050] =	vst v1;
	v1 =	vmax.f32 v2, $0.0e+00;
	v2 =	vld [tilespmem:s31+$0x20B0]  }
0x81: {  	[tilespmem:s31+$0xA060] =	vst v1;
	v1 =	vmax.f32 v3, $0.0e+00;
	v3 =	vld [tilespmem:s31+$0x20C0]  }
0x82: {  	[tilespmem:s31+$0xA070] =	vst v1;
	v1 =	vmax.f32 v4, $0.0e+00;
	v4 =	vld [tilespmem:s31+$0x20D0]  }
0x83: {  	[tilespmem:s31+$0xA080] =	vst v1;
	v1 =	vmax.f32 v5, $0.0e+00;
	v5 =	vld [tilespmem:s31+$0x20E0]  }
0x84: {  	[tilespmem:s31+$0xA090] =	vst v1;
	v1 =	vmax.f32 v6, $0.0e+00;
	v6 =	vld [tilespmem:s31+$0x20F0]  }
0x85: {  	[tilespmem:s31+$0xA0A0] =	vst v1;
	v1 =	vmax.f32 v2, $0.0e+00;
	v2 =	vld [tilespmem:s31+$0x2100]  }
0x86: {  	[tilespmem:s31+$0xA0B0] =	vst v1;
	v1 =	vmax.f32 v3, $0.0e+00;
	v3 =	vld [tilespmem:s31+$0x2110]  }
0x87: {  	[tilespmem:s31+$0xA0C0] =	vst v1;
	v1 =	vmax.f32 v4, $0.0e+00;
	v4 =	vld [tilespmem:s31+$0x2120]  }
0x88: {  	[tilespmem:s31+$0xA0D0] =	vst v1;
	v1 =	vmax.f32 v5, $0.0e+00;
	v5 =	vld [tilespmem:s31+$0x2130]  }
0x89: {  	[tilespmem:s31+$0xA0E0] =	vst v1;
	v1 =	vmax.f32 v6, $0.0e+00;
	v6 =	vld [tilespmem:s31+$0x2140]  }
0x8a: {  	[tilespmem:s31+$0xA0F0] =	vst v1;
	v1 =	vmax.f32 v2, $0.0e+00;
	v2 =	vld [tilespmem:s31+$0x2150]  }
0x8b: {  	[tilespmem:s31+$0xA100] =	vst v1;
	v1 =	vmax.f32 v3, $0.0e+00;
	v3 =	vld [tilespmem:s31+$0x2160]  }
0x8c: {  	[tilespmem:s31+$0xA110] =	vst v1;
	v1 =	vmax.f32 v4, $0.0e+00;
	v4 =	vld [tilespmem:s31+$0x2170]  }
0x8d: {  	[tilespmem:s31+$0xA120] =	vst v1;
	v1 =	vmax.f32 v5, $0.0e+00;
	v5 =	vld [tilespmem:s31+$0x2180]  }
0x8e: {  	[tilespmem:s31+$0xA130] =	vst v1;
	v1 =	vmax.f32 v6, $0.0e+00;
	v6 =	vld [tilespmem:s31+$0x2190]  }
.Ltmp3:
0x8f: {  	[tilespmem:s31+$0xA140] =	vst v1;
	v2 =	vmax.f32 v2, $0.0e+00;
	v1 =	vld [tilespmem:s31+$0x21A0];
	(pc) =	sbr.rel @p1 .LBB2_5-.Ltmp3, $4  }
0x90: {  	[tilespmem:s31+$0xA150] =	vst v2;
	v3 =	vmax.f32 v3, $0.0e+00;
	v2 =	vld [tilespmem:s31+$0x21B0]  }
0x91: {  	[tilespmem:s31+$0xA160] =	vst v3;
	v4 =	vmax.f32 v4, $0.0e+00;
	v3 =	vld [tilespmem:s31+$0x21C0]  }
0x92: {  	[tilespmem:s31+$0xA170] =	vst v4;
	v5 =	vmax.f32 v5, $0.0e+00;
	v4 =	vld [tilespmem:s31+$0x21D0]  }
0x93: {  	s0 =	sshra.s32 s14, $0x2;
	s14 =	sadd.s32 $0x800, s14;
	[tilespmem:s31+$0xA180] =	vst v5;
	v6 =	vmax.f32 v6, $0.0e+00;
	v5 =	vld [tilespmem:s31+$0x21E0]  }
0x94: {  	v7 =	vld [tilespmem:s0+$0x21F0];
	[tilespmem:s31+$0xA190] =	vst v6;
	v1 =	vmax.f32 v1, $0.0e+00  }
0x95: {  	v6 =	vld [tilespmem:s0+$0x2000];
	[tilespmem:s31+$0xA1A0] =	vst v1;
	v1 =	vmax.f32 v2, $0.0e+00  }
0x96: {  	v2 =	vld [tilespmem:s0+$0x2010];
	[tilespmem:s31+$0xA1B0] =	vst v1;
	v1 =	vmax.f32 v3, $0.0e+00  }
0x97: {  	v3 =	vld [tilespmem:s0+$0x2020];
	[tilespmem:s31+$0xA1C0] =	vst v1;
	v1 =	vmax.f32 v4, $0.0e+00  }
0x98: {  	v4 =	vld [tilespmem:s0+$0x2030];
	[tilespmem:s31+$0xA1D0] =	vst v1;
	v1 =	vmax.f32 v5, $0.0e+00  }
0x99: {  	v5 =	vld [tilespmem:s0+$0x2040];
	[tilespmem:s31+$0xA1E0] =	vst v1;
	v1 =	vmax.f32 v7, $0.0e+00  }
0x9a: {  	v7 =	vld [tilespmem:s0+$0x2050];
	v6 =	vmax.f32 v6, $0.0e+00;
	[tilespmem:s0+$0xA1F0] =	vst v1  }
0x9b: {  	[tilespmem:s0+$0xA000] =	vst v6;
	v1 =	vmax.f32 v2, $0.0e+00;
	v2 =	vld [tilespmem:s0+$0x2060]  }
0x9c: {  	[tilespmem:s0+$0xA010] =	vst v1;
	v1 =	vmax.f32 v3, $0.0e+00;
	v3 =	vld [tilespmem:s0+$0x2070]  }
0x9d: {  	[tilespmem:s0+$0xA020] =	vst v1;
	v1 =	vmax.f32 v4, $0.0e+00;
	v4 =	vld [tilespmem:s0+$0x2080]  }
0x9e: {  	[tilespmem:s0+$0xA030] =	vst v1;
	v1 =	vmax.f32 v5, $0.0e+00;
	v5 =	vld [tilespmem:s0+$0x2090]  }
0x9f: {  	v6 =	vld [tilespmem:s0+$0x20A0];
	[tilespmem:s0+$0xA040] =	vst v1;
	v1 =	vmax.f32 v7, $0.0e+00  }
0xa0: {  	[tilespmem:s0+$0xA050] =	vst v1;
	v1 =	vmax.f32 v2, $0.0e+00;
	v2 =	vld [tilespmem:s0+$0x20B0]  }
0xa1: {  	[tilespmem:s0+$0xA060] =	vst v1;
	v1 =	vmax.f32 v3, $0.0e+00;
	v3 =	vld [tilespmem:s0+$0x20C0]  }
0xa2: {  	[tilespmem:s0+$0xA070] =	vst v1;
	v1 =	vmax.f32 v4, $0.0e+00;
	v4 =	vld [tilespmem:s0+$0x20D0]  }
0xa3: {  	[tilespmem:s0+$0xA080] =	vst v1;
	v1 =	vmax.f32 v5, $0.0e+00;
	v5 =	vld [tilespmem:s0+$0x20E0]  }
0xa4: {  	[tilespmem:s0+$0xA090] =	vst v1;
	v1 =	vmax.f32 v6, $0.0e+00;
	v6 =	vld [tilespmem:s0+$0x20F0]  }
0xa5: {  	[tilespmem:s0+$0xA0A0] =	vst v1;
	v1 =	vmax.f32 v2, $0.0e+00;
	v2 =	vld [tilespmem:s0+$0x2100]  }
0xa6: {  	[tilespmem:s0+$0xA0B0] =	vst v1;
	v1 =	vmax.f32 v3, $0.0e+00;
	v3 =	vld [tilespmem:s0+$0x2110]  }
0xa7: {  	[tilespmem:s0+$0xA0C0] =	vst v1;
	v1 =	vmax.f32 v4, $0.0e+00;
	v4 =	vld [tilespmem:s0+$0x2120]  }
0xa8: {  	[tilespmem:s0+$0xA0D0] =	vst v1;
	v1 =	vmax.f32 v5, $0.0e+00;
	v5 =	vld [tilespmem:s0+$0x2130]  }
0xa9: {  	[tilespmem:s0+$0xA0E0] =	vst v1;
	v1 =	vmax.f32 v6, $0.0e+00;
	v6 =	vld [tilespmem:s0+$0x2140]  }
0xaa: {  	[tilespmem:s0+$0xA0F0] =	vst v1;
	v1 =	vmax.f32 v2, $0.0e+00;
	v2 =	vld [tilespmem:s0+$0x2150]  }
0xab: {  	[tilespmem:s0+$0xA100] =	vst v1;
	v1 =	vmax.f32 v3, $0.0e+00;
	v3 =	vld [tilespmem:s0+$0x2160]  }
0xac: {  	[tilespmem:s0+$0xA110] =	vst v1;
	v1 =	vmax.f32 v4, $0.0e+00;
	v4 =	vld [tilespmem:s0+$0x2170]  }
0xad: {  	[tilespmem:s0+$0xA120] =	vst v1;
	v1 =	vmax.f32 v5, $0.0e+00;
	v5 =	vld [tilespmem:s0+$0x2180]  }
0xae: {  	[tilespmem:s0+$0xA130] =	vst v1;
	v1 =	vmax.f32 v6, $0.0e+00;
	v6 =	vld [tilespmem:s0+$0x2190]  }
0xaf: {  	[tilespmem:s0+$0xA140] =	vst v1;
	v1 =	vmax.f32 v2, $0.0e+00;
	v2 =	vld [tilespmem:s0+$0x21A0]  }
0xb0: {  	[tilespmem:s0+$0xA150] =	vst v1;
	v1 =	vmax.f32 v3, $0.0e+00;
	v3 =	vld [tilespmem:s0+$0x21B0]  }
0xb1: {  	[tilespmem:s0+$0xA160] =	vst v1;
	v1 =	vmax.f32 v4, $0.0e+00;
	v4 =	vld [tilespmem:s0+$0x21C0]  }
0xb2: {  	[tilespmem:s0+$0xA170] =	vst v1;
	v1 =	vmax.f32 v5, $0.0e+00;
	v5 =	vld [tilespmem:s0+$0x21D0]  }
0xb3: {  	[tilespmem:s0+$0xA180] =	vst v1;
	v1 =	vmax.f32 v6, $0.0e+00;
	v6 =	vld [tilespmem:s0+$0x21E0]  }
0xb4: {  	[tilespmem:s0+$0xA190] =	vst v1;
	v1 =	vmax.f32 v2, $0.0e+00  }
0xb5: {  	[tilespmem:s0+$0xA1A0] =	vst v1;
	v1 =	vmax.f32 v3, $0.0e+00  }
0xb6: {  	[tilespmem:s0+$0xA1B0] =	vst v1;
	v1 =	vmax.f32 v4, $0.0e+00  }
0xb7: {  	[tilespmem:s0+$0xA1C0] =	vst v1;
	v1 =	vmax.f32 v5, $0.0e+00  }
0xb8: {  	p1 =	seq.s32 s28, $0xF;
	[tilespmem:s0+$0xA1D0] =	vst v1;
	v1 =	vmax.f32 v6, $0.0e+00  }
0xb9: {  	[tilespmem:s0+$0xA1E0] =	vst v1;
	s0 =	sshrl.u32 @!p1 s29, $0x2  }
0xba: {  	[spmem:s3] =	stream.indirect.scatter.add.f32 [tilespmem:s22], [sflag:$0x3], $0x80, s30, s19, $0xb8;
	[tilespmem:$0x1C000] =	vst v63  }
0xbb: {  	s14 =	simm.s32 @!p1 $0x80;
	s31 =	simm.s32 @!p1 $0x2000;
	s0 =	sadd.s32 @!p1 $0x100, s0  }
0xbc: {  	[tilespmem:s31], [sflag:$0x1] =	stream.indirect.gather @!p1 [hbm4b:s1+s14], $0x80, s0, s14, $0xb8;
	[tilespmem:$0x1C000] =	vst v63  }
0xbd: {  	_ =	swait.ge [sflag:s18], $0x4000  }
0xbe: {  	[sflag:s18] =	ssyncset.done $0x0  }
0xbf: {  	s14 =	sadd.s32 $0x1080, s30;
	[sflag:s18] =	ssyncadd.s32 $0xFFFFC000  }
0xc0: {  	[tilespmem:s21], [sflag:$0x2] =	stream.indirect.gather.add.f32 [hbm:s5], $0x80, s14, s19, $0xb8;
	[tilespmem:$0x1C000] =	vst v63  }
0xc1: {  	_ =	swait.ge [sflag:s18], $0x4000  }
0xc2: {  	[sflag:s18] =	ssyncset.done $0x0  }
0xc3: {  	s0 =	simm.s32 @!p0 $0x4;
	[sflag:s18] =	ssyncadd.s32 $0xFFFFC000  }
0xc4: {  	_ =	swait.ge @!p0 [sflag:s0], $0x4000  }
0xc5: {  	[sflag:s0] =	ssyncset.done @!p0 $0x0  }
0xc6: {  	s31 =	simm.s32 $0x0;
	[sflag:s0] =	ssyncadd.s32 @!p0 $0xFFFFC000  }
0xc7: {  	v1 =	vld [tilespmem:s31+$0x61F0]  }
0xc8: {  	v2 =	vld [tilespmem:s31+$0x6000]  }
0xc9: {  	v3 =	vld [tilespmem:s31+$0x6010]  }
0xca: {  	v4 =	vld [tilespmem:s31+$0x6020]  }
0xcb: {  	v5 =	vld [tilespmem:s31+$0x6030]  }
0xcc: {  	v6 =	vld [tilespmem:s31+$0x6040];
	v1 =	vmax.f32 v1, $0.0e+00  }
0xcd: {  	v7 =	vld [tilespmem:s31+$0x6050];
	v2 =	vmax.f32 v2, $0.0e+00;
	[tilespmem:s31+$0xE1F0] =	vst v1  }
0xce: {  	[tilespmem:s31+$0xE000] =	vst v2;
	v1 =	vmax.f32 v3, $0.0e+00;
	v2 =	vld [tilespmem:s31+$0x6060]  }
0xcf: {  	v3 =	vld [tilespmem:s31+$0x6070];
	[tilespmem:s31+$0xE010] =	vst v1;
	v1 =	vmax.f32 v4, $0.0e+00  }
0xd0: {  	v4 =	vld [tilespmem:s31+$0x6080];
	[tilespmem:s31+$0xE020] =	vst v1;
	v1 =	vmax.f32 v5, $0.0e+00  }
0xd1: {  	v5 =	vld [tilespmem:s31+$0x6090];
	[tilespmem:s31+$0xE030] =	vst v1;
	v1 =	vmax.f32 v6, $0.0e+00  }
0xd2: {  	v6 =	vld [tilespmem:s31+$0x60A0];
	[tilespmem:s31+$0xE040] =	vst v1;
	v1 =	vmax.f32 v7, $0.0e+00  }
0xd3: {  	[tilespmem:s31+$0xE050] =	vst v1;
	v1 =	vmax.f32 v2, $0.0e+00;
	v2 =	vld [tilespmem:s31+$0x60B0]  }
0xd4: {  	[tilespmem:s31+$0xE060] =	vst v1;
	v1 =	vmax.f32 v3, $0.0e+00;
	v3 =	vld [tilespmem:s31+$0x60C0]  }
0xd5: {  	[tilespmem:s31+$0xE070] =	vst v1;
	v1 =	vmax.f32 v4, $0.0e+00;
	v4 =	vld [tilespmem:s31+$0x60D0]  }
0xd6: {  	[tilespmem:s31+$0xE080] =	vst v1;
	v1 =	vmax.f32 v5, $0.0e+00;
	v5 =	vld [tilespmem:s31+$0x60E0]  }
0xd7: {  	[tilespmem:s31+$0xE090] =	vst v1;
	v1 =	vmax.f32 v6, $0.0e+00;
	v6 =	vld [tilespmem:s31+$0x60F0]  }
0xd8: {  	[tilespmem:s31+$0xE0A0] =	vst v1;
	v1 =	vmax.f32 v2, $0.0e+00;
	v2 =	vld [tilespmem:s31+$0x6100]  }
0xd9: {  	[tilespmem:s31+$0xE0B0] =	vst v1;
	v1 =	vmax.f32 v3, $0.0e+00;
	v3 =	vld [tilespmem:s31+$0x6110]  }
0xda: {  	[tilespmem:s31+$0xE0C0] =	vst v1;
	v1 =	vmax.f32 v4, $0.0e+00;
	v4 =	vld [tilespmem:s31+$0x6120]  }
0xdb: {  	[tilespmem:s31+$0xE0D0] =	vst v1;
	v1 =	vmax.f32 v5, $0.0e+00;
	v5 =	vld [tilespmem:s31+$0x6130]  }
0xdc: {  	[tilespmem:s31+$0xE0E0] =	vst v1;
	v1 =	vmax.f32 v6, $0.0e+00;
	v6 =	vld [tilespmem:s31+$0x6140]  }
0xdd: {  	[tilespmem:s31+$0xE0F0] =	vst v1;
	v1 =	vmax.f32 v2, $0.0e+00;
	v2 =	vld [tilespmem:s31+$0x6150]  }
0xde: {  	[tilespmem:s31+$0xE100] =	vst v1;
	v1 =	vmax.f32 v3, $0.0e+00;
	v3 =	vld [tilespmem:s31+$0x6160]  }
0xdf: {  	[tilespmem:s31+$0xE110] =	vst v1;
	v1 =	vmax.f32 v4, $0.0e+00;
	v4 =	vld [tilespmem:s31+$0x6170]  }
0xe0: {  	[tilespmem:s31+$0xE120] =	vst v1;
	v1 =	vmax.f32 v5, $0.0e+00;
	v5 =	vld [tilespmem:s31+$0x6180]  }
0xe1: {  	[tilespmem:s31+$0xE130] =	vst v1;
	v1 =	vmax.f32 v6, $0.0e+00;
	v6 =	vld [tilespmem:s31+$0x6190]  }
0xe2: {  	[tilespmem:s31+$0xE140] =	vst v1;
	v2 =	vmax.f32 v2, $0.0e+00;
	v1 =	vld [tilespmem:s31+$0x61A0]  }
0xe3: {  	[tilespmem:s31+$0xE150] =	vst v2;
	v3 =	vmax.f32 v3, $0.0e+00;
	v2 =	vld [tilespmem:s31+$0x61B0]  }
0xe4: {  	[tilespmem:s31+$0xE160] =	vst v3;
	v4 =	vmax.f32 v4, $0.0e+00;
	v3 =	vld [tilespmem:s31+$0x61C0]  }
0xe5: {  	[tilespmem:s31+$0xE170] =	vst v4;
	v5 =	vmax.f32 v5, $0.0e+00;
	v4 =	vld [tilespmem:s31+$0x61D0]  }
0xe6: {  	s30 =	sor.u32 $0x80, s30;
	s14 =	simm.s32 $0x1000;
	s0 =	simm.s32 $0x200;
	[tilespmem:s31+$0xE180] =	vst v5;
	v6 =	vmax.f32 v6, $0.0e+00;
	v5 =	vld [tilespmem:s31+$0x61E0]  }
.LBB2_7:
0xe7: {  	p0 =	sne.s32 s14, $0xF800;
	v7 =	vld [tilespmem:s0+$0x61F0];
	[tilespmem:s31+$0xE190] =	vst v6;
	v1 =	vmax.f32 v1, $0.0e+00  }
0xe8: {  	v6 =	vld [tilespmem:s0+$0x6000];
	[tilespmem:s31+$0xE1A0] =	vst v1;
	v1 =	vmax.f32 v2, $0.0e+00  }
0xe9: {  	v2 =	vld [tilespmem:s0+$0x6010];
	[tilespmem:s31+$0xE1B0] =	vst v1;
	v1 =	vmax.f32 v3, $0.0e+00  }
0xea: {  	v3 =	vld [tilespmem:s0+$0x6020];
	[tilespmem:s31+$0xE1C0] =	vst v1;
	v1 =	vmax.f32 v4, $0.0e+00  }
0xeb: {  	v4 =	vld [tilespmem:s0+$0x6030];
	[tilespmem:s31+$0xE1D0] =	vst v1;
	v1 =	vmax.f32 v5, $0.0e+00  }
0xec: {  	v5 =	vld [tilespmem:s0+$0x6040];
	v7 =	vmax.f32 v7, $0.0e+00;
	[tilespmem:s31+$0xE1E0] =	vst v1;
	s31 =	smov.u32 s0  }
0xed: {  	v1 =	vmax.f32 v6, $0.0e+00;
	v6 =	vld [tilespmem:s31+$0x6050];
	[tilespmem:s31+$0xE1F0] =	vst v7  }
0xee: {  	[tilespmem:s31+$0xE000] =	vst v1;
	v1 =	vmax.f32 v2, $0.0e+00;
	v2 =	vld [tilespmem:s31+$0x6060]  }
0xef: {  	[tilespmem:s31+$0xE010] =	vst v1;
	v1 =	vmax.f32 v3, $0.0e+00;
	v3 =	vld [tilespmem:s31+$0x6070]  }
0xf0: {  	[tilespmem:s31+$0xE020] =	vst v1;
	v1 =	vmax.f32 v4, $0.0e+00;
	v4 =	vld [tilespmem:s31+$0x6080]  }
0xf1: {  	[tilespmem:s31+$0xE030] =	vst v1;
	v1 =	vmax.f32 v5, $0.0e+00;
	v5 =	vld [tilespmem:s31+$0x6090]  }
0xf2: {  	[tilespmem:s31+$0xE040] =	vst v1;
	v1 =	vmax.f32 v6, $0.0e+00;
	v6 =	vld [tilespmem:s31+$0x60A0]  }
0xf3: {  	[tilespmem:s31+$0xE050] =	vst v1;
	v1 =	vmax.f32 v2, $0.0e+00;
	v2 =	vld [tilespmem:s31+$0x60B0]  }
0xf4: {  	[tilespmem:s31+$0xE060] =	vst v1;
	v1 =	vmax.f32 v3, $0.0e+00;
	v3 =	vld [tilespmem:s31+$0x60C0]  }
0xf5: {  	[tilespmem:s31+$0xE070] =	vst v1;
	v1 =	vmax.f32 v4, $0.0e+00;
	v4 =	vld [tilespmem:s31+$0x60D0]  }
0xf6: {  	[tilespmem:s31+$0xE080] =	vst v1;
	v1 =	vmax.f32 v5, $0.0e+00;
	v5 =	vld [tilespmem:s31+$0x60E0]  }
0xf7: {  	[tilespmem:s31+$0xE090] =	vst v1;
	v1 =	vmax.f32 v6, $0.0e+00;
	v6 =	vld [tilespmem:s31+$0x60F0]  }
0xf8: {  	[tilespmem:s31+$0xE0A0] =	vst v1;
	v1 =	vmax.f32 v2, $0.0e+00;
	v2 =	vld [tilespmem:s31+$0x6100]  }
0xf9: {  	[tilespmem:s31+$0xE0B0] =	vst v1;
	v1 =	vmax.f32 v3, $0.0e+00;
	v3 =	vld [tilespmem:s31+$0x6110]  }
0xfa: {  	[tilespmem:s31+$0xE0C0] =	vst v1;
	v1 =	vmax.f32 v4, $0.0e+00;
	v4 =	vld [tilespmem:s31+$0x6120]  }
0xfb: {  	[tilespmem:s31+$0xE0D0] =	vst v1;
	v1 =	vmax.f32 v5, $0.0e+00;
	v5 =	vld [tilespmem:s31+$0x6130]  }
0xfc: {  	[tilespmem:s31+$0xE0E0] =	vst v1;
	v1 =	vmax.f32 v6, $0.0e+00;
	v6 =	vld [tilespmem:s31+$0x6140]  }
0xfd: {  	[tilespmem:s31+$0xE0F0] =	vst v1;
	v1 =	vmax.f32 v2, $0.0e+00;
	v2 =	vld [tilespmem:s31+$0x6150]  }
0xfe: {  	[tilespmem:s31+$0xE100] =	vst v1;
	v1 =	vmax.f32 v3, $0.0e+00;
	v3 =	vld [tilespmem:s31+$0x6160]  }
0xff: {  	[tilespmem:s31+$0xE110] =	vst v1;
	v1 =	vmax.f32 v4, $0.0e+00;
	v4 =	vld [tilespmem:s31+$0x6170]  }
0x100: {  	[tilespmem:s31+$0xE120] =	vst v1;
	v1 =	vmax.f32 v5, $0.0e+00;
	v5 =	vld [tilespmem:s31+$0x6180]  }
0x101: {  	[tilespmem:s31+$0xE130] =	vst v1;
	v1 =	vmax.f32 v6, $0.0e+00;
	v6 =	vld [tilespmem:s31+$0x6190]  }
.Ltmp4:
0x102: {  	[tilespmem:s31+$0xE140] =	vst v1;
	v2 =	vmax.f32 v2, $0.0e+00;
	v1 =	vld [tilespmem:s31+$0x61A0];
	(pc) =	sbr.rel @p0 .LBB2_7-.Ltmp4, $4  }
0x103: {  	[tilespmem:s31+$0xE150] =	vst v2;
	v3 =	vmax.f32 v3, $0.0e+00;
	v2 =	vld [tilespmem:s31+$0x61B0]  }
0x104: {  	[tilespmem:s31+$0xE160] =	vst v3;
	v4 =	vmax.f32 v4, $0.0e+00;
	v3 =	vld [tilespmem:s31+$0x61C0]  }
0x105: {  	[tilespmem:s31+$0xE170] =	vst v4;
	v5 =	vmax.f32 v5, $0.0e+00;
	v4 =	vld [tilespmem:s31+$0x61D0]  }
0x106: {  	s0 =	sshra.s32 s14, $0x2;
	s14 =	sadd.s32 $0x800, s14;
	[tilespmem:s31+$0xE180] =	vst v5;
	v6 =	vmax.f32 v6, $0.0e+00;
	v5 =	vld [tilespmem:s31+$0x61E0]  }
0x107: {  	v7 =	vld [tilespmem:s0+$0x61F0];
	[tilespmem:s31+$0xE190] =	vst v6;
	v1 =	vmax.f32 v1, $0.0e+00  }
0x108: {  	v6 =	vld [tilespmem:s0+$0x6000];
	[tilespmem:s31+$0xE1A0] =	vst v1;
	v1 =	vmax.f32 v2, $0.0e+00  }
0x109: {  	v2 =	vld [tilespmem:s0+$0x6010];
	[tilespmem:s31+$0xE1B0] =	vst v1;
	v1 =	vmax.f32 v3, $0.0e+00  }
0x10a: {  	v3 =	vld [tilespmem:s0+$0x6020];
	[tilespmem:s31+$0xE1C0] =	vst v1;
	v1 =	vmax.f32 v4, $0.0e+00  }
0x10b: {  	v46 =	vld [tilespmem:s0+$0x6030];
	[tilespmem:s31+$0xE1D0] =	vst v1;
	v1 =	vmax.f32 v5, $0.0e+00  }
0x10c: {  	v47 =	vld [tilespmem:s0+$0x6040];
	[tilespmem:s31+$0xE1E0] =	vst v1;
	v1 =	vmax.f32 v7, $0.0e+00  }
0x10d: {  	v48 =	vld [tilespmem:s0+$0x6050];
	v6 =	vmax.f32 v6, $0.0e+00;
	[tilespmem:s0+$0xE1F0] =	vst v1  }
0x10e: {  	[tilespmem:s0+$0xE000] =	vst v6;
	v1 =	vmax.f32 v2, $0.0e+00;
	v2 =	vld [tilespmem:s0+$0x6060]  }
0x10f: {  	[tilespmem:s0+$0xE010] =	vst v1;
	v1 =	vmax.f32 v3, $0.0e+00;
	v3 =	vld [tilespmem:s0+$0x6070]  }
0x110: {  	v49 =	vld [tilespmem:s0+$0x6080];
	[tilespmem:s0+$0xE020] =	vst v1;
	v1 =	vmax.f32 v46, $0.0e+00  }
0x111: {  	v50 =	vld [tilespmem:s0+$0x6090];
	[tilespmem:s0+$0xE030] =	vst v1;
	v1 =	vmax.f32 v47, $0.0e+00  }
0x112: {  	v51 =	vld [tilespmem:s0+$0x60A0];
	[tilespmem:s0+$0xE040] =	vst v1;
	v1 =	vmax.f32 v48, $0.0e+00  }
0x113: {  	[tilespmem:s0+$0xE050] =	vst v1;
	v1 =	vmax.f32 v2, $0.0e+00;
	v2 =	vld [tilespmem:s0+$0x60B0]  }
0x114: {  	[tilespmem:s0+$0xE060] =	vst v1;
	v1 =	vmax.f32 v3, $0.0e+00;
	v3 =	vld [tilespmem:s0+$0x60C0]  }
0x115: {  	v52 =	vld [tilespmem:s0+$0x60D0];
	[tilespmem:s0+$0xE070] =	vst v1;
	v1 =	vmax.f32 v49, $0.0e+00  }
0x116: {  	v53 =	vld [tilespmem:s0+$0x60E0];
	[tilespmem:s0+$0xE080] =	vst v1;
	v1 =	vmax.f32 v50, $0.0e+00  }
0x117: {  	v54 =	vld [tilespmem:s0+$0x60F0];
	[tilespmem:s0+$0xE090] =	vst v1;
	v1 =	vmax.f32 v51, $0.0e+00  }
0x118: {  	[tilespmem:s0+$0xE0A0] =	vst v1;
	v1 =	vmax.f32 v2, $0.0e+00;
	v2 =	vld [tilespmem:s0+$0x6100]  }
0x119: {  	[tilespmem:s0+$0xE0B0] =	vst v1;
	v1 =	vmax.f32 v3, $0.0e+00;
	v3 =	vld [tilespmem:s0+$0x6110]  }
0x11a: {  	v55 =	vld [tilespmem:s0+$0x6120];
	[tilespmem:s0+$0xE0C0] =	vst v1;
	v1 =	vmax.f32 v52, $0.0e+00  }
0x11b: {  	v56 =	vld [tilespmem:s0+$0x6130];
	[tilespmem:s0+$0xE0D0] =	vst v1;
	v1 =	vmax.f32 v53, $0.0e+00  }
0x11c: {  	v57 =	vld [tilespmem:s0+$0x6140];
	[tilespmem:s0+$0xE0E0] =	vst v1;
	v1 =	vmax.f32 v54, $0.0e+00  }
0x11d: {  	[tilespmem:s0+$0xE0F0] =	vst v1;
	v1 =	vmax.f32 v2, $0.0e+00;
	v2 =	vld [tilespmem:s0+$0x6150]  }
0x11e: {  	[tilespmem:s0+$0xE100] =	vst v1;
	v1 =	vmax.f32 v3, $0.0e+00;
	v3 =	vld [tilespmem:s0+$0x6160]  }
0x11f: {  	v58 =	vld [tilespmem:s0+$0x6170];
	[tilespmem:s0+$0xE110] =	vst v1;
	v1 =	vmax.f32 v55, $0.0e+00  }
0x120: {  	v59 =	vld [tilespmem:s0+$0x6180];
	[tilespmem:s0+$0xE120] =	vst v1;
	v1 =	vmax.f32 v56, $0.0e+00  }
0x121: {  	v60 =	vld [tilespmem:s0+$0x6190];
	[tilespmem:s0+$0xE130] =	vst v1;
	v1 =	vmax.f32 v57, $0.0e+00  }
0x122: {  	[tilespmem:s0+$0xE140] =	vst v1;
	v1 =	vmax.f32 v2, $0.0e+00;
	v2 =	vld [tilespmem:s0+$0x61A0]  }
0x123: {  	[tilespmem:s0+$0xE150] =	vst v1;
	v1 =	vmax.f32 v3, $0.0e+00;
	v3 =	vld [tilespmem:s0+$0x61B0]  }
0x124: {  	v61 =	vld [tilespmem:s0+$0x61C0];
	[tilespmem:s0+$0xE160] =	vst v1;
	v1 =	vmax.f32 v58, $0.0e+00  }
0x125: {  	v62 =	vld [tilespmem:s0+$0x61D0];
	[tilespmem:s0+$0xE170] =	vst v1;
	v1 =	vmax.f32 v59, $0.0e+00  }
0x126: {  	v63 =	vld [tilespmem:s0+$0x61E0];
	[tilespmem:s0+$0xE180] =	vst v1;
	v1 =	vmax.f32 v60, $0.0e+00  }
0x127: {  	[tilespmem:s0+$0xE190] =	vst v1;
	v1 =	vmax.f32 v2, $0.0e+00  }
0x128: {  	[tilespmem:s0+$0xE1A0] =	vst v1;
	v1 =	vmax.f32 v3, $0.0e+00  }
.Ltmp5:
0x129: {  	[tilespmem:s0+$0xE1B0] =	vst v1;
	v1 =	vmax.f32 v61, $0.0e+00;
	(pc) =	sbr.rel @p1 .LBB2_10-.Ltmp5, $4  }
0x12a: {  	[tilespmem:s0+$0xE1C0] =	vst v1;
	v1 =	vmax.f32 v62, $0.0e+00  }
0x12b: {  	[tilespmem:s0+$0xE1D0] =	vst v1;
	v1 =	vmax.f32 v63, $0.0e+00  }
0x12c: {  	[tilespmem:s0+$0xE1E0] =	vst v1  }
0x12d: {  	[spmem:s3] =	stream.indirect.scatter.add.f32 [tilespmem:s23], [sflag:$0x4], $0x80, s30, s19, $0xb8;
	[tilespmem:$0x1C000] =	vst v63  }
.Ltmp6:
0x12e: {  	(pc) =	sbr.rel .LBB2_4-.Ltmp6, $4  }
0x12f: {  	_ = 	snop  }
0x130: {  	s0 =	sshrl.u32 s29, $0x2  }
0x131: {  	s28 =	sadd.s32 $0x1, s28;
	s0 =	sadd.s32 $0x180, s0  }
0x132: {  	[tilespmem:s21], [sflag:$0x2] =	stream.indirect.gather [hbm4b:s1+s19], $0x80, s0, s19, $0xb8;
	[tilespmem:$0x1C000] =	vst v63  }
.LBB2_11:
0x133: {  	_ =	sfence.sel $0x180000  }
0x134: {  	[bflag:$0x0] =	sbarrier.arrive $0xFFFF  }
0x135: {  	_ =	strace $0x90000047  }
0x136: {  	[bflag:$0x2] =	sbarrier.arrive $0xFFFF  }
0x137: {  	p0 =	sne.s32 s2, $0x0;
	s0 =	rddreg [dreg:$0x3]  }
0x138: {  	s0 =	sadd.s32 @!p0 $0x100000, s0  }
0x139: {  	[sflag:s0] =	ssyncadd.tile.s32 @!p0 $0x1;
	_ =	shalt  }
.Lfunc_end2:
_tile_overlayer_lowered:
.L_overlay_start_2:
0x13a: {  	(tag) =	ssettag $0x2  }
0x13b: {  	s0 =	rddreg [dreg:$0x0];
	s2 =	stileid.u32  }
0x13c: {  	s1 =	rddreg [dreg:$0x1];
	p0 =	sne.s32 s2, $0x0  }
0x13d: {  	s3 =	rddreg [dreg:$0x2];
	[bflag:$0x3] =	sbarrier.arrive $0xFFFF;
	s2 =	simm.s32 @!p0 $0x1C05  }
0x13e: {  	[timem:s3], [sflag:s2] =	dma.local @!p0 [hbm:s0], s1  }
0x13f: {  	s0 =	simm.s32 @!p0 $0x5  }
0x140: {  	_ =	swait.ge @!p0 [sflag:s0], s1  }
0x141: {  	s1 =	ssub.s32 @!p0 $0x0, s1;
	[sflag:s0] =	ssyncset.done @!p0 $0x0  }
0x142: {  	[sflag:s0] =	ssyncadd.s32 @!p0 s1  }
0x143: {  	[bflag:$0x3] =	sbarrier.arrive $0xFFFF  }
0x144: {  	_ =	shalt  }

</sc_bundles>
